<compile_context>
chip_gen: v7x
topology: tpu7x:2x2x1
jax: 0.10.2.dev20260603
libtpu: 0.0.44.dev20260713+nightly
codegen_flags: <defaults>
</compile_context>

<pallas_src>
import functools

import jax
import jax.numpy as jnp
from jax import lax
from jax.experimental import pallas as pl
from jax.experimental.pallas import tpu as pltpu
from jax.experimental.pallas import tpu_sc as plsc

_N = 10000
_E = 160000
_K = 4
_H = 64
_NP = 10240
_RPT = 640
_EPAD = 163840
_CHUNK = 128


def _make_aggregate(edge_split):
  mesh = plsc.VectorSubcoreMesh(core_axis_name="c", subcore_axis_name="s")
  nch = (_EPAD // 32 if edge_split else _EPAD // 16) // _CHUNK

  @functools.partial(
      pl.kernel,
      mesh=mesh,
      out_type=jax.ShapeDtypeStruct((2 * _NP, 128), jnp.float32),
      scratch_types=[
          pltpu.VMEM((2, _CHUNK), jnp.int32),
          pltpu.VMEM((2, _CHUNK), jnp.int32),
          pltpu.VMEM((_CHUNK, 128), jnp.float32),
          pltpu.VMEM((_CHUNK, 128), jnp.float32),
          pltpu.VMEM_SHARED((_NP, 128), jnp.float32),
          pltpu.SemaphoreType.DMA,
          pltpu.SemaphoreType.DMA,
          pltpu.SemaphoreType.DMA,
          pltpu.SemaphoreType.DMA,
          pltpu.SemaphoreType.DMA,
      ],
  )
  def agg(hs, srcp, dstp, out, srcv, dstv, st0, st1, acc, gsem, ssem,
          xsem, dsem0, dsem1):
    c = lax.axis_index("c")
    s = lax.axis_index("s")
    r0 = s * _RPT
    rbase = (c * 16 + s) * nch if edge_split else s * nch
    bias = c * _NP
    init_base = c * _NP
    ci = pltpu.async_copy(hs.at[pl.ds(init_base + r0, _RPT)],
                          acc.at[pl.ds(r0, _RPT)], xsem)
    stages = (st0, st1)
    dsems = (dsem0, dsem1)

    def bias_src(bi):
      if not edge_split:
        for j in range(_CHUNK // 16):
          srcv[bi, pl.ds(j * 16, 16)] = srcv[bi, pl.ds(j * 16, 16)] + bias

    def gath(bi, buf):
      return pltpu.async_copy(hs.at[srcv.at[bi]], buf, gsem)

    def scat(bi, buf):
      return pltpu.async_copy(buf, acc.at[dstv.at[bi]], ssem, add=True)

    pltpu.sync_copy(srcp.at[rbase], srcv.at[0])
    pltpu.sync_copy(dstp.at[rbase], dstv.at[0])
    bias_src(0)
    ci.wait()
    plsc.subcore_barrier()

    g0 = gath(0, st0)
    cx = pltpu.async_copy(srcp.at[rbase + 1], srcv.at[1], xsem)
    pltpu.async_copy(dstp.at[rbase + 1], dstv.at[1], dsem1)
    cx.wait()
    bias_src(1)
    gath(1, st1)
    g0.wait()
    scat(0, st0)

    def body(j, carry):
      for b, i in ((1, 2 * j - 1), (0, 2 * j)):
        cx2 = pltpu.async_copy(srcp.at[rbase + i + 1], srcv.at[1 - b], xsem)
        pltpu.make_async_copy(stages[1 - b], acc.at[dstv.at[1 - b]],
                              ssem).wait()
        pltpu.async_copy(dstp.at[rbase + i + 1], dstv.at[1 - b],
                         dsems[1 - b])
        cx2.wait()
        bias_src(1 - b)
        gath(1 - b, stages[1 - b])
        pltpu.make_async_copy(hs.at[srcv.at[b]], stages[b], gsem).wait()
        pltpu.make_async_copy(dstp.at[rbase + i], dstv.at[b],
                              dsems[b]).wait()
        scat(b, stages[b])
      return carry

    lax.fori_loop(1, nch // 2, body, 0)

    pltpu.make_async_copy(st0, acc.at[dstv.at[0]], ssem).wait()
    pltpu.make_async_copy(hs.at[srcv.at[1]], st1, gsem).wait()
    pltpu.make_async_copy(dstp.at[rbase + nch - 1], dstv.at[1],
                          dsems[1]).wait()
    scat(1, st1).wait()
    plsc.subcore_barrier()
    pltpu.sync_copy(acc.at[pl.ds(r0, _RPT)],
                    out.at[pl.ds(c * _NP + r0, _RPT)])

  return agg


def _make_mlp(in_widths, in_offsets, layer_dims, relu_flags, out_widths,
              bf16_flags=None, bn=512):
  n_in = len(in_widths)
  nl = len(layer_dims)
  if bf16_flags is None:
    bf16_flags = [True] * nl

  def _dot(a, b, cast):
    if cast:
      return jnp.dot(a.astype(jnp.bfloat16), b.astype(jnp.bfloat16),
                     preferred_element_type=jnp.float32)
    return jnp.dot(a, b, preferred_element_type=jnp.float32,
                   precision=lax.Precision.HIGHEST)

  def body(*refs):
    z_refs = refs[:n_in]
    w_refs = refs[n_in:n_in + nl]
    b_refs = refs[n_in + nl:n_in + 2 * nl]
    out_refs = refs[n_in + 2 * nl:]
    ofs = 0
    acc = None
    w0 = w_refs[0][...]
    for zi, zr in enumerate(z_refs):
      part = _dot(zr[...], w0[ofs:ofs + in_widths[zi], :], bf16_flags[0])
      acc = part if acc is None else acc + part
      ofs += in_widths[zi]
    acc = acc + b_refs[0][...]
    if relu_flags[0]:
      acc = jnp.maximum(acc, 0.0)
    for i in range(1, nl):
      acc = _dot(acc, w_refs[i][...], bf16_flags[i])
      acc = acc + b_refs[i][...]
      if relu_flags[i]:
        acc = jnp.maximum(acc, 0.0)
    ofs = 0
    for oi, oref in enumerate(out_refs):
      oref[...] = acc[:, ofs:ofs + out_widths[oi]]
      ofs += out_widths[oi]

  in_specs = [
      pl.BlockSpec((bn, w), lambda i, o=o: (i + o, 0))
      for w, o in zip(in_widths, in_offsets)
  ]
  for (a, b) in layer_dims:
    in_specs.append(pl.BlockSpec((a, b), lambda i: (0, 0)))
  for (_, b) in layer_dims:
    in_specs.append(pl.BlockSpec((1, b), lambda i: (0, 0)))
  out_specs = [pl.BlockSpec((bn, w), lambda i: (i, 0)) for w in out_widths]
  out_shape = [jax.ShapeDtypeStruct((_NP, w), jnp.float32) for w in out_widths]
  if len(out_widths) == 1:
    out_specs, out_shape = out_specs[0], out_shape[0]
  return pl.pallas_call(
      body,
      grid=(_NP // bn,),
      in_specs=in_specs,
      out_specs=out_specs,
      out_shape=out_shape,
  )


def kernel(x, edge_index,
           enc0_W1, enc0_b1, enc0_W2, enc0_b2,
           enc1_W1, enc1_b1, enc1_W2, enc1_b2,
           enc2_W1, enc2_b1, enc2_W2, enc2_b2,
           rho_W0, rho_b0, rho_W1, rho_b1, rho_W2, rho_b2):
  f32 = jnp.float32
  src = edge_index[0]
  dst = edge_index[1]
  eye = jnp.eye(_K, dtype=f32)

  W1e = jnp.zeros((128, _K * _H), f32).at[:_K, :].set(jnp.kron(eye, enc0_W1))
  W1e2 = jnp.concatenate([W1e, W1e], axis=0)
  b1t0 = jnp.tile(enc0_b1, _K).reshape(1, -1)
  BD2_0 = jnp.kron(eye, enc0_W2)
  b2t0 = jnp.tile(enc0_b2, _K).reshape(1, -1)
  BD1_1 = jnp.kron(eye, enc1_W1)
  b1t1 = jnp.tile(enc1_b1, _K).reshape(1, -1)
  BD2_1 = jnp.kron(eye, enc1_W2)
  b2t1 = jnp.tile(enc1_b2, _K).reshape(1, -1)
  BD1_2 = jnp.kron(eye, enc2_W1)
  b1t2 = jnp.tile(enc2_b1, _K).reshape(1, -1)
  BD2_2 = jnp.kron(eye, enc2_W2)
  b2t2 = jnp.tile(enc2_b2, _K).reshape(1, -1)
  W0p = jnp.zeros((_K * _H, 128), f32).at[:, :_H].set(rho_W0)
  b0p = jnp.zeros((1, 128), f32).at[0, :_H].set(rho_b0)
  W1p = jnp.zeros((128, 128), f32).at[:_H, :_H].set(rho_W1)
  b1p = jnp.zeros((1, 128), f32).at[0, :_H].set(rho_b1)
  W2p = jnp.zeros((128, 128), f32).at[:_H, :_K].set(rho_W2)
  b2p = jnp.zeros((1, 128), f32).at[0, :_K].set(rho_b2)

  srcp = jnp.concatenate(
      [src, jnp.zeros((_EPAD - _E,), jnp.int32)]).reshape(-1, _CHUNK)
  dstp = jnp.concatenate(
      [dst, jnp.full((_EPAD - _E,), _NP - 1, jnp.int32)]).reshape(-1, _CHUNK)
  hs0 = jnp.zeros((2 * _NP, 128), f32).at[:_N, :_K].set(x.reshape(_N, _K))

  agg_e = _make_aggregate(True)
  agg_c = _make_aggregate(False)
  nb = _NP // 512
  mlp0 = _make_mlp([128, 128], [0, nb], [(256, 256), (256, 256)],
                   [True, True], [128, 128], bf16_flags=[False, True])
  mlp1 = _make_mlp([128, 128], [0, nb], [(256, 256), (256, 256)],
                   [True, True], [128, 128])
  mlp2 = _make_mlp([128, 128], [0, nb],
                   [(256, 256), (256, 256), (256, 128), (128, 128),
                    (128, 128)],
                   [True, False, True, True, False], [128])

  p = agg_e(hs0, srcp, dstp)
  h1a, h1b = mlp0(p, p, W1e2, BD2_0, b1t0, b2t0)
  hs1 = jnp.concatenate([h1a, h1b], axis=0)
  zs1 = agg_c(hs1, srcp, dstp)
  h2a, h2b = mlp1(zs1, zs1, BD1_1, BD2_1, b1t1, b2t1)
  hs2 = jnp.concatenate([h2a, h2b], axis=0)
  zs2 = agg_c(hs2, srcp, dstp)
  out = mlp2(zs2, zs2, BD1_2, BD2_2, W0p, W1p, W2p, b1t2, b2t2, b0p, b1p,
             b2p)
  return out[:_N, :_K].reshape(_N, _K, 1)

# --- scband reference (transcript-rebuilt; emitter-appended) ---
"""Pipeline reference for scband-gindeep-cycles-16793322128006 (READ-ONLY COPY).

The authoritative reference and input builder live on the scoring server;
editing this copy changes nothing except your own understanding.
"""

import jax
import jax.numpy as jnp
import numpy as np

N = 10000
E = 160000
K = 4
H = 64


def setup_inputs(seed: int = 0):
    key = jax.random.key(seed)
    ks = jax.random.split(key, 24)
    inp = {}
    inp['x'] = jax.random.normal(ks[0], (N, K, 1), dtype=jnp.float32)
    inp['edge_index'] = jax.random.randint(ks[1], (2, E), 0, N, dtype=jnp.int32)
    dims = [(1, H), (H, H), (H, H)]
    i = 2
    for l, (din, dh) in enumerate(dims):
        inp['enc%d_W1' % l] = jax.random.normal(ks[i], (din, dh), dtype=jnp.float32) * (1.0 / np.sqrt(max(din, 1)))
        i += 1
        inp['enc%d_b1' % l] = jnp.zeros((dh,), dtype=jnp.float32)
        inp['enc%d_W2' % l] = jax.random.normal(ks[i], (dh, H), dtype=jnp.float32) * (1.0 / np.sqrt(dh))
        i += 1
        inp['enc%d_b2' % l] = jnp.zeros((H,), dtype=jnp.float32)
    rdims = [(H * K, H), (H, H), (H, K)]
    for l, (din, dout) in enumerate(rdims):
        inp['rho_W%d' % l] = jax.random.normal(ks[i], (din, dout), dtype=jnp.float32) * (1.0 / np.sqrt(din))
        i += 1
        inp['rho_b%d' % l] = jnp.zeros((dout,), dtype=jnp.float32)
    return inp


def _gin_conv(h, edge_index, W1, b1, W2, b2, eps=0.0):
    # DGL-style GINConv: apply_func((1+eps)*h + sum_{j in N(i)} h_j)
    src = edge_index[0]
    dst = edge_index[1]
    msgs = jnp.take(h, src, axis=0)
    aggr = jax.ops.segment_sum(msgs, dst, num_segments=h.shape[0])
    z = (1.0 + eps) * h + aggr
    z = jnp.dot(z, W1) + b1
    z = jax.nn.relu(z)
    z = jnp.dot(z, W2) + b2
    return z


def reference(x, edge_index,
              enc0_W1, enc0_b1, enc0_W2, enc0_b2,
              enc1_W1, enc1_b1, enc1_W2, enc1_b2,
              enc2_W1, enc2_b1, enc2_W2, enc2_b2,
              rho_W0, rho_b0, rho_W1, rho_b1, rho_W2, rho_b2):
    # enc_lap = GIN(1, H, H, 3): 3 GINConv layers, relu between layers (dropout off in eval)
    h = _gin_conv(x, edge_index, enc0_W1, enc0_b1, enc0_W2, enc0_b2)
    h = jax.nn.relu(h)
    h = _gin_conv(h, edge_index, enc1_W1, enc1_b1, enc1_W2, enc1_b2)
    h = jax.nn.relu(h)
    h = _gin_conv(h, edge_index, enc2_W1, enc2_b1, enc2_W2, enc2_b2)
    # rho_lap = MLP(H*K, H, K, 3)
    n = h.shape[0]
    z = h.reshape(n, -1)
    z = jax.nn.relu(jnp.dot(z, rho_W0) + rho_b0)
    z = jax.nn.relu(jnp.dot(z, rho_W1) + rho_b1)
    z = jnp.dot(z, rho_W2) + rho_b2
    return z.reshape(n, K, 1)

if __name__ == "__main__":
    import jax
    _d = setup_inputs()
    print(jax.jit(kernel)(*tuple(_d.values())))

</pallas_src>

<mosaic_0001>
#map = affine_map<(d0, d1) -> (0, 0)>
module attributes {stable_mosaic.version = 14 : i64} {
  func.func @agg(%arg0: i32, %arg1: i32, %arg2: memref<20480x128xf32, #tpu.memory_space<hbm>>, %arg3: memref<1280x128xi32, #tpu.memory_space<hbm>>, %arg4: memref<1280x128xi32, #tpu.memory_space<hbm>>, %arg5: memref<20480x128xf32, #tpu.memory_space<hbm>>, %arg6: memref<2x128xi32, #tpu.memory_space<vmem>>, %arg7: memref<2x128xi32, #tpu.memory_space<vmem>>, %arg8: memref<128x128xf32, #tpu.memory_space<vmem>>, %arg9: memref<128x128xf32, #tpu.memory_space<vmem>>, %arg10: memref<10240x128xf32, #tpu.memory_space<vmem_shared>>, %arg11: memref<!tpu.dma_semaphore, #tpu.memory_space<semaphore_mem>>, %arg12: memref<!tpu.dma_semaphore, #tpu.memory_space<semaphore_mem>>, %arg13: memref<!tpu.dma_semaphore, #tpu.memory_space<semaphore_mem>>, %arg14: memref<!tpu.dma_semaphore, #tpu.memory_space<semaphore_mem>>, %arg15: memref<!tpu.dma_semaphore, #tpu.memory_space<semaphore_mem>>) attributes {dimension_semantics = [#tpu.dimension_semantics<core_parallel>, #tpu.dimension_semantics<subcore_parallel>], iteration_bounds = array<i64: 2, 16>, scalar_prefetch = 0 : i64, scratch_operands = 10 : i64, tpu.core_type = #tpu.core_type<sc_vector_subcore>, window_params = [{transform_indices = #map}, {transform_indices = #map}, {transform_indices = #map}, {transform_indices = #map}]} {
    %mul3A = arith.constant 640 : i32
    %mul3A_0 = arith.muli %arg1, %mul3A : i32
    %mul3A_1 = arith.constant 80 : i32
    %mul3A_2 = arith.muli %arg1, %mul3A_1 : i32
    %mul3A_3 = arith.constant 10240 : i32
    %mul3A_4 = arith.muli %arg0, %mul3A_3 : i32
    %mul3A_5 = arith.constant 10240 : i32
    %mul3A_6 = arith.muli %arg0, %mul3A_5 : i32
    %add3A = arith.addi %mul3A_6, %mul3A_0 : i32
    %dma_start3A = arith.constant 0 : i32
    %dma_start3A_7 = tpu.memref_slice %arg10[%mul3A_0, %dma_start3A] : memref<10240x128xf32, #tpu.memory_space<vmem_shared>> -> memref<640x128xf32, #tpu.memory_space<vmem_shared>>
    %dma_start3A_8 = arith.constant 0 : i32
    %dma_start3A_9 = tpu.memref_slice %arg2[%add3A, %dma_start3A_8] : memref<20480x128xf32, #tpu.memory_space<hbm>> -> memref<640x128xf32, #tpu.memory_space<hbm>>
    tpu.enqueue_dma source(%dma_start3A_9 : memref<640x128xf32, #tpu.memory_space<hbm>>) target(%dma_start3A_7 : memref<640x128xf32, #tpu.memory_space<vmem_shared>>) target_semaphore(%arg13 : memref<!tpu.dma_semaphore, #tpu.memory_space<semaphore_mem>>)
    %run_scoped3A = arith.constant 0 : i32
    "tpu.region"() ({
      %run_scoped3A_344 = tpu.sem_alloc : memref<!tpu.dma_semaphore, #tpu.memory_space<semaphore_mem>>
      %dma_start3A_345 = arith.constant 0 : i32
      %dma_start3A_346 = tpu.memref_slice %arg6[%run_scoped3A, %dma_start3A_345] : memref<2x128xi32, #tpu.memory_space<vmem>> -> memref<1x128xi32, #tpu.memory_space<vmem>>
      %dma_start3A_347 = tpu.memref_squeeze %dma_start3A_346 : memref<1x128xi32, #tpu.memory_space<vmem>> -> memref<128xi32, #tpu.memory_space<vmem>>
      %dma_start3A_348 = arith.constant 0 : i32
      %dma_start3A_349 = tpu.memref_slice %arg3[%mul3A_2, %dma_start3A_348] : memref<1280x128xi32, #tpu.memory_space<hbm>> -> memref<1x128xi32, #tpu.memory_space<hbm>>
      %dma_start3A_350 = tpu.memref_squeeze %dma_start3A_349 : memref<1x128xi32, #tpu.memory_space<hbm>> -> memref<128xi32, #tpu.memory_space<hbm>>
      %dma_start3A_351 = arith.constant 0 : i32
      %dma_start3A_352 = tpu.memref_slice %arg6[%run_scoped3A, %dma_start3A_351] : memref<2x128xi32, #tpu.memory_space<vmem>> -> memref<1x128xi32, #tpu.memory_space<vmem>>
      %dma_start3A_353 = tpu.memref_squeeze %dma_start3A_352 : memref<1x128xi32, #tpu.memory_space<vmem>> -> memref<128xi32, #tpu.memory_space<vmem>>
      %dma_start3A_354 = arith.constant 0 : i32
      %dma_start3A_355 = tpu.memref_slice %arg3[%mul3A_2, %dma_start3A_354] : memref<1280x128xi32, #tpu.memory_space<hbm>> -> memref<1x128xi32, #tpu.memory_space<hbm>>
      %dma_start3A_356 = tpu.memref_squeeze %dma_start3A_355 : memref<1x128xi32, #tpu.memory_space<hbm>> -> memref<128xi32, #tpu.memory_space<hbm>>
      tpu.enqueue_dma source(%dma_start3A_356 : memref<128xi32, #tpu.memory_space<hbm>>) target(%dma_start3A_353 : memref<128xi32, #tpu.memory_space<vmem>>) target_semaphore(%run_scoped3A_344 : memref<!tpu.dma_semaphore, #tpu.memory_space<semaphore_mem>>)
      %dma_wait3A_357 = arith.constant 0 : i32
      %dma_wait3A_358 = tpu.memref_slice %arg6[%run_scoped3A, %dma_wait3A_357] : memref<2x128xi32, #tpu.memory_space<vmem>> -> memref<1x128xi32, #tpu.memory_space<vmem>>
      %dma_wait3A_359 = tpu.memref_squeeze %dma_wait3A_358 : memref<1x128xi32, #tpu.memory_space<vmem>> -> memref<128xi32, #tpu.memory_space<vmem>>
      %dma_wait3A_360 = arith.constant 0 : i32
      %dma_wait3A_361 = tpu.memref_slice %arg3[%mul3A_2, %dma_wait3A_360] : memref<1280x128xi32, #tpu.memory_space<hbm>> -> memref<1x128xi32, #tpu.memory_space<hbm>>
      %dma_wait3A_362 = tpu.memref_squeeze %dma_wait3A_361 : memref<1x128xi32, #tpu.memory_space<hbm>> -> memref<128xi32, #tpu.memory_space<hbm>>
      %dma_wait3A_363 = arith.constant 0 : i32
      %dma_wait3A_364 = tpu.memref_slice %arg6[%run_scoped3A, %dma_wait3A_363] : memref<2x128xi32, #tpu.memory_space<vmem>> -> memref<1x128xi32, #tpu.memory_space<vmem>>
      %dma_wait3A_365 = tpu.memref_squeeze %dma_wait3A_364 : memref<1x128xi32, #tpu.memory_space<vmem>> -> memref<128xi32, #tpu.memory_space<vmem>>
      %dma_wait3A_366 = arith.constant 0 : i32
      %dma_wait3A_367 = tpu.memref_slice %arg3[%mul3A_2, %dma_wait3A_366] : memref<1280x128xi32, #tpu.memory_space<hbm>> -> memref<1x128xi32, #tpu.memory_space<hbm>>
      %dma_wait3A_368 = tpu.memref_squeeze %dma_wait3A_367 : memref<1x128xi32, #tpu.memory_space<hbm>> -> memref<128xi32, #tpu.memory_space<hbm>>
      tpu.wait_dma2 semaphore(%run_scoped3A_344 : memref<!tpu.dma_semaphore, #tpu.memory_space<semaphore_mem>>) src(%dma_wait3A_368 : memref<128xi32, #tpu.memory_space<hbm>>) dst(%dma_wait3A_365 : memref<128xi32, #tpu.memory_space<vmem>>)
      tpu.yield
    }) : () -> ()
    %run_scoped3A_10 = arith.constant 0 : i32
    "tpu.region"() ({
      %run_scoped3A_344 = tpu.sem_alloc : memref<!tpu.dma_semaphore, #tpu.memory_space<semaphore_mem>>
      %dma_start3A_345 = arith.constant 0 : i32
      %dma_start3A_346 = tpu.memref_slice %arg7[%run_scoped3A_10, %dma_start3A_345] : memref<2x128xi32, #tpu.memory_space<vmem>> -> memref<1x128xi32, #tpu.memory_space<vmem>>
      %dma_start3A_347 = tpu.memref_squeeze %dma_start3A_346 : memref<1x128xi32, #tpu.memory_space<vmem>> -> memref<128xi32, #tpu.memory_space<vmem>>
      %dma_start3A_348 = arith.constant 0 : i32
      %dma_start3A_349 = tpu.memref_slice %arg4[%mul3A_2, %dma_start3A_348] : memref<1280x128xi32, #tpu.memory_space<hbm>> -> memref<1x128xi32, #tpu.memory_space<hbm>>
      %dma_start3A_350 = tpu.memref_squeeze %dma_start3A_349 : memref<1x128xi32, #tpu.memory_space<hbm>> -> memref<128xi32, #tpu.memory_space<hbm>>
      %dma_start3A_351 = arith.constant 0 : i32
      %dma_start3A_352 = tpu.memref_slice %arg7[%run_scoped3A_10, %dma_start3A_351] : memref<2x128xi32, #tpu.memory_space<vmem>> -> memref<1x128xi32, #tpu.memory_space<vmem>>
      %dma_start3A_353 = tpu.memref_squeeze %dma_start3A_352 : memref<1x128xi32, #tpu.memory_space<vmem>> -> memref<128xi32, #tpu.memory_space<vmem>>
      %dma_start3A_354 = arith.constant 0 : i32
      %dma_start3A_355 = tpu.memref_slice %arg4[%mul3A_2, %dma_start3A_354] : memref<1280x128xi32, #tpu.memory_space<hbm>> -> memref<1x128xi32, #tpu.memory_space<hbm>>
      %dma_start3A_356 = tpu.memref_squeeze %dma_start3A_355 : memref<1x128xi32, #tpu.memory_space<hbm>> -> memref<128xi32, #tpu.memory_space<hbm>>
      tpu.enqueue_dma source(%dma_start3A_356 : memref<128xi32, #tpu.memory_space<hbm>>) target(%dma_start3A_353 : memref<128xi32, #tpu.memory_space<vmem>>) target_semaphore(%run_scoped3A_344 : memref<!tpu.dma_semaphore, #tpu.memory_space<semaphore_mem>>)
      %dma_wait3A_357 = arith.constant 0 : i32
      %dma_wait3A_358 = tpu.memref_slice %arg7[%run_scoped3A_10, %dma_wait3A_357] : memref<2x128xi32, #tpu.memory_space<vmem>> -> memref<1x128xi32, #tpu.memory_space<vmem>>
      %dma_wait3A_359 = tpu.memref_squeeze %dma_wait3A_358 : memref<1x128xi32, #tpu.memory_space<vmem>> -> memref<128xi32, #tpu.memory_space<vmem>>
      %dma_wait3A_360 = arith.constant 0 : i32
      %dma_wait3A_361 = tpu.memref_slice %arg4[%mul3A_2, %dma_wait3A_360] : memref<1280x128xi32, #tpu.memory_space<hbm>> -> memref<1x128xi32, #tpu.memory_space<hbm>>
      %dma_wait3A_362 = tpu.memref_squeeze %dma_wait3A_361 : memref<1x128xi32, #tpu.memory_space<hbm>> -> memref<128xi32, #tpu.memory_space<hbm>>
      %dma_wait3A_363 = arith.constant 0 : i32
      %dma_wait3A_364 = tpu.memref_slice %arg7[%run_scoped3A_10, %dma_wait3A_363] : memref<2x128xi32, #tpu.memory_space<vmem>> -> memref<1x128xi32, #tpu.memory_space<vmem>>
      %dma_wait3A_365 = tpu.memref_squeeze %dma_wait3A_364 : memref<1x128xi32, #tpu.memory_space<vmem>> -> memref<128xi32, #tpu.memory_space<vmem>>
      %dma_wait3A_366 = arith.constant 0 : i32
      %dma_wait3A_367 = tpu.memref_slice %arg4[%mul3A_2, %dma_wait3A_366] : memref<1280x128xi32, #tpu.memory_space<hbm>> -> memref<1x128xi32, #tpu.memory_space<hbm>>
      %dma_wait3A_368 = tpu.memref_squeeze %dma_wait3A_367 : memref<1x128xi32, #tpu.memory_space<hbm>> -> memref<128xi32, #tpu.memory_space<hbm>>
      tpu.wait_dma2 semaphore(%run_scoped3A_344 : memref<!tpu.dma_semaphore, #tpu.memory_space<semaphore_mem>>) src(%dma_wait3A_368 : memref<128xi32, #tpu.memory_space<hbm>>) dst(%dma_wait3A_365 : memref<128xi32, #tpu.memory_space<vmem>>)
      tpu.yield
    }) : () -> ()
    %get3A = arith.constant 0 : i32
    %get3A_11 = arith.index_cast %get3A : i32 to index
    %get3A_12 = arith.constant 0 : index
    %get3A_13 = tpu.vector_load %arg6[%get3A_11, %get3A_12] {strides = array<i32>} : memref<2x128xi32, #tpu.memory_space<vmem>>, vector<1x16xi32>,
    %get3A_14 = vector.shape_cast %get3A_13 : vector<1x16xi32> to vector<16xi32>
    %add3A_15 = vector.broadcast %mul3A_4 : i32 to vector<16xi32>
    %add3A_16 = arith.addi %get3A_14, %add3A_15 : vector<16xi32>
    %swap3A = arith.constant 0 : i32
    %swap3A_17 = arith.index_cast %swap3A : i32 to index
    %swap3A_18 = arith.constant 0 : index
    %swap3A_19 = tpu.vector_load %arg6[%swap3A_17, %swap3A_18] {strides = array<i32>} : memref<2x128xi32, #tpu.memory_space<vmem>>, vector<1x16xi32>,
    %swap3A_20 = vector.shape_cast %swap3A_19 : vector<1x16xi32> to vector<16xi32>
    %swap3A_21 = vector.shape_cast %add3A_16 : vector<16xi32> to vector<1x16xi32>
    tpu.vector_store %arg6[%swap3A_17, %swap3A_18], %swap3A_21 {strides = array<i32>} : memref<2x128xi32, #tpu.memory_space<vmem>>, vector<1x16xi32>,
    %get3A_22 = arith.constant 0 : i32
    %get3A_23 = arith.index_cast %get3A_22 : i32 to index
    %get3A_24 = arith.constant 16 : index
    %get3A_25 = tpu.vector_load %arg6[%get3A_23, %get3A_24] {strides = array<i32>} : memref<2x128xi32, #tpu.memory_space<vmem>>, vector<1x16xi32>,
    %get3A_26 = vector.shape_cast %get3A_25 : vector<1x16xi32> to vector<16xi32>
    %add3A_27 = vector.broadcast %mul3A_4 : i32 to vector<16xi32>
    %add3A_28 = arith.addi %get3A_26, %add3A_27 : vector<16xi32>
    %swap3A_29 = arith.constant 0 : i32
    %swap3A_30 = arith.index_cast %swap3A_29 : i32 to index
    %swap3A_31 = arith.constant 16 : index
    %swap3A_32 = tpu.vector_load %arg6[%swap3A_30, %swap3A_31] {strides = array<i32>} : memref<2x128xi32, #tpu.memory_space<vmem>>, vector<1x16xi32>,
    %swap3A_33 = vector.shape_cast %swap3A_32 : vector<1x16xi32> to vector<16xi32>
    %swap3A_34 = vector.shape_cast %add3A_28 : vector<16xi32> to vector<1x16xi32>
    tpu.vector_store %arg6[%swap3A_30, %swap3A_31], %swap3A_34 {strides = array<i32>} : memref<2x128xi32, #tpu.memory_space<vmem>>, vector<1x16xi32>,
    %get3A_35 = arith.constant 0 : i32
    %get3A_36 = arith.index_cast %get3A_35 : i32 to index
    %get3A_37 = arith.constant 32 : index
    %get3A_38 = tpu.vector_load %arg6[%get3A_36, %get3A_37] {strides = array<i32>} : memref<2x128xi32, #tpu.memory_space<vmem>>, vector<1x16xi32>,
    %get3A_39 = vector.shape_cast %get3A_38 : vector<1x16xi32> to vector<16xi32>
    %add3A_40 = vector.broadcast %mul3A_4 : i32 to vector<16xi32>
    %add3A_41 = arith.addi %get3A_39, %add3A_40 : vector<16xi32>
    %swap3A_42 = arith.constant 0 : i32
    %swap3A_43 = arith.index_cast %swap3A_42 : i32 to index
    %swap3A_44 = arith.constant 32 : index
    %swap3A_45 = tpu.vector_load %arg6[%swap3A_43, %swap3A_44] {strides = array<i32>} : memref<2x128xi32, #tpu.memory_space<vmem>>, vector<1x16xi32>,
    %swap3A_46 = vector.shape_cast %swap3A_45 : vector<1x16xi32> to vector<16xi32>
    %swap3A_47 = vector.shape_cast %add3A_41 : vector<16xi32> to vector<1x16xi32>
    tpu.vector_store %arg6[%swap3A_43, %swap3A_44], %swap3A_47 {strides = array<i32>} : memref<2x128xi32, #tpu.memory_space<vmem>>, vector<1x16xi32>,
    %get3A_48 = arith.constant 0 : i32
    %get3A_49 = arith.index_cast %get3A_48 : i32 to index
    %get3A_50 = arith.constant 48 : index
    %get3A_51 = tpu.vector_load %arg6[%get3A_49, %get3A_50] {strides = array<i32>} : memref<2x128xi32, #tpu.memory_space<vmem>>, vector<1x16xi32>,
    %get3A_52 = vector.shape_cast %get3A_51 : vector<1x16xi32> to vector<16xi32>
    %add3A_53 = vector.broadcast %mul3A_4 : i32 to vector<16xi32>
    %add3A_54 = arith.addi %get3A_52, %add3A_53 : vector<16xi32>
    %swap3A_55 = arith.constant 0 : i32
    %swap3A_56 = arith.index_cast %swap3A_55 : i32 to index
    %swap3A_57 = arith.constant 48 : index
    %swap3A_58 = tpu.vector_load %arg6[%swap3A_56, %swap3A_57] {strides = array<i32>} : memref<2x128xi32, #tpu.memory_space<vmem>>, vector<1x16xi32>,
    %swap3A_59 = vector.shape_cast %swap3A_58 : vector<1x16xi32> to vector<16xi32>
    %swap3A_60 = vector.shape_cast %add3A_54 : vector<16xi32> to vector<1x16xi32>
    tpu.vector_store %arg6[%swap3A_56, %swap3A_57], %swap3A_60 {strides = array<i32>} : memref<2x128xi32, #tpu.memory_space<vmem>>, vector<1x16xi32>,
    %get3A_61 = arith.constant 0 : i32
    %get3A_62 = arith.index_cast %get3A_61 : i32 to index
    %get3A_63 = arith.constant 64 : index
    %get3A_64 = tpu.vector_load %arg6[%get3A_62, %get3A_63] {strides = array<i32>} : memref<2x128xi32, #tpu.memory_space<vmem>>, vector<1x16xi32>,
    %get3A_65 = vector.shape_cast %get3A_64 : vector<1x16xi32> to vector<16xi32>
    %add3A_66 = vector.broadcast %mul3A_4 : i32 to vector<16xi32>
    %add3A_67 = arith.addi %get3A_65, %add3A_66 : vector<16xi32>
    %swap3A_68 = arith.constant 0 : i32
    %swap3A_69 = arith.index_cast %swap3A_68 : i32 to index
    %swap3A_70 = arith.constant 64 : index
    %swap3A_71 = tpu.vector_load %arg6[%swap3A_69, %swap3A_70] {strides = array<i32>} : memref<2x128xi32, #tpu.memory_space<vmem>>, vector<1x16xi32>,
    %swap3A_72 = vector.shape_cast %swap3A_71 : vector<1x16xi32> to vector<16xi32>
    %swap3A_73 = vector.shape_cast %add3A_67 : vector<16xi32> to vector<1x16xi32>
    tpu.vector_store %arg6[%swap3A_69, %swap3A_70], %swap3A_73 {strides = array<i32>} : memref<2x128xi32, #tpu.memory_space<vmem>>, vector<1x16xi32>,
    %get3A_74 = arith.constant 0 : i32
    %get3A_75 = arith.index_cast %get3A_74 : i32 to index
    %get3A_76 = arith.constant 80 : index
    %get3A_77 = tpu.vector_load %arg6[%get3A_75, %get3A_76] {strides = array<i32>} : memref<2x128xi32, #tpu.memory_space<vmem>>, vector<1x16xi32>,
    %get3A_78 = vector.shape_cast %get3A_77 : vector<1x16xi32> to vector<16xi32>
    %add3A_79 = vector.broadcast %mul3A_4 : i32 to vector<16xi32>
    %add3A_80 = arith.addi %get3A_78, %add3A_79 : vector<16xi32>
    %swap3A_81 = arith.constant 0 : i32
    %swap3A_82 = arith.index_cast %swap3A_81 : i32 to index
    %swap3A_83 = arith.constant 80 : index
    %swap3A_84 = tpu.vector_load %arg6[%swap3A_82, %swap3A_83] {strides = array<i32>} : memref<2x128xi32, #tpu.memory_space<vmem>>, vector<1x16xi32>,
    %swap3A_85 = vector.shape_cast %swap3A_84 : vector<1x16xi32> to vector<16xi32>
    %swap3A_86 = vector.shape_cast %add3A_80 : vector<16xi32> to vector<1x16xi32>
    tpu.vector_store %arg6[%swap3A_82, %swap3A_83], %swap3A_86 {strides = array<i32>} : memref<2x128xi32, #tpu.memory_space<vmem>>, vector<1x16xi32>,
    %get3A_87 = arith.constant 0 : i32
    %get3A_88 = arith.index_cast %get3A_87 : i32 to index
    %get3A_89 = arith.constant 96 : index
    %get3A_90 = tpu.vector_load %arg6[%get3A_88, %get3A_89] {strides = array<i32>} : memref<2x128xi32, #tpu.memory_space<vmem>>, vector<1x16xi32>,
    %get3A_91 = vector.shape_cast %get3A_90 : vector<1x16xi32> to vector<16xi32>
    %add3A_92 = vector.broadcast %mul3A_4 : i32 to vector<16xi32>
    %add3A_93 = arith.addi %get3A_91, %add3A_92 : vector<16xi32>
    %swap3A_94 = arith.constant 0 : i32
    %swap3A_95 = arith.index_cast %swap3A_94 : i32 to index
    %swap3A_96 = arith.constant 96 : index
    %swap3A_97 = tpu.vector_load %arg6[%swap3A_95, %swap3A_96] {strides = array<i32>} : memref<2x128xi32, #tpu.memory_space<vmem>>, vector<1x16xi32>,
    %swap3A_98 = vector.shape_cast %swap3A_97 : vector<1x16xi32> to vector<16xi32>
    %swap3A_99 = vector.shape_cast %add3A_93 : vector<16xi32> to vector<1x16xi32>
    tpu.vector_store %arg6[%swap3A_95, %swap3A_96], %swap3A_99 {strides = array<i32>} : memref<2x128xi32, #tpu.memory_space<vmem>>, vector<1x16xi32>,
    %get3A_100 = arith.constant 0 : i32
    %get3A_101 = arith.index_cast %get3A_100 : i32 to index
    %get3A_102 = arith.constant 112 : index
    %get3A_103 = tpu.vector_load %arg6[%get3A_101, %get3A_102] {strides = array<i32>} : memref<2x128xi32, #tpu.memory_space<vmem>>, vector<1x16xi32>,
    %get3A_104 = vector.shape_cast %get3A_103 : vector<1x16xi32> to vector<16xi32>
    %add3A_105 = vector.broadcast %mul3A_4 : i32 to vector<16xi32>
    %add3A_106 = arith.addi %get3A_104, %add3A_105 : vector<16xi32>
    %swap3A_107 = arith.constant 0 : i32
    %swap3A_108 = arith.index_cast %swap3A_107 : i32 to index
    %swap3A_109 = arith.constant 112 : index
    %swap3A_110 = tpu.vector_load %arg6[%swap3A_108, %swap3A_109] {strides = array<i32>} : memref<2x128xi32, #tpu.memory_space<vmem>>, vector<1x16xi32>,
    %swap3A_111 = vector.shape_cast %swap3A_110 : vector<1x16xi32> to vector<16xi32>
    %swap3A_112 = vector.shape_cast %add3A_106 : vector<16xi32> to vector<1x16xi32>
    tpu.vector_store %arg6[%swap3A_108, %swap3A_109], %swap3A_112 {strides = array<i32>} : memref<2x128xi32, #tpu.memory_space<vmem>>, vector<1x16xi32>,
    %dma_wait3A = arith.constant 0 : i32
    %dma_wait3A_113 = tpu.memref_slice %arg10[%mul3A_0, %dma_wait3A] : memref<10240x128xf32, #tpu.memory_space<vmem_shared>> -> memref<640x128xf32, #tpu.memory_space<vmem_shared>>
    %dma_wait3A_114 = arith.constant 0 : i32
    %dma_wait3A_115 = tpu.memref_slice %arg2[%add3A, %dma_wait3A_114] : memref<20480x128xf32, #tpu.memory_space<hbm>> -> memref<640x128xf32, #tpu.memory_space<hbm>>
    tpu.wait_dma2 semaphore(%arg13 : memref<!tpu.dma_semaphore, #tpu.memory_space<semaphore_mem>>) src(%dma_wait3A_115 : memref<640x128xf32, #tpu.memory_space<hbm>>) dst(%dma_wait3A_113 : memref<640x128xf32, #tpu.memory_space<vmem_shared>>)
    %barrier3A = arith.constant 0 : index
    tpu.barrier barrier_id(%barrier3A)
    %dma_start3A_116 = arith.constant 0 : i32
    %dma_start3A_117 = arith.constant 0 : i32
    %dma_start3A_118 = tpu.memref_slice %arg6[%dma_start3A_116, %dma_start3A_117] : memref<2x128xi32, #tpu.memory_space<vmem>> -> memref<1x128xi32, #tpu.memory_space<vmem>>
    %dma_start3A_119 = tpu.memref_squeeze %dma_start3A_118 : memref<1x128xi32, #tpu.memory_space<vmem>> -> memref<128xi32, #tpu.memory_space<vmem>>
    %dma_start3A_120 = arith.constant 0 : i32
    %dma_start3A_121 = arith.constant 0 : i32
    %dma_start3A_122 = tpu.memref_slice %arg2[%dma_start3A_120, %dma_start3A_121] : memref<20480x128xf32, #tpu.memory_space<hbm>> -> memref<20480x128xf32, #tpu.memory_space<hbm>>
    tpu.enqueue_indirect_dma source(%dma_start3A_122 : memref<20480x128xf32, #tpu.memory_space<hbm>>) target(%arg8 : memref<128x128xf32, #tpu.memory_space<vmem>>) offsets(%dma_start3A_119 : memref<128xi32, #tpu.memory_space<vmem>>) semaphore(%arg11 : memref<!tpu.dma_semaphore, #tpu.memory_space<semaphore_mem>>)
    %add3A_123 = arith.constant 1 : i32
    %add3A_124 = arith.addi %mul3A_2, %add3A_123 : i32
    %dma_start3A_125 = arith.constant 1 : i32
    %dma_start3A_126 = arith.constant 0 : i32
    %dma_start3A_127 = tpu.memref_slice %arg6[%dma_start3A_125, %dma_start3A_126] : memref<2x128xi32, #tpu.memory_space<vmem>> -> memref<1x128xi32, #tpu.memory_space<vmem>>
    %dma_start3A_128 = tpu.memref_squeeze %dma_start3A_127 : memref<1x128xi32, #tpu.memory_space<vmem>> -> memref<128xi32, #tpu.memory_space<vmem>>
    %dma_start3A_129 = arith.constant 0 : i32
    %dma_start3A_130 = tpu.memref_slice %arg3[%add3A_124, %dma_start3A_129] : memref<1280x128xi32, #tpu.memory_space<hbm>> -> memref<1x128xi32, #tpu.memory_space<hbm>>
    %dma_start3A_131 = tpu.memref_squeeze %dma_start3A_130 : memref<1x128xi32, #tpu.memory_space<hbm>> -> memref<128xi32, #tpu.memory_space<hbm>>
    %dma_start3A_132 = arith.constant 0 : i32
    %dma_start3A_133 = tpu.memref_slice %arg6[%dma_start3A_125, %dma_start3A_132] : memref<2x128xi32, #tpu.memory_space<vmem>> -> memref<1x128xi32, #tpu.memory_space<vmem>>
    %dma_start3A_134 = tpu.memref_squeeze %dma_start3A_133 : memref<1x128xi32, #tpu.memory_space<vmem>> -> memref<128xi32, #tpu.memory_space<vmem>>
    %dma_start3A_135 = arith.constant 0 : i32
    %dma_start3A_136 = tpu.memref_slice %arg3[%add3A_124, %dma_start3A_135] : memref<1280x128xi32, #tpu.memory_space<hbm>> -> memref<1x128xi32, #tpu.memory_space<hbm>>
    %dma_start3A_137 = tpu.memref_squeeze %dma_start3A_136 : memref<1x128xi32, #tpu.memory_space<hbm>> -> memref<128xi32, #tpu.memory_space<hbm>>
    tpu.enqueue_dma source(%dma_start3A_137 : memref<128xi32, #tpu.memory_space<hbm>>) target(%dma_start3A_134 : memref<128xi32, #tpu.memory_space<vmem>>) target_semaphore(%arg13 : memref<!tpu.dma_semaphore, #tpu.memory_space<semaphore_mem>>)
    %add3A_138 = arith.constant 1 : i32
    %add3A_139 = arith.addi %mul3A_2, %add3A_138 : i32
    %dma_start3A_140 = arith.constant 1 : i32
    %dma_start3A_141 = arith.constant 0 : i32
    %dma_start3A_142 = tpu.memref_slice %arg7[%dma_start3A_140, %dma_start3A_141] : memref<2x128xi32, #tpu.memory_space<vmem>> -> memref<1x128xi32, #tpu.memory_space<vmem>>
    %dma_start3A_143 = tpu.memref_squeeze %dma_start3A_142 : memref<1x128xi32, #tpu.memory_space<vmem>> -> memref<128xi32, #tpu.memory_space<vmem>>
    %dma_start3A_144 = arith.constant 0 : i32
    %dma_start3A_145 = tpu.memref_slice %arg4[%add3A_139, %dma_start3A_144] : memref<1280x128xi32, #tpu.memory_space<hbm>> -> memref<1x128xi32, #tpu.memory_space<hbm>>
    %dma_start3A_146 = tpu.memref_squeeze %dma_start3A_145 : memref<1x128xi32, #tpu.memory_space<hbm>> -> memref<128xi32, #tpu.memory_space<hbm>>
    %dma_start3A_147 = arith.constant 0 : i32
    %dma_start3A_148 = tpu.memref_slice %arg7[%dma_start3A_140, %dma_start3A_147] : memref<2x128xi32, #tpu.memory_space<vmem>> -> memref<1x128xi32, #tpu.memory_space<vmem>>
    %dma_start3A_149 = tpu.memref_squeeze %dma_start3A_148 : memref<1x128xi32, #tpu.memory_space<vmem>> -> memref<128xi32, #tpu.memory_space<vmem>>
    %dma_start3A_150 = arith.constant 0 : i32
    %dma_start3A_151 = tpu.memref_slice %arg4[%add3A_139, %dma_start3A_150] : memref<1280x128xi32, #tpu.memory_space<hbm>> -> memref<1x128xi32, #tpu.memory_space<hbm>>
    %dma_start3A_152 = tpu.memref_squeeze %dma_start3A_151 : memref<1x128xi32, #tpu.memory_space<hbm>> -> memref<128xi32, #tpu.memory_space<hbm>>
    tpu.enqueue_dma source(%dma_start3A_152 : memref<128xi32, #tpu.memory_space<hbm>>) target(%dma_start3A_149 : memref<128xi32, #tpu.memory_space<vmem>>) target_semaphore(%arg15 : memref<!tpu.dma_semaphore, #tpu.memory_space<semaphore_mem>>)
    %dma_wait3A_153 = arith.constant 1 : i32
    %dma_wait3A_154 = arith.constant 0 : i32
    %dma_wait3A_155 = tpu.memref_slice %arg6[%dma_wait3A_153, %dma_wait3A_154] : memref<2x128xi32, #tpu.memory_space<vmem>> -> memref<1x128xi32, #tpu.memory_space<vmem>>
    %dma_wait3A_156 = tpu.memref_squeeze %dma_wait3A_155 : memref<1x128xi32, #tpu.memory_space<vmem>> -> memref<128xi32, #tpu.memory_space<vmem>>
    %dma_wait3A_157 = arith.constant 0 : i32
    %dma_wait3A_158 = tpu.memref_slice %arg3[%add3A_124, %dma_wait3A_157] : memref<1280x128xi32, #tpu.memory_space<hbm>> -> memref<1x128xi32, #tpu.memory_space<hbm>>
    %dma_wait3A_159 = tpu.memref_squeeze %dma_wait3A_158 : memref<1x128xi32, #tpu.memory_space<hbm>> -> memref<128xi32, #tpu.memory_space<hbm>>
    %dma_wait3A_160 = arith.constant 0 : i32
    %dma_wait3A_161 = tpu.memref_slice %arg6[%dma_wait3A_153, %dma_wait3A_160] : memref<2x128xi32, #tpu.memory_space<vmem>> -> memref<1x128xi32, #tpu.memory_space<vmem>>
    %dma_wait3A_162 = tpu.memref_squeeze %dma_wait3A_161 : memref<1x128xi32, #tpu.memory_space<vmem>> -> memref<128xi32, #tpu.memory_space<vmem>>
    %dma_wait3A_163 = arith.constant 0 : i32
    %dma_wait3A_164 = tpu.memref_slice %arg3[%add3A_124, %dma_wait3A_163] : memref<1280x128xi32, #tpu.memory_space<hbm>> -> memref<1x128xi32, #tpu.memory_space<hbm>>
    %dma_wait3A_165 = tpu.memref_squeeze %dma_wait3A_164 : memref<1x128xi32, #tpu.memory_space<hbm>> -> memref<128xi32, #tpu.memory_space<hbm>>
    tpu.wait_dma2 semaphore(%arg13 : memref<!tpu.dma_semaphore, #tpu.memory_space<semaphore_mem>>) src(%dma_wait3A_165 : memref<128xi32, #tpu.memory_space<hbm>>) dst(%dma_wait3A_162 : memref<128xi32, #tpu.memory_space<vmem>>)
    %get3A_166 = arith.constant 1 : i32
    %get3A_167 = arith.index_cast %get3A_166 : i32 to index
    %get3A_168 = arith.constant 0 : index
    %get3A_169 = tpu.vector_load %arg6[%get3A_167, %get3A_168] {strides = array<i32>} : memref<2x128xi32, #tpu.memory_space<vmem>>, vector<1x16xi32>,
    %get3A_170 = vector.shape_cast %get3A_169 : vector<1x16xi32> to vector<16xi32>
    %add3A_171 = vector.broadcast %mul3A_4 : i32 to vector<16xi32>
    %add3A_172 = arith.addi %get3A_170, %add3A_171 : vector<16xi32>
    %swap3A_173 = arith.constant 1 : i32
    %swap3A_174 = arith.index_cast %swap3A_173 : i32 to index
    %swap3A_175 = arith.constant 0 : index
    %swap3A_176 = tpu.vector_load %arg6[%swap3A_174, %swap3A_175] {strides = array<i32>} : memref<2x128xi32, #tpu.memory_space<vmem>>, vector<1x16xi32>,
    %swap3A_177 = vector.shape_cast %swap3A_176 : vector<1x16xi32> to vector<16xi32>
    %swap3A_178 = vector.shape_cast %add3A_172 : vector<16xi32> to vector<1x16xi32>
    tpu.vector_store %arg6[%swap3A_174, %swap3A_175], %swap3A_178 {strides = array<i32>} : memref<2x128xi32, #tpu.memory_space<vmem>>, vector<1x16xi32>,
    %get3A_179 = arith.constant 1 : i32
    %get3A_180 = arith.index_cast %get3A_179 : i32 to index
    %get3A_181 = arith.constant 16 : index
    %get3A_182 = tpu.vector_load %arg6[%get3A_180, %get3A_181] {strides = array<i32>} : memref<2x128xi32, #tpu.memory_space<vmem>>, vector<1x16xi32>,
    %get3A_183 = vector.shape_cast %get3A_182 : vector<1x16xi32> to vector<16xi32>
    %add3A_184 = vector.broadcast %mul3A_4 : i32 to vector<16xi32>
    %add3A_185 = arith.addi %get3A_183, %add3A_184 : vector<16xi32>
    %swap3A_186 = arith.constant 1 : i32
    %swap3A_187 = arith.index_cast %swap3A_186 : i32 to index
    %swap3A_188 = arith.constant 16 : index
    %swap3A_189 = tpu.vector_load %arg6[%swap3A_187, %swap3A_188] {strides = array<i32>} : memref<2x128xi32, #tpu.memory_space<vmem>>, vector<1x16xi32>,
    %swap3A_190 = vector.shape_cast %swap3A_189 : vector<1x16xi32> to vector<16xi32>
    %swap3A_191 = vector.shape_cast %add3A_185 : vector<16xi32> to vector<1x16xi32>
    tpu.vector_store %arg6[%swap3A_187, %swap3A_188], %swap3A_191 {strides = array<i32>} : memref<2x128xi32, #tpu.memory_space<vmem>>, vector<1x16xi32>,
    %get3A_192 = arith.constant 1 : i32
    %get3A_193 = arith.index_cast %get3A_192 : i32 to index
    %get3A_194 = arith.constant 32 : index
    %get3A_195 = tpu.vector_load %arg6[%get3A_193, %get3A_194] {strides = array<i32>} : memref<2x128xi32, #tpu.memory_space<vmem>>, vector<1x16xi32>,
    %get3A_196 = vector.shape_cast %get3A_195 : vector<1x16xi32> to vector<16xi32>
    %add3A_197 = vector.broadcast %mul3A_4 : i32 to vector<16xi32>
    %add3A_198 = arith.addi %get3A_196, %add3A_197 : vector<16xi32>
    %swap3A_199 = arith.constant 1 : i32
    %swap3A_200 = arith.index_cast %swap3A_199 : i32 to index
    %swap3A_201 = arith.constant 32 : index
    %swap3A_202 = tpu.vector_load %arg6[%swap3A_200, %swap3A_201] {strides = array<i32>} : memref<2x128xi32, #tpu.memory_space<vmem>>, vector<1x16xi32>,
    %swap3A_203 = vector.shape_cast %swap3A_202 : vector<1x16xi32> to vector<16xi32>
    %swap3A_204 = vector.shape_cast %add3A_198 : vector<16xi32> to vector<1x16xi32>
    tpu.vector_store %arg6[%swap3A_200, %swap3A_201], %swap3A_204 {strides = array<i32>} : memref<2x128xi32, #tpu.memory_space<vmem>>, vector<1x16xi32>,
    %get3A_205 = arith.constant 1 : i32
    %get3A_206 = arith.index_cast %get3A_205 : i32 to index
    %get3A_207 = arith.constant 48 : index
    %get3A_208 = tpu.vector_load %arg6[%get3A_206, %get3A_207] {strides = array<i32>} : memref<2x128xi32, #tpu.memory_space<vmem>>, vector<1x16xi32>,
    %get3A_209 = vector.shape_cast %get3A_208 : vector<1x16xi32> to vector<16xi32>
    %add3A_210 = vector.broadcast %mul3A_4 : i32 to vector<16xi32>
    %add3A_211 = arith.addi %get3A_209, %add3A_210 : vector<16xi32>
    %swap3A_212 = arith.constant 1 : i32
    %swap3A_213 = arith.index_cast %swap3A_212 : i32 to index
    %swap3A_214 = arith.constant 48 : index
    %swap3A_215 = tpu.vector_load %arg6[%swap3A_213, %swap3A_214] {strides = array<i32>} : memref<2x128xi32, #tpu.memory_space<vmem>>, vector<1x16xi32>,
    %swap3A_216 = vector.shape_cast %swap3A_215 : vector<1x16xi32> to vector<16xi32>
    %swap3A_217 = vector.shape_cast %add3A_211 : vector<16xi32> to vector<1x16xi32>
    tpu.vector_store %arg6[%swap3A_213, %swap3A_214], %swap3A_217 {strides = array<i32>} : memref<2x128xi32, #tpu.memory_space<vmem>>, vector<1x16xi32>,
    %get3A_218 = arith.constant 1 : i32
    %get3A_219 = arith.index_cast %get3A_218 : i32 to index
    %get3A_220 = arith.constant 64 : index
    %get3A_221 = tpu.vector_load %arg6[%get3A_219, %get3A_220] {strides = array<i32>} : memref<2x128xi32, #tpu.memory_space<vmem>>, vector<1x16xi32>,
    %get3A_222 = vector.shape_cast %get3A_221 : vector<1x16xi32> to vector<16xi32>
    %add3A_223 = vector.broadcast %mul3A_4 : i32 to vector<16xi32>
    %add3A_224 = arith.addi %get3A_222, %add3A_223 : vector<16xi32>
    %swap3A_225 = arith.constant 1 : i32
    %swap3A_226 = arith.index_cast %swap3A_225 : i32 to index
    %swap3A_227 = arith.constant 64 : index
    %swap3A_228 = tpu.vector_load %arg6[%swap3A_226, %swap3A_227] {strides = array<i32>} : memref<2x128xi32, #tpu.memory_space<vmem>>, vector<1x16xi32>,
    %swap3A_229 = vector.shape_cast %swap3A_228 : vector<1x16xi32> to vector<16xi32>
    %swap3A_230 = vector.shape_cast %add3A_224 : vector<16xi32> to vector<1x16xi32>
    tpu.vector_store %arg6[%swap3A_226, %swap3A_227], %swap3A_230 {strides = array<i32>} : memref<2x128xi32, #tpu.memory_space<vmem>>, vector<1x16xi32>,
    %get3A_231 = arith.constant 1 : i32
    %get3A_232 = arith.index_cast %get3A_231 : i32 to index
    %get3A_233 = arith.constant 80 : index
    %get3A_234 = tpu.vector_load %arg6[%get3A_232, %get3A_233] {strides = array<i32>} : memref<2x128xi32, #tpu.memory_space<vmem>>, vector<1x16xi32>,
    %get3A_235 = vector.shape_cast %get3A_234 : vector<1x16xi32> to vector<16xi32>
    %add3A_236 = vector.broadcast %mul3A_4 : i32 to vector<16xi32>
    %add3A_237 = arith.addi %get3A_235, %add3A_236 : vector<16xi32>
    %swap3A_238 = arith.constant 1 : i32
    %swap3A_239 = arith.index_cast %swap3A_238 : i32 to index
    %swap3A_240 = arith.constant 80 : index
    %swap3A_241 = tpu.vector_load %arg6[%swap3A_239, %swap3A_240] {strides = array<i32>} : memref<2x128xi32, #tpu.memory_space<vmem>>, vector<1x16xi32>,
    %swap3A_242 = vector.shape_cast %swap3A_241 : vector<1x16xi32> to vector<16xi32>
    %swap3A_243 = vector.shape_cast %add3A_237 : vector<16xi32> to vector<1x16xi32>
    tpu.vector_store %arg6[%swap3A_239, %swap3A_240], %swap3A_243 {strides = array<i32>} : memref<2x128xi32, #tpu.memory_space<vmem>>, vector<1x16xi32>,
    %get3A_244 = arith.constant 1 : i32
    %get3A_245 = arith.index_cast %get3A_244 : i32 to index
    %get3A_246 = arith.constant 96 : index
    %get3A_247 = tpu.vector_load %arg6[%get3A_245, %get3A_246] {strides = array<i32>} : memref<2x128xi32, #tpu.memory_space<vmem>>, vector<1x16xi32>,
    %get3A_248 = vector.shape_cast %get3A_247 : vector<1x16xi32> to vector<16xi32>
    %add3A_249 = vector.broadcast %mul3A_4 : i32 to vector<16xi32>
    %add3A_250 = arith.addi %get3A_248, %add3A_249 : vector<16xi32>
    %swap3A_251 = arith.constant 1 : i32
    %swap3A_252 = arith.index_cast %swap3A_251 : i32 to index
    %swap3A_253 = arith.constant 96 : index
    %swap3A_254 = tpu.vector_load %arg6[%swap3A_252, %swap3A_253] {strides = array<i32>} : memref<2x128xi32, #tpu.memory_space<vmem>>, vector<1x16xi32>,
    %swap3A_255 = vector.shape_cast %swap3A_254 : vector<1x16xi32> to vector<16xi32>
    %swap3A_256 = vector.shape_cast %add3A_250 : vector<16xi32> to vector<1x16xi32>
    tpu.vector_store %arg6[%swap3A_252, %swap3A_253], %swap3A_256 {strides = array<i32>} : memref<2x128xi32, #tpu.memory_space<vmem>>, vector<1x16xi32>,
    %get3A_257 = arith.constant 1 : i32
    %get3A_258 = arith.index_cast %get3A_257 : i32 to index
    %get3A_259 = arith.constant 112 : index
    %get3A_260 = tpu.vector_load %arg6[%get3A_258, %get3A_259] {strides = array<i32>} : memref<2x128xi32, #tpu.memory_space<vmem>>, vector<1x16xi32>,
    %get3A_261 = vector.shape_cast %get3A_260 : vector<1x16xi32> to vector<16xi32>
    %add3A_262 = vector.broadcast %mul3A_4 : i32 to vector<16xi32>
    %add3A_263 = arith.addi %get3A_261, %add3A_262 : vector<16xi32>
    %swap3A_264 = arith.constant 1 : i32
    %swap3A_265 = arith.index_cast %swap3A_264 : i32 to index
    %swap3A_266 = arith.constant 112 : index
    %swap3A_267 = tpu.vector_load %arg6[%swap3A_265, %swap3A_266] {strides = array<i32>} : memref<2x128xi32, #tpu.memory_space<vmem>>, vector<1x16xi32>,
    %swap3A_268 = vector.shape_cast %swap3A_267 : vector<1x16xi32> to vector<16xi32>
    %swap3A_269 = vector.shape_cast %add3A_263 : vector<16xi32> to vector<1x16xi32>
    tpu.vector_store %arg6[%swap3A_265, %swap3A_266], %swap3A_269 {strides = array<i32>} : memref<2x128xi32, #tpu.memory_space<vmem>>, vector<1x16xi32>,
    %dma_start3A_270 = arith.constant 1 : i32
    %dma_start3A_271 = arith.constant 0 : i32
    %dma_start3A_272 = tpu.memref_slice %arg6[%dma_start3A_270, %dma_start3A_271] : memref<2x128xi32, #tpu.memory_space<vmem>> -> memref<1x128xi32, #tpu.memory_space<vmem>>
    %dma_start3A_273 = tpu.memref_squeeze %dma_start3A_272 : memref<1x128xi32, #tpu.memory_space<vmem>> -> memref<128xi32, #tpu.memory_space<vmem>>
    %dma_start3A_274 = arith.constant 0 : i32
    %dma_start3A_275 = arith.constant 0 : i32
    %dma_start3A_276 = tpu.memref_slice %arg2[%dma_start3A_274, %dma_start3A_275] : memref<20480x128xf32, #tpu.memory_space<hbm>> -> memref<20480x128xf32, #tpu.memory_space<hbm>>
    tpu.enqueue_indirect_dma source(%dma_start3A_276 : memref<20480x128xf32, #tpu.memory_space<hbm>>) target(%arg9 : memref<128x128xf32, #tpu.memory_space<vmem>>) offsets(%dma_start3A_273 : memref<128xi32, #tpu.memory_space<vmem>>) semaphore(%arg11 : memref<!tpu.dma_semaphore, #tpu.memory_space<semaphore_mem>>)
    %dma_wait3A_277 = arith.constant 0 : i32
    %dma_wait3A_278 = arith.constant 0 : i32
    %dma_wait3A_279 = tpu.memref_slice %arg6[%dma_wait3A_277, %dma_wait3A_278] : memref<2x128xi32, #tpu.memory_space<vmem>> -> memref<1x128xi32, #tpu.memory_space<vmem>>
    %dma_wait3A_280 = tpu.memref_squeeze %dma_wait3A_279 : memref<1x128xi32, #tpu.memory_space<vmem>> -> memref<128xi32, #tpu.memory_space<vmem>>
    %dma_wait3A_281 = arith.constant 0 : i32
    %dma_wait3A_282 = arith.constant 0 : i32
    %dma_wait3A_283 = tpu.memref_slice %arg2[%dma_wait3A_281, %dma_wait3A_282] : memref<20480x128xf32, #tpu.memory_space<hbm>> -> memref<20480x128xf32, #tpu.memory_space<hbm>>
    tpu.wait_indirect_dma semaphore(%arg11 : memref<!tpu.dma_semaphore, #tpu.memory_space<semaphore_mem>>) src(%dma_wait3A_283 : memref<20480x128xf32, #tpu.memory_space<hbm>>) dst(%arg8 : memref<128x128xf32, #tpu.memory_space<vmem>>)
    %dma_start3A_284 = arith.constant 0 : i32
    %dma_start3A_285 = arith.constant 0 : i32
    %dma_start3A_286 = tpu.memref_slice %arg7[%dma_start3A_284, %dma_start3A_285] : memref<2x128xi32, #tpu.memory_space<vmem>> -> memref<1x128xi32, #tpu.memory_space<vmem>>
    %dma_start3A_287 = tpu.memref_squeeze %dma_start3A_286 : memref<1x128xi32, #tpu.memory_space<vmem>> -> memref<128xi32, #tpu.memory_space<vmem>>
    %dma_start3A_288 = arith.constant 0 : i32
    %dma_start3A_289 = arith.constant 0 : i32
    %dma_start3A_290 = tpu.memref_slice %arg10[%dma_start3A_288, %dma_start3A_289] : memref<10240x128xf32, #tpu.memory_space<vmem_shared>> -> memref<10240x128xf32, #tpu.memory_space<vmem_shared>>
    tpu.enqueue_indirect_dma source(%arg8 : memref<128x128xf32, #tpu.memory_space<vmem>>) target(%dma_start3A_290 : memref<10240x128xf32, #tpu.memory_space<vmem_shared>>) offsets(%dma_start3A_287 : memref<128xi32, #tpu.memory_space<vmem>>) semaphore(%arg12 : memref<!tpu.dma_semaphore, #tpu.memory_space<semaphore_mem>>) {add = true}
    %scan3A = arith.constant 0 : i32
    %scan3A_291 = arith.constant 1 : i32
    %scan3A_292 = arith.constant 39 : i32
    %scan3A_293 = arith.addi %scan3A_291, %scan3A_292 : i32
    %scan3A_294 = arith.constant 1 : i32
    scf.for %scan3A_344 = %scan3A_291 to %scan3A_293 step %scan3A_294  : i32 {
      %mul3A_345 = arith.constant 2 : i32
      %mul3A_346 = arith.muli %mul3A_345, %scan3A_344 : i32
      %sub3A_347 = arith.constant 1 : i32
      %sub3A_348 = arith.subi %mul3A_346, %sub3A_347 : i32
      %mul3A_349 = arith.constant 2 : i32
      %mul3A_350 = arith.muli %mul3A_349, %scan3A_344 : i32
      %add3A_351 = arith.addi %mul3A_2, %sub3A_348 : i32
      %add3A_352 = arith.constant 1 : i32
      %add3A_353 = arith.addi %add3A_351, %add3A_352 : i32
      %dma_start3A_354 = arith.constant 0 : i32
      %dma_start3A_355 = arith.constant 0 : i32
      %dma_start3A_356 = tpu.memref_slice %arg6[%dma_start3A_354, %dma_start3A_355] : memref<2x128xi32, #tpu.memory_space<vmem>> -> memref<1x128xi32, #tpu.memory_space<vmem>>
      %dma_start3A_357 = tpu.memref_squeeze %dma_start3A_356 : memref<1x128xi32, #tpu.memory_space<vmem>> -> memref<128xi32, #tpu.memory_space<vmem>>
      %dma_start3A_358 = arith.constant 0 : i32
      %dma_start3A_359 = tpu.memref_slice %arg3[%add3A_353, %dma_start3A_358] : memref<1280x128xi32, #tpu.memory_space<hbm>> -> memref<1x128xi32, #tpu.memory_space<hbm>>
      %dma_start3A_360 = tpu.memref_squeeze %dma_start3A_359 : memref<1x128xi32, #tpu.memory_space<hbm>> -> memref<128xi32, #tpu.memory_space<hbm>>
      %dma_start3A_361 = arith.constant 0 : i32
      %dma_start3A_362 = tpu.memref_slice %arg6[%dma_start3A_354, %dma_start3A_361] : memref<2x128xi32, #tpu.memory_space<vmem>> -> memref<1x128xi32, #tpu.memory_space<vmem>>
      %dma_start3A_363 = tpu.memref_squeeze %dma_start3A_362 : memref<1x128xi32, #tpu.memory_space<vmem>> -> memref<128xi32, #tpu.memory_space<vmem>>
      %dma_start3A_364 = arith.constant 0 : i32
      %dma_start3A_365 = tpu.memref_slice %arg3[%add3A_353, %dma_start3A_364] : memref<1280x128xi32, #tpu.memory_space<hbm>> -> memref<1x128xi32, #tpu.memory_space<hbm>>
      %dma_start3A_366 = tpu.memref_squeeze %dma_start3A_365 : memref<1x128xi32, #tpu.memory_space<hbm>> -> memref<128xi32, #tpu.memory_space<hbm>>
      tpu.enqueue_dma source(%dma_start3A_366 : memref<128xi32, #tpu.memory_space<hbm>>) target(%dma_start3A_363 : memref<128xi32, #tpu.memory_space<vmem>>) target_semaphore(%arg13 : memref<!tpu.dma_semaphore, #tpu.memory_space<semaphore_mem>>)
      %dma_wait3A_367 = arith.constant 0 : i32
      %dma_wait3A_368 = arith.constant 0 : i32
      %dma_wait3A_369 = tpu.memref_slice %arg7[%dma_wait3A_367, %dma_wait3A_368] : memref<2x128xi32, #tpu.memory_space<vmem>> -> memref<1x128xi32, #tpu.memory_space<vmem>>
      %dma_wait3A_370 = tpu.memref_squeeze %dma_wait3A_369 : memref<1x128xi32, #tpu.memory_space<vmem>> -> memref<128xi32, #tpu.memory_space<vmem>>
      %dma_wait3A_371 = arith.constant 0 : i32
      %dma_wait3A_372 = arith.constant 0 : i32
      %dma_wait3A_373 = tpu.memref_slice %arg10[%dma_wait3A_371, %dma_wait3A_372] : memref<10240x128xf32, #tpu.memory_space<vmem_shared>> -> memref<10240x128xf32, #tpu.memory_space<vmem_shared>>
      tpu.wait_indirect_dma semaphore(%arg12 : memref<!tpu.dma_semaphore, #tpu.memory_space<semaphore_mem>>) src(%arg8 : memref<128x128xf32, #tpu.memory_space<vmem>>) dst(%dma_wait3A_373 : memref<10240x128xf32, #tpu.memory_space<vmem_shared>>)
      %add3A_374 = arith.addi %mul3A_2, %sub3A_348 : i32
      %add3A_375 = arith.constant 1 : i32
      %add3A_376 = arith.addi %add3A_374, %add3A_375 : i32
      %dma_start3A_377 = arith.constant 0 : i32
      %dma_start3A_378 = arith.constant 0 : i32
      %dma_start3A_379 = tpu.memref_slice %arg7[%dma_start3A_377, %dma_start3A_378] : memref<2x128xi32, #tpu.memory_space<vmem>> -> memref<1x128xi32, #tpu.memory_space<vmem>>
      %dma_start3A_380 = tpu.memref_squeeze %dma_start3A_379 : memref<1x128xi32, #tpu.memory_space<vmem>> -> memref<128xi32, #tpu.memory_space<vmem>>
      %dma_start3A_381 = arith.constant 0 : i32
      %dma_start3A_382 = tpu.memref_slice %arg4[%add3A_376, %dma_start3A_381] : memref<1280x128xi32, #tpu.memory_space<hbm>> -> memref<1x128xi32, #tpu.memory_space<hbm>>
      %dma_start3A_383 = tpu.memref_squeeze %dma_start3A_382 : memref<1x128xi32, #tpu.memory_space<hbm>> -> memref<128xi32, #tpu.memory_space<hbm>>
      %dma_start3A_384 = arith.constant 0 : i32
      %dma_start3A_385 = tpu.memref_slice %arg7[%dma_start3A_377, %dma_start3A_384] : memref<2x128xi32, #tpu.memory_space<vmem>> -> memref<1x128xi32, #tpu.memory_space<vmem>>
      %dma_start3A_386 = tpu.memref_squeeze %dma_start3A_385 : memref<1x128xi32, #tpu.memory_space<vmem>> -> memref<128xi32, #tpu.memory_space<vmem>>
      %dma_start3A_387 = arith.constant 0 : i32
      %dma_start3A_388 = tpu.memref_slice %arg4[%add3A_376, %dma_start3A_387] : memref<1280x128xi32, #tpu.memory_space<hbm>> -> memref<1x128xi32, #tpu.memory_space<hbm>>
      %dma_start3A_389 = tpu.memref_squeeze %dma_start3A_388 : memref<1x128xi32, #tpu.memory_space<hbm>> -> memref<128xi32, #tpu.memory_space<hbm>>
      tpu.enqueue_dma source(%dma_start3A_389 : memref<128xi32, #tpu.memory_space<hbm>>) target(%dma_start3A_386 : memref<128xi32, #tpu.memory_space<vmem>>) target_semaphore(%arg14 : memref<!tpu.dma_semaphore, #tpu.memory_space<semaphore_mem>>)
      %dma_wait3A_390 = arith.constant 0 : i32
      %dma_wait3A_391 = arith.constant 0 : i32
      %dma_wait3A_392 = tpu.memref_slice %arg6[%dma_wait3A_390, %dma_wait3A_391] : memref<2x128xi32, #tpu.memory_space<vmem>> -> memref<1x128xi32, #tpu.memory_space<vmem>>
      %dma_wait3A_393 = tpu.memref_squeeze %dma_wait3A_392 : memref<1x128xi32, #tpu.memory_space<vmem>> -> memref<128xi32, #tpu.memory_space<vmem>>
      %dma_wait3A_394 = arith.constant 0 : i32
      %dma_wait3A_395 = tpu.memref_slice %arg3[%add3A_353, %dma_wait3A_394] : memref<1280x128xi32, #tpu.memory_space<hbm>> -> memref<1x128xi32, #tpu.memory_space<hbm>>
      %dma_wait3A_396 = tpu.memref_squeeze %dma_wait3A_395 : memref<1x128xi32, #tpu.memory_space<hbm>> -> memref<128xi32, #tpu.memory_space<hbm>>
      %dma_wait3A_397 = arith.constant 0 : i32
      %dma_wait3A_398 = tpu.memref_slice %arg6[%dma_wait3A_390, %dma_wait3A_397] : memref<2x128xi32, #tpu.memory_space<vmem>> -> memref<1x128xi32, #tpu.memory_space<vmem>>
      %dma_wait3A_399 = tpu.memref_squeeze %dma_wait3A_398 : memref<1x128xi32, #tpu.memory_space<vmem>> -> memref<128xi32, #tpu.memory_space<vmem>>
      %dma_wait3A_400 = arith.constant 0 : i32
      %dma_wait3A_401 = tpu.memref_slice %arg3[%add3A_353, %dma_wait3A_400] : memref<1280x128xi32, #tpu.memory_space<hbm>> -> memref<1x128xi32, #tpu.memory_space<hbm>>
      %dma_wait3A_402 = tpu.memref_squeeze %dma_wait3A_401 : memref<1x128xi32, #tpu.memory_space<hbm>> -> memref<128xi32, #tpu.memory_space<hbm>>
      tpu.wait_dma2 semaphore(%arg13 : memref<!tpu.dma_semaphore, #tpu.memory_space<semaphore_mem>>) src(%dma_wait3A_402 : memref<128xi32, #tpu.memory_space<hbm>>) dst(%dma_wait3A_399 : memref<128xi32, #tpu.memory_space<vmem>>)
      %get3A_403 = arith.constant 0 : i32
      %get3A_404 = arith.index_cast %get3A_403 : i32 to index
      %get3A_405 = arith.constant 0 : index
      %get3A_406 = tpu.vector_load %arg6[%get3A_404, %get3A_405] {strides = array<i32>} : memref<2x128xi32, #tpu.memory_space<vmem>>, vector<1x16xi32>,
      %get3A_407 = vector.shape_cast %get3A_406 : vector<1x16xi32> to vector<16xi32>
      %add3A_408 = vector.broadcast %mul3A_4 : i32 to vector<16xi32>
      %add3A_409 = arith.addi %get3A_407, %add3A_408 : vector<16xi32>
      %swap3A_410 = arith.constant 0 : i32
      %swap3A_411 = arith.index_cast %swap3A_410 : i32 to index
      %swap3A_412 = arith.constant 0 : index
      %swap3A_413 = tpu.vector_load %arg6[%swap3A_411, %swap3A_412] {strides = array<i32>} : memref<2x128xi32, #tpu.memory_space<vmem>>, vector<1x16xi32>,
      %swap3A_414 = vector.shape_cast %swap3A_413 : vector<1x16xi32> to vector<16xi32>
      %swap3A_415 = vector.shape_cast %add3A_409 : vector<16xi32> to vector<1x16xi32>
      tpu.vector_store %arg6[%swap3A_411, %swap3A_412], %swap3A_415 {strides = array<i32>} : memref<2x128xi32, #tpu.memory_space<vmem>>, vector<1x16xi32>,
      %get3A_416 = arith.constant 0 : i32
      %get3A_417 = arith.index_cast %get3A_416 : i32 to index
      %get3A_418 = arith.constant 16 : index
      %get3A_419 = tpu.vector_load %arg6[%get3A_417, %get3A_418] {strides = array<i32>} : memref<2x128xi32, #tpu.memory_space<vmem>>, vector<1x16xi32>,
      %get3A_420 = vector.shape_cast %get3A_419 : vector<1x16xi32> to vector<16xi32>
      %add3A_421 = vector.broadcast %mul3A_4 : i32 to vector<16xi32>
      %add3A_422 = arith.addi %get3A_420, %add3A_421 : vector<16xi32>
      %swap3A_423 = arith.constant 0 : i32
      %swap3A_424 = arith.index_cast %swap3A_423 : i32 to index
      %swap3A_425 = arith.constant 16 : index
      %swap3A_426 = tpu.vector_load %arg6[%swap3A_424, %swap3A_425] {strides = array<i32>} : memref<2x128xi32, #tpu.memory_space<vmem>>, vector<1x16xi32>,
      %swap3A_427 = vector.shape_cast %swap3A_426 : vector<1x16xi32> to vector<16xi32>
      %swap3A_428 = vector.shape_cast %add3A_422 : vector<16xi32> to vector<1x16xi32>
      tpu.vector_store %arg6[%swap3A_424, %swap3A_425], %swap3A_428 {strides = array<i32>} : memref<2x128xi32, #tpu.memory_space<vmem>>, vector<1x16xi32>,
      %get3A_429 = arith.constant 0 : i32
      %get3A_430 = arith.index_cast %get3A_429 : i32 to index
      %get3A_431 = arith.constant 32 : index
      %get3A_432 = tpu.vector_load %arg6[%get3A_430, %get3A_431] {strides = array<i32>} : memref<2x128xi32, #tpu.memory_space<vmem>>, vector<1x16xi32>,
      %get3A_433 = vector.shape_cast %get3A_432 : vector<1x16xi32> to vector<16xi32>
      %add3A_434 = vector.broadcast %mul3A_4 : i32 to vector<16xi32>
      %add3A_435 = arith.addi %get3A_433, %add3A_434 : vector<16xi32>
      %swap3A_436 = arith.constant 0 : i32
      %swap3A_437 = arith.index_cast %swap3A_436 : i32 to index
      %swap3A_438 = arith.constant 32 : index
      %swap3A_439 = tpu.vector_load %arg6[%swap3A_437, %swap3A_438] {strides = array<i32>} : memref<2x128xi32, #tpu.memory_space<vmem>>, vector<1x16xi32>,
      %swap3A_440 = vector.shape_cast %swap3A_439 : vector<1x16xi32> to vector<16xi32>
      %swap3A_441 = vector.shape_cast %add3A_435 : vector<16xi32> to vector<1x16xi32>
      tpu.vector_store %arg6[%swap3A_437, %swap3A_438], %swap3A_441 {strides = array<i32>} : memref<2x128xi32, #tpu.memory_space<vmem>>, vector<1x16xi32>,
      %get3A_442 = arith.constant 0 : i32
      %get3A_443 = arith.index_cast %get3A_442 : i32 to index
      %get3A_444 = arith.constant 48 : index
      %get3A_445 = tpu.vector_load %arg6[%get3A_443, %get3A_444] {strides = array<i32>} : memref<2x128xi32, #tpu.memory_space<vmem>>, vector<1x16xi32>,
      %get3A_446 = vector.shape_cast %get3A_445 : vector<1x16xi32> to vector<16xi32>
      %add3A_447 = vector.broadcast %mul3A_4 : i32 to vector<16xi32>
      %add3A_448 = arith.addi %get3A_446, %add3A_447 : vector<16xi32>
      %swap3A_449 = arith.constant 0 : i32
      %swap3A_450 = arith.index_cast %swap3A_449 : i32 to index
      %swap3A_451 = arith.constant 48 : index
      %swap3A_452 = tpu.vector_load %arg6[%swap3A_450, %swap3A_451] {strides = array<i32>} : memref<2x128xi32, #tpu.memory_space<vmem>>, vector<1x16xi32>,
      %swap3A_453 = vector.shape_cast %swap3A_452 : vector<1x16xi32> to vector<16xi32>
      %swap3A_454 = vector.shape_cast %add3A_448 : vector<16xi32> to vector<1x16xi32>
      tpu.vector_store %arg6[%swap3A_450, %swap3A_451], %swap3A_454 {strides = array<i32>} : memref<2x128xi32, #tpu.memory_space<vmem>>, vector<1x16xi32>,
      %get3A_455 = arith.constant 0 : i32
      %get3A_456 = arith.index_cast %get3A_455 : i32 to index
      %get3A_457 = arith.constant 64 : index
      %get3A_458 = tpu.vector_load %arg6[%get3A_456, %get3A_457] {strides = array<i32>} : memref<2x128xi32, #tpu.memory_space<vmem>>, vector<1x16xi32>,
      %get3A_459 = vector.shape_cast %get3A_458 : vector<1x16xi32> to vector<16xi32>
      %add3A_460 = vector.broadcast %mul3A_4 : i32 to vector<16xi32>
      %add3A_461 = arith.addi %get3A_459, %add3A_460 : vector<16xi32>
      %swap3A_462 = arith.constant 0 : i32
      %swap3A_463 = arith.index_cast %swap3A_462 : i32 to index
      %swap3A_464 = arith.constant 64 : index
      %swap3A_465 = tpu.vector_load %arg6[%swap3A_463, %swap3A_464] {strides = array<i32>} : memref<2x128xi32, #tpu.memory_space<vmem>>, vector<1x16xi32>,
      %swap3A_466 = vector.shape_cast %swap3A_465 : vector<1x16xi32> to vector<16xi32>
      %swap3A_467 = vector.shape_cast %add3A_461 : vector<16xi32> to vector<1x16xi32>
      tpu.vector_store %arg6[%swap3A_463, %swap3A_464], %swap3A_467 {strides = array<i32>} : memref<2x128xi32, #tpu.memory_space<vmem>>, vector<1x16xi32>,
      %get3A_468 = arith.constant 0 : i32
      %get3A_469 = arith.index_cast %get3A_468 : i32 to index
      %get3A_470 = arith.constant 80 : index
      %get3A_471 = tpu.vector_load %arg6[%get3A_469, %get3A_470] {strides = array<i32>} : memref<2x128xi32, #tpu.memory_space<vmem>>, vector<1x16xi32>,
      %get3A_472 = vector.shape_cast %get3A_471 : vector<1x16xi32> to vector<16xi32>
      %add3A_473 = vector.broadcast %mul3A_4 : i32 to vector<16xi32>
      %add3A_474 = arith.addi %get3A_472, %add3A_473 : vector<16xi32>
      %swap3A_475 = arith.constant 0 : i32
      %swap3A_476 = arith.index_cast %swap3A_475 : i32 to index
      %swap3A_477 = arith.constant 80 : index
      %swap3A_478 = tpu.vector_load %arg6[%swap3A_476, %swap3A_477] {strides = array<i32>} : memref<2x128xi32, #tpu.memory_space<vmem>>, vector<1x16xi32>,
      %swap3A_479 = vector.shape_cast %swap3A_478 : vector<1x16xi32> to vector<16xi32>
      %swap3A_480 = vector.shape_cast %add3A_474 : vector<16xi32> to vector<1x16xi32>
      tpu.vector_store %arg6[%swap3A_476, %swap3A_477], %swap3A_480 {strides = array<i32>} : memref<2x128xi32, #tpu.memory_space<vmem>>, vector<1x16xi32>,
      %get3A_481 = arith.constant 0 : i32
      %get3A_482 = arith.index_cast %get3A_481 : i32 to index
      %get3A_483 = arith.constant 96 : index
      %get3A_484 = tpu.vector_load %arg6[%get3A_482, %get3A_483] {strides = array<i32>} : memref<2x128xi32, #tpu.memory_space<vmem>>, vector<1x16xi32>,
      %get3A_485 = vector.shape_cast %get3A_484 : vector<1x16xi32> to vector<16xi32>
      %add3A_486 = vector.broadcast %mul3A_4 : i32 to vector<16xi32>
      %add3A_487 = arith.addi %get3A_485, %add3A_486 : vector<16xi32>
      %swap3A_488 = arith.constant 0 : i32
      %swap3A_489 = arith.index_cast %swap3A_488 : i32 to index
      %swap3A_490 = arith.constant 96 : index
      %swap3A_491 = tpu.vector_load %arg6[%swap3A_489, %swap3A_490] {strides = array<i32>} : memref<2x128xi32, #tpu.memory_space<vmem>>, vector<1x16xi32>,
      %swap3A_492 = vector.shape_cast %swap3A_491 : vector<1x16xi32> to vector<16xi32>
      %swap3A_493 = vector.shape_cast %add3A_487 : vector<16xi32> to vector<1x16xi32>
      tpu.vector_store %arg6[%swap3A_489, %swap3A_490], %swap3A_493 {strides = array<i32>} : memref<2x128xi32, #tpu.memory_space<vmem>>, vector<1x16xi32>,
      %get3A_494 = arith.constant 0 : i32
      %get3A_495 = arith.index_cast %get3A_494 : i32 to index
      %get3A_496 = arith.constant 112 : index
      %get3A_497 = tpu.vector_load %arg6[%get3A_495, %get3A_496] {strides = array<i32>} : memref<2x128xi32, #tpu.memory_space<vmem>>, vector<1x16xi32>,
      %get3A_498 = vector.shape_cast %get3A_497 : vector<1x16xi32> to vector<16xi32>
      %add3A_499 = vector.broadcast %mul3A_4 : i32 to vector<16xi32>
      %add3A_500 = arith.addi %get3A_498, %add3A_499 : vector<16xi32>
      %swap3A_501 = arith.constant 0 : i32
      %swap3A_502 = arith.index_cast %swap3A_501 : i32 to index
      %swap3A_503 = arith.constant 112 : index
      %swap3A_504 = tpu.vector_load %arg6[%swap3A_502, %swap3A_503] {strides = array<i32>} : memref<2x128xi32, #tpu.memory_space<vmem>>, vector<1x16xi32>,
      %swap3A_505 = vector.shape_cast %swap3A_504 : vector<1x16xi32> to vector<16xi32>
      %swap3A_506 = vector.shape_cast %add3A_500 : vector<16xi32> to vector<1x16xi32>
      tpu.vector_store %arg6[%swap3A_502, %swap3A_503], %swap3A_506 {strides = array<i32>} : memref<2x128xi32, #tpu.memory_space<vmem>>, vector<1x16xi32>,
      %dma_start3A_507 = arith.constant 0 : i32
      %dma_start3A_508 = arith.constant 0 : i32
      %dma_start3A_509 = tpu.memref_slice %arg6[%dma_start3A_507, %dma_start3A_508] : memref<2x128xi32, #tpu.memory_space<vmem>> -> memref<1x128xi32, #tpu.memory_space<vmem>>
      %dma_start3A_510 = tpu.memref_squeeze %dma_start3A_509 : memref<1x128xi32, #tpu.memory_space<vmem>> -> memref<128xi32, #tpu.memory_space<vmem>>
      %dma_start3A_511 = arith.constant 0 : i32
      %dma_start3A_512 = arith.constant 0 : i32
      %dma_start3A_513 = tpu.memref_slice %arg2[%dma_start3A_511, %dma_start3A_512] : memref<20480x128xf32, #tpu.memory_space<hbm>> -> memref<20480x128xf32, #tpu.memory_space<hbm>>
      tpu.enqueue_indirect_dma source(%dma_start3A_513 : memref<20480x128xf32, #tpu.memory_space<hbm>>) target(%arg8 : memref<128x128xf32, #tpu.memory_space<vmem>>) offsets(%dma_start3A_510 : memref<128xi32, #tpu.memory_space<vmem>>) semaphore(%arg11 : memref<!tpu.dma_semaphore, #tpu.memory_space<semaphore_mem>>)
      %dma_wait3A_514 = arith.constant 1 : i32
      %dma_wait3A_515 = arith.constant 0 : i32
      %dma_wait3A_516 = tpu.memref_slice %arg6[%dma_wait3A_514, %dma_wait3A_515] : memref<2x128xi32, #tpu.memory_space<vmem>> -> memref<1x128xi32, #tpu.memory_space<vmem>>
      %dma_wait3A_517 = tpu.memref_squeeze %dma_wait3A_516 : memref<1x128xi32, #tpu.memory_space<vmem>> -> memref<128xi32, #tpu.memory_space<vmem>>
      %dma_wait3A_518 = arith.constant 0 : i32
      %dma_wait3A_519 = arith.constant 0 : i32
      %dma_wait3A_520 = tpu.memref_slice %arg2[%dma_wait3A_518, %dma_wait3A_519] : memref<20480x128xf32, #tpu.memory_space<hbm>> -> memref<20480x128xf32, #tpu.memory_space<hbm>>
      tpu.wait_indirect_dma semaphore(%arg11 : memref<!tpu.dma_semaphore, #tpu.memory_space<semaphore_mem>>) src(%dma_wait3A_520 : memref<20480x128xf32, #tpu.memory_space<hbm>>) dst(%arg9 : memref<128x128xf32, #tpu.memory_space<vmem>>)
      %add3A_521 = arith.addi %mul3A_2, %sub3A_348 : i32
      %dma_wait3A_522 = arith.constant 1 : i32
      %dma_wait3A_523 = arith.constant 0 : i32
      %dma_wait3A_524 = tpu.memref_slice %arg7[%dma_wait3A_522, %dma_wait3A_523] : memref<2x128xi32, #tpu.memory_space<vmem>> -> memref<1x128xi32, #tpu.memory_space<vmem>>
      %dma_wait3A_525 = tpu.memref_squeeze %dma_wait3A_524 : memref<1x128xi32, #tpu.memory_space<vmem>> -> memref<128xi32, #tpu.memory_space<vmem>>
      %dma_wait3A_526 = arith.constant 0 : i32
      %dma_wait3A_527 = tpu.memref_slice %arg4[%add3A_521, %dma_wait3A_526] : memref<1280x128xi32, #tpu.memory_space<hbm>> -> memref<1x128xi32, #tpu.memory_space<hbm>>
      %dma_wait3A_528 = tpu.memref_squeeze %dma_wait3A_527 : memref<1x128xi32, #tpu.memory_space<hbm>> -> memref<128xi32, #tpu.memory_space<hbm>>
      %dma_wait3A_529 = arith.constant 0 : i32
      %dma_wait3A_530 = tpu.memref_slice %arg7[%dma_wait3A_522, %dma_wait3A_529] : memref<2x128xi32, #tpu.memory_space<vmem>> -> memref<1x128xi32, #tpu.memory_space<vmem>>
      %dma_wait3A_531 = tpu.memref_squeeze %dma_wait3A_530 : memref<1x128xi32, #tpu.memory_space<vmem>> -> memref<128xi32, #tpu.memory_space<vmem>>
      %dma_wait3A_532 = arith.constant 0 : i32
      %dma_wait3A_533 = tpu.memref_slice %arg4[%add3A_521, %dma_wait3A_532] : memref<1280x128xi32, #tpu.memory_space<hbm>> -> memref<1x128xi32, #tpu.memory_space<hbm>>
      %dma_wait3A_534 = tpu.memref_squeeze %dma_wait3A_533 : memref<1x128xi32, #tpu.memory_space<hbm>> -> memref<128xi32, #tpu.memory_space<hbm>>
      tpu.wait_dma2 semaphore(%arg15 : memref<!tpu.dma_semaphore, #tpu.memory_space<semaphore_mem>>) src(%dma_wait3A_534 : memref<128xi32, #tpu.memory_space<hbm>>) dst(%dma_wait3A_531 : memref<128xi32, #tpu.memory_space<vmem>>)
      %dma_start3A_535 = arith.constant 1 : i32
      %dma_start3A_536 = arith.constant 0 : i32
      %dma_start3A_537 = tpu.memref_slice %arg7[%dma_start3A_535, %dma_start3A_536] : memref<2x128xi32, #tpu.memory_space<vmem>> -> memref<1x128xi32, #tpu.memory_space<vmem>>
      %dma_start3A_538 = tpu.memref_squeeze %dma_start3A_537 : memref<1x128xi32, #tpu.memory_space<vmem>> -> memref<128xi32, #tpu.memory_space<vmem>>
      %dma_start3A_539 = arith.constant 0 : i32
      %dma_start3A_540 = arith.constant 0 : i32
      %dma_start3A_541 = tpu.memref_slice %arg10[%dma_start3A_539, %dma_start3A_540] : memref<10240x128xf32, #tpu.memory_space<vmem_shared>> -> memref<10240x128xf32, #tpu.memory_space<vmem_shared>>
      tpu.enqueue_indirect_dma source(%arg9 : memref<128x128xf32, #tpu.memory_space<vmem>>) target(%dma_start3A_541 : memref<10240x128xf32, #tpu.memory_space<vmem_shared>>) offsets(%dma_start3A_538 : memref<128xi32, #tpu.memory_space<vmem>>) semaphore(%arg12 : memref<!tpu.dma_semaphore, #tpu.memory_space<semaphore_mem>>) {add = true}
      %add3A_542 = arith.addi %mul3A_2, %mul3A_350 : i32
      %add3A_543 = arith.constant 1 : i32
      %add3A_544 = arith.addi %add3A_542, %add3A_543 : i32
      %dma_start3A_545 = arith.constant 1 : i32
      %dma_start3A_546 = arith.constant 0 : i32
      %dma_start3A_547 = tpu.memref_slice %arg6[%dma_start3A_545, %dma_start3A_546] : memref<2x128xi32, #tpu.memory_space<vmem>> -> memref<1x128xi32, #tpu.memory_space<vmem>>
      %dma_start3A_548 = tpu.memref_squeeze %dma_start3A_547 : memref<1x128xi32, #tpu.memory_space<vmem>> -> memref<128xi32, #tpu.memory_space<vmem>>
      %dma_start3A_549 = arith.constant 0 : i32
      %dma_start3A_550 = tpu.memref_slice %arg3[%add3A_544, %dma_start3A_549] : memref<1280x128xi32, #tpu.memory_space<hbm>> -> memref<1x128xi32, #tpu.memory_space<hbm>>
      %dma_start3A_551 = tpu.memref_squeeze %dma_start3A_550 : memref<1x128xi32, #tpu.memory_space<hbm>> -> memref<128xi32, #tpu.memory_space<hbm>>
      %dma_start3A_552 = arith.constant 0 : i32
      %dma_start3A_553 = tpu.memref_slice %arg6[%dma_start3A_545, %dma_start3A_552] : memref<2x128xi32, #tpu.memory_space<vmem>> -> memref<1x128xi32, #tpu.memory_space<vmem>>
      %dma_start3A_554 = tpu.memref_squeeze %dma_start3A_553 : memref<1x128xi32, #tpu.memory_space<vmem>> -> memref<128xi32, #tpu.memory_space<vmem>>
      %dma_start3A_555 = arith.constant 0 : i32
      %dma_start3A_556 = tpu.memref_slice %arg3[%add3A_544, %dma_start3A_555] : memref<1280x128xi32, #tpu.memory_space<hbm>> -> memref<1x128xi32, #tpu.memory_space<hbm>>
      %dma_start3A_557 = tpu.memref_squeeze %dma_start3A_556 : memref<1x128xi32, #tpu.memory_space<hbm>> -> memref<128xi32, #tpu.memory_space<hbm>>
      tpu.enqueue_dma source(%dma_start3A_557 : memref<128xi32, #tpu.memory_space<hbm>>) target(%dma_start3A_554 : memref<128xi32, #tpu.memory_space<vmem>>) target_semaphore(%arg13 : memref<!tpu.dma_semaphore, #tpu.memory_space<semaphore_mem>>)
      %dma_wait3A_558 = arith.constant 1 : i32
      %dma_wait3A_559 = arith.constant 0 : i32
      %dma_wait3A_560 = tpu.memref_slice %arg7[%dma_wait3A_558, %dma_wait3A_559] : memref<2x128xi32, #tpu.memory_space<vmem>> -> memref<1x128xi32, #tpu.memory_space<vmem>>
      %dma_wait3A_561 = tpu.memref_squeeze %dma_wait3A_560 : memref<1x128xi32, #tpu.memory_space<vmem>> -> memref<128xi32, #tpu.memory_space<vmem>>
      %dma_wait3A_562 = arith.constant 0 : i32
      %dma_wait3A_563 = arith.constant 0 : i32
      %dma_wait3A_564 = tpu.memref_slice %arg10[%dma_wait3A_562, %dma_wait3A_563] : memref<10240x128xf32, #tpu.memory_space<vmem_shared>> -> memref<10240x128xf32, #tpu.memory_space<vmem_shared>>
      tpu.wait_indirect_dma semaphore(%arg12 : memref<!tpu.dma_semaphore, #tpu.memory_space<semaphore_mem>>) src(%arg9 : memref<128x128xf32, #tpu.memory_space<vmem>>) dst(%dma_wait3A_564 : memref<10240x128xf32, #tpu.memory_space<vmem_shared>>)
      %add3A_565 = arith.addi %mul3A_2, %mul3A_350 : i32
      %add3A_566 = arith.constant 1 : i32
      %add3A_567 = arith.addi %add3A_565, %add3A_566 : i32
      %dma_start3A_568 = arith.constant 1 : i32
      %dma_start3A_569 = arith.constant 0 : i32
      %dma_start3A_570 = tpu.memref_slice %arg7[%dma_start3A_568, %dma_start3A_569] : memref<2x128xi32, #tpu.memory_space<vmem>> -> memref<1x128xi32, #tpu.memory_space<vmem>>
      %dma_start3A_571 = tpu.memref_squeeze %dma_start3A_570 : memref<1x128xi32, #tpu.memory_space<vmem>> -> memref<128xi32, #tpu.memory_space<vmem>>
      %dma_start3A_572 = arith.constant 0 : i32
      %dma_start3A_573 = tpu.memref_slice %arg4[%add3A_567, %dma_start3A_572] : memref<1280x128xi32, #tpu.memory_space<hbm>> -> memref<1x128xi32, #tpu.memory_space<hbm>>
      %dma_start3A_574 = tpu.memref_squeeze %dma_start3A_573 : memref<1x128xi32, #tpu.memory_space<hbm>> -> memref<128xi32, #tpu.memory_space<hbm>>
      %dma_start3A_575 = arith.constant 0 : i32
      %dma_start3A_576 = tpu.memref_slice %arg7[%dma_start3A_568, %dma_start3A_575] : memref<2x128xi32, #tpu.memory_space<vmem>> -> memref<1x128xi32, #tpu.memory_space<vmem>>
      %dma_start3A_577 = tpu.memref_squeeze %dma_start3A_576 : memref<1x128xi32, #tpu.memory_space<vmem>> -> memref<128xi32, #tpu.memory_space<vmem>>
      %dma_start3A_578 = arith.constant 0 : i32
      %dma_start3A_579 = tpu.memref_slice %arg4[%add3A_567, %dma_start3A_578] : memref<1280x128xi32, #tpu.memory_space<hbm>> -> memref<1x128xi32, #tpu.memory_space<hbm>>
      %dma_start3A_580 = tpu.memref_squeeze %dma_start3A_579 : memref<1x128xi32, #tpu.memory_space<hbm>> -> memref<128xi32, #tpu.memory_space<hbm>>
      tpu.enqueue_dma source(%dma_start3A_580 : memref<128xi32, #tpu.memory_space<hbm>>) target(%dma_start3A_577 : memref<128xi32, #tpu.memory_space<vmem>>) target_semaphore(%arg15 : memref<!tpu.dma_semaphore, #tpu.memory_space<semaphore_mem>>)
      %dma_wait3A_581 = arith.constant 1 : i32
      %dma_wait3A_582 = arith.constant 0 : i32
      %dma_wait3A_583 = tpu.memref_slice %arg6[%dma_wait3A_581, %dma_wait3A_582] : memref<2x128xi32, #tpu.memory_space<vmem>> -> memref<1x128xi32, #tpu.memory_space<vmem>>
      %dma_wait3A_584 = tpu.memref_squeeze %dma_wait3A_583 : memref<1x128xi32, #tpu.memory_space<vmem>> -> memref<128xi32, #tpu.memory_space<vmem>>
      %dma_wait3A_585 = arith.constant 0 : i32
      %dma_wait3A_586 = tpu.memref_slice %arg3[%add3A_544, %dma_wait3A_585] : memref<1280x128xi32, #tpu.memory_space<hbm>> -> memref<1x128xi32, #tpu.memory_space<hbm>>
      %dma_wait3A_587 = tpu.memref_squeeze %dma_wait3A_586 : memref<1x128xi32, #tpu.memory_space<hbm>> -> memref<128xi32, #tpu.memory_space<hbm>>
      %dma_wait3A_588 = arith.constant 0 : i32
      %dma_wait3A_589 = tpu.memref_slice %arg6[%dma_wait3A_581, %dma_wait3A_588] : memref<2x128xi32, #tpu.memory_space<vmem>> -> memref<1x128xi32, #tpu.memory_space<vmem>>
      %dma_wait3A_590 = tpu.memref_squeeze %dma_wait3A_589 : memref<1x128xi32, #tpu.memory_space<vmem>> -> memref<128xi32, #tpu.memory_space<vmem>>
      %dma_wait3A_591 = arith.constant 0 : i32
      %dma_wait3A_592 = tpu.memref_slice %arg3[%add3A_544, %dma_wait3A_591] : memref<1280x128xi32, #tpu.memory_space<hbm>> -> memref<1x128xi32, #tpu.memory_space<hbm>>
      %dma_wait3A_593 = tpu.memref_squeeze %dma_wait3A_592 : memref<1x128xi32, #tpu.memory_space<hbm>> -> memref<128xi32, #tpu.memory_space<hbm>>
      tpu.wait_dma2 semaphore(%arg13 : memref<!tpu.dma_semaphore, #tpu.memory_space<semaphore_mem>>) src(%dma_wait3A_593 : memref<128xi32, #tpu.memory_space<hbm>>) dst(%dma_wait3A_590 : memref<128xi32, #tpu.memory_space<vmem>>)
      %get3A_594 = arith.constant 1 : i32
      %get3A_595 = arith.index_cast %get3A_594 : i32 to index
      %get3A_596 = arith.constant 0 : index
      %get3A_597 = tpu.vector_load %arg6[%get3A_595, %get3A_596] {strides = array<i32>} : memref<2x128xi32, #tpu.memory_space<vmem>>, vector<1x16xi32>,
      %get3A_598 = vector.shape_cast %get3A_597 : vector<1x16xi32> to vector<16xi32>
      %add3A_599 = vector.broadcast %mul3A_4 : i32 to vector<16xi32>
      %add3A_600 = arith.addi %get3A_598, %add3A_599 : vector<16xi32>
      %swap3A_601 = arith.constant 1 : i32
      %swap3A_602 = arith.index_cast %swap3A_601 : i32 to index
      %swap3A_603 = arith.constant 0 : index
      %swap3A_604 = tpu.vector_load %arg6[%swap3A_602, %swap3A_603] {strides = array<i32>} : memref<2x128xi32, #tpu.memory_space<vmem>>, vector<1x16xi32>,
      %swap3A_605 = vector.shape_cast %swap3A_604 : vector<1x16xi32> to vector<16xi32>
      %swap3A_606 = vector.shape_cast %add3A_600 : vector<16xi32> to vector<1x16xi32>
      tpu.vector_store %arg6[%swap3A_602, %swap3A_603], %swap3A_606 {strides = array<i32>} : memref<2x128xi32, #tpu.memory_space<vmem>>, vector<1x16xi32>,
      %get3A_607 = arith.constant 1 : i32
      %get3A_608 = arith.index_cast %get3A_607 : i32 to index
      %get3A_609 = arith.constant 16 : index
      %get3A_610 = tpu.vector_load %arg6[%get3A_608, %get3A_609] {strides = array<i32>} : memref<2x128xi32, #tpu.memory_space<vmem>>, vector<1x16xi32>,
      %get3A_611 = vector.shape_cast %get3A_610 : vector<1x16xi32> to vector<16xi32>
      %add3A_612 = vector.broadcast %mul3A_4 : i32 to vector<16xi32>
      %add3A_613 = arith.addi %get3A_611, %add3A_612 : vector<16xi32>
      %swap3A_614 = arith.constant 1 : i32
      %swap3A_615 = arith.index_cast %swap3A_614 : i32 to index
      %swap3A_616 = arith.constant 16 : index
      %swap3A_617 = tpu.vector_load %arg6[%swap3A_615, %swap3A_616] {strides = array<i32>} : memref<2x128xi32, #tpu.memory_space<vmem>>, vector<1x16xi32>,
      %swap3A_618 = vector.shape_cast %swap3A_617 : vector<1x16xi32> to vector<16xi32>
      %swap3A_619 = vector.shape_cast %add3A_613 : vector<16xi32> to vector<1x16xi32>
      tpu.vector_store %arg6[%swap3A_615, %swap3A_616], %swap3A_619 {strides = array<i32>} : memref<2x128xi32, #tpu.memory_space<vmem>>, vector<1x16xi32>,
      %get3A_620 = arith.constant 1 : i32
      %get3A_621 = arith.index_cast %get3A_620 : i32 to index
      %get3A_622 = arith.constant 32 : index
      %get3A_623 = tpu.vector_load %arg6[%get3A_621, %get3A_622] {strides = array<i32>} : memref<2x128xi32, #tpu.memory_space<vmem>>, vector<1x16xi32>,
      %get3A_624 = vector.shape_cast %get3A_623 : vector<1x16xi32> to vector<16xi32>
      %add3A_625 = vector.broadcast %mul3A_4 : i32 to vector<16xi32>
      %add3A_626 = arith.addi %get3A_624, %add3A_625 : vector<16xi32>
      %swap3A_627 = arith.constant 1 : i32
      %swap3A_628 = arith.index_cast %swap3A_627 : i32 to index
      %swap3A_629 = arith.constant 32 : index
      %swap3A_630 = tpu.vector_load %arg6[%swap3A_628, %swap3A_629] {strides = array<i32>} : memref<2x128xi32, #tpu.memory_space<vmem>>, vector<1x16xi32>,
      %swap3A_631 = vector.shape_cast %swap3A_630 : vector<1x16xi32> to vector<16xi32>
      %swap3A_632 = vector.shape_cast %add3A_626 : vector<16xi32> to vector<1x16xi32>
      tpu.vector_store %arg6[%swap3A_628, %swap3A_629], %swap3A_632 {strides = array<i32>} : memref<2x128xi32, #tpu.memory_space<vmem>>, vector<1x16xi32>,
      %get3A_633 = arith.constant 1 : i32
      %get3A_634 = arith.index_cast %get3A_633 : i32 to index
      %get3A_635 = arith.constant 48 : index
      %get3A_636 = tpu.vector_load %arg6[%get3A_634, %get3A_635] {strides = array<i32>} : memref<2x128xi32, #tpu.memory_space<vmem>>, vector<1x16xi32>,
      %get3A_637 = vector.shape_cast %get3A_636 : vector<1x16xi32> to vector<16xi32>
      %add3A_638 = vector.broadcast %mul3A_4 : i32 to vector<16xi32>
      %add3A_639 = arith.addi %get3A_637, %add3A_638 : vector<16xi32>
      %swap3A_640 = arith.constant 1 : i32
      %swap3A_641 = arith.index_cast %swap3A_640 : i32 to index
      %swap3A_642 = arith.constant 48 : index
      %swap3A_643 = tpu.vector_load %arg6[%swap3A_641, %swap3A_642] {strides = array<i32>} : memref<2x128xi32, #tpu.memory_space<vmem>>, vector<1x16xi32>,
      %swap3A_644 = vector.shape_cast %swap3A_643 : vector<1x16xi32> to vector<16xi32>
      %swap3A_645 = vector.shape_cast %add3A_639 : vector<16xi32> to vector<1x16xi32>
      tpu.vector_store %arg6[%swap3A_641, %swap3A_642], %swap3A_645 {strides = array<i32>} : memref<2x128xi32, #tpu.memory_space<vmem>>, vector<1x16xi32>,
      %get3A_646 = arith.constant 1 : i32
      %get3A_647 = arith.index_cast %get3A_646 : i32 to index
      %get3A_648 = arith.constant 64 : index
      %get3A_649 = tpu.vector_load %arg6[%get3A_647, %get3A_648] {strides = array<i32>} : memref<2x128xi32, #tpu.memory_space<vmem>>, vector<1x16xi32>,
      %get3A_650 = vector.shape_cast %get3A_649 : vector<1x16xi32> to vector<16xi32>
      %add3A_651 = vector.broadcast %mul3A_4 : i32 to vector<16xi32>
      %add3A_652 = arith.addi %get3A_650, %add3A_651 : vector<16xi32>
      %swap3A_653 = arith.constant 1 : i32
      %swap3A_654 = arith.index_cast %swap3A_653 : i32 to index
      %swap3A_655 = arith.constant 64 : index
      %swap3A_656 = tpu.vector_load %arg6[%swap3A_654, %swap3A_655] {strides = array<i32>} : memref<2x128xi32, #tpu.memory_space<vmem>>, vector<1x16xi32>,
      %swap3A_657 = vector.shape_cast %swap3A_656 : vector<1x16xi32> to vector<16xi32>
      %swap3A_658 = vector.shape_cast %add3A_652 : vector<16xi32> to vector<1x16xi32>
      tpu.vector_store %arg6[%swap3A_654, %swap3A_655], %swap3A_658 {strides = array<i32>} : memref<2x128xi32, #tpu.memory_space<vmem>>, vector<1x16xi32>,
      %get3A_659 = arith.constant 1 : i32
      %get3A_660 = arith.index_cast %get3A_659 : i32 to index
      %get3A_661 = arith.constant 80 : index
      %get3A_662 = tpu.vector_load %arg6[%get3A_660, %get3A_661] {strides = array<i32>} : memref<2x128xi32, #tpu.memory_space<vmem>>, vector<1x16xi32>,
      %get3A_663 = vector.shape_cast %get3A_662 : vector<1x16xi32> to vector<16xi32>
      %add3A_664 = vector.broadcast %mul3A_4 : i32 to vector<16xi32>
      %add3A_665 = arith.addi %get3A_663, %add3A_664 : vector<16xi32>
      %swap3A_666 = arith.constant 1 : i32
      %swap3A_667 = arith.index_cast %swap3A_666 : i32 to index
      %swap3A_668 = arith.constant 80 : index
      %swap3A_669 = tpu.vector_load %arg6[%swap3A_667, %swap3A_668] {strides = array<i32>} : memref<2x128xi32, #tpu.memory_space<vmem>>, vector<1x16xi32>,
      %swap3A_670 = vector.shape_cast %swap3A_669 : vector<1x16xi32> to vector<16xi32>
      %swap3A_671 = vector.shape_cast %add3A_665 : vector<16xi32> to vector<1x16xi32>
      tpu.vector_store %arg6[%swap3A_667, %swap3A_668], %swap3A_671 {strides = array<i32>} : memref<2x128xi32, #tpu.memory_space<vmem>>, vector<1x16xi32>,
      %get3A_672 = arith.constant 1 : i32
      %get3A_673 = arith.index_cast %get3A_672 : i32 to index
      %get3A_674 = arith.constant 96 : index
      %get3A_675 = tpu.vector_load %arg6[%get3A_673, %get3A_674] {strides = array<i32>} : memref<2x128xi32, #tpu.memory_space<vmem>>, vector<1x16xi32>,
      %get3A_676 = vector.shape_cast %get3A_675 : vector<1x16xi32> to vector<16xi32>
      %add3A_677 = vector.broadcast %mul3A_4 : i32 to vector<16xi32>
      %add3A_678 = arith.addi %get3A_676, %add3A_677 : vector<16xi32>
      %swap3A_679 = arith.constant 1 : i32
      %swap3A_680 = arith.index_cast %swap3A_679 : i32 to index
      %swap3A_681 = arith.constant 96 : index
      %swap3A_682 = tpu.vector_load %arg6[%swap3A_680, %swap3A_681] {strides = array<i32>} : memref<2x128xi32, #tpu.memory_space<vmem>>, vector<1x16xi32>,
      %swap3A_683 = vector.shape_cast %swap3A_682 : vector<1x16xi32> to vector<16xi32>
      %swap3A_684 = vector.shape_cast %add3A_678 : vector<16xi32> to vector<1x16xi32>
      tpu.vector_store %arg6[%swap3A_680, %swap3A_681], %swap3A_684 {strides = array<i32>} : memref<2x128xi32, #tpu.memory_space<vmem>>, vector<1x16xi32>,
      %get3A_685 = arith.constant 1 : i32
      %get3A_686 = arith.index_cast %get3A_685 : i32 to index
      %get3A_687 = arith.constant 112 : index
      %get3A_688 = tpu.vector_load %arg6[%get3A_686, %get3A_687] {strides = array<i32>} : memref<2x128xi32, #tpu.memory_space<vmem>>, vector<1x16xi32>,
      %get3A_689 = vector.shape_cast %get3A_688 : vector<1x16xi32> to vector<16xi32>
      %add3A_690 = vector.broadcast %mul3A_4 : i32 to vector<16xi32>
      %add3A_691 = arith.addi %get3A_689, %add3A_690 : vector<16xi32>
      %swap3A_692 = arith.constant 1 : i32
      %swap3A_693 = arith.index_cast %swap3A_692 : i32 to index
      %swap3A_694 = arith.constant 112 : index
      %swap3A_695 = tpu.vector_load %arg6[%swap3A_693, %swap3A_694] {strides = array<i32>} : memref<2x128xi32, #tpu.memory_space<vmem>>, vector<1x16xi32>,
      %swap3A_696 = vector.shape_cast %swap3A_695 : vector<1x16xi32> to vector<16xi32>
      %swap3A_697 = vector.shape_cast %add3A_691 : vector<16xi32> to vector<1x16xi32>
      tpu.vector_store %arg6[%swap3A_693, %swap3A_694], %swap3A_697 {strides = array<i32>} : memref<2x128xi32, #tpu.memory_space<vmem>>, vector<1x16xi32>,
      %dma_start3A_698 = arith.constant 1 : i32
      %dma_start3A_699 = arith.constant 0 : i32
      %dma_start3A_700 = tpu.memref_slice %arg6[%dma_start3A_698, %dma_start3A_699] : memref<2x128xi32, #tpu.memory_space<vmem>> -> memref<1x128xi32, #tpu.memory_space<vmem>>
      %dma_start3A_701 = tpu.memref_squeeze %dma_start3A_700 : memref<1x128xi32, #tpu.memory_space<vmem>> -> memref<128xi32, #tpu.memory_space<vmem>>
      %dma_start3A_702 = arith.constant 0 : i32
      %dma_start3A_703 = arith.constant 0 : i32
      %dma_start3A_704 = tpu.memref_slice %arg2[%dma_start3A_702, %dma_start3A_703] : memref<20480x128xf32, #tpu.memory_space<hbm>> -> memref<20480x128xf32, #tpu.memory_space<hbm>>
      tpu.enqueue_indirect_dma source(%dma_start3A_704 : memref<20480x128xf32, #tpu.memory_space<hbm>>) target(%arg9 : memref<128x128xf32, #tpu.memory_space<vmem>>) offsets(%dma_start3A_701 : memref<128xi32, #tpu.memory_space<vmem>>) semaphore(%arg11 : memref<!tpu.dma_semaphore, #tpu.memory_space<semaphore_mem>>)
      %dma_wait3A_705 = arith.constant 0 : i32
      %dma_wait3A_706 = arith.constant 0 : i32
      %dma_wait3A_707 = tpu.memref_slice %arg6[%dma_wait3A_705, %dma_wait3A_706] : memref<2x128xi32, #tpu.memory_space<vmem>> -> memref<1x128xi32, #tpu.memory_space<vmem>>
      %dma_wait3A_708 = tpu.memref_squeeze %dma_wait3A_707 : memref<1x128xi32, #tpu.memory_space<vmem>> -> memref<128xi32, #tpu.memory_space<vmem>>
      %dma_wait3A_709 = arith.constant 0 : i32
      %dma_wait3A_710 = arith.constant 0 : i32
      %dma_wait3A_711 = tpu.memref_slice %arg2[%dma_wait3A_709, %dma_wait3A_710] : memref<20480x128xf32, #tpu.memory_space<hbm>> -> memref<20480x128xf32, #tpu.memory_space<hbm>>
      tpu.wait_indirect_dma semaphore(%arg11 : memref<!tpu.dma_semaphore, #tpu.memory_space<semaphore_mem>>) src(%dma_wait3A_711 : memref<20480x128xf32, #tpu.memory_space<hbm>>) dst(%arg8 : memref<128x128xf32, #tpu.memory_space<vmem>>)
      %add3A_712 = arith.addi %mul3A_2, %mul3A_350 : i32
      %dma_wait3A_713 = arith.constant 0 : i32
      %dma_wait3A_714 = arith.constant 0 : i32
      %dma_wait3A_715 = tpu.memref_slice %arg7[%dma_wait3A_713, %dma_wait3A_714] : memref<2x128xi32, #tpu.memory_space<vmem>> -> memref<1x128xi32, #tpu.memory_space<vmem>>
      %dma_wait3A_716 = tpu.memref_squeeze %dma_wait3A_715 : memref<1x128xi32, #tpu.memory_space<vmem>> -> memref<128xi32, #tpu.memory_space<vmem>>
      %dma_wait3A_717 = arith.constant 0 : i32
      %dma_wait3A_718 = tpu.memref_slice %arg4[%add3A_712, %dma_wait3A_717] : memref<1280x128xi32, #tpu.memory_space<hbm>> -> memref<1x128xi32, #tpu.memory_space<hbm>>
      %dma_wait3A_719 = tpu.memref_squeeze %dma_wait3A_718 : memref<1x128xi32, #tpu.memory_space<hbm>> -> memref<128xi32, #tpu.memory_space<hbm>>
      %dma_wait3A_720 = arith.constant 0 : i32
      %dma_wait3A_721 = tpu.memref_slice %arg7[%dma_wait3A_713, %dma_wait3A_720] : memref<2x128xi32, #tpu.memory_space<vmem>> -> memref<1x128xi32, #tpu.memory_space<vmem>>
      %dma_wait3A_722 = tpu.memref_squeeze %dma_wait3A_721 : memref<1x128xi32, #tpu.memory_space<vmem>> -> memref<128xi32, #tpu.memory_space<vmem>>
      %dma_wait3A_723 = arith.constant 0 : i32
      %dma_wait3A_724 = tpu.memref_slice %arg4[%add3A_712, %dma_wait3A_723] : memref<1280x128xi32, #tpu.memory_space<hbm>> -> memref<1x128xi32, #tpu.memory_space<hbm>>
      %dma_wait3A_725 = tpu.memref_squeeze %dma_wait3A_724 : memref<1x128xi32, #tpu.memory_space<hbm>> -> memref<128xi32, #tpu.memory_space<hbm>>
      tpu.wait_dma2 semaphore(%arg14 : memref<!tpu.dma_semaphore, #tpu.memory_space<semaphore_mem>>) src(%dma_wait3A_725 : memref<128xi32, #tpu.memory_space<hbm>>) dst(%dma_wait3A_722 : memref<128xi32, #tpu.memory_space<vmem>>)
      %dma_start3A_726 = arith.constant 0 : i32
      %dma_start3A_727 = arith.constant 0 : i32
      %dma_start3A_728 = tpu.memref_slice %arg7[%dma_start3A_726, %dma_start3A_727] : memref<2x128xi32, #tpu.memory_space<vmem>> -> memref<1x128xi32, #tpu.memory_space<vmem>>
      %dma_start3A_729 = tpu.memref_squeeze %dma_start3A_728 : memref<1x128xi32, #tpu.memory_space<vmem>> -> memref<128xi32, #tpu.memory_space<vmem>>
      %dma_start3A_730 = arith.constant 0 : i32
      %dma_start3A_731 = arith.constant 0 : i32
      %dma_start3A_732 = tpu.memref_slice %arg10[%dma_start3A_730, %dma_start3A_731] : memref<10240x128xf32, #tpu.memory_space<vmem_shared>> -> memref<10240x128xf32, #tpu.memory_space<vmem_shared>>
      tpu.enqueue_indirect_dma source(%arg8 : memref<128x128xf32, #tpu.memory_space<vmem>>) target(%dma_start3A_732 : memref<10240x128xf32, #tpu.memory_space<vmem_shared>>) offsets(%dma_start3A_729 : memref<128xi32, #tpu.memory_space<vmem>>) semaphore(%arg12 : memref<!tpu.dma_semaphore, #tpu.memory_space<semaphore_mem>>) {add = true}
    }
    %scan3A_295 = arith.constant 39 : i32
    %dma_wait3A_296 = arith.constant 0 : i32
    %dma_wait3A_297 = arith.constant 0 : i32
    %dma_wait3A_298 = tpu.memref_slice %arg7[%dma_wait3A_296, %dma_wait3A_297] : memref<2x128xi32, #tpu.memory_space<vmem>> -> memref<1x128xi32, #tpu.memory_space<vmem>>
    %dma_wait3A_299 = tpu.memref_squeeze %dma_wait3A_298 : memref<1x128xi32, #tpu.memory_space<vmem>> -> memref<128xi32, #tpu.memory_space<vmem>>
    %dma_wait3A_300 = arith.constant 0 : i32
    %dma_wait3A_301 = arith.constant 0 : i32
    %dma_wait3A_302 = tpu.memref_slice %arg10[%dma_wait3A_300, %dma_wait3A_301] : memref<10240x128xf32, #tpu.memory_space<vmem_shared>> -> memref<10240x128xf32, #tpu.memory_space<vmem_shared>>
    tpu.wait_indirect_dma semaphore(%arg12 : memref<!tpu.dma_semaphore, #tpu.memory_space<semaphore_mem>>) src(%arg8 : memref<128x128xf32, #tpu.memory_space<vmem>>) dst(%dma_wait3A_302 : memref<10240x128xf32, #tpu.memory_space<vmem_shared>>)
    %dma_wait3A_303 = arith.constant 1 : i32
    %dma_wait3A_304 = arith.constant 0 : i32
    %dma_wait3A_305 = tpu.memref_slice %arg6[%dma_wait3A_303, %dma_wait3A_304] : memref<2x128xi32, #tpu.memory_space<vmem>> -> memref<1x128xi32, #tpu.memory_space<vmem>>
    %dma_wait3A_306 = tpu.memref_squeeze %dma_wait3A_305 : memref<1x128xi32, #tpu.memory_space<vmem>> -> memref<128xi32, #tpu.memory_space<vmem>>
    %dma_wait3A_307 = arith.constant 0 : i32
    %dma_wait3A_308 = arith.constant 0 : i32
    %dma_wait3A_309 = tpu.memref_slice %arg2[%dma_wait3A_307, %dma_wait3A_308] : memref<20480x128xf32, #tpu.memory_space<hbm>> -> memref<20480x128xf32, #tpu.memory_space<hbm>>
    tpu.wait_indirect_dma semaphore(%arg11 : memref<!tpu.dma_semaphore, #tpu.memory_space<semaphore_mem>>) src(%dma_wait3A_309 : memref<20480x128xf32, #tpu.memory_space<hbm>>) dst(%arg9 : memref<128x128xf32, #tpu.memory_space<vmem>>)
    %add3A_310 = arith.constant 80 : i32
    %add3A_311 = arith.addi %mul3A_2, %add3A_310 : i32
    %sub3A = arith.constant 1 : i32
    %sub3A_312 = arith.subi %add3A_311, %sub3A : i32
    %dma_wait3A_313 = arith.constant 1 : i32
    %dma_wait3A_314 = arith.constant 0 : i32
    %dma_wait3A_315 = tpu.memref_slice %arg7[%dma_wait3A_313, %dma_wait3A_314] : memref<2x128xi32, #tpu.memory_space<vmem>> -> memref<1x128xi32, #tpu.memory_space<vmem>>
    %dma_wait3A_316 = tpu.memref_squeeze %dma_wait3A_315 : memref<1x128xi32, #tpu.memory_space<vmem>> -> memref<128xi32, #tpu.memory_space<vmem>>
    %dma_wait3A_317 = arith.constant 0 : i32
    %dma_wait3A_318 = tpu.memref_slice %arg4[%sub3A_312, %dma_wait3A_317] : memref<1280x128xi32, #tpu.memory_space<hbm>> -> memref<1x128xi32, #tpu.memory_space<hbm>>
    %dma_wait3A_319 = tpu.memref_squeeze %dma_wait3A_318 : memref<1x128xi32, #tpu.memory_space<hbm>> -> memref<128xi32, #tpu.memory_space<hbm>>
    %dma_wait3A_320 = arith.constant 0 : i32
    %dma_wait3A_321 = tpu.memref_slice %arg7[%dma_wait3A_313, %dma_wait3A_320] : memref<2x128xi32, #tpu.memory_space<vmem>> -> memref<1x128xi32, #tpu.memory_space<vmem>>
    %dma_wait3A_322 = tpu.memref_squeeze %dma_wait3A_321 : memref<1x128xi32, #tpu.memory_space<vmem>> -> memref<128xi32, #tpu.memory_space<vmem>>
    %dma_wait3A_323 = arith.constant 0 : i32
    %dma_wait3A_324 = tpu.memref_slice %arg4[%sub3A_312, %dma_wait3A_323] : memref<1280x128xi32, #tpu.memory_space<hbm>> -> memref<1x128xi32, #tpu.memory_space<hbm>>
    %dma_wait3A_325 = tpu.memref_squeeze %dma_wait3A_324 : memref<1x128xi32, #tpu.memory_space<hbm>> -> memref<128xi32, #tpu.memory_space<hbm>>
    tpu.wait_dma2 semaphore(%arg15 : memref<!tpu.dma_semaphore, #tpu.memory_space<semaphore_mem>>) src(%dma_wait3A_325 : memref<128xi32, #tpu.memory_space<hbm>>) dst(%dma_wait3A_322 : memref<128xi32, #tpu.memory_space<vmem>>)
    %dma_start3A_326 = arith.constant 1 : i32
    %dma_start3A_327 = arith.constant 0 : i32
    %dma_start3A_328 = tpu.memref_slice %arg7[%dma_start3A_326, %dma_start3A_327] : memref<2x128xi32, #tpu.memory_space<vmem>> -> memref<1x128xi32, #tpu.memory_space<vmem>>
    %dma_start3A_329 = tpu.memref_squeeze %dma_start3A_328 : memref<1x128xi32, #tpu.memory_space<vmem>> -> memref<128xi32, #tpu.memory_space<vmem>>
    %dma_start3A_330 = arith.constant 0 : i32
    %dma_start3A_331 = arith.constant 0 : i32
    %dma_start3A_332 = tpu.memref_slice %arg10[%dma_start3A_330, %dma_start3A_331] : memref<10240x128xf32, #tpu.memory_space<vmem_shared>> -> memref<10240x128xf32, #tpu.memory_space<vmem_shared>>
    tpu.enqueue_indirect_dma source(%arg9 : memref<128x128xf32, #tpu.memory_space<vmem>>) target(%dma_start3A_332 : memref<10240x128xf32, #tpu.memory_space<vmem_shared>>) offsets(%dma_start3A_329 : memref<128xi32, #tpu.memory_space<vmem>>) semaphore(%arg12 : memref<!tpu.dma_semaphore, #tpu.memory_space<semaphore_mem>>) {add = true}
    %dma_wait3A_333 = arith.constant 1 : i32
    %dma_wait3A_334 = arith.constant 0 : i32
    %dma_wait3A_335 = tpu.memref_slice %arg7[%dma_wait3A_333, %dma_wait3A_334] : memref<2x128xi32, #tpu.memory_space<vmem>> -> memref<1x128xi32, #tpu.memory_space<vmem>>
    %dma_wait3A_336 = tpu.memref_squeeze %dma_wait3A_335 : memref<1x128xi32, #tpu.memory_space<vmem>> -> memref<128xi32, #tpu.memory_space<vmem>>
    %dma_wait3A_337 = arith.constant 0 : i32
    %dma_wait3A_338 = arith.constant 0 : i32
    %dma_wait3A_339 = tpu.memref_slice %arg10[%dma_wait3A_337, %dma_wait3A_338] : memref<10240x128xf32, #tpu.memory_space<vmem_shared>> -> memref<10240x128xf32, #tpu.memory_space<vmem_shared>>
    tpu.wait_indirect_dma semaphore(%arg12 : memref<!tpu.dma_semaphore, #tpu.memory_space<semaphore_mem>>) src(%arg9 : memref<128x128xf32, #tpu.memory_space<vmem>>) dst(%dma_wait3A_339 : memref<10240x128xf32, #tpu.memory_space<vmem_shared>>)
    %barrier3A_340 = arith.constant 0 : index
    tpu.barrier barrier_id(%barrier3A_340)
    %mul3A_341 = arith.constant 10240 : i32
    %mul3A_342 = arith.muli %arg0, %mul3A_341 : i32
    %add3A_343 = arith.addi %mul3A_342, %mul3A_0 : i32
    "tpu.region"() ({
      %run_scoped3A_344 = tpu.sem_alloc : memref<!tpu.dma_semaphore, #tpu.memory_space<semaphore_mem>>
      %dma_start3A_345 = arith.constant 0 : i32
      %dma_start3A_346 = tpu.memref_slice %arg5[%add3A_343, %dma_start3A_345] : memref<20480x128xf32, #tpu.memory_space<hbm>> -> memref<640x128xf32, #tpu.memory_space<hbm>>
      %dma_start3A_347 = arith.constant 0 : i32
      %dma_start3A_348 = tpu.memref_slice %arg10[%mul3A_0, %dma_start3A_347] : memref<10240x128xf32, #tpu.memory_space<vmem_shared>> -> memref<640x128xf32, #tpu.memory_space<vmem_shared>>
      tpu.enqueue_dma source(%dma_start3A_348 : memref<640x128xf32, #tpu.memory_space<vmem_shared>>) target(%dma_start3A_346 : memref<640x128xf32, #tpu.memory_space<hbm>>) target_semaphore(%run_scoped3A_344 : memref<!tpu.dma_semaphore, #tpu.memory_space<semaphore_mem>>)
      %dma_wait3A_349 = arith.constant 0 : i32
      %dma_wait3A_350 = tpu.memref_slice %arg5[%add3A_343, %dma_wait3A_349] : memref<20480x128xf32, #tpu.memory_space<hbm>> -> memref<640x128xf32, #tpu.memory_space<hbm>>
      %dma_wait3A_351 = arith.constant 0 : i32
      %dma_wait3A_352 = tpu.memref_slice %arg10[%mul3A_0, %dma_wait3A_351] : memref<10240x128xf32, #tpu.memory_space<vmem_shared>> -> memref<640x128xf32, #tpu.memory_space<vmem_shared>>
      tpu.wait_dma2 semaphore(%run_scoped3A_344 : memref<!tpu.dma_semaphore, #tpu.memory_space<semaphore_mem>>) src(%dma_wait3A_352 : memref<640x128xf32, #tpu.memory_space<vmem_shared>>) dst(%dma_wait3A_350 : memref<640x128xf32, #tpu.memory_space<hbm>>)
      tpu.yield
    }) : () -> ()
    return
  }
}

#map = affine_map<(d0, d1) -> (0, 0)>
module attributes {stable_mosaic.version = 14 : i64} {
  func.func @agg(%arg0: i32, %arg1: i32, %arg2: memref<20480x128xf32, #tpu.memory_space<hbm>>, %arg3: memref<1280x128xi32, #tpu.memory_space<hbm>>, %arg4: memref<1280x128xi32, #tpu.memory_space<hbm>>, %arg5: memref<20480x128xf32, #tpu.memory_space<hbm>>, %arg6: memref<2x128xi32, #tpu.memory_space<vmem>>, %arg7: memref<2x128xi32, #tpu.memory_space<vmem>>, %arg8: memref<128x128xf32, #tpu.memory_space<vmem>>, %arg9: memref<128x128xf32, #tpu.memory_space<vmem>>, %arg10: memref<10240x128xf32, #tpu.memory_space<vmem_shared>>, %arg11: memref<!tpu.dma_semaphore, #tpu.memory_space<semaphore_mem>>, %arg12: memref<!tpu.dma_semaphore, #tpu.memory_space<semaphore_mem>>, %arg13: memref<!tpu.dma_semaphore, #tpu.memory_space<semaphore_mem>>, %arg14: memref<!tpu.dma_semaphore, #tpu.memory_space<semaphore_mem>>, %arg15: memref<!tpu.dma_semaphore, #tpu.memory_space<semaphore_mem>>) attributes {dimension_semantics = [#tpu.dimension_semantics<core_parallel>, #tpu.dimension_semantics<subcore_parallel>], iteration_bounds = array<i64: 2, 16>, scalar_prefetch = 0 : i64, scratch_operands = 10 : i64, tpu.core_type = #tpu.core_type<sc_vector_subcore>, window_params = [{transform_indices = #map}, {transform_indices = #map}, {transform_indices = #map}, {transform_indices = #map}]} {
    %mul3A = arith.constant 640 : i32
    %mul3A_0 = arith.muli %arg1, %mul3A : i32
    %mul3A_1 = arith.constant 16 : i32
    %mul3A_2 = arith.muli %arg0, %mul3A_1 : i32
    %add3A = arith.addi %mul3A_2, %arg1 : i32
    %mul3A_3 = arith.constant 40 : i32
    %mul3A_4 = arith.muli %add3A, %mul3A_3 : i32
    %mul3A_5 = arith.constant 10240 : i32
    %mul3A_6 = arith.muli %arg0, %mul3A_5 : i32
    %mul3A_7 = arith.constant 10240 : i32
    %mul3A_8 = arith.muli %arg0, %mul3A_7 : i32
    %add3A_9 = arith.addi %mul3A_8, %mul3A_0 : i32
    %dma_start3A = arith.constant 0 : i32
    %dma_start3A_10 = tpu.memref_slice %arg10[%mul3A_0, %dma_start3A] : memref<10240x128xf32, #tpu.memory_space<vmem_shared>> -> memref<640x128xf32, #tpu.memory_space<vmem_shared>>
    %dma_start3A_11 = arith.constant 0 : i32
    %dma_start3A_12 = tpu.memref_slice %arg2[%add3A_9, %dma_start3A_11] : memref<20480x128xf32, #tpu.memory_space<hbm>> -> memref<640x128xf32, #tpu.memory_space<hbm>>
    tpu.enqueue_dma source(%dma_start3A_12 : memref<640x128xf32, #tpu.memory_space<hbm>>) target(%dma_start3A_10 : memref<640x128xf32, #tpu.memory_space<vmem_shared>>) target_semaphore(%arg13 : memref<!tpu.dma_semaphore, #tpu.memory_space<semaphore_mem>>)
    %run_scoped3A = arith.constant 0 : i32
    "tpu.region"() ({
      %run_scoped3A_141 = tpu.sem_alloc : memref<!tpu.dma_semaphore, #tpu.memory_space<semaphore_mem>>
      %dma_start3A_142 = arith.constant 0 : i32
      %dma_start3A_143 = tpu.memref_slice %arg6[%run_scoped3A, %dma_start3A_142] : memref<2x128xi32, #tpu.memory_space<vmem>> -> memref<1x128xi32, #tpu.memory_space<vmem>>
      %dma_start3A_144 = tpu.memref_squeeze %dma_start3A_143 : memref<1x128xi32, #tpu.memory_space<vmem>> -> memref<128xi32, #tpu.memory_space<vmem>>
      %dma_start3A_145 = arith.constant 0 : i32
      %dma_start3A_146 = tpu.memref_slice %arg3[%mul3A_4, %dma_start3A_145] : memref<1280x128xi32, #tpu.memory_space<hbm>> -> memref<1x128xi32, #tpu.memory_space<hbm>>
      %dma_start3A_147 = tpu.memref_squeeze %dma_start3A_146 : memref<1x128xi32, #tpu.memory_space<hbm>> -> memref<128xi32, #tpu.memory_space<hbm>>
      %dma_start3A_148 = arith.constant 0 : i32
      %dma_start3A_149 = tpu.memref_slice %arg6[%run_scoped3A, %dma_start3A_148] : memref<2x128xi32, #tpu.memory_space<vmem>> -> memref<1x128xi32, #tpu.memory_space<vmem>>
      %dma_start3A_150 = tpu.memref_squeeze %dma_start3A_149 : memref<1x128xi32, #tpu.memory_space<vmem>> -> memref<128xi32, #tpu.memory_space<vmem>>
      %dma_start3A_151 = arith.constant 0 : i32
      %dma_start3A_152 = tpu.memref_slice %arg3[%mul3A_4, %dma_start3A_151] : memref<1280x128xi32, #tpu.memory_space<hbm>> -> memref<1x128xi32, #tpu.memory_space<hbm>>
      %dma_start3A_153 = tpu.memref_squeeze %dma_start3A_152 : memref<1x128xi32, #tpu.memory_space<hbm>> -> memref<128xi32, #tpu.memory_space<hbm>>
      tpu.enqueue_dma source(%dma_start3A_153 : memref<128xi32, #tpu.memory_space<hbm>>) target(%dma_start3A_150 : memref<128xi32, #tpu.memory_space<vmem>>) target_semaphore(%run_scoped3A_141 : memref<!tpu.dma_semaphore, #tpu.memory_space<semaphore_mem>>)
      %dma_wait3A_154 = arith.constant 0 : i32
      %dma_wait3A_155 = tpu.memref_slice %arg6[%run_scoped3A, %dma_wait3A_154] : memref<2x128xi32, #tpu.memory_space<vmem>> -> memref<1x128xi32, #tpu.memory_space<vmem>>
      %dma_wait3A_156 = tpu.memref_squeeze %dma_wait3A_155 : memref<1x128xi32, #tpu.memory_space<vmem>> -> memref<128xi32, #tpu.memory_space<vmem>>
      %dma_wait3A_157 = arith.constant 0 : i32
      %dma_wait3A_158 = tpu.memref_slice %arg3[%mul3A_4, %dma_wait3A_157] : memref<1280x128xi32, #tpu.memory_space<hbm>> -> memref<1x128xi32, #tpu.memory_space<hbm>>
      %dma_wait3A_159 = tpu.memref_squeeze %dma_wait3A_158 : memref<1x128xi32, #tpu.memory_space<hbm>> -> memref<128xi32, #tpu.memory_space<hbm>>
      %dma_wait3A_160 = arith.constant 0 : i32
      %dma_wait3A_161 = tpu.memref_slice %arg6[%run_scoped3A, %dma_wait3A_160] : memref<2x128xi32, #tpu.memory_space<vmem>> -> memref<1x128xi32, #tpu.memory_space<vmem>>
      %dma_wait3A_162 = tpu.memref_squeeze %dma_wait3A_161 : memref<1x128xi32, #tpu.memory_space<vmem>> -> memref<128xi32, #tpu.memory_space<vmem>>
      %dma_wait3A_163 = arith.constant 0 : i32
      %dma_wait3A_164 = tpu.memref_slice %arg3[%mul3A_4, %dma_wait3A_163] : memref<1280x128xi32, #tpu.memory_space<hbm>> -> memref<1x128xi32, #tpu.memory_space<hbm>>
      %dma_wait3A_165 = tpu.memref_squeeze %dma_wait3A_164 : memref<1x128xi32, #tpu.memory_space<hbm>> -> memref<128xi32, #tpu.memory_space<hbm>>
      tpu.wait_dma2 semaphore(%run_scoped3A_141 : memref<!tpu.dma_semaphore, #tpu.memory_space<semaphore_mem>>) src(%dma_wait3A_165 : memref<128xi32, #tpu.memory_space<hbm>>) dst(%dma_wait3A_162 : memref<128xi32, #tpu.memory_space<vmem>>)
      tpu.yield
    }) : () -> ()
    %run_scoped3A_13 = arith.constant 0 : i32
    "tpu.region"() ({
      %run_scoped3A_141 = tpu.sem_alloc : memref<!tpu.dma_semaphore, #tpu.memory_space<semaphore_mem>>
      %dma_start3A_142 = arith.constant 0 : i32
      %dma_start3A_143 = tpu.memref_slice %arg7[%run_scoped3A_13, %dma_start3A_142] : memref<2x128xi32, #tpu.memory_space<vmem>> -> memref<1x128xi32, #tpu.memory_space<vmem>>
      %dma_start3A_144 = tpu.memref_squeeze %dma_start3A_143 : memref<1x128xi32, #tpu.memory_space<vmem>> -> memref<128xi32, #tpu.memory_space<vmem>>
      %dma_start3A_145 = arith.constant 0 : i32
      %dma_start3A_146 = tpu.memref_slice %arg4[%mul3A_4, %dma_start3A_145] : memref<1280x128xi32, #tpu.memory_space<hbm>> -> memref<1x128xi32, #tpu.memory_space<hbm>>
      %dma_start3A_147 = tpu.memref_squeeze %dma_start3A_146 : memref<1x128xi32, #tpu.memory_space<hbm>> -> memref<128xi32, #tpu.memory_space<hbm>>
      %dma_start3A_148 = arith.constant 0 : i32
      %dma_start3A_149 = tpu.memref_slice %arg7[%run_scoped3A_13, %dma_start3A_148] : memref<2x128xi32, #tpu.memory_space<vmem>> -> memref<1x128xi32, #tpu.memory_space<vmem>>
      %dma_start3A_150 = tpu.memref_squeeze %dma_start3A_149 : memref<1x128xi32, #tpu.memory_space<vmem>> -> memref<128xi32, #tpu.memory_space<vmem>>
      %dma_start3A_151 = arith.constant 0 : i32
      %dma_start3A_152 = tpu.memref_slice %arg4[%mul3A_4, %dma_start3A_151] : memref<1280x128xi32, #tpu.memory_space<hbm>> -> memref<1x128xi32, #tpu.memory_space<hbm>>
      %dma_start3A_153 = tpu.memref_squeeze %dma_start3A_152 : memref<1x128xi32, #tpu.memory_space<hbm>> -> memref<128xi32, #tpu.memory_space<hbm>>
      tpu.enqueue_dma source(%dma_start3A_153 : memref<128xi32, #tpu.memory_space<hbm>>) target(%dma_start3A_150 : memref<128xi32, #tpu.memory_space<vmem>>) target_semaphore(%run_scoped3A_141 : memref<!tpu.dma_semaphore, #tpu.memory_space<semaphore_mem>>)
      %dma_wait3A_154 = arith.constant 0 : i32
      %dma_wait3A_155 = tpu.memref_slice %arg7[%run_scoped3A_13, %dma_wait3A_154] : memref<2x128xi32, #tpu.memory_space<vmem>> -> memref<1x128xi32, #tpu.memory_space<vmem>>
      %dma_wait3A_156 = tpu.memref_squeeze %dma_wait3A_155 : memref<1x128xi32, #tpu.memory_space<vmem>> -> memref<128xi32, #tpu.memory_space<vmem>>
      %dma_wait3A_157 = arith.constant 0 : i32
      %dma_wait3A_158 = tpu.memref_slice %arg4[%mul3A_4, %dma_wait3A_157] : memref<1280x128xi32, #tpu.memory_space<hbm>> -> memref<1x128xi32, #tpu.memory_space<hbm>>
      %dma_wait3A_159 = tpu.memref_squeeze %dma_wait3A_158 : memref<1x128xi32, #tpu.memory_space<hbm>> -> memref<128xi32, #tpu.memory_space<hbm>>
      %dma_wait3A_160 = arith.constant 0 : i32
      %dma_wait3A_161 = tpu.memref_slice %arg7[%run_scoped3A_13, %dma_wait3A_160] : memref<2x128xi32, #tpu.memory_space<vmem>> -> memref<1x128xi32, #tpu.memory_space<vmem>>
      %dma_wait3A_162 = tpu.memref_squeeze %dma_wait3A_161 : memref<1x128xi32, #tpu.memory_space<vmem>> -> memref<128xi32, #tpu.memory_space<vmem>>
      %dma_wait3A_163 = arith.constant 0 : i32
      %dma_wait3A_164 = tpu.memref_slice %arg4[%mul3A_4, %dma_wait3A_163] : memref<1280x128xi32, #tpu.memory_space<hbm>> -> memref<1x128xi32, #tpu.memory_space<hbm>>
      %dma_wait3A_165 = tpu.memref_squeeze %dma_wait3A_164 : memref<1x128xi32, #tpu.memory_space<hbm>> -> memref<128xi32, #tpu.memory_space<hbm>>
      tpu.wait_dma2 semaphore(%run_scoped3A_141 : memref<!tpu.dma_semaphore, #tpu.memory_space<semaphore_mem>>) src(%dma_wait3A_165 : memref<128xi32, #tpu.memory_space<hbm>>) dst(%dma_wait3A_162 : memref<128xi32, #tpu.memory_space<vmem>>)
      tpu.yield
    }) : () -> ()
    %dma_wait3A = arith.constant 0 : i32
    %dma_wait3A_14 = tpu.memref_slice %arg10[%mul3A_0, %dma_wait3A] : memref<10240x128xf32, #tpu.memory_space<vmem_shared>> -> memref<640x128xf32, #tpu.memory_space<vmem_shared>>
    %dma_wait3A_15 = arith.constant 0 : i32
    %dma_wait3A_16 = tpu.memref_slice %arg2[%add3A_9, %dma_wait3A_15] : memref<20480x128xf32, #tpu.memory_space<hbm>> -> memref<640x128xf32, #tpu.memory_space<hbm>>
    tpu.wait_dma2 semaphore(%arg13 : memref<!tpu.dma_semaphore, #tpu.memory_space<semaphore_mem>>) src(%dma_wait3A_16 : memref<640x128xf32, #tpu.memory_space<hbm>>) dst(%dma_wait3A_14 : memref<640x128xf32, #tpu.memory_space<vmem_shared>>)
    %barrier3A = arith.constant 0 : index
    tpu.barrier barrier_id(%barrier3A)
    %dma_start3A_17 = arith.constant 0 : i32
    %dma_start3A_18 = arith.constant 0 : i32
    %dma_start3A_19 = tpu.memref_slice %arg6[%dma_start3A_17, %dma_start3A_18] : memref<2x128xi32, #tpu.memory_space<vmem>> -> memref<1x128xi32, #tpu.memory_space<vmem>>
    %dma_start3A_20 = tpu.memref_squeeze %dma_start3A_19 : memref<1x128xi32, #tpu.memory_space<vmem>> -> memref<128xi32, #tpu.memory_space<vmem>>
    %dma_start3A_21 = arith.constant 0 : i32
    %dma_start3A_22 = arith.constant 0 : i32
    %dma_start3A_23 = tpu.memref_slice %arg2[%dma_start3A_21, %dma_start3A_22] : memref<20480x128xf32, #tpu.memory_space<hbm>> -> memref<20480x128xf32, #tpu.memory_space<hbm>>
    tpu.enqueue_indirect_dma source(%dma_start3A_23 : memref<20480x128xf32, #tpu.memory_space<hbm>>) target(%arg8 : memref<128x128xf32, #tpu.memory_space<vmem>>) offsets(%dma_start3A_20 : memref<128xi32, #tpu.memory_space<vmem>>) semaphore(%arg11 : memref<!tpu.dma_semaphore, #tpu.memory_space<semaphore_mem>>)
    %add3A_24 = arith.constant 1 : i32
    %add3A_25 = arith.addi %mul3A_4, %add3A_24 : i32
    %dma_start3A_26 = arith.constant 1 : i32
    %dma_start3A_27 = arith.constant 0 : i32
    %dma_start3A_28 = tpu.memref_slice %arg6[%dma_start3A_26, %dma_start3A_27] : memref<2x128xi32, #tpu.memory_space<vmem>> -> memref<1x128xi32, #tpu.memory_space<vmem>>
    %dma_start3A_29 = tpu.memref_squeeze %dma_start3A_28 : memref<1x128xi32, #tpu.memory_space<vmem>> -> memref<128xi32, #tpu.memory_space<vmem>>
    %dma_start3A_30 = arith.constant 0 : i32
    %dma_start3A_31 = tpu.memref_slice %arg3[%add3A_25, %dma_start3A_30] : memref<1280x128xi32, #tpu.memory_space<hbm>> -> memref<1x128xi32, #tpu.memory_space<hbm>>
    %dma_start3A_32 = tpu.memref_squeeze %dma_start3A_31 : memref<1x128xi32, #tpu.memory_space<hbm>> -> memref<128xi32, #tpu.memory_space<hbm>>
    %dma_start3A_33 = arith.constant 0 : i32
    %dma_start3A_34 = tpu.memref_slice %arg6[%dma_start3A_26, %dma_start3A_33] : memref<2x128xi32, #tpu.memory_space<vmem>> -> memref<1x128xi32, #tpu.memory_space<vmem>>
    %dma_start3A_35 = tpu.memref_squeeze %dma_start3A_34 : memref<1x128xi32, #tpu.memory_space<vmem>> -> memref<128xi32, #tpu.memory_space<vmem>>
    %dma_start3A_36 = arith.constant 0 : i32
    %dma_start3A_37 = tpu.memref_slice %arg3[%add3A_25, %dma_start3A_36] : memref<1280x128xi32, #tpu.memory_space<hbm>> -> memref<1x128xi32, #tpu.memory_space<hbm>>
    %dma_start3A_38 = tpu.memref_squeeze %dma_start3A_37 : memref<1x128xi32, #tpu.memory_space<hbm>> -> memref<128xi32, #tpu.memory_space<hbm>>
    tpu.enqueue_dma source(%dma_start3A_38 : memref<128xi32, #tpu.memory_space<hbm>>) target(%dma_start3A_35 : memref<128xi32, #tpu.memory_space<vmem>>) target_semaphore(%arg13 : memref<!tpu.dma_semaphore, #tpu.memory_space<semaphore_mem>>)
    %add3A_39 = arith.constant 1 : i32
    %add3A_40 = arith.addi %mul3A_4, %add3A_39 : i32
    %dma_start3A_41 = arith.constant 1 : i32
    %dma_start3A_42 = arith.constant 0 : i32
    %dma_start3A_43 = tpu.memref_slice %arg7[%dma_start3A_41, %dma_start3A_42] : memref<2x128xi32, #tpu.memory_space<vmem>> -> memref<1x128xi32, #tpu.memory_space<vmem>>
    %dma_start3A_44 = tpu.memref_squeeze %dma_start3A_43 : memref<1x128xi32, #tpu.memory_space<vmem>> -> memref<128xi32, #tpu.memory_space<vmem>>
    %dma_start3A_45 = arith.constant 0 : i32
    %dma_start3A_46 = tpu.memref_slice %arg4[%add3A_40, %dma_start3A_45] : memref<1280x128xi32, #tpu.memory_space<hbm>> -> memref<1x128xi32, #tpu.memory_space<hbm>>
    %dma_start3A_47 = tpu.memref_squeeze %dma_start3A_46 : memref<1x128xi32, #tpu.memory_space<hbm>> -> memref<128xi32, #tpu.memory_space<hbm>>
    %dma_start3A_48 = arith.constant 0 : i32
    %dma_start3A_49 = tpu.memref_slice %arg7[%dma_start3A_41, %dma_start3A_48] : memref<2x128xi32, #tpu.memory_space<vmem>> -> memref<1x128xi32, #tpu.memory_space<vmem>>
    %dma_start3A_50 = tpu.memref_squeeze %dma_start3A_49 : memref<1x128xi32, #tpu.memory_space<vmem>> -> memref<128xi32, #tpu.memory_space<vmem>>
    %dma_start3A_51 = arith.constant 0 : i32
    %dma_start3A_52 = tpu.memref_slice %arg4[%add3A_40, %dma_start3A_51] : memref<1280x128xi32, #tpu.memory_space<hbm>> -> memref<1x128xi32, #tpu.memory_space<hbm>>
    %dma_start3A_53 = tpu.memref_squeeze %dma_start3A_52 : memref<1x128xi32, #tpu.memory_space<hbm>> -> memref<128xi32, #tpu.memory_space<hbm>>
    tpu.enqueue_dma source(%dma_start3A_53 : memref<128xi32, #tpu.memory_space<hbm>>) target(%dma_start3A_50 : memref<128xi32, #tpu.memory_space<vmem>>) target_semaphore(%arg15 : memref<!tpu.dma_semaphore, #tpu.memory_space<semaphore_mem>>)
    %dma_wait3A_54 = arith.constant 1 : i32
    %dma_wait3A_55 = arith.constant 0 : i32
    %dma_wait3A_56 = tpu.memref_slice %arg6[%dma_wait3A_54, %dma_wait3A_55] : memref<2x128xi32, #tpu.memory_space<vmem>> -> memref<1x128xi32, #tpu.memory_space<vmem>>
    %dma_wait3A_57 = tpu.memref_squeeze %dma_wait3A_56 : memref<1x128xi32, #tpu.memory_space<vmem>> -> memref<128xi32, #tpu.memory_space<vmem>>
    %dma_wait3A_58 = arith.constant 0 : i32
    %dma_wait3A_59 = tpu.memref_slice %arg3[%add3A_25, %dma_wait3A_58] : memref<1280x128xi32, #tpu.memory_space<hbm>> -> memref<1x128xi32, #tpu.memory_space<hbm>>
    %dma_wait3A_60 = tpu.memref_squeeze %dma_wait3A_59 : memref<1x128xi32, #tpu.memory_space<hbm>> -> memref<128xi32, #tpu.memory_space<hbm>>
    %dma_wait3A_61 = arith.constant 0 : i32
    %dma_wait3A_62 = tpu.memref_slice %arg6[%dma_wait3A_54, %dma_wait3A_61] : memref<2x128xi32, #tpu.memory_space<vmem>> -> memref<1x128xi32, #tpu.memory_space<vmem>>
    %dma_wait3A_63 = tpu.memref_squeeze %dma_wait3A_62 : memref<1x128xi32, #tpu.memory_space<vmem>> -> memref<128xi32, #tpu.memory_space<vmem>>
    %dma_wait3A_64 = arith.constant 0 : i32
    %dma_wait3A_65 = tpu.memref_slice %arg3[%add3A_25, %dma_wait3A_64] : memref<1280x128xi32, #tpu.memory_space<hbm>> -> memref<1x128xi32, #tpu.memory_space<hbm>>
    %dma_wait3A_66 = tpu.memref_squeeze %dma_wait3A_65 : memref<1x128xi32, #tpu.memory_space<hbm>> -> memref<128xi32, #tpu.memory_space<hbm>>
    tpu.wait_dma2 semaphore(%arg13 : memref<!tpu.dma_semaphore, #tpu.memory_space<semaphore_mem>>) src(%dma_wait3A_66 : memref<128xi32, #tpu.memory_space<hbm>>) dst(%dma_wait3A_63 : memref<128xi32, #tpu.memory_space<vmem>>)
    %dma_start3A_67 = arith.constant 1 : i32
    %dma_start3A_68 = arith.constant 0 : i32
    %dma_start3A_69 = tpu.memref_slice %arg6[%dma_start3A_67, %dma_start3A_68] : memref<2x128xi32, #tpu.memory_space<vmem>> -> memref<1x128xi32, #tpu.memory_space<vmem>>
    %dma_start3A_70 = tpu.memref_squeeze %dma_start3A_69 : memref<1x128xi32, #tpu.memory_space<vmem>> -> memref<128xi32, #tpu.memory_space<vmem>>
    %dma_start3A_71 = arith.constant 0 : i32
    %dma_start3A_72 = arith.constant 0 : i32
    %dma_start3A_73 = tpu.memref_slice %arg2[%dma_start3A_71, %dma_start3A_72] : memref<20480x128xf32, #tpu.memory_space<hbm>> -> memref<20480x128xf32, #tpu.memory_space<hbm>>
    tpu.enqueue_indirect_dma source(%dma_start3A_73 : memref<20480x128xf32, #tpu.memory_space<hbm>>) target(%arg9 : memref<128x128xf32, #tpu.memory_space<vmem>>) offsets(%dma_start3A_70 : memref<128xi32, #tpu.memory_space<vmem>>) semaphore(%arg11 : memref<!tpu.dma_semaphore, #tpu.memory_space<semaphore_mem>>)
    %dma_wait3A_74 = arith.constant 0 : i32
    %dma_wait3A_75 = arith.constant 0 : i32
    %dma_wait3A_76 = tpu.memref_slice %arg6[%dma_wait3A_74, %dma_wait3A_75] : memref<2x128xi32, #tpu.memory_space<vmem>> -> memref<1x128xi32, #tpu.memory_space<vmem>>
    %dma_wait3A_77 = tpu.memref_squeeze %dma_wait3A_76 : memref<1x128xi32, #tpu.memory_space<vmem>> -> memref<128xi32, #tpu.memory_space<vmem>>
    %dma_wait3A_78 = arith.constant 0 : i32
    %dma_wait3A_79 = arith.constant 0 : i32
    %dma_wait3A_80 = tpu.memref_slice %arg2[%dma_wait3A_78, %dma_wait3A_79] : memref<20480x128xf32, #tpu.memory_space<hbm>> -> memref<20480x128xf32, #tpu.memory_space<hbm>>
    tpu.wait_indirect_dma semaphore(%arg11 : memref<!tpu.dma_semaphore, #tpu.memory_space<semaphore_mem>>) src(%dma_wait3A_80 : memref<20480x128xf32, #tpu.memory_space<hbm>>) dst(%arg8 : memref<128x128xf32, #tpu.memory_space<vmem>>)
    %dma_start3A_81 = arith.constant 0 : i32
    %dma_start3A_82 = arith.constant 0 : i32
    %dma_start3A_83 = tpu.memref_slice %arg7[%dma_start3A_81, %dma_start3A_82] : memref<2x128xi32, #tpu.memory_space<vmem>> -> memref<1x128xi32, #tpu.memory_space<vmem>>
    %dma_start3A_84 = tpu.memref_squeeze %dma_start3A_83 : memref<1x128xi32, #tpu.memory_space<vmem>> -> memref<128xi32, #tpu.memory_space<vmem>>
    %dma_start3A_85 = arith.constant 0 : i32
    %dma_start3A_86 = arith.constant 0 : i32
    %dma_start3A_87 = tpu.memref_slice %arg10[%dma_start3A_85, %dma_start3A_86] : memref<10240x128xf32, #tpu.memory_space<vmem_shared>> -> memref<10240x128xf32, #tpu.memory_space<vmem_shared>>
    tpu.enqueue_indirect_dma source(%arg8 : memref<128x128xf32, #tpu.memory_space<vmem>>) target(%dma_start3A_87 : memref<10240x128xf32, #tpu.memory_space<vmem_shared>>) offsets(%dma_start3A_84 : memref<128xi32, #tpu.memory_space<vmem>>) semaphore(%arg12 : memref<!tpu.dma_semaphore, #tpu.memory_space<semaphore_mem>>) {add = true}
    %scan3A = arith.constant 0 : i32
    %scan3A_88 = arith.constant 1 : i32
    %scan3A_89 = arith.constant 19 : i32
    %scan3A_90 = arith.addi %scan3A_88, %scan3A_89 : i32
    %scan3A_91 = arith.constant 1 : i32
    scf.for %scan3A_141 = %scan3A_88 to %scan3A_90 step %scan3A_91  : i32 {
      %mul3A_142 = arith.constant 2 : i32
      %mul3A_143 = arith.muli %mul3A_142, %scan3A_141 : i32
      %sub3A_144 = arith.constant 1 : i32
      %sub3A_145 = arith.subi %mul3A_143, %sub3A_144 : i32
      %mul3A_146 = arith.constant 2 : i32
      %mul3A_147 = arith.muli %mul3A_146, %scan3A_141 : i32
      %add3A_148 = arith.addi %mul3A_4, %sub3A_145 : i32
      %add3A_149 = arith.constant 1 : i32
      %add3A_150 = arith.addi %add3A_148, %add3A_149 : i32
      %dma_start3A_151 = arith.constant 0 : i32
      %dma_start3A_152 = arith.constant 0 : i32
      %dma_start3A_153 = tpu.memref_slice %arg6[%dma_start3A_151, %dma_start3A_152] : memref<2x128xi32, #tpu.memory_space<vmem>> -> memref<1x128xi32, #tpu.memory_space<vmem>>
      %dma_start3A_154 = tpu.memref_squeeze %dma_start3A_153 : memref<1x128xi32, #tpu.memory_space<vmem>> -> memref<128xi32, #tpu.memory_space<vmem>>
      %dma_start3A_155 = arith.constant 0 : i32
      %dma_start3A_156 = tpu.memref_slice %arg3[%add3A_150, %dma_start3A_155] : memref<1280x128xi32, #tpu.memory_space<hbm>> -> memref<1x128xi32, #tpu.memory_space<hbm>>
      %dma_start3A_157 = tpu.memref_squeeze %dma_start3A_156 : memref<1x128xi32, #tpu.memory_space<hbm>> -> memref<128xi32, #tpu.memory_space<hbm>>
      %dma_start3A_158 = arith.constant 0 : i32
      %dma_start3A_159 = tpu.memref_slice %arg6[%dma_start3A_151, %dma_start3A_158] : memref<2x128xi32, #tpu.memory_space<vmem>> -> memref<1x128xi32, #tpu.memory_space<vmem>>
      %dma_start3A_160 = tpu.memref_squeeze %dma_start3A_159 : memref<1x128xi32, #tpu.memory_space<vmem>> -> memref<128xi32, #tpu.memory_space<vmem>>
      %dma_start3A_161 = arith.constant 0 : i32
      %dma_start3A_162 = tpu.memref_slice %arg3[%add3A_150, %dma_start3A_161] : memref<1280x128xi32, #tpu.memory_space<hbm>> -> memref<1x128xi32, #tpu.memory_space<hbm>>
      %dma_start3A_163 = tpu.memref_squeeze %dma_start3A_162 : memref<1x128xi32, #tpu.memory_space<hbm>> -> memref<128xi32, #tpu.memory_space<hbm>>
      tpu.enqueue_dma source(%dma_start3A_163 : memref<128xi32, #tpu.memory_space<hbm>>) target(%dma_start3A_160 : memref<128xi32, #tpu.memory_space<vmem>>) target_semaphore(%arg13 : memref<!tpu.dma_semaphore, #tpu.memory_space<semaphore_mem>>)
      %dma_wait3A_164 = arith.constant 0 : i32
      %dma_wait3A_165 = arith.constant 0 : i32
      %dma_wait3A_166 = tpu.memref_slice %arg7[%dma_wait3A_164, %dma_wait3A_165] : memref<2x128xi32, #tpu.memory_space<vmem>> -> memref<1x128xi32, #tpu.memory_space<vmem>>
      %dma_wait3A_167 = tpu.memref_squeeze %dma_wait3A_166 : memref<1x128xi32, #tpu.memory_space<vmem>> -> memref<128xi32, #tpu.memory_space<vmem>>
      %dma_wait3A_168 = arith.constant 0 : i32
      %dma_wait3A_169 = arith.constant 0 : i32
      %dma_wait3A_170 = tpu.memref_slice %arg10[%dma_wait3A_168, %dma_wait3A_169] : memref<10240x128xf32, #tpu.memory_space<vmem_shared>> -> memref<10240x128xf32, #tpu.memory_space<vmem_shared>>
      tpu.wait_indirect_dma semaphore(%arg12 : memref<!tpu.dma_semaphore, #tpu.memory_space<semaphore_mem>>) src(%arg8 : memref<128x128xf32, #tpu.memory_space<vmem>>) dst(%dma_wait3A_170 : memref<10240x128xf32, #tpu.memory_space<vmem_shared>>)
      %add3A_171 = arith.addi %mul3A_4, %sub3A_145 : i32
      %add3A_172 = arith.constant 1 : i32
      %add3A_173 = arith.addi %add3A_171, %add3A_172 : i32
      %dma_start3A_174 = arith.constant 0 : i32
      %dma_start3A_175 = arith.constant 0 : i32
      %dma_start3A_176 = tpu.memref_slice %arg7[%dma_start3A_174, %dma_start3A_175] : memref<2x128xi32, #tpu.memory_space<vmem>> -> memref<1x128xi32, #tpu.memory_space<vmem>>
      %dma_start3A_177 = tpu.memref_squeeze %dma_start3A_176 : memref<1x128xi32, #tpu.memory_space<vmem>> -> memref<128xi32, #tpu.memory_space<vmem>>
      %dma_start3A_178 = arith.constant 0 : i32
      %dma_start3A_179 = tpu.memref_slice %arg4[%add3A_173, %dma_start3A_178] : memref<1280x128xi32, #tpu.memory_space<hbm>> -> memref<1x128xi32, #tpu.memory_space<hbm>>
      %dma_start3A_180 = tpu.memref_squeeze %dma_start3A_179 : memref<1x128xi32, #tpu.memory_space<hbm>> -> memref<128xi32, #tpu.memory_space<hbm>>
      %dma_start3A_181 = arith.constant 0 : i32
      %dma_start3A_182 = tpu.memref_slice %arg7[%dma_start3A_174, %dma_start3A_181] : memref<2x128xi32, #tpu.memory_space<vmem>> -> memref<1x128xi32, #tpu.memory_space<vmem>>
      %dma_start3A_183 = tpu.memref_squeeze %dma_start3A_182 : memref<1x128xi32, #tpu.memory_space<vmem>> -> memref<128xi32, #tpu.memory_space<vmem>>
      %dma_start3A_184 = arith.constant 0 : i32
      %dma_start3A_185 = tpu.memref_slice %arg4[%add3A_173, %dma_start3A_184] : memref<1280x128xi32, #tpu.memory_space<hbm>> -> memref<1x128xi32, #tpu.memory_space<hbm>>
      %dma_start3A_186 = tpu.memref_squeeze %dma_start3A_185 : memref<1x128xi32, #tpu.memory_space<hbm>> -> memref<128xi32, #tpu.memory_space<hbm>>
      tpu.enqueue_dma source(%dma_start3A_186 : memref<128xi32, #tpu.memory_space<hbm>>) target(%dma_start3A_183 : memref<128xi32, #tpu.memory_space<vmem>>) target_semaphore(%arg14 : memref<!tpu.dma_semaphore, #tpu.memory_space<semaphore_mem>>)
      %dma_wait3A_187 = arith.constant 0 : i32
      %dma_wait3A_188 = arith.constant 0 : i32
      %dma_wait3A_189 = tpu.memref_slice %arg6[%dma_wait3A_187, %dma_wait3A_188] : memref<2x128xi32, #tpu.memory_space<vmem>> -> memref<1x128xi32, #tpu.memory_space<vmem>>
      %dma_wait3A_190 = tpu.memref_squeeze %dma_wait3A_189 : memref<1x128xi32, #tpu.memory_space<vmem>> -> memref<128xi32, #tpu.memory_space<vmem>>
      %dma_wait3A_191 = arith.constant 0 : i32
      %dma_wait3A_192 = tpu.memref_slice %arg3[%add3A_150, %dma_wait3A_191] : memref<1280x128xi32, #tpu.memory_space<hbm>> -> memref<1x128xi32, #tpu.memory_space<hbm>>
      %dma_wait3A_193 = tpu.memref_squeeze %dma_wait3A_192 : memref<1x128xi32, #tpu.memory_space<hbm>> -> memref<128xi32, #tpu.memory_space<hbm>>
      %dma_wait3A_194 = arith.constant 0 : i32
      %dma_wait3A_195 = tpu.memref_slice %arg6[%dma_wait3A_187, %dma_wait3A_194] : memref<2x128xi32, #tpu.memory_space<vmem>> -> memref<1x128xi32, #tpu.memory_space<vmem>>
      %dma_wait3A_196 = tpu.memref_squeeze %dma_wait3A_195 : memref<1x128xi32, #tpu.memory_space<vmem>> -> memref<128xi32, #tpu.memory_space<vmem>>
      %dma_wait3A_197 = arith.constant 0 : i32
      %dma_wait3A_198 = tpu.memref_slice %arg3[%add3A_150, %dma_wait3A_197] : memref<1280x128xi32, #tpu.memory_space<hbm>> -> memref<1x128xi32, #tpu.memory_space<hbm>>
      %dma_wait3A_199 = tpu.memref_squeeze %dma_wait3A_198 : memref<1x128xi32, #tpu.memory_space<hbm>> -> memref<128xi32, #tpu.memory_space<hbm>>
      tpu.wait_dma2 semaphore(%arg13 : memref<!tpu.dma_semaphore, #tpu.memory_space<semaphore_mem>>) src(%dma_wait3A_199 : memref<128xi32, #tpu.memory_space<hbm>>) dst(%dma_wait3A_196 : memref<128xi32, #tpu.memory_space<vmem>>)
      %dma_start3A_200 = arith.constant 0 : i32
      %dma_start3A_201 = arith.constant 0 : i32
      %dma_start3A_202 = tpu.memref_slice %arg6[%dma_start3A_200, %dma_start3A_201] : memref<2x128xi32, #tpu.memory_space<vmem>> -> memref<1x128xi32, #tpu.memory_space<vmem>>
      %dma_start3A_203 = tpu.memref_squeeze %dma_start3A_202 : memref<1x128xi32, #tpu.memory_space<vmem>> -> memref<128xi32, #tpu.memory_space<vmem>>
      %dma_start3A_204 = arith.constant 0 : i32
      %dma_start3A_205 = arith.constant 0 : i32
      %dma_start3A_206 = tpu.memref_slice %arg2[%dma_start3A_204, %dma_start3A_205] : memref<20480x128xf32, #tpu.memory_space<hbm>> -> memref<20480x128xf32, #tpu.memory_space<hbm>>
      tpu.enqueue_indirect_dma source(%dma_start3A_206 : memref<20480x128xf32, #tpu.memory_space<hbm>>) target(%arg8 : memref<128x128xf32, #tpu.memory_space<vmem>>) offsets(%dma_start3A_203 : memref<128xi32, #tpu.memory_space<vmem>>) semaphore(%arg11 : memref<!tpu.dma_semaphore, #tpu.memory_space<semaphore_mem>>)
      %dma_wait3A_207 = arith.constant 1 : i32
      %dma_wait3A_208 = arith.constant 0 : i32
      %dma_wait3A_209 = tpu.memref_slice %arg6[%dma_wait3A_207, %dma_wait3A_208] : memref<2x128xi32, #tpu.memory_space<vmem>> -> memref<1x128xi32, #tpu.memory_space<vmem>>
      %dma_wait3A_210 = tpu.memref_squeeze %dma_wait3A_209 : memref<1x128xi32, #tpu.memory_space<vmem>> -> memref<128xi32, #tpu.memory_space<vmem>>
      %dma_wait3A_211 = arith.constant 0 : i32
      %dma_wait3A_212 = arith.constant 0 : i32
      %dma_wait3A_213 = tpu.memref_slice %arg2[%dma_wait3A_211, %dma_wait3A_212] : memref<20480x128xf32, #tpu.memory_space<hbm>> -> memref<20480x128xf32, #tpu.memory_space<hbm>>
      tpu.wait_indirect_dma semaphore(%arg11 : memref<!tpu.dma_semaphore, #tpu.memory_space<semaphore_mem>>) src(%dma_wait3A_213 : memref<20480x128xf32, #tpu.memory_space<hbm>>) dst(%arg9 : memref<128x128xf32, #tpu.memory_space<vmem>>)
      %add3A_214 = arith.addi %mul3A_4, %sub3A_145 : i32
      %dma_wait3A_215 = arith.constant 1 : i32
      %dma_wait3A_216 = arith.constant 0 : i32
      %dma_wait3A_217 = tpu.memref_slice %arg7[%dma_wait3A_215, %dma_wait3A_216] : memref<2x128xi32, #tpu.memory_space<vmem>> -> memref<1x128xi32, #tpu.memory_space<vmem>>
      %dma_wait3A_218 = tpu.memref_squeeze %dma_wait3A_217 : memref<1x128xi32, #tpu.memory_space<vmem>> -> memref<128xi32, #tpu.memory_space<vmem>>
      %dma_wait3A_219 = arith.constant 0 : i32
      %dma_wait3A_220 = tpu.memref_slice %arg4[%add3A_214, %dma_wait3A_219] : memref<1280x128xi32, #tpu.memory_space<hbm>> -> memref<1x128xi32, #tpu.memory_space<hbm>>
      %dma_wait3A_221 = tpu.memref_squeeze %dma_wait3A_220 : memref<1x128xi32, #tpu.memory_space<hbm>> -> memref<128xi32, #tpu.memory_space<hbm>>
      %dma_wait3A_222 = arith.constant 0 : i32
      %dma_wait3A_223 = tpu.memref_slice %arg7[%dma_wait3A_215, %dma_wait3A_222] : memref<2x128xi32, #tpu.memory_space<vmem>> -> memref<1x128xi32, #tpu.memory_space<vmem>>
      %dma_wait3A_224 = tpu.memref_squeeze %dma_wait3A_223 : memref<1x128xi32, #tpu.memory_space<vmem>> -> memref<128xi32, #tpu.memory_space<vmem>>
      %dma_wait3A_225 = arith.constant 0 : i32
      %dma_wait3A_226 = tpu.memref_slice %arg4[%add3A_214, %dma_wait3A_225] : memref<1280x128xi32, #tpu.memory_space<hbm>> -> memref<1x128xi32, #tpu.memory_space<hbm>>
      %dma_wait3A_227 = tpu.memref_squeeze %dma_wait3A_226 : memref<1x128xi32, #tpu.memory_space<hbm>> -> memref<128xi32, #tpu.memory_space<hbm>>
      tpu.wait_dma2 semaphore(%arg15 : memref<!tpu.dma_semaphore, #tpu.memory_space<semaphore_mem>>) src(%dma_wait3A_227 : memref<128xi32, #tpu.memory_space<hbm>>) dst(%dma_wait3A_224 : memref<128xi32, #tpu.memory_space<vmem>>)
      %dma_start3A_228 = arith.constant 1 : i32
      %dma_start3A_229 = arith.constant 0 : i32
      %dma_start3A_230 = tpu.memref_slice %arg7[%dma_start3A_228, %dma_start3A_229] : memref<2x128xi32, #tpu.memory_space<vmem>> -> memref<1x128xi32, #tpu.memory_space<vmem>>
      %dma_start3A_231 = tpu.memref_squeeze %dma_start3A_230 : memref<1x128xi32, #tpu.memory_space<vmem>> -> memref<128xi32, #tpu.memory_space<vmem>>
      %dma_start3A_232 = arith.constant 0 : i32
      %dma_start3A_233 = arith.constant 0 : i32
      %dma_start3A_234 = tpu.memref_slice %arg10[%dma_start3A_232, %dma_start3A_233] : memref<10240x128xf32, #tpu.memory_space<vmem_shared>> -> memref<10240x128xf32, #tpu.memory_space<vmem_shared>>
      tpu.enqueue_indirect_dma source(%arg9 : memref<128x128xf32, #tpu.memory_space<vmem>>) target(%dma_start3A_234 : memref<10240x128xf32, #tpu.memory_space<vmem_shared>>) offsets(%dma_start3A_231 : memref<128xi32, #tpu.memory_space<vmem>>) semaphore(%arg12 : memref<!tpu.dma_semaphore, #tpu.memory_space<semaphore_mem>>) {add = true}
      %add3A_235 = arith.addi %mul3A_4, %mul3A_147 : i32
      %add3A_236 = arith.constant 1 : i32
      %add3A_237 = arith.addi %add3A_235, %add3A_236 : i32
      %dma_start3A_238 = arith.constant 1 : i32
      %dma_start3A_239 = arith.constant 0 : i32
      %dma_start3A_240 = tpu.memref_slice %arg6[%dma_start3A_238, %dma_start3A_239] : memref<2x128xi32, #tpu.memory_space<vmem>> -> memref<1x128xi32, #tpu.memory_space<vmem>>
      %dma_start3A_241 = tpu.memref_squeeze %dma_start3A_240 : memref<1x128xi32, #tpu.memory_space<vmem>> -> memref<128xi32, #tpu.memory_space<vmem>>
      %dma_start3A_242 = arith.constant 0 : i32
      %dma_start3A_243 = tpu.memref_slice %arg3[%add3A_237, %dma_start3A_242] : memref<1280x128xi32, #tpu.memory_space<hbm>> -> memref<1x128xi32, #tpu.memory_space<hbm>>
      %dma_start3A_244 = tpu.memref_squeeze %dma_start3A_243 : memref<1x128xi32, #tpu.memory_space<hbm>> -> memref<128xi32, #tpu.memory_space<hbm>>
      %dma_start3A_245 = arith.constant 0 : i32
      %dma_start3A_246 = tpu.memref_slice %arg6[%dma_start3A_238, %dma_start3A_245] : memref<2x128xi32, #tpu.memory_space<vmem>> -> memref<1x128xi32, #tpu.memory_space<vmem>>
      %dma_start3A_247 = tpu.memref_squeeze %dma_start3A_246 : memref<1x128xi32, #tpu.memory_space<vmem>> -> memref<128xi32, #tpu.memory_space<vmem>>
      %dma_start3A_248 = arith.constant 0 : i32
      %dma_start3A_249 = tpu.memref_slice %arg3[%add3A_237, %dma_start3A_248] : memref<1280x128xi32, #tpu.memory_space<hbm>> -> memref<1x128xi32, #tpu.memory_space<hbm>>
      %dma_start3A_250 = tpu.memref_squeeze %dma_start3A_249 : memref<1x128xi32, #tpu.memory_space<hbm>> -> memref<128xi32, #tpu.memory_space<hbm>>
      tpu.enqueue_dma source(%dma_start3A_250 : memref<128xi32, #tpu.memory_space<hbm>>) target(%dma_start3A_247 : memref<128xi32, #tpu.memory_space<vmem>>) target_semaphore(%arg13 : memref<!tpu.dma_semaphore, #tpu.memory_space<semaphore_mem>>)
      %dma_wait3A_251 = arith.constant 1 : i32
      %dma_wait3A_252 = arith.constant 0 : i32
      %dma_wait3A_253 = tpu.memref_slice %arg7[%dma_wait3A_251, %dma_wait3A_252] : memref<2x128xi32, #tpu.memory_space<vmem>> -> memref<1x128xi32, #tpu.memory_space<vmem>>
      %dma_wait3A_254 = tpu.memref_squeeze %dma_wait3A_253 : memref<1x128xi32, #tpu.memory_space<vmem>> -> memref<128xi32, #tpu.memory_space<vmem>>
      %dma_wait3A_255 = arith.constant 0 : i32
      %dma_wait3A_256 = arith.constant 0 : i32
      %dma_wait3A_257 = tpu.memref_slice %arg10[%dma_wait3A_255, %dma_wait3A_256] : memref<10240x128xf32, #tpu.memory_space<vmem_shared>> -> memref<10240x128xf32, #tpu.memory_space<vmem_shared>>
      tpu.wait_indirect_dma semaphore(%arg12 : memref<!tpu.dma_semaphore, #tpu.memory_space<semaphore_mem>>) src(%arg9 : memref<128x128xf32, #tpu.memory_space<vmem>>) dst(%dma_wait3A_257 : memref<10240x128xf32, #tpu.memory_space<vmem_shared>>)
      %add3A_258 = arith.addi %mul3A_4, %mul3A_147 : i32
      %add3A_259 = arith.constant 1 : i32
      %add3A_260 = arith.addi %add3A_258, %add3A_259 : i32
      %dma_start3A_261 = arith.constant 1 : i32
      %dma_start3A_262 = arith.constant 0 : i32
      %dma_start3A_263 = tpu.memref_slice %arg7[%dma_start3A_261, %dma_start3A_262] : memref<2x128xi32, #tpu.memory_space<vmem>> -> memref<1x128xi32, #tpu.memory_space<vmem>>
      %dma_start3A_264 = tpu.memref_squeeze %dma_start3A_263 : memref<1x128xi32, #tpu.memory_space<vmem>> -> memref<128xi32, #tpu.memory_space<vmem>>
      %dma_start3A_265 = arith.constant 0 : i32
      %dma_start3A_266 = tpu.memref_slice %arg4[%add3A_260, %dma_start3A_265] : memref<1280x128xi32, #tpu.memory_space<hbm>> -> memref<1x128xi32, #tpu.memory_space<hbm>>
      %dma_start3A_267 = tpu.memref_squeeze %dma_start3A_266 : memref<1x128xi32, #tpu.memory_space<hbm>> -> memref<128xi32, #tpu.memory_space<hbm>>
      %dma_start3A_268 = arith.constant 0 : i32
      %dma_start3A_269 = tpu.memref_slice %arg7[%dma_start3A_261, %dma_start3A_268] : memref<2x128xi32, #tpu.memory_space<vmem>> -> memref<1x128xi32, #tpu.memory_space<vmem>>
      %dma_start3A_270 = tpu.memref_squeeze %dma_start3A_269 : memref<1x128xi32, #tpu.memory_space<vmem>> -> memref<128xi32, #tpu.memory_space<vmem>>
      %dma_start3A_271 = arith.constant 0 : i32
      %dma_start3A_272 = tpu.memref_slice %arg4[%add3A_260, %dma_start3A_271] : memref<1280x128xi32, #tpu.memory_space<hbm>> -> memref<1x128xi32, #tpu.memory_space<hbm>>
      %dma_start3A_273 = tpu.memref_squeeze %dma_start3A_272 : memref<1x128xi32, #tpu.memory_space<hbm>> -> memref<128xi32, #tpu.memory_space<hbm>>
      tpu.enqueue_dma source(%dma_start3A_273 : memref<128xi32, #tpu.memory_space<hbm>>) target(%dma_start3A_270 : memref<128xi32, #tpu.memory_space<vmem>>) target_semaphore(%arg15 : memref<!tpu.dma_semaphore, #tpu.memory_space<semaphore_mem>>)
      %dma_wait3A_274 = arith.constant 1 : i32
      %dma_wait3A_275 = arith.constant 0 : i32
      %dma_wait3A_276 = tpu.memref_slice %arg6[%dma_wait3A_274, %dma_wait3A_275] : memref<2x128xi32, #tpu.memory_space<vmem>> -> memref<1x128xi32, #tpu.memory_space<vmem>>
      %dma_wait3A_277 = tpu.memref_squeeze %dma_wait3A_276 : memref<1x128xi32, #tpu.memory_space<vmem>> -> memref<128xi32, #tpu.memory_space<vmem>>
      %dma_wait3A_278 = arith.constant 0 : i32
      %dma_wait3A_279 = tpu.memref_slice %arg3[%add3A_237, %dma_wait3A_278] : memref<1280x128xi32, #tpu.memory_space<hbm>> -> memref<1x128xi32, #tpu.memory_space<hbm>>
      %dma_wait3A_280 = tpu.memref_squeeze %dma_wait3A_279 : memref<1x128xi32, #tpu.memory_space<hbm>> -> memref<128xi32, #tpu.memory_space<hbm>>
      %dma_wait3A_281 = arith.constant 0 : i32
      %dma_wait3A_282 = tpu.memref_slice %arg6[%dma_wait3A_274, %dma_wait3A_281] : memref<2x128xi32, #tpu.memory_space<vmem>> -> memref<1x128xi32, #tpu.memory_space<vmem>>
      %dma_wait3A_283 = tpu.memref_squeeze %dma_wait3A_282 : memref<1x128xi32, #tpu.memory_space<vmem>> -> memref<128xi32, #tpu.memory_space<vmem>>
      %dma_wait3A_284 = arith.constant 0 : i32
      %dma_wait3A_285 = tpu.memref_slice %arg3[%add3A_237, %dma_wait3A_284] : memref<1280x128xi32, #tpu.memory_space<hbm>> -> memref<1x128xi32, #tpu.memory_space<hbm>>
      %dma_wait3A_286 = tpu.memref_squeeze %dma_wait3A_285 : memref<1x128xi32, #tpu.memory_space<hbm>> -> memref<128xi32, #tpu.memory_space<hbm>>
      tpu.wait_dma2 semaphore(%arg13 : memref<!tpu.dma_semaphore, #tpu.memory_space<semaphore_mem>>) src(%dma_wait3A_286 : memref<128xi32, #tpu.memory_space<hbm>>) dst(%dma_wait3A_283 : memref<128xi32, #tpu.memory_space<vmem>>)
      %dma_start3A_287 = arith.constant 1 : i32
      %dma_start3A_288 = arith.constant 0 : i32
      %dma_start3A_289 = tpu.memref_slice %arg6[%dma_start3A_287, %dma_start3A_288] : memref<2x128xi32, #tpu.memory_space<vmem>> -> memref<1x128xi32, #tpu.memory_space<vmem>>
      %dma_start3A_290 = tpu.memref_squeeze %dma_start3A_289 : memref<1x128xi32, #tpu.memory_space<vmem>> -> memref<128xi32, #tpu.memory_space<vmem>>
      %dma_start3A_291 = arith.constant 0 : i32
      %dma_start3A_292 = arith.constant 0 : i32
      %dma_start3A_293 = tpu.memref_slice %arg2[%dma_start3A_291, %dma_start3A_292] : memref<20480x128xf32, #tpu.memory_space<hbm>> -> memref<20480x128xf32, #tpu.memory_space<hbm>>
      tpu.enqueue_indirect_dma source(%dma_start3A_293 : memref<20480x128xf32, #tpu.memory_space<hbm>>) target(%arg9 : memref<128x128xf32, #tpu.memory_space<vmem>>) offsets(%dma_start3A_290 : memref<128xi32, #tpu.memory_space<vmem>>) semaphore(%arg11 : memref<!tpu.dma_semaphore, #tpu.memory_space<semaphore_mem>>)
      %dma_wait3A_294 = arith.constant 0 : i32
      %dma_wait3A_295 = arith.constant 0 : i32
      %dma_wait3A_296 = tpu.memref_slice %arg6[%dma_wait3A_294, %dma_wait3A_295] : memref<2x128xi32, #tpu.memory_space<vmem>> -> memref<1x128xi32, #tpu.memory_space<vmem>>
      %dma_wait3A_297 = tpu.memref_squeeze %dma_wait3A_296 : memref<1x128xi32, #tpu.memory_space<vmem>> -> memref<128xi32, #tpu.memory_space<vmem>>
      %dma_wait3A_298 = arith.constant 0 : i32
      %dma_wait3A_299 = arith.constant 0 : i32
      %dma_wait3A_300 = tpu.memref_slice %arg2[%dma_wait3A_298, %dma_wait3A_299] : memref<20480x128xf32, #tpu.memory_space<hbm>> -> memref<20480x128xf32, #tpu.memory_space<hbm>>
      tpu.wait_indirect_dma semaphore(%arg11 : memref<!tpu.dma_semaphore, #tpu.memory_space<semaphore_mem>>) src(%dma_wait3A_300 : memref<20480x128xf32, #tpu.memory_space<hbm>>) dst(%arg8 : memref<128x128xf32, #tpu.memory_space<vmem>>)
      %add3A_301 = arith.addi %mul3A_4, %mul3A_147 : i32
      %dma_wait3A_302 = arith.constant 0 : i32
      %dma_wait3A_303 = arith.constant 0 : i32
      %dma_wait3A_304 = tpu.memref_slice %arg7[%dma_wait3A_302, %dma_wait3A_303] : memref<2x128xi32, #tpu.memory_space<vmem>> -> memref<1x128xi32, #tpu.memory_space<vmem>>
      %dma_wait3A_305 = tpu.memref_squeeze %dma_wait3A_304 : memref<1x128xi32, #tpu.memory_space<vmem>> -> memref<128xi32, #tpu.memory_space<vmem>>
      %dma_wait3A_306 = arith.constant 0 : i32
      %dma_wait3A_307 = tpu.memref_slice %arg4[%add3A_301, %dma_wait3A_306] : memref<1280x128xi32, #tpu.memory_space<hbm>> -> memref<1x128xi32, #tpu.memory_space<hbm>>
      %dma_wait3A_308 = tpu.memref_squeeze %dma_wait3A_307 : memref<1x128xi32, #tpu.memory_space<hbm>> -> memref<128xi32, #tpu.memory_space<hbm>>
      %dma_wait3A_309 = arith.constant 0 : i32
      %dma_wait3A_310 = tpu.memref_slice %arg7[%dma_wait3A_302, %dma_wait3A_309] : memref<2x128xi32, #tpu.memory_space<vmem>> -> memref<1x128xi32, #tpu.memory_space<vmem>>
      %dma_wait3A_311 = tpu.memref_squeeze %dma_wait3A_310 : memref<1x128xi32, #tpu.memory_space<vmem>> -> memref<128xi32, #tpu.memory_space<vmem>>
      %dma_wait3A_312 = arith.constant 0 : i32
      %dma_wait3A_313 = tpu.memref_slice %arg4[%add3A_301, %dma_wait3A_312] : memref<1280x128xi32, #tpu.memory_space<hbm>> -> memref<1x128xi32, #tpu.memory_space<hbm>>
      %dma_wait3A_314 = tpu.memref_squeeze %dma_wait3A_313 : memref<1x128xi32, #tpu.memory_space<hbm>> -> memref<128xi32, #tpu.memory_space<hbm>>
      tpu.wait_dma2 semaphore(%arg14 : memref<!tpu.dma_semaphore, #tpu.memory_space<semaphore_mem>>) src(%dma_wait3A_314 : memref<128xi32, #tpu.memory_space<hbm>>) dst(%dma_wait3A_311 : memref<128xi32, #tpu.memory_space<vmem>>)
      %dma_start3A_315 = arith.constant 0 : i32
      %dma_start3A_316 = arith.constant 0 : i32
      %dma_start3A_317 = tpu.memref_slice %arg7[%dma_start3A_315, %dma_start3A_316] : memref<2x128xi32, #tpu.memory_space<vmem>> -> memref<1x128xi32, #tpu.memory_space<vmem>>
      %dma_start3A_318 = tpu.memref_squeeze %dma_start3A_317 : memref<1x128xi32, #tpu.memory_space<vmem>> -> memref<128xi32, #tpu.memory_space<vmem>>
      %dma_start3A_319 = arith.constant 0 : i32
      %dma_start3A_320 = arith.constant 0 : i32
      %dma_start3A_321 = tpu.memref_slice %arg10[%dma_start3A_319, %dma_start3A_320] : memref<10240x128xf32, #tpu.memory_space<vmem_shared>> -> memref<10240x128xf32, #tpu.memory_space<vmem_shared>>
      tpu.enqueue_indirect_dma source(%arg8 : memref<128x128xf32, #tpu.memory_space<vmem>>) target(%dma_start3A_321 : memref<10240x128xf32, #tpu.memory_space<vmem_shared>>) offsets(%dma_start3A_318 : memref<128xi32, #tpu.memory_space<vmem>>) semaphore(%arg12 : memref<!tpu.dma_semaphore, #tpu.memory_space<semaphore_mem>>) {add = true}
    }
    %scan3A_92 = arith.constant 19 : i32
    %dma_wait3A_93 = arith.constant 0 : i32
    %dma_wait3A_94 = arith.constant 0 : i32
    %dma_wait3A_95 = tpu.memref_slice %arg7[%dma_wait3A_93, %dma_wait3A_94] : memref<2x128xi32, #tpu.memory_space<vmem>> -> memref<1x128xi32, #tpu.memory_space<vmem>>
    %dma_wait3A_96 = tpu.memref_squeeze %dma_wait3A_95 : memref<1x128xi32, #tpu.memory_space<vmem>> -> memref<128xi32, #tpu.memory_space<vmem>>
    %dma_wait3A_97 = arith.constant 0 : i32
    %dma_wait3A_98 = arith.constant 0 : i32
    %dma_wait3A_99 = tpu.memref_slice %arg10[%dma_wait3A_97, %dma_wait3A_98] : memref<10240x128xf32, #tpu.memory_space<vmem_shared>> -> memref<10240x128xf32, #tpu.memory_space<vmem_shared>>
    tpu.wait_indirect_dma semaphore(%arg12 : memref<!tpu.dma_semaphore, #tpu.memory_space<semaphore_mem>>) src(%arg8 : memref<128x128xf32, #tpu.memory_space<vmem>>) dst(%dma_wait3A_99 : memref<10240x128xf32, #tpu.memory_space<vmem_shared>>)
    %dma_wait3A_100 = arith.constant 1 : i32
    %dma_wait3A_101 = arith.constant 0 : i32
    %dma_wait3A_102 = tpu.memref_slice %arg6[%dma_wait3A_100, %dma_wait3A_101] : memref<2x128xi32, #tpu.memory_space<vmem>> -> memref<1x128xi32, #tpu.memory_space<vmem>>
    %dma_wait3A_103 = tpu.memref_squeeze %dma_wait3A_102 : memref<1x128xi32, #tpu.memory_space<vmem>> -> memref<128xi32, #tpu.memory_space<vmem>>
    %dma_wait3A_104 = arith.constant 0 : i32
    %dma_wait3A_105 = arith.constant 0 : i32
    %dma_wait3A_106 = tpu.memref_slice %arg2[%dma_wait3A_104, %dma_wait3A_105] : memref<20480x128xf32, #tpu.memory_space<hbm>> -> memref<20480x128xf32, #tpu.memory_space<hbm>>
    tpu.wait_indirect_dma semaphore(%arg11 : memref<!tpu.dma_semaphore, #tpu.memory_space<semaphore_mem>>) src(%dma_wait3A_106 : memref<20480x128xf32, #tpu.memory_space<hbm>>) dst(%arg9 : memref<128x128xf32, #tpu.memory_space<vmem>>)
    %add3A_107 = arith.constant 40 : i32
    %add3A_108 = arith.addi %mul3A_4, %add3A_107 : i32
    %sub3A = arith.constant 1 : i32
    %sub3A_109 = arith.subi %add3A_108, %sub3A : i32
    %dma_wait3A_110 = arith.constant 1 : i32
    %dma_wait3A_111 = arith.constant 0 : i32
    %dma_wait3A_112 = tpu.memref_slice %arg7[%dma_wait3A_110, %dma_wait3A_111] : memref<2x128xi32, #tpu.memory_space<vmem>> -> memref<1x128xi32, #tpu.memory_space<vmem>>
    %dma_wait3A_113 = tpu.memref_squeeze %dma_wait3A_112 : memref<1x128xi32, #tpu.memory_space<vmem>> -> memref<128xi32, #tpu.memory_space<vmem>>
    %dma_wait3A_114 = arith.constant 0 : i32
    %dma_wait3A_115 = tpu.memref_slice %arg4[%sub3A_109, %dma_wait3A_114] : memref<1280x128xi32, #tpu.memory_space<hbm>> -> memref<1x128xi32, #tpu.memory_space<hbm>>
    %dma_wait3A_116 = tpu.memref_squeeze %dma_wait3A_115 : memref<1x128xi32, #tpu.memory_space<hbm>> -> memref<128xi32, #tpu.memory_space<hbm>>
    %dma_wait3A_117 = arith.constant 0 : i32
    %dma_wait3A_118 = tpu.memref_slice %arg7[%dma_wait3A_110, %dma_wait3A_117] : memref<2x128xi32, #tpu.memory_space<vmem>> -> memref<1x128xi32, #tpu.memory_space<vmem>>
    %dma_wait3A_119 = tpu.memref_squeeze %dma_wait3A_118 : memref<1x128xi32, #tpu.memory_space<vmem>> -> memref<128xi32, #tpu.memory_space<vmem>>
    %dma_wait3A_120 = arith.constant 0 : i32
    %dma_wait3A_121 = tpu.memref_slice %arg4[%sub3A_109, %dma_wait3A_120] : memref<1280x128xi32, #tpu.memory_space<hbm>> -> memref<1x128xi32, #tpu.memory_space<hbm>>
    %dma_wait3A_122 = tpu.memref_squeeze %dma_wait3A_121 : memref<1x128xi32, #tpu.memory_space<hbm>> -> memref<128xi32, #tpu.memory_space<hbm>>
    tpu.wait_dma2 semaphore(%arg15 : memref<!tpu.dma_semaphore, #tpu.memory_space<semaphore_mem>>) src(%dma_wait3A_122 : memref<128xi32, #tpu.memory_space<hbm>>) dst(%dma_wait3A_119 : memref<128xi32, #tpu.memory_space<vmem>>)
    %dma_start3A_123 = arith.constant 1 : i32
    %dma_start3A_124 = arith.constant 0 : i32
    %dma_start3A_125 = tpu.memref_slice %arg7[%dma_start3A_123, %dma_start3A_124] : memref<2x128xi32, #tpu.memory_space<vmem>> -> memref<1x128xi32, #tpu.memory_space<vmem>>
    %dma_start3A_126 = tpu.memref_squeeze %dma_start3A_125 : memref<1x128xi32, #tpu.memory_space<vmem>> -> memref<128xi32, #tpu.memory_space<vmem>>
    %dma_start3A_127 = arith.constant 0 : i32
    %dma_start3A_128 = arith.constant 0 : i32
    %dma_start3A_129 = tpu.memref_slice %arg10[%dma_start3A_127, %dma_start3A_128] : memref<10240x128xf32, #tpu.memory_space<vmem_shared>> -> memref<10240x128xf32, #tpu.memory_space<vmem_shared>>
    tpu.enqueue_indirect_dma source(%arg9 : memref<128x128xf32, #tpu.memory_space<vmem>>) target(%dma_start3A_129 : memref<10240x128xf32, #tpu.memory_space<vmem_shared>>) offsets(%dma_start3A_126 : memref<128xi32, #tpu.memory_space<vmem>>) semaphore(%arg12 : memref<!tpu.dma_semaphore, #tpu.memory_space<semaphore_mem>>) {add = true}
    %dma_wait3A_130 = arith.constant 1 : i32
    %dma_wait3A_131 = arith.constant 0 : i32
    %dma_wait3A_132 = tpu.memref_slice %arg7[%dma_wait3A_130, %dma_wait3A_131] : memref<2x128xi32, #tpu.memory_space<vmem>> -> memref<1x128xi32, #tpu.memory_space<vmem>>
    %dma_wait3A_133 = tpu.memref_squeeze %dma_wait3A_132 : memref<1x128xi32, #tpu.memory_space<vmem>> -> memref<128xi32, #tpu.memory_space<vmem>>
    %dma_wait3A_134 = arith.constant 0 : i32
    %dma_wait3A_135 = arith.constant 0 : i32
    %dma_wait3A_136 = tpu.memref_slice %arg10[%dma_wait3A_134, %dma_wait3A_135] : memref<10240x128xf32, #tpu.memory_space<vmem_shared>> -> memref<10240x128xf32, #tpu.memory_space<vmem_shared>>
    tpu.wait_indirect_dma semaphore(%arg12 : memref<!tpu.dma_semaphore, #tpu.memory_space<semaphore_mem>>) src(%arg9 : memref<128x128xf32, #tpu.memory_space<vmem>>) dst(%dma_wait3A_136 : memref<10240x128xf32, #tpu.memory_space<vmem_shared>>)
    %barrier3A_137 = arith.constant 0 : index
    tpu.barrier barrier_id(%barrier3A_137)
    %mul3A_138 = arith.constant 10240 : i32
    %mul3A_139 = arith.muli %arg0, %mul3A_138 : i32
    %add3A_140 = arith.addi %mul3A_139, %mul3A_0 : i32
    "tpu.region"() ({
      %run_scoped3A_141 = tpu.sem_alloc : memref<!tpu.dma_semaphore, #tpu.memory_space<semaphore_mem>>
      %dma_start3A_142 = arith.constant 0 : i32
      %dma_start3A_143 = tpu.memref_slice %arg5[%add3A_140, %dma_start3A_142] : memref<20480x128xf32, #tpu.memory_space<hbm>> -> memref<640x128xf32, #tpu.memory_space<hbm>>
      %dma_start3A_144 = arith.constant 0 : i32
      %dma_start3A_145 = tpu.memref_slice %arg10[%mul3A_0, %dma_start3A_144] : memref<10240x128xf32, #tpu.memory_space<vmem_shared>> -> memref<640x128xf32, #tpu.memory_space<vmem_shared>>
      tpu.enqueue_dma source(%dma_start3A_145 : memref<640x128xf32, #tpu.memory_space<vmem_shared>>) target(%dma_start3A_143 : memref<640x128xf32, #tpu.memory_space<hbm>>) target_semaphore(%run_scoped3A_141 : memref<!tpu.dma_semaphore, #tpu.memory_space<semaphore_mem>>)
      %dma_wait3A_146 = arith.constant 0 : i32
      %dma_wait3A_147 = tpu.memref_slice %arg5[%add3A_140, %dma_wait3A_146] : memref<20480x128xf32, #tpu.memory_space<hbm>> -> memref<640x128xf32, #tpu.memory_space<hbm>>
      %dma_wait3A_148 = arith.constant 0 : i32
      %dma_wait3A_149 = tpu.memref_slice %arg10[%mul3A_0, %dma_wait3A_148] : memref<10240x128xf32, #tpu.memory_space<vmem_shared>> -> memref<640x128xf32, #tpu.memory_space<vmem_shared>>
      tpu.wait_dma2 semaphore(%run_scoped3A_141 : memref<!tpu.dma_semaphore, #tpu.memory_space<semaphore_mem>>) src(%dma_wait3A_149 : memref<640x128xf32, #tpu.memory_space<vmem_shared>>) dst(%dma_wait3A_147 : memref<640x128xf32, #tpu.memory_space<hbm>>)
      tpu.yield
    }) : () -> ()
    return
  }
}

#map = affine_map<(d0, d1) -> (0, 0)>
module attributes {stable_mosaic.version = 14 : i64} {
  func.func @agg(%arg0: i32, %arg1: i32, %arg2: memref<20480x128xf32, #tpu.memory_space<hbm>>, %arg3: memref<1280x128xi32, #tpu.memory_space<hbm>>, %arg4: memref<1280x128xi32, #tpu.memory_space<hbm>>, %arg5: memref<20480x128xf32, #tpu.memory_space<hbm>>, %arg6: memref<2x128xi32, #tpu.memory_space<vmem>>, %arg7: memref<2x128xi32, #tpu.memory_space<vmem>>, %arg8: memref<128x128xf32, #tpu.memory_space<vmem>>, %arg9: memref<128x128xf32, #tpu.memory_space<vmem>>, %arg10: memref<10240x128xf32, #tpu.memory_space<vmem_shared>>, %arg11: memref<!tpu.dma_semaphore, #tpu.memory_space<semaphore_mem>>, %arg12: memref<!tpu.dma_semaphore, #tpu.memory_space<semaphore_mem>>, %arg13: memref<!tpu.dma_semaphore, #tpu.memory_space<semaphore_mem>>, %arg14: memref<!tpu.dma_semaphore, #tpu.memory_space<semaphore_mem>>, %arg15: memref<!tpu.dma_semaphore, #tpu.memory_space<semaphore_mem>>) attributes {dimension_semantics = [#tpu.dimension_semantics<core_parallel>, #tpu.dimension_semantics<subcore_parallel>], iteration_bounds = array<i64: 2, 16>, scalar_prefetch = 0 : i64, scratch_operands = 10 : i64, tpu.core_type = #tpu.core_type<sc_vector_subcore>, window_params = [{transform_indices = #map}, {transform_indices = #map}, {transform_indices = #map}, {transform_indices = #map}]} {
    %mul3A = arith.constant 640 : i32
    %mul3A_0 = arith.muli %arg1, %mul3A : i32
    %mul3A_1 = arith.constant 80 : i32
    %mul3A_2 = arith.muli %arg1, %mul3A_1 : i32
    %mul3A_3 = arith.constant 10240 : i32
    %mul3A_4 = arith.muli %arg0, %mul3A_3 : i32
    %mul3A_5 = arith.constant 10240 : i32
    %mul3A_6 = arith.muli %arg0, %mul3A_5 : i32
    %add3A = arith.addi %mul3A_6, %mul3A_0 : i32
    %dma_start3A = arith.constant 0 : i32
    %dma_start3A_7 = tpu.memref_slice %arg10[%mul3A_0, %dma_start3A] : memref<10240x128xf32, #tpu.memory_space<vmem_shared>> -> memref<640x128xf32, #tpu.memory_space<vmem_shared>>
    %dma_start3A_8 = arith.constant 0 : i32
    %dma_start3A_9 = tpu.memref_slice %arg2[%add3A, %dma_start3A_8] : memref<20480x128xf32, #tpu.memory_space<hbm>> -> memref<640x128xf32, #tpu.memory_space<hbm>>
    tpu.enqueue_dma source(%dma_start3A_9 : memref<640x128xf32, #tpu.memory_space<hbm>>) target(%dma_start3A_7 : memref<640x128xf32, #tpu.memory_space<vmem_shared>>) target_semaphore(%arg13 : memref<!tpu.dma_semaphore, #tpu.memory_space<semaphore_mem>>)
    %run_scoped3A = arith.constant 0 : i32
    "tpu.region"() ({
      %run_scoped3A_344 = tpu.sem_alloc : memref<!tpu.dma_semaphore, #tpu.memory_space<semaphore_mem>>
      %dma_start3A_345 = arith.constant 0 : i32
      %dma_start3A_346 = tpu.memref_slice %arg6[%run_scoped3A, %dma_start3A_345] : memref<2x128xi32, #tpu.memory_space<vmem>> -> memref<1x128xi32, #tpu.memory_space<vmem>>
      %dma_start3A_347 = tpu.memref_squeeze %dma_start3A_346 : memref<1x128xi32, #tpu.memory_space<vmem>> -> memref<128xi32, #tpu.memory_space<vmem>>
      %dma_start3A_348 = arith.constant 0 : i32
      %dma_start3A_349 = tpu.memref_slice %arg3[%mul3A_2, %dma_start3A_348] : memref<1280x128xi32, #tpu.memory_space<hbm>> -> memref<1x128xi32, #tpu.memory_space<hbm>>
      %dma_start3A_350 = tpu.memref_squeeze %dma_start3A_349 : memref<1x128xi32, #tpu.memory_space<hbm>> -> memref<128xi32, #tpu.memory_space<hbm>>
      %dma_start3A_351 = arith.constant 0 : i32
      %dma_start3A_352 = tpu.memref_slice %arg6[%run_scoped3A, %dma_start3A_351] : memref<2x128xi32, #tpu.memory_space<vmem>> -> memref<1x128xi32, #tpu.memory_space<vmem>>
      %dma_start3A_353 = tpu.memref_squeeze %dma_start3A_352 : memref<1x128xi32, #tpu.memory_space<vmem>> -> memref<128xi32, #tpu.memory_space<vmem>>
      %dma_start3A_354 = arith.constant 0 : i32
      %dma_start3A_355 = tpu.memref_slice %arg3[%mul3A_2, %dma_start3A_354] : memref<1280x128xi32, #tpu.memory_space<hbm>> -> memref<1x128xi32, #tpu.memory_space<hbm>>
      %dma_start3A_356 = tpu.memref_squeeze %dma_start3A_355 : memref<1x128xi32, #tpu.memory_space<hbm>> -> memref<128xi32, #tpu.memory_space<hbm>>
      tpu.enqueue_dma source(%dma_start3A_356 : memref<128xi32, #tpu.memory_space<hbm>>) target(%dma_start3A_353 : memref<128xi32, #tpu.memory_space<vmem>>) target_semaphore(%run_scoped3A_344 : memref<!tpu.dma_semaphore, #tpu.memory_space<semaphore_mem>>)
      %dma_wait3A_357 = arith.constant 0 : i32
      %dma_wait3A_358 = tpu.memref_slice %arg6[%run_scoped3A, %dma_wait3A_357] : memref<2x128xi32, #tpu.memory_space<vmem>> -> memref<1x128xi32, #tpu.memory_space<vmem>>
      %dma_wait3A_359 = tpu.memref_squeeze %dma_wait3A_358 : memref<1x128xi32, #tpu.memory_space<vmem>> -> memref<128xi32, #tpu.memory_space<vmem>>
      %dma_wait3A_360 = arith.constant 0 : i32
      %dma_wait3A_361 = tpu.memref_slice %arg3[%mul3A_2, %dma_wait3A_360] : memref<1280x128xi32, #tpu.memory_space<hbm>> -> memref<1x128xi32, #tpu.memory_space<hbm>>
      %dma_wait3A_362 = tpu.memref_squeeze %dma_wait3A_361 : memref<1x128xi32, #tpu.memory_space<hbm>> -> memref<128xi32, #tpu.memory_space<hbm>>
      %dma_wait3A_363 = arith.constant 0 : i32
      %dma_wait3A_364 = tpu.memref_slice %arg6[%run_scoped3A, %dma_wait3A_363] : memref<2x128xi32, #tpu.memory_space<vmem>> -> memref<1x128xi32, #tpu.memory_space<vmem>>
      %dma_wait3A_365 = tpu.memref_squeeze %dma_wait3A_364 : memref<1x128xi32, #tpu.memory_space<vmem>> -> memref<128xi32, #tpu.memory_space<vmem>>
      %dma_wait3A_366 = arith.constant 0 : i32
      %dma_wait3A_367 = tpu.memref_slice %arg3[%mul3A_2, %dma_wait3A_366] : memref<1280x128xi32, #tpu.memory_space<hbm>> -> memref<1x128xi32, #tpu.memory_space<hbm>>
      %dma_wait3A_368 = tpu.memref_squeeze %dma_wait3A_367 : memref<1x128xi32, #tpu.memory_space<hbm>> -> memref<128xi32, #tpu.memory_space<hbm>>
      tpu.wait_dma2 semaphore(%run_scoped3A_344 : memref<!tpu.dma_semaphore, #tpu.memory_space<semaphore_mem>>) src(%dma_wait3A_368 : memref<128xi32, #tpu.memory_space<hbm>>) dst(%dma_wait3A_365 : memref<128xi32, #tpu.memory_space<vmem>>)
      tpu.yield
    }) : () -> ()
    %run_scoped3A_10 = arith.constant 0 : i32
    "tpu.region"() ({
      %run_scoped3A_344 = tpu.sem_alloc : memref<!tpu.dma_semaphore, #tpu.memory_space<semaphore_mem>>
      %dma_start3A_345 = arith.constant 0 : i32
      %dma_start3A_346 = tpu.memref_slice %arg7[%run_scoped3A_10, %dma_start3A_345] : memref<2x128xi32, #tpu.memory_space<vmem>> -> memref<1x128xi32, #tpu.memory_space<vmem>>
      %dma_start3A_347 = tpu.memref_squeeze %dma_start3A_346 : memref<1x128xi32, #tpu.memory_space<vmem>> -> memref<128xi32, #tpu.memory_space<vmem>>
      %dma_start3A_348 = arith.constant 0 : i32
      %dma_start3A_349 = tpu.memref_slice %arg4[%mul3A_2, %dma_start3A_348] : memref<1280x128xi32, #tpu.memory_space<hbm>> -> memref<1x128xi32, #tpu.memory_space<hbm>>
      %dma_start3A_350 = tpu.memref_squeeze %dma_start3A_349 : memref<1x128xi32, #tpu.memory_space<hbm>> -> memref<128xi32, #tpu.memory_space<hbm>>
      %dma_start3A_351 = arith.constant 0 : i32
      %dma_start3A_352 = tpu.memref_slice %arg7[%run_scoped3A_10, %dma_start3A_351] : memref<2x128xi32, #tpu.memory_space<vmem>> -> memref<1x128xi32, #tpu.memory_space<vmem>>
      %dma_start3A_353 = tpu.memref_squeeze %dma_start3A_352 : memref<1x128xi32, #tpu.memory_space<vmem>> -> memref<128xi32, #tpu.memory_space<vmem>>
      %dma_start3A_354 = arith.constant 0 : i32
      %dma_start3A_355 = tpu.memref_slice %arg4[%mul3A_2, %dma_start3A_354] : memref<1280x128xi32, #tpu.memory_space<hbm>> -> memref<1x128xi32, #tpu.memory_space<hbm>>
      %dma_start3A_356 = tpu.memref_squeeze %dma_start3A_355 : memref<1x128xi32, #tpu.memory_space<hbm>> -> memref<128xi32, #tpu.memory_space<hbm>>
      tpu.enqueue_dma source(%dma_start3A_356 : memref<128xi32, #tpu.memory_space<hbm>>) target(%dma_start3A_353 : memref<128xi32, #tpu.memory_space<vmem>>) target_semaphore(%run_scoped3A_344 : memref<!tpu.dma_semaphore, #tpu.memory_space<semaphore_mem>>)
      %dma_wait3A_357 = arith.constant 0 : i32
      %dma_wait3A_358 = tpu.memref_slice %arg7[%run_scoped3A_10, %dma_wait3A_357] : memref<2x128xi32, #tpu.memory_space<vmem>> -> memref<1x128xi32, #tpu.memory_space<vmem>>
      %dma_wait3A_359 = tpu.memref_squeeze %dma_wait3A_358 : memref<1x128xi32, #tpu.memory_space<vmem>> -> memref<128xi32, #tpu.memory_space<vmem>>
      %dma_wait3A_360 = arith.constant 0 : i32
      %dma_wait3A_361 = tpu.memref_slice %arg4[%mul3A_2, %dma_wait3A_360] : memref<1280x128xi32, #tpu.memory_space<hbm>> -> memref<1x128xi32, #tpu.memory_space<hbm>>
      %dma_wait3A_362 = tpu.memref_squeeze %dma_wait3A_361 : memref<1x128xi32, #tpu.memory_space<hbm>> -> memref<128xi32, #tpu.memory_space<hbm>>
      %dma_wait3A_363 = arith.constant 0 : i32
      %dma_wait3A_364 = tpu.memref_slice %arg7[%run_scoped3A_10, %dma_wait3A_363] : memref<2x128xi32, #tpu.memory_space<vmem>> -> memref<1x128xi32, #tpu.memory_space<vmem>>
      %dma_wait3A_365 = tpu.memref_squeeze %dma_wait3A_364 : memref<1x128xi32, #tpu.memory_space<vmem>> -> memref<128xi32, #tpu.memory_space<vmem>>
      %dma_wait3A_366 = arith.constant 0 : i32
      %dma_wait3A_367 = tpu.memref_slice %arg4[%mul3A_2, %dma_wait3A_366] : memref<1280x128xi32, #tpu.memory_space<hbm>> -> memref<1x128xi32, #tpu.memory_space<hbm>>
      %dma_wait3A_368 = tpu.memref_squeeze %dma_wait3A_367 : memref<1x128xi32, #tpu.memory_space<hbm>> -> memref<128xi32, #tpu.memory_space<hbm>>
      tpu.wait_dma2 semaphore(%run_scoped3A_344 : memref<!tpu.dma_semaphore, #tpu.memory_space<semaphore_mem>>) src(%dma_wait3A_368 : memref<128xi32, #tpu.memory_space<hbm>>) dst(%dma_wait3A_365 : memref<128xi32, #tpu.memory_space<vmem>>)
      tpu.yield
    }) : () -> ()
    %get3A = arith.constant 0 : i32
    %get3A_11 = arith.index_cast %get3A : i32 to index
    %get3A_12 = arith.constant 0 : index
    %get3A_13 = tpu.vector_load %arg6[%get3A_11, %get3A_12] {strides = array<i32>} : memref<2x128xi32, #tpu.memory_space<vmem>>, vector<1x16xi32>,
    %get3A_14 = vector.shape_cast %get3A_13 : vector<1x16xi32> to vector<16xi32>
    %add3A_15 = vector.broadcast %mul3A_4 : i32 to vector<16xi32>
    %add3A_16 = arith.addi %get3A_14, %add3A_15 : vector<16xi32>
    %swap3A = arith.constant 0 : i32
    %swap3A_17 = arith.index_cast %swap3A : i32 to index
    %swap3A_18 = arith.constant 0 : index
    %swap3A_19 = tpu.vector_load %arg6[%swap3A_17, %swap3A_18] {strides = array<i32>} : memref<2x128xi32, #tpu.memory_space<vmem>>, vector<1x16xi32>,
    %swap3A_20 = vector.shape_cast %swap3A_19 : vector<1x16xi32> to vector<16xi32>
    %swap3A_21 = vector.shape_cast %add3A_16 : vector<16xi32> to vector<1x16xi32>
    tpu.vector_store %arg6[%swap3A_17, %swap3A_18], %swap3A_21 {strides = array<i32>} : memref<2x128xi32, #tpu.memory_space<vmem>>, vector<1x16xi32>,
    %get3A_22 = arith.constant 0 : i32
    %get3A_23 = arith.index_cast %get3A_22 : i32 to index
    %get3A_24 = arith.constant 16 : index
    %get3A_25 = tpu.vector_load %arg6[%get3A_23, %get3A_24] {strides = array<i32>} : memref<2x128xi32, #tpu.memory_space<vmem>>, vector<1x16xi32>,
    %get3A_26 = vector.shape_cast %get3A_25 : vector<1x16xi32> to vector<16xi32>
    %add3A_27 = vector.broadcast %mul3A_4 : i32 to vector<16xi32>
    %add3A_28 = arith.addi %get3A_26, %add3A_27 : vector<16xi32>
    %swap3A_29 = arith.constant 0 : i32
    %swap3A_30 = arith.index_cast %swap3A_29 : i32 to index
    %swap3A_31 = arith.constant 16 : index
    %swap3A_32 = tpu.vector_load %arg6[%swap3A_30, %swap3A_31] {strides = array<i32>} : memref<2x128xi32, #tpu.memory_space<vmem>>, vector<1x16xi32>,
    %swap3A_33 = vector.shape_cast %swap3A_32 : vector<1x16xi32> to vector<16xi32>
    %swap3A_34 = vector.shape_cast %add3A_28 : vector<16xi32> to vector<1x16xi32>
    tpu.vector_store %arg6[%swap3A_30, %swap3A_31], %swap3A_34 {strides = array<i32>} : memref<2x128xi32, #tpu.memory_space<vmem>>, vector<1x16xi32>,
    %get3A_35 = arith.constant 0 : i32
    %get3A_36 = arith.index_cast %get3A_35 : i32 to index
    %get3A_37 = arith.constant 32 : index
    %get3A_38 = tpu.vector_load %arg6[%get3A_36, %get3A_37] {strides = array<i32>} : memref<2x128xi32, #tpu.memory_space<vmem>>, vector<1x16xi32>,
    %get3A_39 = vector.shape_cast %get3A_38 : vector<1x16xi32> to vector<16xi32>
    %add3A_40 = vector.broadcast %mul3A_4 : i32 to vector<16xi32>
    %add3A_41 = arith.addi %get3A_39, %add3A_40 : vector<16xi32>
    %swap3A_42 = arith.constant 0 : i32
    %swap3A_43 = arith.index_cast %swap3A_42 : i32 to index
    %swap3A_44 = arith.constant 32 : index
    %swap3A_45 = tpu.vector_load %arg6[%swap3A_43, %swap3A_44] {strides = array<i32>} : memref<2x128xi32, #tpu.memory_space<vmem>>, vector<1x16xi32>,
    %swap3A_46 = vector.shape_cast %swap3A_45 : vector<1x16xi32> to vector<16xi32>
    %swap3A_47 = vector.shape_cast %add3A_41 : vector<16xi32> to vector<1x16xi32>
    tpu.vector_store %arg6[%swap3A_43, %swap3A_44], %swap3A_47 {strides = array<i32>} : memref<2x128xi32, #tpu.memory_space<vmem>>, vector<1x16xi32>,
    %get3A_48 = arith.constant 0 : i32
    %get3A_49 = arith.index_cast %get3A_48 : i32 to index
    %get3A_50 = arith.constant 48 : index
    %get3A_51 = tpu.vector_load %arg6[%get3A_49, %get3A_50] {strides = array<i32>} : memref<2x128xi32, #tpu.memory_space<vmem>>, vector<1x16xi32>,
    %get3A_52 = vector.shape_cast %get3A_51 : vector<1x16xi32> to vector<16xi32>
    %add3A_53 = vector.broadcast %mul3A_4 : i32 to vector<16xi32>
    %add3A_54 = arith.addi %get3A_52, %add3A_53 : vector<16xi32>
    %swap3A_55 = arith.constant 0 : i32
    %swap3A_56 = arith.index_cast %swap3A_55 : i32 to index
    %swap3A_57 = arith.constant 48 : index
    %swap3A_58 = tpu.vector_load %arg6[%swap3A_56, %swap3A_57] {strides = array<i32>} : memref<2x128xi32, #tpu.memory_space<vmem>>, vector<1x16xi32>,
    %swap3A_59 = vector.shape_cast %swap3A_58 : vector<1x16xi32> to vector<16xi32>
    %swap3A_60 = vector.shape_cast %add3A_54 : vector<16xi32> to vector<1x16xi32>
    tpu.vector_store %arg6[%swap3A_56, %swap3A_57], %swap3A_60 {strides = array<i32>} : memref<2x128xi32, #tpu.memory_space<vmem>>, vector<1x16xi32>,
    %get3A_61 = arith.constant 0 : i32
    %get3A_62 = arith.index_cast %get3A_61 : i32 to index
    %get3A_63 = arith.constant 64 : index
    %get3A_64 = tpu.vector_load %arg6[%get3A_62, %get3A_63] {strides = array<i32>} : memref<2x128xi32, #tpu.memory_space<vmem>>, vector<1x16xi32>,
    %get3A_65 = vector.shape_cast %get3A_64 : vector<1x16xi32> to vector<16xi32>
    %add3A_66 = vector.broadcast %mul3A_4 : i32 to vector<16xi32>
    %add3A_67 = arith.addi %get3A_65, %add3A_66 : vector<16xi32>
    %swap3A_68 = arith.constant 0 : i32
    %swap3A_69 = arith.index_cast %swap3A_68 : i32 to index
    %swap3A_70 = arith.constant 64 : index
    %swap3A_71 = tpu.vector_load %arg6[%swap3A_69, %swap3A_70] {strides = array<i32>} : memref<2x128xi32, #tpu.memory_space<vmem>>, vector<1x16xi32>,
    %swap3A_72 = vector.shape_cast %swap3A_71 : vector<1x16xi32> to vector<16xi32>
    %swap3A_73 = vector.shape_cast %add3A_67 : vector<16xi32> to vector<1x16xi32>
    tpu.vector_store %arg6[%swap3A_69, %swap3A_70], %swap3A_73 {strides = array<i32>} : memref<2x128xi32, #tpu.memory_space<vmem>>, vector<1x16xi32>,
    %get3A_74 = arith.constant 0 : i32
    %get3A_75 = arith.index_cast %get3A_74 : i32 to index
    %get3A_76 = arith.constant 80 : index
    %get3A_77 = tpu.vector_load %arg6[%get3A_75, %get3A_76] {strides = array<i32>} : memref<2x128xi32, #tpu.memory_space<vmem>>, vector<1x16xi32>,
    %get3A_78 = vector.shape_cast %get3A_77 : vector<1x16xi32> to vector<16xi32>
    %add3A_79 = vector.broadcast %mul3A_4 : i32 to vector<16xi32>
    %add3A_80 = arith.addi %get3A_78, %add3A_79 : vector<16xi32>
    %swap3A_81 = arith.constant 0 : i32
    %swap3A_82 = arith.index_cast %swap3A_81 : i32 to index
    %swap3A_83 = arith.constant 80 : index
    %swap3A_84 = tpu.vector_load %arg6[%swap3A_82, %swap3A_83] {strides = array<i32>} : memref<2x128xi32, #tpu.memory_space<vmem>>, vector<1x16xi32>,
    %swap3A_85 = vector.shape_cast %swap3A_84 : vector<1x16xi32> to vector<16xi32>
    %swap3A_86 = vector.shape_cast %add3A_80 : vector<16xi32> to vector<1x16xi32>
    tpu.vector_store %arg6[%swap3A_82, %swap3A_83], %swap3A_86 {strides = array<i32>} : memref<2x128xi32, #tpu.memory_space<vmem>>, vector<1x16xi32>,
    %get3A_87 = arith.constant 0 : i32
    %get3A_88 = arith.index_cast %get3A_87 : i32 to index
    %get3A_89 = arith.constant 96 : index
    %get3A_90 = tpu.vector_load %arg6[%get3A_88, %get3A_89] {strides = array<i32>} : memref<2x128xi32, #tpu.memory_space<vmem>>, vector<1x16xi32>,
    %get3A_91 = vector.shape_cast %get3A_90 : vector<1x16xi32> to vector<16xi32>
    %add3A_92 = vector.broadcast %mul3A_4 : i32 to vector<16xi32>
    %add3A_93 = arith.addi %get3A_91, %add3A_92 : vector<16xi32>
    %swap3A_94 = arith.constant 0 : i32
    %swap3A_95 = arith.index_cast %swap3A_94 : i32 to index
    %swap3A_96 = arith.constant 96 : index
    %swap3A_97 = tpu.vector_load %arg6[%swap3A_95, %swap3A_96] {strides = array<i32>} : memref<2x128xi32, #tpu.memory_space<vmem>>, vector<1x16xi32>,
    %swap3A_98 = vector.shape_cast %swap3A_97 : vector<1x16xi32> to vector<16xi32>
    %swap3A_99 = vector.shape_cast %add3A_93 : vector<16xi32> to vector<1x16xi32>
    tpu.vector_store %arg6[%swap3A_95, %swap3A_96], %swap3A_99 {strides = array<i32>} : memref<2x128xi32, #tpu.memory_space<vmem>>, vector<1x16xi32>,
    %get3A_100 = arith.constant 0 : i32
    %get3A_101 = arith.index_cast %get3A_100 : i32 to index
    %get3A_102 = arith.constant 112 : index
    %get3A_103 = tpu.vector_load %arg6[%get3A_101, %get3A_102] {strides = array<i32>} : memref<2x128xi32, #tpu.memory_space<vmem>>, vector<1x16xi32>,
    %get3A_104 = vector.shape_cast %get3A_103 : vector<1x16xi32> to vector<16xi32>
    %add3A_105 = vector.broadcast %mul3A_4 : i32 to vector<16xi32>
    %add3A_106 = arith.addi %get3A_104, %add3A_105 : vector<16xi32>
    %swap3A_107 = arith.constant 0 : i32
    %swap3A_108 = arith.index_cast %swap3A_107 : i32 to index
    %swap3A_109 = arith.constant 112 : index
    %swap3A_110 = tpu.vector_load %arg6[%swap3A_108, %swap3A_109] {strides = array<i32>} : memref<2x128xi32, #tpu.memory_space<vmem>>, vector<1x16xi32>,
    %swap3A_111 = vector.shape_cast %swap3A_110 : vector<1x16xi32> to vector<16xi32>
    %swap3A_112 = vector.shape_cast %add3A_106 : vector<16xi32> to vector<1x16xi32>
    tpu.vector_store %arg6[%swap3A_108, %swap3A_109], %swap3A_112 {strides = array<i32>} : memref<2x128xi32, #tpu.memory_space<vmem>>, vector<1x16xi32>,
    %dma_wait3A = arith.constant 0 : i32
    %dma_wait3A_113 = tpu.memref_slice %arg10[%mul3A_0, %dma_wait3A] : memref<10240x128xf32, #tpu.memory_space<vmem_shared>> -> memref<640x128xf32, #tpu.memory_space<vmem_shared>>
    %dma_wait3A_114 = arith.constant 0 : i32
    %dma_wait3A_115 = tpu.memref_slice %arg2[%add3A, %dma_wait3A_114] : memref<20480x128xf32, #tpu.memory_space<hbm>> -> memref<640x128xf32, #tpu.memory_space<hbm>>
    tpu.wait_dma2 semaphore(%arg13 : memref<!tpu.dma_semaphore, #tpu.memory_space<semaphore_mem>>) src(%dma_wait3A_115 : memref<640x128xf32, #tpu.memory_space<hbm>>) dst(%dma_wait3A_113 : memref<640x128xf32, #tpu.memory_space<vmem_shared>>)
    %barrier3A = arith.constant 0 : index
    tpu.barrier barrier_id(%barrier3A)
    %dma_start3A_116 = arith.constant 0 : i32
    %dma_start3A_117 = arith.constant 0 : i32
    %dma_start3A_118 = tpu.memref_slice %arg6[%dma_start3A_116, %dma_start3A_117] : memref<2x128xi32, #tpu.memory_space<vmem>> -> memref<1x128xi32, #tpu.memory_space<vmem>>
    %dma_start3A_119 = tpu.memref_squeeze %dma_start3A_118 : memref<1x128xi32, #tpu.memory_space<vmem>> -> memref<128xi32, #tpu.memory_space<vmem>>
    %dma_start3A_120 = arith.constant 0 : i32
    %dma_start3A_121 = arith.constant 0 : i32
    %dma_start3A_122 = tpu.memref_slice %arg2[%dma_start3A_120, %dma_start3A_121] : memref<20480x128xf32, #tpu.memory_space<hbm>> -> memref<20480x128xf32, #tpu.memory_space<hbm>>
    tpu.enqueue_indirect_dma source(%dma_start3A_122 : memref<20480x128xf32, #tpu.memory_space<hbm>>) target(%arg8 : memref<128x128xf32, #tpu.memory_space<vmem>>) offsets(%dma_start3A_119 : memref<128xi32, #tpu.memory_space<vmem>>) semaphore(%arg11 : memref<!tpu.dma_semaphore, #tpu.memory_space<semaphore_mem>>)
    %add3A_123 = arith.constant 1 : i32
    %add3A_124 = arith.addi %mul3A_2, %add3A_123 : i32
    %dma_start3A_125 = arith.constant 1 : i32
    %dma_start3A_126 = arith.constant 0 : i32
    %dma_start3A_127 = tpu.memref_slice %arg6[%dma_start3A_125, %dma_start3A_126] : memref<2x128xi32, #tpu.memory_space<vmem>> -> memref<1x128xi32, #tpu.memory_space<vmem>>
    %dma_start3A_128 = tpu.memref_squeeze %dma_start3A_127 : memref<1x128xi32, #tpu.memory_space<vmem>> -> memref<128xi32, #tpu.memory_space<vmem>>
    %dma_start3A_129 = arith.constant 0 : i32
    %dma_start3A_130 = tpu.memref_slice %arg3[%add3A_124, %dma_start3A_129] : memref<1280x128xi32, #tpu.memory_space<hbm>> -> memref<1x128xi32, #tpu.memory_space<hbm>>
    %dma_start3A_131 = tpu.memref_squeeze %dma_start3A_130 : memref<1x128xi32, #tpu.memory_space<hbm>> -> memref<128xi32, #tpu.memory_space<hbm>>
    %dma_start3A_132 = arith.constant 0 : i32
    %dma_start3A_133 = tpu.memref_slice %arg6[%dma_start3A_125, %dma_start3A_132] : memref<2x128xi32, #tpu.memory_space<vmem>> -> memref<1x128xi32, #tpu.memory_space<vmem>>
    %dma_start3A_134 = tpu.memref_squeeze %dma_start3A_133 : memref<1x128xi32, #tpu.memory_space<vmem>> -> memref<128xi32, #tpu.memory_space<vmem>>
    %dma_start3A_135 = arith.constant 0 : i32
    %dma_start3A_136 = tpu.memref_slice %arg3[%add3A_124, %dma_start3A_135] : memref<1280x128xi32, #tpu.memory_space<hbm>> -> memref<1x128xi32, #tpu.memory_space<hbm>>
    %dma_start3A_137 = tpu.memref_squeeze %dma_start3A_136 : memref<1x128xi32, #tpu.memory_space<hbm>> -> memref<128xi32, #tpu.memory_space<hbm>>
    tpu.enqueue_dma source(%dma_start3A_137 : memref<128xi32, #tpu.memory_space<hbm>>) target(%dma_start3A_134 : memref<128xi32, #tpu.memory_space<vmem>>) target_semaphore(%arg13 : memref<!tpu.dma_semaphore, #tpu.memory_space<semaphore_mem>>)
    %add3A_138 = arith.constant 1 : i32
    %add3A_139 = arith.addi %mul3A_2, %add3A_138 : i32
    %dma_start3A_140 = arith.constant 1 : i32
    %dma_start3A_141 = arith.constant 0 : i32
    %dma_start3A_142 = tpu.memref_slice %arg7[%dma_start3A_140, %dma_start3A_141] : memref<2x128xi32, #tpu.memory_space<vmem>> -> memref<1x128xi32, #tpu.memory_space<vmem>>
    %dma_start3A_143 = tpu.memref_squeeze %dma_start3A_142 : memref<1x128xi32, #tpu.memory_space<vmem>> -> memref<128xi32, #tpu.memory_space<vmem>>
    %dma_start3A_144 = arith.constant 0 : i32
    %dma_start3A_145 = tpu.memref_slice %arg4[%add3A_139, %dma_start3A_144] : memref<1280x128xi32, #tpu.memory_space<hbm>> -> memref<1x128xi32, #tpu.memory_space<hbm>>
    %dma_start3A_146 = tpu.memref_squeeze %dma_start3A_145 : memref<1x128xi32, #tpu.memory_space<hbm>> -> memref<128xi32, #tpu.memory_space<hbm>>
    %dma_start3A_147 = arith.constant 0 : i32
    %dma_start3A_148 = tpu.memref_slice %arg7[%dma_start3A_140, %dma_start3A_147] : memref<2x128xi32, #tpu.memory_space<vmem>> -> memref<1x128xi32, #tpu.memory_space<vmem>>
    %dma_start3A_149 = tpu.memref_squeeze %dma_start3A_148 : memref<1x128xi32, #tpu.memory_space<vmem>> -> memref<128xi32, #tpu.memory_space<vmem>>
    %dma_start3A_150 = arith.constant 0 : i32
    %dma_start3A_151 = tpu.memref_slice %arg4[%add3A_139, %dma_start3A_150] : memref<1280x128xi32, #tpu.memory_space<hbm>> -> memref<1x128xi32, #tpu.memory_space<hbm>>
    %dma_start3A_152 = tpu.memref_squeeze %dma_start3A_151 : memref<1x128xi32, #tpu.memory_space<hbm>> -> memref<128xi32, #tpu.memory_space<hbm>>
    tpu.enqueue_dma source(%dma_start3A_152 : memref<128xi32, #tpu.memory_space<hbm>>) target(%dma_start3A_149 : memref<128xi32, #tpu.memory_space<vmem>>) target_semaphore(%arg15 : memref<!tpu.dma_semaphore, #tpu.memory_space<semaphore_mem>>)
    %dma_wait3A_153 = arith.constant 1 : i32
    %dma_wait3A_154 = arith.constant 0 : i32
    %dma_wait3A_155 = tpu.memref_slice %arg6[%dma_wait3A_153, %dma_wait3A_154] : memref<2x128xi32, #tpu.memory_space<vmem>> -> memref<1x128xi32, #tpu.memory_space<vmem>>
    %dma_wait3A_156 = tpu.memref_squeeze %dma_wait3A_155 : memref<1x128xi32, #tpu.memory_space<vmem>> -> memref<128xi32, #tpu.memory_space<vmem>>
    %dma_wait3A_157 = arith.constant 0 : i32
    %dma_wait3A_158 = tpu.memref_slice %arg3[%add3A_124, %dma_wait3A_157] : memref<1280x128xi32, #tpu.memory_space<hbm>> -> memref<1x128xi32, #tpu.memory_space<hbm>>
    %dma_wait3A_159 = tpu.memref_squeeze %dma_wait3A_158 : memref<1x128xi32, #tpu.memory_space<hbm>> -> memref<128xi32, #tpu.memory_space<hbm>>
    %dma_wait3A_160 = arith.constant 0 : i32
    %dma_wait3A_161 = tpu.memref_slice %arg6[%dma_wait3A_153, %dma_wait3A_160] : memref<2x128xi32, #tpu.memory_space<vmem>> -> memref<1x128xi32, #tpu.memory_space<vmem>>
    %dma_wait3A_162 = tpu.memref_squeeze %dma_wait3A_161 : memref<1x128xi32, #tpu.memory_space<vmem>> -> memref<128xi32, #tpu.memory_space<vmem>>
    %dma_wait3A_163 = arith.constant 0 : i32
    %dma_wait3A_164 = tpu.memref_slice %arg3[%add3A_124, %dma_wait3A_163] : memref<1280x128xi32, #tpu.memory_space<hbm>> -> memref<1x128xi32, #tpu.memory_space<hbm>>
    %dma_wait3A_165 = tpu.memref_squeeze %dma_wait3A_164 : memref<1x128xi32, #tpu.memory_space<hbm>> -> memref<128xi32, #tpu.memory_space<hbm>>
    tpu.wait_dma2 semaphore(%arg13 : memref<!tpu.dma_semaphore, #tpu.memory_space<semaphore_mem>>) src(%dma_wait3A_165 : memref<128xi32, #tpu.memory_space<hbm>>) dst(%dma_wait3A_162 : memref<128xi32, #tpu.memory_space<vmem>>)
    %get3A_166 = arith.constant 1 : i32
    %get3A_167 = arith.index_cast %get3A_166 : i32 to index
    %get3A_168 = arith.constant 0 : index
    %get3A_169 = tpu.vector_load %arg6[%get3A_167, %get3A_168] {strides = array<i32>} : memref<2x128xi32, #tpu.memory_space<vmem>>, vector<1x16xi32>,
    %get3A_170 = vector.shape_cast %get3A_169 : vector<1x16xi32> to vector<16xi32>
    %add3A_171 = vector.broadcast %mul3A_4 : i32 to vector<16xi32>
    %add3A_172 = arith.addi %get3A_170, %add3A_171 : vector<16xi32>
    %swap3A_173 = arith.constant 1 : i32
    %swap3A_174 = arith.index_cast %swap3A_173 : i32 to index
    %swap3A_175 = arith.constant 0 : index
    %swap3A_176 = tpu.vector_load %arg6[%swap3A_174, %swap3A_175] {strides = array<i32>} : memref<2x128xi32, #tpu.memory_space<vmem>>, vector<1x16xi32>,
    %swap3A_177 = vector.shape_cast %swap3A_176 : vector<1x16xi32> to vector<16xi32>
    %swap3A_178 = vector.shape_cast %add3A_172 : vector<16xi32> to vector<1x16xi32>
    tpu.vector_store %arg6[%swap3A_174, %swap3A_175], %swap3A_178 {strides = array<i32>} : memref<2x128xi32, #tpu.memory_space<vmem>>, vector<1x16xi32>,
    %get3A_179 = arith.constant 1 : i32
    %get3A_180 = arith.index_cast %get3A_179 : i32 to index
    %get3A_181 = arith.constant 16 : index
    %get3A_182 = tpu.vector_load %arg6[%get3A_180, %get3A_181] {strides = array<i32>} : memref<2x128xi32, #tpu.memory_space<vmem>>, vector<1x16xi32>,
    %get3A_183 = vector.shape_cast %get3A_182 : vector<1x16xi32> to vector<16xi32>
    %add3A_184 = vector.broadcast %mul3A_4 : i32 to vector<16xi32>
    %add3A_185 = arith.addi %get3A_183, %add3A_184 : vector<16xi32>
    %swap3A_186 = arith.constant 1 : i32
    %swap3A_187 = arith.index_cast %swap3A_186 : i32 to index
    %swap3A_188 = arith.constant 16 : index
    %swap3A_189 = tpu.vector_load %arg6[%swap3A_187, %swap3A_188] {strides = array<i32>} : memref<2x128xi32, #tpu.memory_space<vmem>>, vector<1x16xi32>,
    %swap3A_190 = vector.shape_cast %swap3A_189 : vector<1x16xi32> to vector<16xi32>
    %swap3A_191 = vector.shape_cast %add3A_185 : vector<16xi32> to vector<1x16xi32>
    tpu.vector_store %arg6[%swap3A_187, %swap3A_188], %swap3A_191 {strides = array<i32>} : memref<2x128xi32, #tpu.memory_space<vmem>>, vector<1x16xi32>,
    %get3A_192 = arith.constant 1 : i32
    %get3A_193 = arith.index_cast %get3A_192 : i32 to index
    %get3A_194 = arith.constant 32 : index
    %get3A_195 = tpu.vector_load %arg6[%get3A_193, %get3A_194] {strides = array<i32>} : memref<2x128xi32, #tpu.memory_space<vmem>>, vector<1x16xi32>,
    %get3A_196 = vector.shape_cast %get3A_195 : vector<1x16xi32> to vector<16xi32>
    %add3A_197 = vector.broadcast %mul3A_4 : i32 to vector<16xi32>
    %add3A_198 = arith.addi %get3A_196, %add3A_197 : vector<16xi32>
    %swap3A_199 = arith.constant 1 : i32
    %swap3A_200 = arith.index_cast %swap3A_199 : i32 to index
    %swap3A_201 = arith.constant 32 : index
    %swap3A_202 = tpu.vector_load %arg6[%swap3A_200, %swap3A_201] {strides = array<i32>} : memref<2x128xi32, #tpu.memory_space<vmem>>, vector<1x16xi32>,
    %swap3A_203 = vector.shape_cast %swap3A_202 : vector<1x16xi32> to vector<16xi32>
    %swap3A_204 = vector.shape_cast %add3A_198 : vector<16xi32> to vector<1x16xi32>
    tpu.vector_store %arg6[%swap3A_200, %swap3A_201], %swap3A_204 {strides = array<i32>} : memref<2x128xi32, #tpu.memory_space<vmem>>, vector<1x16xi32>,
    %get3A_205 = arith.constant 1 : i32
    %get3A_206 = arith.index_cast %get3A_205 : i32 to index
    %get3A_207 = arith.constant 48 : index
    %get3A_208 = tpu.vector_load %arg6[%get3A_206, %get3A_207] {strides = array<i32>} : memref<2x128xi32, #tpu.memory_space<vmem>>, vector<1x16xi32>,
    %get3A_209 = vector.shape_cast %get3A_208 : vector<1x16xi32> to vector<16xi32>
    %add3A_210 = vector.broadcast %mul3A_4 : i32 to vector<16xi32>
    %add3A_211 = arith.addi %get3A_209, %add3A_210 : vector<16xi32>
    %swap3A_212 = arith.constant 1 : i32
    %swap3A_213 = arith.index_cast %swap3A_212 : i32 to index
    %swap3A_214 = arith.constant 48 : index
    %swap3A_215 = tpu.vector_load %arg6[%swap3A_213, %swap3A_214] {strides = array<i32>} : memref<2x128xi32, #tpu.memory_space<vmem>>, vector<1x16xi32>,
    %swap3A_216 = vector.shape_cast %swap3A_215 : vector<1x16xi32> to vector<16xi32>
    %swap3A_217 = vector.shape_cast %add3A_211 : vector<16xi32> to vector<1x16xi32>
    tpu.vector_store %arg6[%swap3A_213, %swap3A_214], %swap3A_217 {strides = array<i32>} : memref<2x128xi32, #tpu.memory_space<vmem>>, vector<1x16xi32>,
    %get3A_218 = arith.constant 1 : i32
    %get3A_219 = arith.index_cast %get3A_218 : i32 to index
    %get3A_220 = arith.constant 64 : index
    %get3A_221 = tpu.vector_load %arg6[%get3A_219, %get3A_220] {strides = array<i32>} : memref<2x128xi32, #tpu.memory_space<vmem>>, vector<1x16xi32>,
    %get3A_222 = vector.shape_cast %get3A_221 : vector<1x16xi32> to vector<16xi32>
    %add3A_223 = vector.broadcast %mul3A_4 : i32 to vector<16xi32>
    %add3A_224 = arith.addi %get3A_222, %add3A_223 : vector<16xi32>
    %swap3A_225 = arith.constant 1 : i32
    %swap3A_226 = arith.index_cast %swap3A_225 : i32 to index
    %swap3A_227 = arith.constant 64 : index
    %swap3A_228 = tpu.vector_load %arg6[%swap3A_226, %swap3A_227] {strides = array<i32>} : memref<2x128xi32, #tpu.memory_space<vmem>>, vector<1x16xi32>,
    %swap3A_229 = vector.shape_cast %swap3A_228 : vector<1x16xi32> to vector<16xi32>
    %swap3A_230 = vector.shape_cast %add3A_224 : vector<16xi32> to vector<1x16xi32>
    tpu.vector_store %arg6[%swap3A_226, %swap3A_227], %swap3A_230 {strides = array<i32>} : memref<2x128xi32, #tpu.memory_space<vmem>>, vector<1x16xi32>,
    %get3A_231 = arith.constant 1 : i32
    %get3A_232 = arith.index_cast %get3A_231 : i32 to index
    %get3A_233 = arith.constant 80 : index
    %get3A_234 = tpu.vector_load %arg6[%get3A_232, %get3A_233] {strides = array<i32>} : memref<2x128xi32, #tpu.memory_space<vmem>>, vector<1x16xi32>,
    %get3A_235 = vector.shape_cast %get3A_234 : vector<1x16xi32> to vector<16xi32>
    %add3A_236 = vector.broadcast %mul3A_4 : i32 to vector<16xi32>
    %add3A_237 = arith.addi %get3A_235, %add3A_236 : vector<16xi32>
    %swap3A_238 = arith.constant 1 : i32
    %swap3A_239 = arith.index_cast %swap3A_238 : i32 to index
    %swap3A_240 = arith.constant 80 : index
    %swap3A_241 = tpu.vector_load %arg6[%swap3A_239, %swap3A_240] {strides = array<i32>} : memref<2x128xi32, #tpu.memory_space<vmem>>, vector<1x16xi32>,
    %swap3A_242 = vector.shape_cast %swap3A_241 : vector<1x16xi32> to vector<16xi32>
    %swap3A_243 = vector.shape_cast %add3A_237 : vector<16xi32> to vector<1x16xi32>
    tpu.vector_store %arg6[%swap3A_239, %swap3A_240], %swap3A_243 {strides = array<i32>} : memref<2x128xi32, #tpu.memory_space<vmem>>, vector<1x16xi32>,
    %get3A_244 = arith.constant 1 : i32
    %get3A_245 = arith.index_cast %get3A_244 : i32 to index
    %get3A_246 = arith.constant 96 : index
    %get3A_247 = tpu.vector_load %arg6[%get3A_245, %get3A_246] {strides = array<i32>} : memref<2x128xi32, #tpu.memory_space<vmem>>, vector<1x16xi32>,
    %get3A_248 = vector.shape_cast %get3A_247 : vector<1x16xi32> to vector<16xi32>
    %add3A_249 = vector.broadcast %mul3A_4 : i32 to vector<16xi32>
    %add3A_250 = arith.addi %get3A_248, %add3A_249 : vector<16xi32>
    %swap3A_251 = arith.constant 1 : i32
    %swap3A_252 = arith.index_cast %swap3A_251 : i32 to index
    %swap3A_253 = arith.constant 96 : index
    %swap3A_254 = tpu.vector_load %arg6[%swap3A_252, %swap3A_253] {strides = array<i32>} : memref<2x128xi32, #tpu.memory_space<vmem>>, vector<1x16xi32>,
    %swap3A_255 = vector.shape_cast %swap3A_254 : vector<1x16xi32> to vector<16xi32>
    %swap3A_256 = vector.shape_cast %add3A_250 : vector<16xi32> to vector<1x16xi32>
    tpu.vector_store %arg6[%swap3A_252, %swap3A_253], %swap3A_256 {strides = array<i32>} : memref<2x128xi32, #tpu.memory_space<vmem>>, vector<1x16xi32>,
    %get3A_257 = arith.constant 1 : i32
    %get3A_258 = arith.index_cast %get3A_257 : i32 to index
    %get3A_259 = arith.constant 112 : index
    %get3A_260 = tpu.vector_load %arg6[%get3A_258, %get3A_259] {strides = array<i32>} : memref<2x128xi32, #tpu.memory_space<vmem>>, vector<1x16xi32>,
    %get3A_261 = vector.shape_cast %get3A_260 : vector<1x16xi32> to vector<16xi32>
    %add3A_262 = vector.broadcast %mul3A_4 : i32 to vector<16xi32>
    %add3A_263 = arith.addi %get3A_261, %add3A_262 : vector<16xi32>
    %swap3A_264 = arith.constant 1 : i32
    %swap3A_265 = arith.index_cast %swap3A_264 : i32 to index
    %swap3A_266 = arith.constant 112 : index
    %swap3A_267 = tpu.vector_load %arg6[%swap3A_265, %swap3A_266] {strides = array<i32>} : memref<2x128xi32, #tpu.memory_space<vmem>>, vector<1x16xi32>,
    %swap3A_268 = vector.shape_cast %swap3A_267 : vector<1x16xi32> to vector<16xi32>
    %swap3A_269 = vector.shape_cast %add3A_263 : vector<16xi32> to vector<1x16xi32>
    tpu.vector_store %arg6[%swap3A_265, %swap3A_266], %swap3A_269 {strides = array<i32>} : memref<2x128xi32, #tpu.memory_space<vmem>>, vector<1x16xi32>,
    %dma_start3A_270 = arith.constant 1 : i32
    %dma_start3A_271 = arith.constant 0 : i32
    %dma_start3A_272 = tpu.memref_slice %arg6[%dma_start3A_270, %dma_start3A_271] : memref<2x128xi32, #tpu.memory_space<vmem>> -> memref<1x128xi32, #tpu.memory_space<vmem>>
    %dma_start3A_273 = tpu.memref_squeeze %dma_start3A_272 : memref<1x128xi32, #tpu.memory_space<vmem>> -> memref<128xi32, #tpu.memory_space<vmem>>
    %dma_start3A_274 = arith.constant 0 : i32
    %dma_start3A_275 = arith.constant 0 : i32
    %dma_start3A_276 = tpu.memref_slice %arg2[%dma_start3A_274, %dma_start3A_275] : memref<20480x128xf32, #tpu.memory_space<hbm>> -> memref<20480x128xf32, #tpu.memory_space<hbm>>
    tpu.enqueue_indirect_dma source(%dma_start3A_276 : memref<20480x128xf32, #tpu.memory_space<hbm>>) target(%arg9 : memref<128x128xf32, #tpu.memory_space<vmem>>) offsets(%dma_start3A_273 : memref<128xi32, #tpu.memory_space<vmem>>) semaphore(%arg11 : memref<!tpu.dma_semaphore, #tpu.memory_space<semaphore_mem>>)
    %dma_wait3A_277 = arith.constant 0 : i32
    %dma_wait3A_278 = arith.constant 0 : i32
    %dma_wait3A_279 = tpu.memref_slice %arg6[%dma_wait3A_277, %dma_wait3A_278] : memref<2x128xi32, #tpu.memory_space<vmem>> -> memref<1x128xi32, #tpu.memory_space<vmem>>
    %dma_wait3A_280 = tpu.memref_squeeze %dma_wait3A_279 : memref<1x128xi32, #tpu.memory_space<vmem>> -> memref<128xi32, #tpu.memory_space<vmem>>
    %dma_wait3A_281 = arith.constant 0 : i32
    %dma_wait3A_282 = arith.constant 0 : i32
    %dma_wait3A_283 = tpu.memref_slice %arg2[%dma_wait3A_281, %dma_wait3A_282] : memref<20480x128xf32, #tpu.memory_space<hbm>> -> memref<20480x128xf32, #tpu.memory_space<hbm>>
    tpu.wait_indirect_dma semaphore(%arg11 : memref<!tpu.dma_semaphore, #tpu.memory_space<semaphore_mem>>) src(%dma_wait3A_283 : memref<20480x128xf32, #tpu.memory_space<hbm>>) dst(%arg8 : memref<128x128xf32, #tpu.memory_space<vmem>>)
    %dma_start3A_284 = arith.constant 0 : i32
    %dma_start3A_285 = arith.constant 0 : i32
    %dma_start3A_286 = tpu.memref_slice %arg7[%dma_start3A_284, %dma_start3A_285] : memref<2x128xi32, #tpu.memory_space<vmem>> -> memref<1x128xi32, #tpu.memory_space<vmem>>
    %dma_start3A_287 = tpu.memref_squeeze %dma_start3A_286 : memref<1x128xi32, #tpu.memory_space<vmem>> -> memref<128xi32, #tpu.memory_space<vmem>>
    %dma_start3A_288 = arith.constant 0 : i32
    %dma_start3A_289 = arith.constant 0 : i32
    %dma_start3A_290 = tpu.memref_slice %arg10[%dma_start3A_288, %dma_start3A_289] : memref<10240x128xf32, #tpu.memory_space<vmem_shared>> -> memref<10240x128xf32, #tpu.memory_space<vmem_shared>>
    tpu.enqueue_indirect_dma source(%arg8 : memref<128x128xf32, #tpu.memory_space<vmem>>) target(%dma_start3A_290 : memref<10240x128xf32, #tpu.memory_space<vmem_shared>>) offsets(%dma_start3A_287 : memref<128xi32, #tpu.memory_space<vmem>>) semaphore(%arg12 : memref<!tpu.dma_semaphore, #tpu.memory_space<semaphore_mem>>) {add = true}
    %scan3A = arith.constant 0 : i32
    %scan3A_291 = arith.constant 1 : i32
    %scan3A_292 = arith.constant 39 : i32
    %scan3A_293 = arith.addi %scan3A_291, %scan3A_292 : i32
    %scan3A_294 = arith.constant 1 : i32
    scf.for %scan3A_344 = %scan3A_291 to %scan3A_293 step %scan3A_294  : i32 {
      %mul3A_345 = arith.constant 2 : i32
      %mul3A_346 = arith.muli %mul3A_345, %scan3A_344 : i32
      %sub3A_347 = arith.constant 1 : i32
      %sub3A_348 = arith.subi %mul3A_346, %sub3A_347 : i32
      %mul3A_349 = arith.constant 2 : i32
      %mul3A_350 = arith.muli %mul3A_349, %scan3A_344 : i32
      %add3A_351 = arith.addi %mul3A_2, %sub3A_348 : i32
      %add3A_352 = arith.constant 1 : i32
      %add3A_353 = arith.addi %add3A_351, %add3A_352 : i32
      %dma_start3A_354 = arith.constant 0 : i32
      %dma_start3A_355 = arith.constant 0 : i32
      %dma_start3A_356 = tpu.memref_slice %arg6[%dma_start3A_354, %dma_start3A_355] : memref<2x128xi32, #tpu.memory_space<vmem>> -> memref<1x128xi32, #tpu.memory_space<vmem>>
      %dma_start3A_357 = tpu.memref_squeeze %dma_start3A_356 : memref<1x128xi32, #tpu.memory_space<vmem>> -> memref<128xi32, #tpu.memory_space<vmem>>
      %dma_start3A_358 = arith.constant 0 : i32
      %dma_start3A_359 = tpu.memref_slice %arg3[%add3A_353, %dma_start3A_358] : memref<1280x128xi32, #tpu.memory_space<hbm>> -> memref<1x128xi32, #tpu.memory_space<hbm>>
      %dma_start3A_360 = tpu.memref_squeeze %dma_start3A_359 : memref<1x128xi32, #tpu.memory_space<hbm>> -> memref<128xi32, #tpu.memory_space<hbm>>
      %dma_start3A_361 = arith.constant 0 : i32
      %dma_start3A_362 = tpu.memref_slice %arg6[%dma_start3A_354, %dma_start3A_361] : memref<2x128xi32, #tpu.memory_space<vmem>> -> memref<1x128xi32, #tpu.memory_space<vmem>>
      %dma_start3A_363 = tpu.memref_squeeze %dma_start3A_362 : memref<1x128xi32, #tpu.memory_space<vmem>> -> memref<128xi32, #tpu.memory_space<vmem>>
      %dma_start3A_364 = arith.constant 0 : i32
      %dma_start3A_365 = tpu.memref_slice %arg3[%add3A_353, %dma_start3A_364] : memref<1280x128xi32, #tpu.memory_space<hbm>> -> memref<1x128xi32, #tpu.memory_space<hbm>>
      %dma_start3A_366 = tpu.memref_squeeze %dma_start3A_365 : memref<1x128xi32, #tpu.memory_space<hbm>> -> memref<128xi32, #tpu.memory_space<hbm>>
      tpu.enqueue_dma source(%dma_start3A_366 : memref<128xi32, #tpu.memory_space<hbm>>) target(%dma_start3A_363 : memref<128xi32, #tpu.memory_space<vmem>>) target_semaphore(%arg13 : memref<!tpu.dma_semaphore, #tpu.memory_space<semaphore_mem>>)
      %dma_wait3A_367 = arith.constant 0 : i32
      %dma_wait3A_368 = arith.constant 0 : i32
      %dma_wait3A_369 = tpu.memref_slice %arg7[%dma_wait3A_367, %dma_wait3A_368] : memref<2x128xi32, #tpu.memory_space<vmem>> -> memref<1x128xi32, #tpu.memory_space<vmem>>
      %dma_wait3A_370 = tpu.memref_squeeze %dma_wait3A_369 : memref<1x128xi32, #tpu.memory_space<vmem>> -> memref<128xi32, #tpu.memory_space<vmem>>
      %dma_wait3A_371 = arith.constant 0 : i32
      %dma_wait3A_372 = arith.constant 0 : i32
      %dma_wait3A_373 = tpu.memref_slice %arg10[%dma_wait3A_371, %dma_wait3A_372] : memref<10240x128xf32, #tpu.memory_space<vmem_shared>> -> memref<10240x128xf32, #tpu.memory_space<vmem_shared>>
      tpu.wait_indirect_dma semaphore(%arg12 : memref<!tpu.dma_semaphore, #tpu.memory_space<semaphore_mem>>) src(%arg8 : memref<128x128xf32, #tpu.memory_space<vmem>>) dst(%dma_wait3A_373 : memref<10240x128xf32, #tpu.memory_space<vmem_shared>>)
      %add3A_374 = arith.addi %mul3A_2, %sub3A_348 : i32
      %add3A_375 = arith.constant 1 : i32
      %add3A_376 = arith.addi %add3A_374, %add3A_375 : i32
      %dma_start3A_377 = arith.constant 0 : i32
      %dma_start3A_378 = arith.constant 0 : i32
      %dma_start3A_379 = tpu.memref_slice %arg7[%dma_start3A_377, %dma_start3A_378] : memref<2x128xi32, #tpu.memory_space<vmem>> -> memref<1x128xi32, #tpu.memory_space<vmem>>
      %dma_start3A_380 = tpu.memref_squeeze %dma_start3A_379 : memref<1x128xi32, #tpu.memory_space<vmem>> -> memref<128xi32, #tpu.memory_space<vmem>>
      %dma_start3A_381 = arith.constant 0 : i32
      %dma_start3A_382 = tpu.memref_slice %arg4[%add3A_376, %dma_start3A_381] : memref<1280x128xi32, #tpu.memory_space<hbm>> -> memref<1x128xi32, #tpu.memory_space<hbm>>
      %dma_start3A_383 = tpu.memref_squeeze %dma_start3A_382 : memref<1x128xi32, #tpu.memory_space<hbm>> -> memref<128xi32, #tpu.memory_space<hbm>>
      %dma_start3A_384 = arith.constant 0 : i32
      %dma_start3A_385 = tpu.memref_slice %arg7[%dma_start3A_377, %dma_start3A_384] : memref<2x128xi32, #tpu.memory_space<vmem>> -> memref<1x128xi32, #tpu.memory_space<vmem>>
      %dma_start3A_386 = tpu.memref_squeeze %dma_start3A_385 : memref<1x128xi32, #tpu.memory_space<vmem>> -> memref<128xi32, #tpu.memory_space<vmem>>
      %dma_start3A_387 = arith.constant 0 : i32
      %dma_start3A_388 = tpu.memref_slice %arg4[%add3A_376, %dma_start3A_387] : memref<1280x128xi32, #tpu.memory_space<hbm>> -> memref<1x128xi32, #tpu.memory_space<hbm>>
      %dma_start3A_389 = tpu.memref_squeeze %dma_start3A_388 : memref<1x128xi32, #tpu.memory_space<hbm>> -> memref<128xi32, #tpu.memory_space<hbm>>
      tpu.enqueue_dma source(%dma_start3A_389 : memref<128xi32, #tpu.memory_space<hbm>>) target(%dma_start3A_386 : memref<128xi32, #tpu.memory_space<vmem>>) target_semaphore(%arg14 : memref<!tpu.dma_semaphore, #tpu.memory_space<semaphore_mem>>)
      %dma_wait3A_390 = arith.constant 0 : i32
      %dma_wait3A_391 = arith.constant 0 : i32
      %dma_wait3A_392 = tpu.memref_slice %arg6[%dma_wait3A_390, %dma_wait3A_391] : memref<2x128xi32, #tpu.memory_space<vmem>> -> memref<1x128xi32, #tpu.memory_space<vmem>>
      %dma_wait3A_393 = tpu.memref_squeeze %dma_wait3A_392 : memref<1x128xi32, #tpu.memory_space<vmem>> -> memref<128xi32, #tpu.memory_space<vmem>>
      %dma_wait3A_394 = arith.constant 0 : i32
      %dma_wait3A_395 = tpu.memref_slice %arg3[%add3A_353, %dma_wait3A_394] : memref<1280x128xi32, #tpu.memory_space<hbm>> -> memref<1x128xi32, #tpu.memory_space<hbm>>
      %dma_wait3A_396 = tpu.memref_squeeze %dma_wait3A_395 : memref<1x128xi32, #tpu.memory_space<hbm>> -> memref<128xi32, #tpu.memory_space<hbm>>
      %dma_wait3A_397 = arith.constant 0 : i32
      %dma_wait3A_398 = tpu.memref_slice %arg6[%dma_wait3A_390, %dma_wait3A_397] : memref<2x128xi32, #tpu.memory_space<vmem>> -> memref<1x128xi32, #tpu.memory_space<vmem>>
      %dma_wait3A_399 = tpu.memref_squeeze %dma_wait3A_398 : memref<1x128xi32, #tpu.memory_space<vmem>> -> memref<128xi32, #tpu.memory_space<vmem>>
      %dma_wait3A_400 = arith.constant 0 : i32
      %dma_wait3A_401 = tpu.memref_slice %arg3[%add3A_353, %dma_wait3A_400] : memref<1280x128xi32, #tpu.memory_space<hbm>> -> memref<1x128xi32, #tpu.memory_space<hbm>>
      %dma_wait3A_402 = tpu.memref_squeeze %dma_wait3A_401 : memref<1x128xi32, #tpu.memory_space<hbm>> -> memref<128xi32, #tpu.memory_space<hbm>>
      tpu.wait_dma2 semaphore(%arg13 : memref<!tpu.dma_semaphore, #tpu.memory_space<semaphore_mem>>) src(%dma_wait3A_402 : memref<128xi32, #tpu.memory_space<hbm>>) dst(%dma_wait3A_399 : memref<128xi32, #tpu.memory_space<vmem>>)
      %get3A_403 = arith.constant 0 : i32
      %get3A_404 = arith.index_cast %get3A_403 : i32 to index
      %get3A_405 = arith.constant 0 : index
      %get3A_406 = tpu.vector_load %arg6[%get3A_404, %get3A_405] {strides = array<i32>} : memref<2x128xi32, #tpu.memory_space<vmem>>, vector<1x16xi32>,
      %get3A_407 = vector.shape_cast %get3A_406 : vector<1x16xi32> to vector<16xi32>
      %add3A_408 = vector.broadcast %mul3A_4 : i32 to vector<16xi32>
      %add3A_409 = arith.addi %get3A_407, %add3A_408 : vector<16xi32>
      %swap3A_410 = arith.constant 0 : i32
      %swap3A_411 = arith.index_cast %swap3A_410 : i32 to index
      %swap3A_412 = arith.constant 0 : index
      %swap3A_413 = tpu.vector_load %arg6[%swap3A_411, %swap3A_412] {strides = array<i32>} : memref<2x128xi32, #tpu.memory_space<vmem>>, vector<1x16xi32>,
      %swap3A_414 = vector.shape_cast %swap3A_413 : vector<1x16xi32> to vector<16xi32>
      %swap3A_415 = vector.shape_cast %add3A_409 : vector<16xi32> to vector<1x16xi32>
      tpu.vector_store %arg6[%swap3A_411, %swap3A_412], %swap3A_415 {strides = array<i32>} : memref<2x128xi32, #tpu.memory_space<vmem>>, vector<1x16xi32>,
      %get3A_416 = arith.constant 0 : i32
      %get3A_417 = arith.index_cast %get3A_416 : i32 to index
      %get3A_418 = arith.constant 16 : index
      %get3A_419 = tpu.vector_load %arg6[%get3A_417, %get3A_418] {strides = array<i32>} : memref<2x128xi32, #tpu.memory_space<vmem>>, vector<1x16xi32>,
      %get3A_420 = vector.shape_cast %get3A_419 : vector<1x16xi32> to vector<16xi32>
      %add3A_421 = vector.broadcast %mul3A_4 : i32 to vector<16xi32>
      %add3A_422 = arith.addi %get3A_420, %add3A_421 : vector<16xi32>
      %swap3A_423 = arith.constant 0 : i32
      %swap3A_424 = arith.index_cast %swap3A_423 : i32 to index
      %swap3A_425 = arith.constant 16 : index
      %swap3A_426 = tpu.vector_load %arg6[%swap3A_424, %swap3A_425] {strides = array<i32>} : memref<2x128xi32, #tpu.memory_space<vmem>>, vector<1x16xi32>,
      %swap3A_427 = vector.shape_cast %swap3A_426 : vector<1x16xi32> to vector<16xi32>
      %swap3A_428 = vector.shape_cast %add3A_422 : vector<16xi32> to vector<1x16xi32>
      tpu.vector_store %arg6[%swap3A_424, %swap3A_425], %swap3A_428 {strides = array<i32>} : memref<2x128xi32, #tpu.memory_space<vmem>>, vector<1x16xi32>,
      %get3A_429 = arith.constant 0 : i32
      %get3A_430 = arith.index_cast %get3A_429 : i32 to index
      %get3A_431 = arith.constant 32 : index
      %get3A_432 = tpu.vector_load %arg6[%get3A_430, %get3A_431] {strides = array<i32>} : memref<2x128xi32, #tpu.memory_space<vmem>>, vector<1x16xi32>,
      %get3A_433 = vector.shape_cast %get3A_432 : vector<1x16xi32> to vector<16xi32>
      %add3A_434 = vector.broadcast %mul3A_4 : i32 to vector<16xi32>
      %add3A_435 = arith.addi %get3A_433, %add3A_434 : vector<16xi32>
      %swap3A_436 = arith.constant 0 : i32
      %swap3A_437 = arith.index_cast %swap3A_436 : i32 to index
      %swap3A_438 = arith.constant 32 : index
      %swap3A_439 = tpu.vector_load %arg6[%swap3A_437, %swap3A_438] {strides = array<i32>} : memref<2x128xi32, #tpu.memory_space<vmem>>, vector<1x16xi32>,
      %swap3A_440 = vector.shape_cast %swap3A_439 : vector<1x16xi32> to vector<16xi32>
      %swap3A_441 = vector.shape_cast %add3A_435 : vector<16xi32> to vector<1x16xi32>
      tpu.vector_store %arg6[%swap3A_437, %swap3A_438], %swap3A_441 {strides = array<i32>} : memref<2x128xi32, #tpu.memory_space<vmem>>, vector<1x16xi32>,
      %get3A_442 = arith.constant 0 : i32
      %get3A_443 = arith.index_cast %get3A_442 : i32 to index
      %get3A_444 = arith.constant 48 : index
      %get3A_445 = tpu.vector_load %arg6[%get3A_443, %get3A_444] {strides = array<i32>} : memref<2x128xi32, #tpu.memory_space<vmem>>, vector<1x16xi32>,
      %get3A_446 = vector.shape_cast %get3A_445 : vector<1x16xi32> to vector<16xi32>
      %add3A_447 = vector.broadcast %mul3A_4 : i32 to vector<16xi32>
      %add3A_448 = arith.addi %get3A_446, %add3A_447 : vector<16xi32>
      %swap3A_449 = arith.constant 0 : i32
      %swap3A_450 = arith.index_cast %swap3A_449 : i32 to index
      %swap3A_451 = arith.constant 48 : index
      %swap3A_452 = tpu.vector_load %arg6[%swap3A_450, %swap3A_451] {strides = array<i32>} : memref<2x128xi32, #tpu.memory_space<vmem>>, vector<1x16xi32>,
      %swap3A_453 = vector.shape_cast %swap3A_452 : vector<1x16xi32> to vector<16xi32>
      %swap3A_454 = vector.shape_cast %add3A_448 : vector<16xi32> to vector<1x16xi32>
      tpu.vector_store %arg6[%swap3A_450, %swap3A_451], %swap3A_454 {strides = array<i32>} : memref<2x128xi32, #tpu.memory_space<vmem>>, vector<1x16xi32>,
      %get3A_455 = arith.constant 0 : i32
      %get3A_456 = arith.index_cast %get3A_455 : i32 to index
      %get3A_457 = arith.constant 64 : index
      %get3A_458 = tpu.vector_load %arg6[%get3A_456, %get3A_457] {strides = array<i32>} : memref<2x128xi32, #tpu.memory_space<vmem>>, vector<1x16xi32>,
      %get3A_459 = vector.shape_cast %get3A_458 : vector<1x16xi32> to vector<16xi32>
      %add3A_460 = vector.broadcast %mul3A_4 : i32 to vector<16xi32>
      %add3A_461 = arith.addi %get3A_459, %add3A_460 : vector<16xi32>
      %swap3A_462 = arith.constant 0 : i32
      %swap3A_463 = arith.index_cast %swap3A_462 : i32 to index
      %swap3A_464 = arith.constant 64 : index
      %swap3A_465 = tpu.vector_load %arg6[%swap3A_463, %swap3A_464] {strides = array<i32>} : memref<2x128xi32, #tpu.memory_space<vmem>>, vector<1x16xi32>,
      %swap3A_466 = vector.shape_cast %swap3A_465 : vector<1x16xi32> to vector<16xi32>
      %swap3A_467 = vector.shape_cast %add3A_461 : vector<16xi32> to vector<1x16xi32>
      tpu.vector_store %arg6[%swap3A_463, %swap3A_464], %swap3A_467 {strides = array<i32>} : memref<2x128xi32, #tpu.memory_space<vmem>>, vector<1x16xi32>,
      %get3A_468 = arith.constant 0 : i32
      %get3A_469 = arith.index_cast %get3A_468 : i32 to index
      %get3A_470 = arith.constant 80 : index
      %get3A_471 = tpu.vector_load %arg6[%get3A_469, %get3A_470] {strides = array<i32>} : memref<2x128xi32, #tpu.memory_space<vmem>>, vector<1x16xi32>,
      %get3A_472 = vector.shape_cast %get3A_471 : vector<1x16xi32> to vector<16xi32>
      %add3A_473 = vector.broadcast %mul3A_4 : i32 to vector<16xi32>
      %add3A_474 = arith.addi %get3A_472, %add3A_473 : vector<16xi32>
      %swap3A_475 = arith.constant 0 : i32
      %swap3A_476 = arith.index_cast %swap3A_475 : i32 to index
      %swap3A_477 = arith.constant 80 : index
      %swap3A_478 = tpu.vector_load %arg6[%swap3A_476, %swap3A_477] {strides = array<i32>} : memref<2x128xi32, #tpu.memory_space<vmem>>, vector<1x16xi32>,
      %swap3A_479 = vector.shape_cast %swap3A_478 : vector<1x16xi32> to vector<16xi32>
      %swap3A_480 = vector.shape_cast %add3A_474 : vector<16xi32> to vector<1x16xi32>
      tpu.vector_store %arg6[%swap3A_476, %swap3A_477], %swap3A_480 {strides = array<i32>} : memref<2x128xi32, #tpu.memory_space<vmem>>, vector<1x16xi32>,
      %get3A_481 = arith.constant 0 : i32
      %get3A_482 = arith.index_cast %get3A_481 : i32 to index
      %get3A_483 = arith.constant 96 : index
      %get3A_484 = tpu.vector_load %arg6[%get3A_482, %get3A_483] {strides = array<i32>} : memref<2x128xi32, #tpu.memory_space<vmem>>, vector<1x16xi32>,
      %get3A_485 = vector.shape_cast %get3A_484 : vector<1x16xi32> to vector<16xi32>
      %add3A_486 = vector.broadcast %mul3A_4 : i32 to vector<16xi32>
      %add3A_487 = arith.addi %get3A_485, %add3A_486 : vector<16xi32>
      %swap3A_488 = arith.constant 0 : i32
      %swap3A_489 = arith.index_cast %swap3A_488 : i32 to index
      %swap3A_490 = arith.constant 96 : index
      %swap3A_491 = tpu.vector_load %arg6[%swap3A_489, %swap3A_490] {strides = array<i32>} : memref<2x128xi32, #tpu.memory_space<vmem>>, vector<1x16xi32>,
      %swap3A_492 = vector.shape_cast %swap3A_491 : vector<1x16xi32> to vector<16xi32>
      %swap3A_493 = vector.shape_cast %add3A_487 : vector<16xi32> to vector<1x16xi32>
      tpu.vector_store %arg6[%swap3A_489, %swap3A_490], %swap3A_493 {strides = array<i32>} : memref<2x128xi32, #tpu.memory_space<vmem>>, vector<1x16xi32>,
      %get3A_494 = arith.constant 0 : i32
      %get3A_495 = arith.index_cast %get3A_494 : i32 to index
      %get3A_496 = arith.constant 112 : index
      %get3A_497 = tpu.vector_load %arg6[%get3A_495, %get3A_496] {strides = array<i32>} : memref<2x128xi32, #tpu.memory_space<vmem>>, vector<1x16xi32>,
      %get3A_498 = vector.shape_cast %get3A_497 : vector<1x16xi32> to vector<16xi32>
      %add3A_499 = vector.broadcast %mul3A_4 : i32 to vector<16xi32>
      %add3A_500 = arith.addi %get3A_498, %add3A_499 : vector<16xi32>
      %swap3A_501 = arith.constant 0 : i32
      %swap3A_502 = arith.index_cast %swap3A_501 : i32 to index
      %swap3A_503 = arith.constant 112 : index
      %swap3A_504 = tpu.vector_load %arg6[%swap3A_502, %swap3A_503] {strides = array<i32>} : memref<2x128xi32, #tpu.memory_space<vmem>>, vector<1x16xi32>,
      %swap3A_505 = vector.shape_cast %swap3A_504 : vector<1x16xi32> to vector<16xi32>
      %swap3A_506 = vector.shape_cast %add3A_500 : vector<16xi32> to vector<1x16xi32>
      tpu.vector_store %arg6[%swap3A_502, %swap3A_503], %swap3A_506 {strides = array<i32>} : memref<2x128xi32, #tpu.memory_space<vmem>>, vector<1x16xi32>,
      %dma_start3A_507 = arith.constant 0 : i32
      %dma_start3A_508 = arith.constant 0 : i32
      %dma_start3A_509 = tpu.memref_slice %arg6[%dma_start3A_507, %dma_start3A_508] : memref<2x128xi32, #tpu.memory_space<vmem>> -> memref<1x128xi32, #tpu.memory_space<vmem>>
      %dma_start3A_510 = tpu.memref_squeeze %dma_start3A_509 : memref<1x128xi32, #tpu.memory_space<vmem>> -> memref<128xi32, #tpu.memory_space<vmem>>
      %dma_start3A_511 = arith.constant 0 : i32
      %dma_start3A_512 = arith.constant 0 : i32
      %dma_start3A_513 = tpu.memref_slice %arg2[%dma_start3A_511, %dma_start3A_512] : memref<20480x128xf32, #tpu.memory_space<hbm>> -> memref<20480x128xf32, #tpu.memory_space<hbm>>
      tpu.enqueue_indirect_dma source(%dma_start3A_513 : memref<20480x128xf32, #tpu.memory_space<hbm>>) target(%arg8 : memref<128x128xf32, #tpu.memory_space<vmem>>) offsets(%dma_start3A_510 : memref<128xi32, #tpu.memory_space<vmem>>) semaphore(%arg11 : memref<!tpu.dma_semaphore, #tpu.memory_space<semaphore_mem>>)
      %dma_wait3A_514 = arith.constant 1 : i32
      %dma_wait3A_515 = arith.constant 0 : i32
      %dma_wait3A_516 = tpu.memref_slice %arg6[%dma_wait3A_514, %dma_wait3A_515] : memref<2x128xi32, #tpu.memory_space<vmem>> -> memref<1x128xi32, #tpu.memory_space<vmem>>
      %dma_wait3A_517 = tpu.memref_squeeze %dma_wait3A_516 : memref<1x128xi32, #tpu.memory_space<vmem>> -> memref<128xi32, #tpu.memory_space<vmem>>
      %dma_wait3A_518 = arith.constant 0 : i32
      %dma_wait3A_519 = arith.constant 0 : i32
      %dma_wait3A_520 = tpu.memref_slice %arg2[%dma_wait3A_518, %dma_wait3A_519] : memref<20480x128xf32, #tpu.memory_space<hbm>> -> memref<20480x128xf32, #tpu.memory_space<hbm>>
      tpu.wait_indirect_dma semaphore(%arg11 : memref<!tpu.dma_semaphore, #tpu.memory_space<semaphore_mem>>) src(%dma_wait3A_520 : memref<20480x128xf32, #tpu.memory_space<hbm>>) dst(%arg9 : memref<128x128xf32, #tpu.memory_space<vmem>>)
      %add3A_521 = arith.addi %mul3A_2, %sub3A_348 : i32
      %dma_wait3A_522 = arith.constant 1 : i32
      %dma_wait3A_523 = arith.constant 0 : i32
      %dma_wait3A_524 = tpu.memref_slice %arg7[%dma_wait3A_522, %dma_wait3A_523] : memref<2x128xi32, #tpu.memory_space<vmem>> -> memref<1x128xi32, #tpu.memory_space<vmem>>
      %dma_wait3A_525 = tpu.memref_squeeze %dma_wait3A_524 : memref<1x128xi32, #tpu.memory_space<vmem>> -> memref<128xi32, #tpu.memory_space<vmem>>
      %dma_wait3A_526 = arith.constant 0 : i32
      %dma_wait3A_527 = tpu.memref_slice %arg4[%add3A_521, %dma_wait3A_526] : memref<1280x128xi32, #tpu.memory_space<hbm>> -> memref<1x128xi32, #tpu.memory_space<hbm>>
      %dma_wait3A_528 = tpu.memref_squeeze %dma_wait3A_527 : memref<1x128xi32, #tpu.memory_space<hbm>> -> memref<128xi32, #tpu.memory_space<hbm>>
      %dma_wait3A_529 = arith.constant 0 : i32
      %dma_wait3A_530 = tpu.memref_slice %arg7[%dma_wait3A_522, %dma_wait3A_529] : memref<2x128xi32, #tpu.memory_space<vmem>> -> memref<1x128xi32, #tpu.memory_space<vmem>>
      %dma_wait3A_531 = tpu.memref_squeeze %dma_wait3A_530 : memref<1x128xi32, #tpu.memory_space<vmem>> -> memref<128xi32, #tpu.memory_space<vmem>>
      %dma_wait3A_532 = arith.constant 0 : i32
      %dma_wait3A_533 = tpu.memref_slice %arg4[%add3A_521, %dma_wait3A_532] : memref<1280x128xi32, #tpu.memory_space<hbm>> -> memref<1x128xi32, #tpu.memory_space<hbm>>
      %dma_wait3A_534 = tpu.memref_squeeze %dma_wait3A_533 : memref<1x128xi32, #tpu.memory_space<hbm>> -> memref<128xi32, #tpu.memory_space<hbm>>
      tpu.wait_dma2 semaphore(%arg15 : memref<!tpu.dma_semaphore, #tpu.memory_space<semaphore_mem>>) src(%dma_wait3A_534 : memref<128xi32, #tpu.memory_space<hbm>>) dst(%dma_wait3A_531 : memref<128xi32, #tpu.memory_space<vmem>>)
      %dma_start3A_535 = arith.constant 1 : i32
      %dma_start3A_536 = arith.constant 0 : i32
      %dma_start3A_537 = tpu.memref_slice %arg7[%dma_start3A_535, %dma_start3A_536] : memref<2x128xi32, #tpu.memory_space<vmem>> -> memref<1x128xi32, #tpu.memory_space<vmem>>
      %dma_start3A_538 = tpu.memref_squeeze %dma_start3A_537 : memref<1x128xi32, #tpu.memory_space<vmem>> -> memref<128xi32, #tpu.memory_space<vmem>>
      %dma_start3A_539 = arith.constant 0 : i32
      %dma_start3A_540 = arith.constant 0 : i32
      %dma_start3A_541 = tpu.memref_slice %arg10[%dma_start3A_539, %dma_start3A_540] : memref<10240x128xf32, #tpu.memory_space<vmem_shared>> -> memref<10240x128xf32, #tpu.memory_space<vmem_shared>>
      tpu.enqueue_indirect_dma source(%arg9 : memref<128x128xf32, #tpu.memory_space<vmem>>) target(%dma_start3A_541 : memref<10240x128xf32, #tpu.memory_space<vmem_shared>>) offsets(%dma_start3A_538 : memref<128xi32, #tpu.memory_space<vmem>>) semaphore(%arg12 : memref<!tpu.dma_semaphore, #tpu.memory_space<semaphore_mem>>) {add = true}
      %add3A_542 = arith.addi %mul3A_2, %mul3A_350 : i32
      %add3A_543 = arith.constant 1 : i32
      %add3A_544 = arith.addi %add3A_542, %add3A_543 : i32
      %dma_start3A_545 = arith.constant 1 : i32
      %dma_start3A_546 = arith.constant 0 : i32
      %dma_start3A_547 = tpu.memref_slice %arg6[%dma_start3A_545, %dma_start3A_546] : memref<2x128xi32, #tpu.memory_space<vmem>> -> memref<1x128xi32, #tpu.memory_space<vmem>>
      %dma_start3A_548 = tpu.memref_squeeze %dma_start3A_547 : memref<1x128xi32, #tpu.memory_space<vmem>> -> memref<128xi32, #tpu.memory_space<vmem>>
      %dma_start3A_549 = arith.constant 0 : i32
      %dma_start3A_550 = tpu.memref_slice %arg3[%add3A_544, %dma_start3A_549] : memref<1280x128xi32, #tpu.memory_space<hbm>> -> memref<1x128xi32, #tpu.memory_space<hbm>>
      %dma_start3A_551 = tpu.memref_squeeze %dma_start3A_550 : memref<1x128xi32, #tpu.memory_space<hbm>> -> memref<128xi32, #tpu.memory_space<hbm>>
      %dma_start3A_552 = arith.constant 0 : i32
      %dma_start3A_553 = tpu.memref_slice %arg6[%dma_start3A_545, %dma_start3A_552] : memref<2x128xi32, #tpu.memory_space<vmem>> -> memref<1x128xi32, #tpu.memory_space<vmem>>
      %dma_start3A_554 = tpu.memref_squeeze %dma_start3A_553 : memref<1x128xi32, #tpu.memory_space<vmem>> -> memref<128xi32, #tpu.memory_space<vmem>>
      %dma_start3A_555 = arith.constant 0 : i32
      %dma_start3A_556 = tpu.memref_slice %arg3[%add3A_544, %dma_start3A_555] : memref<1280x128xi32, #tpu.memory_space<hbm>> -> memref<1x128xi32, #tpu.memory_space<hbm>>
      %dma_start3A_557 = tpu.memref_squeeze %dma_start3A_556 : memref<1x128xi32, #tpu.memory_space<hbm>> -> memref<128xi32, #tpu.memory_space<hbm>>
      tpu.enqueue_dma source(%dma_start3A_557 : memref<128xi32, #tpu.memory_space<hbm>>) target(%dma_start3A_554 : memref<128xi32, #tpu.memory_space<vmem>>) target_semaphore(%arg13 : memref<!tpu.dma_semaphore, #tpu.memory_space<semaphore_mem>>)
      %dma_wait3A_558 = arith.constant 1 : i32
      %dma_wait3A_559 = arith.constant 0 : i32
      %dma_wait3A_560 = tpu.memref_slice %arg7[%dma_wait3A_558, %dma_wait3A_559] : memref<2x128xi32, #tpu.memory_space<vmem>> -> memref<1x128xi32, #tpu.memory_space<vmem>>
      %dma_wait3A_561 = tpu.memref_squeeze %dma_wait3A_560 : memref<1x128xi32, #tpu.memory_space<vmem>> -> memref<128xi32, #tpu.memory_space<vmem>>
      %dma_wait3A_562 = arith.constant 0 : i32
      %dma_wait3A_563 = arith.constant 0 : i32
      %dma_wait3A_564 = tpu.memref_slice %arg10[%dma_wait3A_562, %dma_wait3A_563] : memref<10240x128xf32, #tpu.memory_space<vmem_shared>> -> memref<10240x128xf32, #tpu.memory_space<vmem_shared>>
      tpu.wait_indirect_dma semaphore(%arg12 : memref<!tpu.dma_semaphore, #tpu.memory_space<semaphore_mem>>) src(%arg9 : memref<128x128xf32, #tpu.memory_space<vmem>>) dst(%dma_wait3A_564 : memref<10240x128xf32, #tpu.memory_space<vmem_shared>>)
      %add3A_565 = arith.addi %mul3A_2, %mul3A_350 : i32
      %add3A_566 = arith.constant 1 : i32
      %add3A_567 = arith.addi %add3A_565, %add3A_566 : i32
      %dma_start3A_568 = arith.constant 1 : i32
      %dma_start3A_569 = arith.constant 0 : i32
      %dma_start3A_570 = tpu.memref_slice %arg7[%dma_start3A_568, %dma_start3A_569] : memref<2x128xi32, #tpu.memory_space<vmem>> -> memref<1x128xi32, #tpu.memory_space<vmem>>
      %dma_start3A_571 = tpu.memref_squeeze %dma_start3A_570 : memref<1x128xi32, #tpu.memory_space<vmem>> -> memref<128xi32, #tpu.memory_space<vmem>>
      %dma_start3A_572 = arith.constant 0 : i32
      %dma_start3A_573 = tpu.memref_slice %arg4[%add3A_567, %dma_start3A_572] : memref<1280x128xi32, #tpu.memory_space<hbm>> -> memref<1x128xi32, #tpu.memory_space<hbm>>
      %dma_start3A_574 = tpu.memref_squeeze %dma_start3A_573 : memref<1x128xi32, #tpu.memory_space<hbm>> -> memref<128xi32, #tpu.memory_space<hbm>>
      %dma_start3A_575 = arith.constant 0 : i32
      %dma_start3A_576 = tpu.memref_slice %arg7[%dma_start3A_568, %dma_start3A_575] : memref<2x128xi32, #tpu.memory_space<vmem>> -> memref<1x128xi32, #tpu.memory_space<vmem>>
      %dma_start3A_577 = tpu.memref_squeeze %dma_start3A_576 : memref<1x128xi32, #tpu.memory_space<vmem>> -> memref<128xi32, #tpu.memory_space<vmem>>
      %dma_start3A_578 = arith.constant 0 : i32
      %dma_start3A_579 = tpu.memref_slice %arg4[%add3A_567, %dma_start3A_578] : memref<1280x128xi32, #tpu.memory_space<hbm>> -> memref<1x128xi32, #tpu.memory_space<hbm>>
      %dma_start3A_580 = tpu.memref_squeeze %dma_start3A_579 : memref<1x128xi32, #tpu.memory_space<hbm>> -> memref<128xi32, #tpu.memory_space<hbm>>
      tpu.enqueue_dma source(%dma_start3A_580 : memref<128xi32, #tpu.memory_space<hbm>>) target(%dma_start3A_577 : memref<128xi32, #tpu.memory_space<vmem>>) target_semaphore(%arg15 : memref<!tpu.dma_semaphore, #tpu.memory_space<semaphore_mem>>)
      %dma_wait3A_581 = arith.constant 1 : i32
      %dma_wait3A_582 = arith.constant 0 : i32
      %dma_wait3A_583 = tpu.memref_slice %arg6[%dma_wait3A_581, %dma_wait3A_582] : memref<2x128xi32, #tpu.memory_space<vmem>> -> memref<1x128xi32, #tpu.memory_space<vmem>>
      %dma_wait3A_584 = tpu.memref_squeeze %dma_wait3A_583 : memref<1x128xi32, #tpu.memory_space<vmem>> -> memref<128xi32, #tpu.memory_space<vmem>>
      %dma_wait3A_585 = arith.constant 0 : i32
      %dma_wait3A_586 = tpu.memref_slice %arg3[%add3A_544, %dma_wait3A_585] : memref<1280x128xi32, #tpu.memory_space<hbm>> -> memref<1x128xi32, #tpu.memory_space<hbm>>
      %dma_wait3A_587 = tpu.memref_squeeze %dma_wait3A_586 : memref<1x128xi32, #tpu.memory_space<hbm>> -> memref<128xi32, #tpu.memory_space<hbm>>
      %dma_wait3A_588 = arith.constant 0 : i32
      %dma_wait3A_589 = tpu.memref_slice %arg6[%dma_wait3A_581, %dma_wait3A_588] : memref<2x128xi32, #tpu.memory_space<vmem>> -> memref<1x128xi32, #tpu.memory_space<vmem>>
      %dma_wait3A_590 = tpu.memref_squeeze %dma_wait3A_589 : memref<1x128xi32, #tpu.memory_space<vmem>> -> memref<128xi32, #tpu.memory_space<vmem>>
      %dma_wait3A_591 = arith.constant 0 : i32
      %dma_wait3A_592 = tpu.memref_slice %arg3[%add3A_544, %dma_wait3A_591] : memref<1280x128xi32, #tpu.memory_space<hbm>> -> memref<1x128xi32, #tpu.memory_space<hbm>>
      %dma_wait3A_593 = tpu.memref_squeeze %dma_wait3A_592 : memref<1x128xi32, #tpu.memory_space<hbm>> -> memref<128xi32, #tpu.memory_space<hbm>>
      tpu.wait_dma2 semaphore(%arg13 : memref<!tpu.dma_semaphore, #tpu.memory_space<semaphore_mem>>) src(%dma_wait3A_593 : memref<128xi32, #tpu.memory_space<hbm>>) dst(%dma_wait3A_590 : memref<128xi32, #tpu.memory_space<vmem>>)
      %get3A_594 = arith.constant 1 : i32
      %get3A_595 = arith.index_cast %get3A_594 : i32 to index
      %get3A_596 = arith.constant 0 : index
      %get3A_597 = tpu.vector_load %arg6[%get3A_595, %get3A_596] {strides = array<i32>} : memref<2x128xi32, #tpu.memory_space<vmem>>, vector<1x16xi32>,
      %get3A_598 = vector.shape_cast %get3A_597 : vector<1x16xi32> to vector<16xi32>
      %add3A_599 = vector.broadcast %mul3A_4 : i32 to vector<16xi32>
      %add3A_600 = arith.addi %get3A_598, %add3A_599 : vector<16xi32>
      %swap3A_601 = arith.constant 1 : i32
      %swap3A_602 = arith.index_cast %swap3A_601 : i32 to index
      %swap3A_603 = arith.constant 0 : index
      %swap3A_604 = tpu.vector_load %arg6[%swap3A_602, %swap3A_603] {strides = array<i32>} : memref<2x128xi32, #tpu.memory_space<vmem>>, vector<1x16xi32>,
      %swap3A_605 = vector.shape_cast %swap3A_604 : vector<1x16xi32> to vector<16xi32>
      %swap3A_606 = vector.shape_cast %add3A_600 : vector<16xi32> to vector<1x16xi32>
      tpu.vector_store %arg6[%swap3A_602, %swap3A_603], %swap3A_606 {strides = array<i32>} : memref<2x128xi32, #tpu.memory_space<vmem>>, vector<1x16xi32>,
      %get3A_607 = arith.constant 1 : i32
      %get3A_608 = arith.index_cast %get3A_607 : i32 to index
      %get3A_609 = arith.constant 16 : index
      %get3A_610 = tpu.vector_load %arg6[%get3A_608, %get3A_609] {strides = array<i32>} : memref<2x128xi32, #tpu.memory_space<vmem>>, vector<1x16xi32>,
      %get3A_611 = vector.shape_cast %get3A_610 : vector<1x16xi32> to vector<16xi32>
      %add3A_612 = vector.broadcast %mul3A_4 : i32 to vector<16xi32>
      %add3A_613 = arith.addi %get3A_611, %add3A_612 : vector<16xi32>
      %swap3A_614 = arith.constant 1 : i32
      %swap3A_615 = arith.index_cast %swap3A_614 : i32 to index
      %swap3A_616 = arith.constant 16 : index
      %swap3A_617 = tpu.vector_load %arg6[%swap3A_615, %swap3A_616] {strides = array<i32>} : memref<2x128xi32, #tpu.memory_space<vmem>>, vector<1x16xi32>,
      %swap3A_618 = vector.shape_cast %swap3A_617 : vector<1x16xi32> to vector<16xi32>
      %swap3A_619 = vector.shape_cast %add3A_613 : vector<16xi32> to vector<1x16xi32>
      tpu.vector_store %arg6[%swap3A_615, %swap3A_616], %swap3A_619 {strides = array<i32>} : memref<2x128xi32, #tpu.memory_space<vmem>>, vector<1x16xi32>,
      %get3A_620 = arith.constant 1 : i32
      %get3A_621 = arith.index_cast %get3A_620 : i32 to index
      %get3A_622 = arith.constant 32 : index
      %get3A_623 = tpu.vector_load %arg6[%get3A_621, %get3A_622] {strides = array<i32>} : memref<2x128xi32, #tpu.memory_space<vmem>>, vector<1x16xi32>,
      %get3A_624 = vector.shape_cast %get3A_623 : vector<1x16xi32> to vector<16xi32>
      %add3A_625 = vector.broadcast %mul3A_4 : i32 to vector<16xi32>
      %add3A_626 = arith.addi %get3A_624, %add3A_625 : vector<16xi32>
      %swap3A_627 = arith.constant 1 : i32
      %swap3A_628 = arith.index_cast %swap3A_627 : i32 to index
      %swap3A_629 = arith.constant 32 : index
      %swap3A_630 = tpu.vector_load %arg6[%swap3A_628, %swap3A_629] {strides = array<i32>} : memref<2x128xi32, #tpu.memory_space<vmem>>, vector<1x16xi32>,
      %swap3A_631 = vector.shape_cast %swap3A_630 : vector<1x16xi32> to vector<16xi32>
      %swap3A_632 = vector.shape_cast %add3A_626 : vector<16xi32> to vector<1x16xi32>
      tpu.vector_store %arg6[%swap3A_628, %swap3A_629], %swap3A_632 {strides = array<i32>} : memref<2x128xi32, #tpu.memory_space<vmem>>, vector<1x16xi32>,
      %get3A_633 = arith.constant 1 : i32
      %get3A_634 = arith.index_cast %get3A_633 : i32 to index
      %get3A_635 = arith.constant 48 : index
      %get3A_636 = tpu.vector_load %arg6[%get3A_634, %get3A_635] {strides = array<i32>} : memref<2x128xi32, #tpu.memory_space<vmem>>, vector<1x16xi32>,
      %get3A_637 = vector.shape_cast %get3A_636 : vector<1x16xi32> to vector<16xi32>
      %add3A_638 = vector.broadcast %mul3A_4 : i32 to vector<16xi32>
      %add3A_639 = arith.addi %get3A_637, %add3A_638 : vector<16xi32>
      %swap3A_640 = arith.constant 1 : i32
      %swap3A_641 = arith.index_cast %swap3A_640 : i32 to index
      %swap3A_642 = arith.constant 48 : index
      %swap3A_643 = tpu.vector_load %arg6[%swap3A_641, %swap3A_642] {strides = array<i32>} : memref<2x128xi32, #tpu.memory_space<vmem>>, vector<1x16xi32>,
      %swap3A_644 = vector.shape_cast %swap3A_643 : vector<1x16xi32> to vector<16xi32>
      %swap3A_645 = vector.shape_cast %add3A_639 : vector<16xi32> to vector<1x16xi32>
      tpu.vector_store %arg6[%swap3A_641, %swap3A_642], %swap3A_645 {strides = array<i32>} : memref<2x128xi32, #tpu.memory_space<vmem>>, vector<1x16xi32>,
      %get3A_646 = arith.constant 1 : i32
      %get3A_647 = arith.index_cast %get3A_646 : i32 to index
      %get3A_648 = arith.constant 64 : index
      %get3A_649 = tpu.vector_load %arg6[%get3A_647, %get3A_648] {strides = array<i32>} : memref<2x128xi32, #tpu.memory_space<vmem>>, vector<1x16xi32>,
      %get3A_650 = vector.shape_cast %get3A_649 : vector<1x16xi32> to vector<16xi32>
      %add3A_651 = vector.broadcast %mul3A_4 : i32 to vector<16xi32>
      %add3A_652 = arith.addi %get3A_650, %add3A_651 : vector<16xi32>
      %swap3A_653 = arith.constant 1 : i32
      %swap3A_654 = arith.index_cast %swap3A_653 : i32 to index
      %swap3A_655 = arith.constant 64 : index
      %swap3A_656 = tpu.vector_load %arg6[%swap3A_654, %swap3A_655] {strides = array<i32>} : memref<2x128xi32, #tpu.memory_space<vmem>>, vector<1x16xi32>,
      %swap3A_657 = vector.shape_cast %swap3A_656 : vector<1x16xi32> to vector<16xi32>
      %swap3A_658 = vector.shape_cast %add3A_652 : vector<16xi32> to vector<1x16xi32>
      tpu.vector_store %arg6[%swap3A_654, %swap3A_655], %swap3A_658 {strides = array<i32>} : memref<2x128xi32, #tpu.memory_space<vmem>>, vector<1x16xi32>,
      %get3A_659 = arith.constant 1 : i32
      %get3A_660 = arith.index_cast %get3A_659 : i32 to index
      %get3A_661 = arith.constant 80 : index
      %get3A_662 = tpu.vector_load %arg6[%get3A_660, %get3A_661] {strides = array<i32>} : memref<2x128xi32, #tpu.memory_space<vmem>>, vector<1x16xi32>,
      %get3A_663 = vector.shape_cast %get3A_662 : vector<1x16xi32> to vector<16xi32>
      %add3A_664 = vector.broadcast %mul3A_4 : i32 to vector<16xi32>
      %add3A_665 = arith.addi %get3A_663, %add3A_664 : vector<16xi32>
      %swap3A_666 = arith.constant 1 : i32
      %swap3A_667 = arith.index_cast %swap3A_666 : i32 to index
      %swap3A_668 = arith.constant 80 : index
      %swap3A_669 = tpu.vector_load %arg6[%swap3A_667, %swap3A_668] {strides = array<i32>} : memref<2x128xi32, #tpu.memory_space<vmem>>, vector<1x16xi32>,
      %swap3A_670 = vector.shape_cast %swap3A_669 : vector<1x16xi32> to vector<16xi32>
      %swap3A_671 = vector.shape_cast %add3A_665 : vector<16xi32> to vector<1x16xi32>
      tpu.vector_store %arg6[%swap3A_667, %swap3A_668], %swap3A_671 {strides = array<i32>} : memref<2x128xi32, #tpu.memory_space<vmem>>, vector<1x16xi32>,
      %get3A_672 = arith.constant 1 : i32
      %get3A_673 = arith.index_cast %get3A_672 : i32 to index
      %get3A_674 = arith.constant 96 : index
      %get3A_675 = tpu.vector_load %arg6[%get3A_673, %get3A_674] {strides = array<i32>} : memref<2x128xi32, #tpu.memory_space<vmem>>, vector<1x16xi32>,
      %get3A_676 = vector.shape_cast %get3A_675 : vector<1x16xi32> to vector<16xi32>
      %add3A_677 = vector.broadcast %mul3A_4 : i32 to vector<16xi32>
      %add3A_678 = arith.addi %get3A_676, %add3A_677 : vector<16xi32>
      %swap3A_679 = arith.constant 1 : i32
      %swap3A_680 = arith.index_cast %swap3A_679 : i32 to index
      %swap3A_681 = arith.constant 96 : index
      %swap3A_682 = tpu.vector_load %arg6[%swap3A_680, %swap3A_681] {strides = array<i32>} : memref<2x128xi32, #tpu.memory_space<vmem>>, vector<1x16xi32>,
      %swap3A_683 = vector.shape_cast %swap3A_682 : vector<1x16xi32> to vector<16xi32>
      %swap3A_684 = vector.shape_cast %add3A_678 : vector<16xi32> to vector<1x16xi32>
      tpu.vector_store %arg6[%swap3A_680, %swap3A_681], %swap3A_684 {strides = array<i32>} : memref<2x128xi32, #tpu.memory_space<vmem>>, vector<1x16xi32>,
      %get3A_685 = arith.constant 1 : i32
      %get3A_686 = arith.index_cast %get3A_685 : i32 to index
      %get3A_687 = arith.constant 112 : index
      %get3A_688 = tpu.vector_load %arg6[%get3A_686, %get3A_687] {strides = array<i32>} : memref<2x128xi32, #tpu.memory_space<vmem>>, vector<1x16xi32>,
      %get3A_689 = vector.shape_cast %get3A_688 : vector<1x16xi32> to vector<16xi32>
      %add3A_690 = vector.broadcast %mul3A_4 : i32 to vector<16xi32>
      %add3A_691 = arith.addi %get3A_689, %add3A_690 : vector<16xi32>
      %swap3A_692 = arith.constant 1 : i32
      %swap3A_693 = arith.index_cast %swap3A_692 : i32 to index
      %swap3A_694 = arith.constant 112 : index
      %swap3A_695 = tpu.vector_load %arg6[%swap3A_693, %swap3A_694] {strides = array<i32>} : memref<2x128xi32, #tpu.memory_space<vmem>>, vector<1x16xi32>,
      %swap3A_696 = vector.shape_cast %swap3A_695 : vector<1x16xi32> to vector<16xi32>
      %swap3A_697 = vector.shape_cast %add3A_691 : vector<16xi32> to vector<1x16xi32>
      tpu.vector_store %arg6[%swap3A_693, %swap3A_694], %swap3A_697 {strides = array<i32>} : memref<2x128xi32, #tpu.memory_space<vmem>>, vector<1x16xi32>,
      %dma_start3A_698 = arith.constant 1 : i32
      %dma_start3A_699 = arith.constant 0 : i32
      %dma_start3A_700 = tpu.memref_slice %arg6[%dma_start3A_698, %dma_start3A_699] : memref<2x128xi32, #tpu.memory_space<vmem>> -> memref<1x128xi32, #tpu.memory_space<vmem>>
      %dma_start3A_701 = tpu.memref_squeeze %dma_start3A_700 : memref<1x128xi32, #tpu.memory_space<vmem>> -> memref<128xi32, #tpu.memory_space<vmem>>
      %dma_start3A_702 = arith.constant 0 : i32
      %dma_start3A_703 = arith.constant 0 : i32
      %dma_start3A_704 = tpu.memref_slice %arg2[%dma_start3A_702, %dma_start3A_703] : memref<20480x128xf32, #tpu.memory_space<hbm>> -> memref<20480x128xf32, #tpu.memory_space<hbm>>
      tpu.enqueue_indirect_dma source(%dma_start3A_704 : memref<20480x128xf32, #tpu.memory_space<hbm>>) target(%arg9 : memref<128x128xf32, #tpu.memory_space<vmem>>) offsets(%dma_start3A_701 : memref<128xi32, #tpu.memory_space<vmem>>) semaphore(%arg11 : memref<!tpu.dma_semaphore, #tpu.memory_space<semaphore_mem>>)
      %dma_wait3A_705 = arith.constant 0 : i32
      %dma_wait3A_706 = arith.constant 0 : i32
      %dma_wait3A_707 = tpu.memref_slice %arg6[%dma_wait3A_705, %dma_wait3A_706] : memref<2x128xi32, #tpu.memory_space<vmem>> -> memref<1x128xi32, #tpu.memory_space<vmem>>
      %dma_wait3A_708 = tpu.memref_squeeze %dma_wait3A_707 : memref<1x128xi32, #tpu.memory_space<vmem>> -> memref<128xi32, #tpu.memory_space<vmem>>
      %dma_wait3A_709 = arith.constant 0 : i32
      %dma_wait3A_710 = arith.constant 0 : i32
      %dma_wait3A_711 = tpu.memref_slice %arg2[%dma_wait3A_709, %dma_wait3A_710] : memref<20480x128xf32, #tpu.memory_space<hbm>> -> memref<20480x128xf32, #tpu.memory_space<hbm>>
      tpu.wait_indirect_dma semaphore(%arg11 : memref<!tpu.dma_semaphore, #tpu.memory_space<semaphore_mem>>) src(%dma_wait3A_711 : memref<20480x128xf32, #tpu.memory_space<hbm>>) dst(%arg8 : memref<128x128xf32, #tpu.memory_space<vmem>>)
      %add3A_712 = arith.addi %mul3A_2, %mul3A_350 : i32
      %dma_wait3A_713 = arith.constant 0 : i32
      %dma_wait3A_714 = arith.constant 0 : i32
      %dma_wait3A_715 = tpu.memref_slice %arg7[%dma_wait3A_713, %dma_wait3A_714] : memref<2x128xi32, #tpu.memory_space<vmem>> -> memref<1x128xi32, #tpu.memory_space<vmem>>
      %dma_wait3A_716 = tpu.memref_squeeze %dma_wait3A_715 : memref<1x128xi32, #tpu.memory_space<vmem>> -> memref<128xi32, #tpu.memory_space<vmem>>
      %dma_wait3A_717 = arith.constant 0 : i32
      %dma_wait3A_718 = tpu.memref_slice %arg4[%add3A_712, %dma_wait3A_717] : memref<1280x128xi32, #tpu.memory_space<hbm>> -> memref<1x128xi32, #tpu.memory_space<hbm>>
      %dma_wait3A_719 = tpu.memref_squeeze %dma_wait3A_718 : memref<1x128xi32, #tpu.memory_space<hbm>> -> memref<128xi32, #tpu.memory_space<hbm>>
      %dma_wait3A_720 = arith.constant 0 : i32
      %dma_wait3A_721 = tpu.memref_slice %arg7[%dma_wait3A_713, %dma_wait3A_720] : memref<2x128xi32, #tpu.memory_space<vmem>> -> memref<1x128xi32, #tpu.memory_space<vmem>>
      %dma_wait3A_722 = tpu.memref_squeeze %dma_wait3A_721 : memref<1x128xi32, #tpu.memory_space<vmem>> -> memref<128xi32, #tpu.memory_space<vmem>>
      %dma_wait3A_723 = arith.constant 0 : i32
      %dma_wait3A_724 = tpu.memref_slice %arg4[%add3A_712, %dma_wait3A_723] : memref<1280x128xi32, #tpu.memory_space<hbm>> -> memref<1x128xi32, #tpu.memory_space<hbm>>
      %dma_wait3A_725 = tpu.memref_squeeze %dma_wait3A_724 : memref<1x128xi32, #tpu.memory_space<hbm>> -> memref<128xi32, #tpu.memory_space<hbm>>
      tpu.wait_dma2 semaphore(%arg14 : memref<!tpu.dma_semaphore, #tpu.memory_space<semaphore_mem>>) src(%dma_wait3A_725 : memref<128xi32, #tpu.memory_space<hbm>>) dst(%dma_wait3A_722 : memref<128xi32, #tpu.memory_space<vmem>>)
      %dma_start3A_726 = arith.constant 0 : i32
      %dma_start3A_727 = arith.constant 0 : i32
      %dma_start3A_728 = tpu.memref_slice %arg7[%dma_start3A_726, %dma_start3A_727] : memref<2x128xi32, #tpu.memory_space<vmem>> -> memref<1x128xi32, #tpu.memory_space<vmem>>
      %dma_start3A_729 = tpu.memref_squeeze %dma_start3A_728 : memref<1x128xi32, #tpu.memory_space<vmem>> -> memref<128xi32, #tpu.memory_space<vmem>>
      %dma_start3A_730 = arith.constant 0 : i32
      %dma_start3A_731 = arith.constant 0 : i32
      %dma_start3A_732 = tpu.memref_slice %arg10[%dma_start3A_730, %dma_start3A_731] : memref<10240x128xf32, #tpu.memory_space<vmem_shared>> -> memref<10240x128xf32, #tpu.memory_space<vmem_shared>>
      tpu.enqueue_indirect_dma source(%arg8 : memref<128x128xf32, #tpu.memory_space<vmem>>) target(%dma_start3A_732 : memref<10240x128xf32, #tpu.memory_space<vmem_shared>>) offsets(%dma_start3A_729 : memref<128xi32, #tpu.memory_space<vmem>>) semaphore(%arg12 : memref<!tpu.dma_semaphore, #tpu.memory_space<semaphore_mem>>) {add = true}
    }
    %scan3A_295 = arith.constant 39 : i32
    %dma_wait3A_296 = arith.constant 0 : i32
    %dma_wait3A_297 = arith.constant 0 : i32
    %dma_wait3A_298 = tpu.memref_slice %arg7[%dma_wait3A_296, %dma_wait3A_297] : memref<2x128xi32, #tpu.memory_space<vmem>> -> memref<1x128xi32, #tpu.memory_space<vmem>>
    %dma_wait3A_299 = tpu.memref_squeeze %dma_wait3A_298 : memref<1x128xi32, #tpu.memory_space<vmem>> -> memref<128xi32, #tpu.memory_space<vmem>>
    %dma_wait3A_300 = arith.constant 0 : i32
    %dma_wait3A_301 = arith.constant 0 : i32
    %dma_wait3A_302 = tpu.memref_slice %arg10[%dma_wait3A_300, %dma_wait3A_301] : memref<10240x128xf32, #tpu.memory_space<vmem_shared>> -> memref<10240x128xf32, #tpu.memory_space<vmem_shared>>
    tpu.wait_indirect_dma semaphore(%arg12 : memref<!tpu.dma_semaphore, #tpu.memory_space<semaphore_mem>>) src(%arg8 : memref<128x128xf32, #tpu.memory_space<vmem>>) dst(%dma_wait3A_302 : memref<10240x128xf32, #tpu.memory_space<vmem_shared>>)
    %dma_wait3A_303 = arith.constant 1 : i32
    %dma_wait3A_304 = arith.constant 0 : i32
    %dma_wait3A_305 = tpu.memref_slice %arg6[%dma_wait3A_303, %dma_wait3A_304] : memref<2x128xi32, #tpu.memory_space<vmem>> -> memref<1x128xi32, #tpu.memory_space<vmem>>
    %dma_wait3A_306 = tpu.memref_squeeze %dma_wait3A_305 : memref<1x128xi32, #tpu.memory_space<vmem>> -> memref<128xi32, #tpu.memory_space<vmem>>
    %dma_wait3A_307 = arith.constant 0 : i32
    %dma_wait3A_308 = arith.constant 0 : i32
    %dma_wait3A_309 = tpu.memref_slice %arg2[%dma_wait3A_307, %dma_wait3A_308] : memref<20480x128xf32, #tpu.memory_space<hbm>> -> memref<20480x128xf32, #tpu.memory_space<hbm>>
    tpu.wait_indirect_dma semaphore(%arg11 : memref<!tpu.dma_semaphore, #tpu.memory_space<semaphore_mem>>) src(%dma_wait3A_309 : memref<20480x128xf32, #tpu.memory_space<hbm>>) dst(%arg9 : memref<128x128xf32, #tpu.memory_space<vmem>>)
    %add3A_310 = arith.constant 80 : i32
    %add3A_311 = arith.addi %mul3A_2, %add3A_310 : i32
    %sub3A = arith.constant 1 : i32
    %sub3A_312 = arith.subi %add3A_311, %sub3A : i32
    %dma_wait3A_313 = arith.constant 1 : i32
    %dma_wait3A_314 = arith.constant 0 : i32
    %dma_wait3A_315 = tpu.memref_slice %arg7[%dma_wait3A_313, %dma_wait3A_314] : memref<2x128xi32, #tpu.memory_space<vmem>> -> memref<1x128xi32, #tpu.memory_space<vmem>>
    %dma_wait3A_316 = tpu.memref_squeeze %dma_wait3A_315 : memref<1x128xi32, #tpu.memory_space<vmem>> -> memref<128xi32, #tpu.memory_space<vmem>>
    %dma_wait3A_317 = arith.constant 0 : i32
    %dma_wait3A_318 = tpu.memref_slice %arg4[%sub3A_312, %dma_wait3A_317] : memref<1280x128xi32, #tpu.memory_space<hbm>> -> memref<1x128xi32, #tpu.memory_space<hbm>>
    %dma_wait3A_319 = tpu.memref_squeeze %dma_wait3A_318 : memref<1x128xi32, #tpu.memory_space<hbm>> -> memref<128xi32, #tpu.memory_space<hbm>>
    %dma_wait3A_320 = arith.constant 0 : i32
    %dma_wait3A_321 = tpu.memref_slice %arg7[%dma_wait3A_313, %dma_wait3A_320] : memref<2x128xi32, #tpu.memory_space<vmem>> -> memref<1x128xi32, #tpu.memory_space<vmem>>
    %dma_wait3A_322 = tpu.memref_squeeze %dma_wait3A_321 : memref<1x128xi32, #tpu.memory_space<vmem>> -> memref<128xi32, #tpu.memory_space<vmem>>
    %dma_wait3A_323 = arith.constant 0 : i32
    %dma_wait3A_324 = tpu.memref_slice %arg4[%sub3A_312, %dma_wait3A_323] : memref<1280x128xi32, #tpu.memory_space<hbm>> -> memref<1x128xi32, #tpu.memory_space<hbm>>
    %dma_wait3A_325 = tpu.memref_squeeze %dma_wait3A_324 : memref<1x128xi32, #tpu.memory_space<hbm>> -> memref<128xi32, #tpu.memory_space<hbm>>
    tpu.wait_dma2 semaphore(%arg15 : memref<!tpu.dma_semaphore, #tpu.memory_space<semaphore_mem>>) src(%dma_wait3A_325 : memref<128xi32, #tpu.memory_space<hbm>>) dst(%dma_wait3A_322 : memref<128xi32, #tpu.memory_space<vmem>>)
    %dma_start3A_326 = arith.constant 1 : i32
    %dma_start3A_327 = arith.constant 0 : i32
    %dma_start3A_328 = tpu.memref_slice %arg7[%dma_start3A_326, %dma_start3A_327] : memref<2x128xi32, #tpu.memory_space<vmem>> -> memref<1x128xi32, #tpu.memory_space<vmem>>
    %dma_start3A_329 = tpu.memref_squeeze %dma_start3A_328 : memref<1x128xi32, #tpu.memory_space<vmem>> -> memref<128xi32, #tpu.memory_space<vmem>>
    %dma_start3A_330 = arith.constant 0 : i32
    %dma_start3A_331 = arith.constant 0 : i32
    %dma_start3A_332 = tpu.memref_slice %arg10[%dma_start3A_330, %dma_start3A_331] : memref<10240x128xf32, #tpu.memory_space<vmem_shared>> -> memref<10240x128xf32, #tpu.memory_space<vmem_shared>>
    tpu.enqueue_indirect_dma source(%arg9 : memref<128x128xf32, #tpu.memory_space<vmem>>) target(%dma_start3A_332 : memref<10240x128xf32, #tpu.memory_space<vmem_shared>>) offsets(%dma_start3A_329 : memref<128xi32, #tpu.memory_space<vmem>>) semaphore(%arg12 : memref<!tpu.dma_semaphore, #tpu.memory_space<semaphore_mem>>) {add = true}
    %dma_wait3A_333 = arith.constant 1 : i32
    %dma_wait3A_334 = arith.constant 0 : i32
    %dma_wait3A_335 = tpu.memref_slice %arg7[%dma_wait3A_333, %dma_wait3A_334] : memref<2x128xi32, #tpu.memory_space<vmem>> -> memref<1x128xi32, #tpu.memory_space<vmem>>
    %dma_wait3A_336 = tpu.memref_squeeze %dma_wait3A_335 : memref<1x128xi32, #tpu.memory_space<vmem>> -> memref<128xi32, #tpu.memory_space<vmem>>
    %dma_wait3A_337 = arith.constant 0 : i32
    %dma_wait3A_338 = arith.constant 0 : i32
    %dma_wait3A_339 = tpu.memref_slice %arg10[%dma_wait3A_337, %dma_wait3A_338] : memref<10240x128xf32, #tpu.memory_space<vmem_shared>> -> memref<10240x128xf32, #tpu.memory_space<vmem_shared>>
    tpu.wait_indirect_dma semaphore(%arg12 : memref<!tpu.dma_semaphore, #tpu.memory_space<semaphore_mem>>) src(%arg9 : memref<128x128xf32, #tpu.memory_space<vmem>>) dst(%dma_wait3A_339 : memref<10240x128xf32, #tpu.memory_space<vmem_shared>>)
    %barrier3A_340 = arith.constant 0 : index
    tpu.barrier barrier_id(%barrier3A_340)
    %mul3A_341 = arith.constant 10240 : i32
    %mul3A_342 = arith.muli %arg0, %mul3A_341 : i32
    %add3A_343 = arith.addi %mul3A_342, %mul3A_0 : i32
    "tpu.region"() ({
      %run_scoped3A_344 = tpu.sem_alloc : memref<!tpu.dma_semaphore, #tpu.memory_space<semaphore_mem>>
      %dma_start3A_345 = arith.constant 0 : i32
      %dma_start3A_346 = tpu.memref_slice %arg5[%add3A_343, %dma_start3A_345] : memref<20480x128xf32, #tpu.memory_space<hbm>> -> memref<640x128xf32, #tpu.memory_space<hbm>>
      %dma_start3A_347 = arith.constant 0 : i32
      %dma_start3A_348 = tpu.memref_slice %arg10[%mul3A_0, %dma_start3A_347] : memref<10240x128xf32, #tpu.memory_space<vmem_shared>> -> memref<640x128xf32, #tpu.memory_space<vmem_shared>>
      tpu.enqueue_dma source(%dma_start3A_348 : memref<640x128xf32, #tpu.memory_space<vmem_shared>>) target(%dma_start3A_346 : memref<640x128xf32, #tpu.memory_space<hbm>>) target_semaphore(%run_scoped3A_344 : memref<!tpu.dma_semaphore, #tpu.memory_space<semaphore_mem>>)
      %dma_wait3A_349 = arith.constant 0 : i32
      %dma_wait3A_350 = tpu.memref_slice %arg5[%add3A_343, %dma_wait3A_349] : memref<20480x128xf32, #tpu.memory_space<hbm>> -> memref<640x128xf32, #tpu.memory_space<hbm>>
      %dma_wait3A_351 = arith.constant 0 : i32
      %dma_wait3A_352 = tpu.memref_slice %arg10[%mul3A_0, %dma_wait3A_351] : memref<10240x128xf32, #tpu.memory_space<vmem_shared>> -> memref<640x128xf32, #tpu.memory_space<vmem_shared>>
      tpu.wait_dma2 semaphore(%run_scoped3A_344 : memref<!tpu.dma_semaphore, #tpu.memory_space<semaphore_mem>>) src(%dma_wait3A_352 : memref<640x128xf32, #tpu.memory_space<vmem_shared>>) dst(%dma_wait3A_350 : memref<640x128xf32, #tpu.memory_space<hbm>>)
      tpu.yield
    }) : () -> ()
    return
  }
}

module attributes {stable_mosaic.version = 14 : i64} {
  func.func @body(%arg0: i32, %arg1: memref<512x128xf32, #tpu.memory_space<vmem>>, %arg2: memref<512x128xf32, #tpu.memory_space<vmem>>, %arg3: memref<256x256xf32, #tpu.memory_space<vmem>>, %arg4: memref<256x256xf32, #tpu.memory_space<vmem>>, %arg5: memref<1x256xf32, #tpu.memory_space<vmem>>, %arg6: memref<1x256xf32, #tpu.memory_space<vmem>>, %arg7: memref<512x128xf32, #tpu.memory_space<vmem>>, %arg8: memref<512x128xf32, #tpu.memory_space<vmem>>) attributes {dimension_semantics = [#tpu.dimension_semantics<arbitrary>], iteration_bounds = array<i64: 20>, scalar_prefetch = 0 : i64, scratch_operands = 0 : i64, tpu.core_type = #tpu.core_type<tc>, window_params = [{transform_indices = @transform_0, window_bounds = array<i64: 512, 128>}, {transform_indices = @transform_1, window_bounds = array<i64: 512, 128>}, {pipeline_mode = #tpu.pipeline_mode<synchronous>, transform_indices = @transform_2, window_bounds = array<i64: 256, 256>}, {pipeline_mode = #tpu.pipeline_mode<synchronous>, transform_indices = @transform_3, window_bounds = array<i64: 256, 256>}, {pipeline_mode = #tpu.pipeline_mode<synchronous>, transform_indices = @transform_4, window_bounds = array<i64: 1, 256>}, {pipeline_mode = #tpu.pipeline_mode<synchronous>, transform_indices = @transform_5, window_bounds = array<i64: 1, 256>}, {transform_indices = @transform_6, window_bounds = array<i64: 512, 128>}, {transform_indices = @transform_7, window_bounds = array<i64: 512, 128>}]} {
    %get3A = arith.constant 0 : index
    %get3A_0 = arith.constant 0 : index
    %get3A_1 = vector.load %arg3[%get3A, %get3A_0] : memref<256x256xf32, #tpu.memory_space<vmem>>, vector<256x256xf32>
    %get3A_2 = arith.constant 0 : index
    %get3A_3 = arith.constant 0 : index
    %get3A_4 = vector.load %arg1[%get3A_2, %get3A_3] : memref<512x128xf32, #tpu.memory_space<vmem>>, vector<512x128xf32>
    %slice3A = vector.extract_strided_slice %get3A_1 {offsets = [0, 0], sizes = [128, 256], strides = [1, 1]} : vector<256x256xf32> to vector<128x256xf32>
    %dot_general3A = arith.constant dense<0.000000e+00> : vector<512x256xf32>
    %dot_general3A_5 = tpu.matmul %get3A_4, %slice3A, %dot_general3A {dimension_numbers = #tpu.dot_dimension_numbers<[1], [0], [0], [1], [0, 0, 1, 1], [], []>, precision = #tpu.contract_precision<fp32>, transpose_lhs_hint = false} : vector<512x128xf32>, vector<128x256xf32>, vector<512x256xf32> -> vector<512x256xf32>
    %get3A_6 = arith.constant 0 : index
    %get3A_7 = arith.constant 0 : index
    %get3A_8 = vector.load %arg2[%get3A_6, %get3A_7] : memref<512x128xf32, #tpu.memory_space<vmem>>, vector<512x128xf32>
    %slice3A_9 = vector.extract_strided_slice %get3A_1 {offsets = [128, 0], sizes = [128, 256], strides = [1, 1]} : vector<256x256xf32> to vector<128x256xf32>
    %dot_general3A_10 = arith.constant dense<0.000000e+00> : vector<512x256xf32>
    %dot_general3A_11 = tpu.matmul %get3A_8, %slice3A_9, %dot_general3A_10 {dimension_numbers = #tpu.dot_dimension_numbers<[1], [0], [0], [1], [0, 0, 1, 1], [], []>, precision = #tpu.contract_precision<fp32>, transpose_lhs_hint = false} : vector<512x128xf32>, vector<128x256xf32>, vector<512x256xf32> -> vector<512x256xf32>
    %add3A = arith.addf %dot_general3A_5, %dot_general3A_11 : vector<512x256xf32>
    %get3A_12 = arith.constant 0 : index
    %get3A_13 = arith.constant 0 : index
    %get3A_14 = vector.load %arg5[%get3A_12, %get3A_13] : memref<1x256xf32, #tpu.memory_space<vmem>>, vector<1x256xf32>
    %add3A_15 = vector.broadcast %get3A_14 : vector<1x256xf32> to vector<512x256xf32>
    %add3A_16 = arith.addf %add3A, %add3A_15 : vector<512x256xf32>
    %max3A = arith.constant 0.000000e+00 : f32
    %max3A_17 = vector.broadcast %max3A : f32 to vector<512x256xf32>
    %max3A_18 = arith.maximumf %add3A_16, %max3A_17 : vector<512x256xf32>
    %get3A_19 = arith.constant 0 : index
    %get3A_20 = arith.constant 0 : index
    %get3A_21 = vector.load %arg4[%get3A_19, %get3A_20] : memref<256x256xf32, #tpu.memory_space<vmem>>, vector<256x256xf32>
    %convert_element_type3A = arith.truncf %max3A_18 : vector<512x256xf32> to vector<512x256xbf16>
    %convert_element_type3A_22 = arith.truncf %get3A_21 : vector<256x256xf32> to vector<256x256xbf16>
    %dot_general3A_23 = arith.constant dense<0.000000e+00> : vector<512x256xf32>
    %dot_general3A_24 = tpu.matmul %convert_element_type3A, %convert_element_type3A_22, %dot_general3A_23 {dimension_numbers = #tpu.dot_dimension_numbers<[1], [0], [0], [1], [0, 0, 1, 1], [], []>, transpose_lhs_hint = false} : vector<512x256xbf16>, vector<256x256xbf16>, vector<512x256xf32> -> vector<512x256xf32>
    %get3A_25 = arith.constant 0 : index
    %get3A_26 = arith.constant 0 : index
    %get3A_27 = vector.load %arg6[%get3A_25, %get3A_26] : memref<1x256xf32, #tpu.memory_space<vmem>>, vector<1x256xf32>
    %add3A_28 = vector.broadcast %get3A_27 : vector<1x256xf32> to vector<512x256xf32>
    %add3A_29 = arith.addf %dot_general3A_24, %add3A_28 : vector<512x256xf32>
    %max3A_30 = arith.constant 0.000000e+00 : f32
    %max3A_31 = vector.broadcast %max3A_30 : f32 to vector<512x256xf32>
    %max3A_32 = arith.maximumf %add3A_29, %max3A_31 : vector<512x256xf32>
    %slice3A_33 = vector.extract_strided_slice %max3A_32 {offsets = [0, 0], sizes = [512, 128], strides = [1, 1]} : vector<512x256xf32> to vector<512x128xf32>
    %swap3A = arith.constant 0 : index
    %swap3A_34 = arith.constant 0 : index
    %swap3A_35 = vector.load %arg7[%swap3A, %swap3A_34] : memref<512x128xf32, #tpu.memory_space<vmem>>, vector<512x128xf32>
    tpu.vector_store %arg7[%swap3A, %swap3A_34], %slice3A_33 {strides = array<i32>} : memref<512x128xf32, #tpu.memory_space<vmem>>, vector<512x128xf32>,
    %slice3A_36 = vector.extract_strided_slice %max3A_32 {offsets = [0, 128], sizes = [512, 128], strides = [1, 1]} : vector<512x256xf32> to vector<512x128xf32>
    %swap3A_37 = arith.constant 0 : index
    %swap3A_38 = arith.constant 0 : index
    %swap3A_39 = vector.load %arg8[%swap3A_37, %swap3A_38] : memref<512x128xf32, #tpu.memory_space<vmem>>, vector<512x128xf32>
    tpu.vector_store %arg8[%swap3A_37, %swap3A_38], %slice3A_36 {strides = array<i32>} : memref<512x128xf32, #tpu.memory_space<vmem>>, vector<512x128xf32>,
    return
  }
  func.func @transform_0(%arg0: i32) -> (i32, i32) {
    %add3A = arith.constant 0 : i32
    %add3A_0 = arith.addi %arg0, %add3A : i32
    %c0_i32 = arith.constant 0 : i32
    %c0_i32_1 = arith.constant 0 : i32
    return %add3A_0, %c0_i32 : i32, i32
  }
  func.func @transform_1(%arg0: i32) -> (i32, i32) {
    %add3A = arith.constant 20 : i32
    %add3A_0 = arith.addi %arg0, %add3A : i32
    %c0_i32 = arith.constant 0 : i32
    %c0_i32_1 = arith.constant 0 : i32
    return %add3A_0, %c0_i32 : i32, i32
  }
  func.func @transform_2(%arg0: i32) -> (i32, i32) {
    %c0_i32 = arith.constant 0 : i32
    %c0_i32_0 = arith.constant 0 : i32
    %c0_i32_1 = arith.constant 0 : i32
    return %c0_i32, %c0_i32_0 : i32, i32
  }
  func.func @transform_3(%arg0: i32) -> (i32, i32) {
    %c0_i32 = arith.constant 0 : i32
    %c0_i32_0 = arith.constant 0 : i32
    %c0_i32_1 = arith.constant 0 : i32
    return %c0_i32, %c0_i32_0 : i32, i32
  }
  func.func @transform_4(%arg0: i32) -> (i32, i32) {
    %c0_i32 = arith.constant 0 : i32
    %c0_i32_0 = arith.constant 0 : i32
    %c0_i32_1 = arith.constant 0 : i32
    return %c0_i32, %c0_i32_0 : i32, i32
  }
  func.func @transform_5(%arg0: i32) -> (i32, i32) {
    %c0_i32 = arith.constant 0 : i32
    %c0_i32_0 = arith.constant 0 : i32
    %c0_i32_1 = arith.constant 0 : i32
    return %c0_i32, %c0_i32_0 : i32, i32
  }
  func.func @transform_6(%arg0: i32) -> (i32, i32) {
    %c0_i32 = arith.constant 0 : i32
    %c0_i32_0 = arith.constant 0 : i32
    return %arg0, %c0_i32 : i32, i32
  }
  func.func @transform_7(%arg0: i32) -> (i32, i32) {
    %c0_i32 = arith.constant 0 : i32
    %c0_i32_0 = arith.constant 0 : i32
    return %arg0, %c0_i32 : i32, i32
  }
}

module attributes {stable_mosaic.version = 14 : i64} {
  func.func @body(%arg0: i32, %arg1: memref<512x128xf32, #tpu.memory_space<vmem>>, %arg2: memref<512x128xf32, #tpu.memory_space<vmem>>, %arg3: memref<256x256xf32, #tpu.memory_space<vmem>>, %arg4: memref<256x256xf32, #tpu.memory_space<vmem>>, %arg5: memref<1x256xf32, #tpu.memory_space<vmem>>, %arg6: memref<1x256xf32, #tpu.memory_space<vmem>>, %arg7: memref<512x128xf32, #tpu.memory_space<vmem>>, %arg8: memref<512x128xf32, #tpu.memory_space<vmem>>) attributes {dimension_semantics = [#tpu.dimension_semantics<arbitrary>], iteration_bounds = array<i64: 20>, scalar_prefetch = 0 : i64, scratch_operands = 0 : i64, tpu.core_type = #tpu.core_type<tc>, window_params = [{transform_indices = @transform_0, window_bounds = array<i64: 512, 128>}, {transform_indices = @transform_1, window_bounds = array<i64: 512, 128>}, {pipeline_mode = #tpu.pipeline_mode<synchronous>, transform_indices = @transform_2, window_bounds = array<i64: 256, 256>}, {pipeline_mode = #tpu.pipeline_mode<synchronous>, transform_indices = @transform_3, window_bounds = array<i64: 256, 256>}, {pipeline_mode = #tpu.pipeline_mode<synchronous>, transform_indices = @transform_4, window_bounds = array<i64: 1, 256>}, {pipeline_mode = #tpu.pipeline_mode<synchronous>, transform_indices = @transform_5, window_bounds = array<i64: 1, 256>}, {transform_indices = @transform_6, window_bounds = array<i64: 512, 128>}, {transform_indices = @transform_7, window_bounds = array<i64: 512, 128>}]} {
    %get3A = arith.constant 0 : index
    %get3A_0 = arith.constant 0 : index
    %get3A_1 = vector.load %arg3[%get3A, %get3A_0] : memref<256x256xf32, #tpu.memory_space<vmem>>, vector<256x256xf32>
    %get3A_2 = arith.constant 0 : index
    %get3A_3 = arith.constant 0 : index
    %get3A_4 = vector.load %arg1[%get3A_2, %get3A_3] : memref<512x128xf32, #tpu.memory_space<vmem>>, vector<512x128xf32>
    %slice3A = vector.extract_strided_slice %get3A_1 {offsets = [0, 0], sizes = [128, 256], strides = [1, 1]} : vector<256x256xf32> to vector<128x256xf32>
    %convert_element_type3A = arith.truncf %get3A_4 : vector<512x128xf32> to vector<512x128xbf16>
    %convert_element_type3A_5 = arith.truncf %slice3A : vector<128x256xf32> to vector<128x256xbf16>
    %dot_general3A = arith.constant dense<0.000000e+00> : vector<512x256xf32>
    %dot_general3A_6 = tpu.matmul %convert_element_type3A, %convert_element_type3A_5, %dot_general3A {dimension_numbers = #tpu.dot_dimension_numbers<[1], [0], [0], [1], [0, 0, 1, 1], [], []>, transpose_lhs_hint = false} : vector<512x128xbf16>, vector<128x256xbf16>, vector<512x256xf32> -> vector<512x256xf32>
    %get3A_7 = arith.constant 0 : index
    %get3A_8 = arith.constant 0 : index
    %get3A_9 = vector.load %arg2[%get3A_7, %get3A_8] : memref<512x128xf32, #tpu.memory_space<vmem>>, vector<512x128xf32>
    %slice3A_10 = vector.extract_strided_slice %get3A_1 {offsets = [128, 0], sizes = [128, 256], strides = [1, 1]} : vector<256x256xf32> to vector<128x256xf32>
    %convert_element_type3A_11 = arith.truncf %get3A_9 : vector<512x128xf32> to vector<512x128xbf16>
    %convert_element_type3A_12 = arith.truncf %slice3A_10 : vector<128x256xf32> to vector<128x256xbf16>
    %dot_general3A_13 = arith.constant dense<0.000000e+00> : vector<512x256xf32>
    %dot_general3A_14 = tpu.matmul %convert_element_type3A_11, %convert_element_type3A_12, %dot_general3A_13 {dimension_numbers = #tpu.dot_dimension_numbers<[1], [0], [0], [1], [0, 0, 1, 1], [], []>, transpose_lhs_hint = false} : vector<512x128xbf16>, vector<128x256xbf16>, vector<512x256xf32> -> vector<512x256xf32>
    %add3A = arith.addf %dot_general3A_6, %dot_general3A_14 : vector<512x256xf32>
    %get3A_15 = arith.constant 0 : index
    %get3A_16 = arith.constant 0 : index
    %get3A_17 = vector.load %arg5[%get3A_15, %get3A_16] : memref<1x256xf32, #tpu.memory_space<vmem>>, vector<1x256xf32>
    %add3A_18 = vector.broadcast %get3A_17 : vector<1x256xf32> to vector<512x256xf32>
    %add3A_19 = arith.addf %add3A, %add3A_18 : vector<512x256xf32>
    %max3A = arith.constant 0.000000e+00 : f32
    %max3A_20 = vector.broadcast %max3A : f32 to vector<512x256xf32>
    %max3A_21 = arith.maximumf %add3A_19, %max3A_20 : vector<512x256xf32>
    %get3A_22 = arith.constant 0 : index
    %get3A_23 = arith.constant 0 : index
    %get3A_24 = vector.load %arg4[%get3A_22, %get3A_23] : memref<256x256xf32, #tpu.memory_space<vmem>>, vector<256x256xf32>
    %convert_element_type3A_25 = arith.truncf %max3A_21 : vector<512x256xf32> to vector<512x256xbf16>
    %convert_element_type3A_26 = arith.truncf %get3A_24 : vector<256x256xf32> to vector<256x256xbf16>
    %dot_general3A_27 = arith.constant dense<0.000000e+00> : vector<512x256xf32>
    %dot_general3A_28 = tpu.matmul %convert_element_type3A_25, %convert_element_type3A_26, %dot_general3A_27 {dimension_numbers = #tpu.dot_dimension_numbers<[1], [0], [0], [1], [0, 0, 1, 1], [], []>, transpose_lhs_hint = false} : vector<512x256xbf16>, vector<256x256xbf16>, vector<512x256xf32> -> vector<512x256xf32>
    %get3A_29 = arith.constant 0 : index
    %get3A_30 = arith.constant 0 : index
    %get3A_31 = vector.load %arg6[%get3A_29, %get3A_30] : memref<1x256xf32, #tpu.memory_space<vmem>>, vector<1x256xf32>
    %add3A_32 = vector.broadcast %get3A_31 : vector<1x256xf32> to vector<512x256xf32>
    %add3A_33 = arith.addf %dot_general3A_28, %add3A_32 : vector<512x256xf32>
    %max3A_34 = arith.constant 0.000000e+00 : f32
    %max3A_35 = vector.broadcast %max3A_34 : f32 to vector<512x256xf32>
    %max3A_36 = arith.maximumf %add3A_33, %max3A_35 : vector<512x256xf32>
    %slice3A_37 = vector.extract_strided_slice %max3A_36 {offsets = [0, 0], sizes = [512, 128], strides = [1, 1]} : vector<512x256xf32> to vector<512x128xf32>
    %swap3A = arith.constant 0 : index
    %swap3A_38 = arith.constant 0 : index
    %swap3A_39 = vector.load %arg7[%swap3A, %swap3A_38] : memref<512x128xf32, #tpu.memory_space<vmem>>, vector<512x128xf32>
    tpu.vector_store %arg7[%swap3A, %swap3A_38], %slice3A_37 {strides = array<i32>} : memref<512x128xf32, #tpu.memory_space<vmem>>, vector<512x128xf32>,
    %slice3A_40 = vector.extract_strided_slice %max3A_36 {offsets = [0, 128], sizes = [512, 128], strides = [1, 1]} : vector<512x256xf32> to vector<512x128xf32>
    %swap3A_41 = arith.constant 0 : index
    %swap3A_42 = arith.constant 0 : index
    %swap3A_43 = vector.load %arg8[%swap3A_41, %swap3A_42] : memref<512x128xf32, #tpu.memory_space<vmem>>, vector<512x128xf32>
    tpu.vector_store %arg8[%swap3A_41, %swap3A_42], %slice3A_40 {strides = array<i32>} : memref<512x128xf32, #tpu.memory_space<vmem>>, vector<512x128xf32>,
    return
  }
  func.func @transform_0(%arg0: i32) -> (i32, i32) {
    %add3A = arith.constant 0 : i32
    %add3A_0 = arith.addi %arg0, %add3A : i32
    %c0_i32 = arith.constant 0 : i32
    %c0_i32_1 = arith.constant 0 : i32
    return %add3A_0, %c0_i32 : i32, i32
  }
  func.func @transform_1(%arg0: i32) -> (i32, i32) {
    %add3A = arith.constant 20 : i32
    %add3A_0 = arith.addi %arg0, %add3A : i32
    %c0_i32 = arith.constant 0 : i32
    %c0_i32_1 = arith.constant 0 : i32
    return %add3A_0, %c0_i32 : i32, i32
  }
  func.func @transform_2(%arg0: i32) -> (i32, i32) {
    %c0_i32 = arith.constant 0 : i32
    %c0_i32_0 = arith.constant 0 : i32
    %c0_i32_1 = arith.constant 0 : i32
    return %c0_i32, %c0_i32_0 : i32, i32
  }
  func.func @transform_3(%arg0: i32) -> (i32, i32) {
    %c0_i32 = arith.constant 0 : i32
    %c0_i32_0 = arith.constant 0 : i32
    %c0_i32_1 = arith.constant 0 : i32
    return %c0_i32, %c0_i32_0 : i32, i32
  }
  func.func @transform_4(%arg0: i32) -> (i32, i32) {
    %c0_i32 = arith.constant 0 : i32
    %c0_i32_0 = arith.constant 0 : i32
    %c0_i32_1 = arith.constant 0 : i32
    return %c0_i32, %c0_i32_0 : i32, i32
  }
  func.func @transform_5(%arg0: i32) -> (i32, i32) {
    %c0_i32 = arith.constant 0 : i32
    %c0_i32_0 = arith.constant 0 : i32
    %c0_i32_1 = arith.constant 0 : i32
    return %c0_i32, %c0_i32_0 : i32, i32
  }
  func.func @transform_6(%arg0: i32) -> (i32, i32) {
    %c0_i32 = arith.constant 0 : i32
    %c0_i32_0 = arith.constant 0 : i32
    return %arg0, %c0_i32 : i32, i32
  }
  func.func @transform_7(%arg0: i32) -> (i32, i32) {
    %c0_i32 = arith.constant 0 : i32
    %c0_i32_0 = arith.constant 0 : i32
    return %arg0, %c0_i32 : i32, i32
  }
}

module attributes {stable_mosaic.version = 14 : i64} {
  func.func @body(%arg0: i32, %arg1: memref<512x128xf32, #tpu.memory_space<vmem>>, %arg2: memref<512x128xf32, #tpu.memory_space<vmem>>, %arg3: memref<256x256xf32, #tpu.memory_space<vmem>>, %arg4: memref<256x256xf32, #tpu.memory_space<vmem>>, %arg5: memref<256x128xf32, #tpu.memory_space<vmem>>, %arg6: memref<128x128xf32, #tpu.memory_space<vmem>>, %arg7: memref<128x128xf32, #tpu.memory_space<vmem>>, %arg8: memref<1x256xf32, #tpu.memory_space<vmem>>, %arg9: memref<1x256xf32, #tpu.memory_space<vmem>>, %arg10: memref<1x128xf32, #tpu.memory_space<vmem>>, %arg11: memref<1x128xf32, #tpu.memory_space<vmem>>, %arg12: memref<1x128xf32, #tpu.memory_space<vmem>>, %arg13: memref<512x128xf32, #tpu.memory_space<vmem>>) attributes {dimension_semantics = [#tpu.dimension_semantics<arbitrary>], iteration_bounds = array<i64: 20>, scalar_prefetch = 0 : i64, scratch_operands = 0 : i64, tpu.core_type = #tpu.core_type<tc>, window_params = [{transform_indices = @transform_0, window_bounds = array<i64: 512, 128>}, {transform_indices = @transform_1, window_bounds = array<i64: 512, 128>}, {pipeline_mode = #tpu.pipeline_mode<synchronous>, transform_indices = @transform_2, window_bounds = array<i64: 256, 256>}, {pipeline_mode = #tpu.pipeline_mode<synchronous>, transform_indices = @transform_3, window_bounds = array<i64: 256, 256>}, {pipeline_mode = #tpu.pipeline_mode<synchronous>, transform_indices = @transform_4, window_bounds = array<i64: 256, 128>}, {pipeline_mode = #tpu.pipeline_mode<synchronous>, transform_indices = @transform_5, window_bounds = array<i64: 128, 128>}, {pipeline_mode = #tpu.pipeline_mode<synchronous>, transform_indices = @transform_6, window_bounds = array<i64: 128, 128>}, {pipeline_mode = #tpu.pipeline_mode<synchronous>, transform_indices = @transform_7, window_bounds = array<i64: 1, 256>}, {pipeline_mode = #tpu.pipeline_mode<synchronous>, transform_indices = @transform_8, window_bounds = array<i64: 1, 256>}, {pipeline_mode = #tpu.pipeline_mode<synchronous>, transform_indices = @transform_9, window_bounds = array<i64: 1, 128>}, {pipeline_mode = #tpu.pipeline_mode<synchronous>, transform_indices = @transform_10, window_bounds = array<i64: 1, 128>}, {pipeline_mode = #tpu.pipeline_mode<synchronous>, transform_indices = @transform_11, window_bounds = array<i64: 1, 128>}, {transform_indices = @transform_12, window_bounds = array<i64: 512, 128>}]} {
    %get3A = arith.constant 0 : index
    %get3A_0 = arith.constant 0 : index
    %get3A_1 = vector.load %arg3[%get3A, %get3A_0] : memref<256x256xf32, #tpu.memory_space<vmem>>, vector<256x256xf32>
    %get3A_2 = arith.constant 0 : index
    %get3A_3 = arith.constant 0 : index
    %get3A_4 = vector.load %arg1[%get3A_2, %get3A_3] : memref<512x128xf32, #tpu.memory_space<vmem>>, vector<512x128xf32>
    %slice3A = vector.extract_strided_slice %get3A_1 {offsets = [0, 0], sizes = [128, 256], strides = [1, 1]} : vector<256x256xf32> to vector<128x256xf32>
    %convert_element_type3A = arith.truncf %get3A_4 : vector<512x128xf32> to vector<512x128xbf16>
    %convert_element_type3A_5 = arith.truncf %slice3A : vector<128x256xf32> to vector<128x256xbf16>
    %dot_general3A = arith.constant dense<0.000000e+00> : vector<512x256xf32>
    %dot_general3A_6 = tpu.matmul %convert_element_type3A, %convert_element_type3A_5, %dot_general3A {dimension_numbers = #tpu.dot_dimension_numbers<[1], [0], [0], [1], [0, 0, 1, 1], [], []>, transpose_lhs_hint = false} : vector<512x128xbf16>, vector<128x256xbf16>, vector<512x256xf32> -> vector<512x256xf32>
    %get3A_7 = arith.constant 0 : index
    %get3A_8 = arith.constant 0 : index
    %get3A_9 = vector.load %arg2[%get3A_7, %get3A_8] : memref<512x128xf32, #tpu.memory_space<vmem>>, vector<512x128xf32>
    %slice3A_10 = vector.extract_strided_slice %get3A_1 {offsets = [128, 0], sizes = [128, 256], strides = [1, 1]} : vector<256x256xf32> to vector<128x256xf32>
    %convert_element_type3A_11 = arith.truncf %get3A_9 : vector<512x128xf32> to vector<512x128xbf16>
    %convert_element_type3A_12 = arith.truncf %slice3A_10 : vector<128x256xf32> to vector<128x256xbf16>
    %dot_general3A_13 = arith.constant dense<0.000000e+00> : vector<512x256xf32>
    %dot_general3A_14 = tpu.matmul %convert_element_type3A_11, %convert_element_type3A_12, %dot_general3A_13 {dimension_numbers = #tpu.dot_dimension_numbers<[1], [0], [0], [1], [0, 0, 1, 1], [], []>, transpose_lhs_hint = false} : vector<512x128xbf16>, vector<128x256xbf16>, vector<512x256xf32> -> vector<512x256xf32>
    %add3A = arith.addf %dot_general3A_6, %dot_general3A_14 : vector<512x256xf32>
    %get3A_15 = arith.constant 0 : index
    %get3A_16 = arith.constant 0 : index
    %get3A_17 = vector.load %arg8[%get3A_15, %get3A_16] : memref<1x256xf32, #tpu.memory_space<vmem>>, vector<1x256xf32>
    %add3A_18 = vector.broadcast %get3A_17 : vector<1x256xf32> to vector<512x256xf32>
    %add3A_19 = arith.addf %add3A, %add3A_18 : vector<512x256xf32>
    %max3A = arith.constant 0.000000e+00 : f32
    %max3A_20 = vector.broadcast %max3A : f32 to vector<512x256xf32>
    %max3A_21 = arith.maximumf %add3A_19, %max3A_20 : vector<512x256xf32>
    %get3A_22 = arith.constant 0 : index
    %get3A_23 = arith.constant 0 : index
    %get3A_24 = vector.load %arg4[%get3A_22, %get3A_23] : memref<256x256xf32, #tpu.memory_space<vmem>>, vector<256x256xf32>
    %convert_element_type3A_25 = arith.truncf %max3A_21 : vector<512x256xf32> to vector<512x256xbf16>
    %convert_element_type3A_26 = arith.truncf %get3A_24 : vector<256x256xf32> to vector<256x256xbf16>
    %dot_general3A_27 = arith.constant dense<0.000000e+00> : vector<512x256xf32>
    %dot_general3A_28 = tpu.matmul %convert_element_type3A_25, %convert_element_type3A_26, %dot_general3A_27 {dimension_numbers = #tpu.dot_dimension_numbers<[1], [0], [0], [1], [0, 0, 1, 1], [], []>, transpose_lhs_hint = false} : vector<512x256xbf16>, vector<256x256xbf16>, vector<512x256xf32> -> vector<512x256xf32>
    %get3A_29 = arith.constant 0 : index
    %get3A_30 = arith.constant 0 : index
    %get3A_31 = vector.load %arg9[%get3A_29, %get3A_30] : memref<1x256xf32, #tpu.memory_space<vmem>>, vector<1x256xf32>
    %add3A_32 = vector.broadcast %get3A_31 : vector<1x256xf32> to vector<512x256xf32>
    %add3A_33 = arith.addf %dot_general3A_28, %add3A_32 : vector<512x256xf32>
    %get3A_34 = arith.constant 0 : index
    %get3A_35 = arith.constant 0 : index
    %get3A_36 = vector.load %arg5[%get3A_34, %get3A_35] : memref<256x128xf32, #tpu.memory_space<vmem>>, vector<256x128xf32>
    %convert_element_type3A_37 = arith.truncf %add3A_33 : vector<512x256xf32> to vector<512x256xbf16>
    %convert_element_type3A_38 = arith.truncf %get3A_36 : vector<256x128xf32> to vector<256x128xbf16>
    %dot_general3A_39 = arith.constant dense<0.000000e+00> : vector<512x128xf32>
    %dot_general3A_40 = tpu.matmul %convert_element_type3A_37, %convert_element_type3A_38, %dot_general3A_39 {dimension_numbers = #tpu.dot_dimension_numbers<[1], [0], [0], [1], [0, 0, 1, 1], [], []>, transpose_lhs_hint = false} : vector<512x256xbf16>, vector<256x128xbf16>, vector<512x128xf32> -> vector<512x128xf32>
    %get3A_41 = arith.constant 0 : index
    %get3A_42 = arith.constant 0 : index
    %get3A_43 = vector.load %arg10[%get3A_41, %get3A_42] : memref<1x128xf32, #tpu.memory_space<vmem>>, vector<1x128xf32>
    %add3A_44 = vector.broadcast %get3A_43 : vector<1x128xf32> to vector<512x128xf32>
    %add3A_45 = arith.addf %dot_general3A_40, %add3A_44 : vector<512x128xf32>
    %max3A_46 = arith.constant 0.000000e+00 : f32
    %max3A_47 = vector.broadcast %max3A_46 : f32 to vector<512x128xf32>
    %max3A_48 = arith.maximumf %add3A_45, %max3A_47 : vector<512x128xf32>
    %get3A_49 = arith.constant 0 : index
    %get3A_50 = arith.constant 0 : index
    %get3A_51 = vector.load %arg6[%get3A_49, %get3A_50] : memref<128x128xf32, #tpu.memory_space<vmem>>, vector<128x128xf32>
    %convert_element_type3A_52 = arith.truncf %max3A_48 : vector<512x128xf32> to vector<512x128xbf16>
    %convert_element_type3A_53 = arith.truncf %get3A_51 : vector<128x128xf32> to vector<128x128xbf16>
    %dot_general3A_54 = arith.constant dense<0.000000e+00> : vector<512x128xf32>
    %dot_general3A_55 = tpu.matmul %convert_element_type3A_52, %convert_element_type3A_53, %dot_general3A_54 {dimension_numbers = #tpu.dot_dimension_numbers<[1], [0], [0], [1], [0, 0, 1, 1], [], []>, transpose_lhs_hint = false} : vector<512x128xbf16>, vector<128x128xbf16>, vector<512x128xf32> -> vector<512x128xf32>
    %get3A_56 = arith.constant 0 : index
    %get3A_57 = arith.constant 0 : index
    %get3A_58 = vector.load %arg11[%get3A_56, %get3A_57] : memref<1x128xf32, #tpu.memory_space<vmem>>, vector<1x128xf32>
    %add3A_59 = vector.broadcast %get3A_58 : vector<1x128xf32> to vector<512x128xf32>
    %add3A_60 = arith.addf %dot_general3A_55, %add3A_59 : vector<512x128xf32>
    %max3A_61 = arith.constant 0.000000e+00 : f32
    %max3A_62 = vector.broadcast %max3A_61 : f32 to vector<512x128xf32>
    %max3A_63 = arith.maximumf %add3A_60, %max3A_62 : vector<512x128xf32>
    %get3A_64 = arith.constant 0 : index
    %get3A_65 = arith.constant 0 : index
    %get3A_66 = vector.load %arg7[%get3A_64, %get3A_65] : memref<128x128xf32, #tpu.memory_space<vmem>>, vector<128x128xf32>
    %convert_element_type3A_67 = arith.truncf %max3A_63 : vector<512x128xf32> to vector<512x128xbf16>
    %convert_element_type3A_68 = arith.truncf %get3A_66 : vector<128x128xf32> to vector<128x128xbf16>
    %dot_general3A_69 = arith.constant dense<0.000000e+00> : vector<512x128xf32>
    %dot_general3A_70 = tpu.matmul %convert_element_type3A_67, %convert_element_type3A_68, %dot_general3A_69 {dimension_numbers = #tpu.dot_dimension_numbers<[1], [0], [0], [1], [0, 0, 1, 1], [], []>, transpose_lhs_hint = false} : vector<512x128xbf16>, vector<128x128xbf16>, vector<512x128xf32> -> vector<512x128xf32>
    %get3A_71 = arith.constant 0 : index
    %get3A_72 = arith.constant 0 : index
    %get3A_73 = vector.load %arg12[%get3A_71, %get3A_72] : memref<1x128xf32, #tpu.memory_space<vmem>>, vector<1x128xf32>
    %add3A_74 = vector.broadcast %get3A_73 : vector<1x128xf32> to vector<512x128xf32>
    %add3A_75 = arith.addf %dot_general3A_70, %add3A_74 : vector<512x128xf32>
    %swap3A = arith.constant 0 : index
    %swap3A_76 = arith.constant 0 : index
    %swap3A_77 = vector.load %arg13[%swap3A, %swap3A_76] : memref<512x128xf32, #tpu.memory_space<vmem>>, vector<512x128xf32>
    tpu.vector_store %arg13[%swap3A, %swap3A_76], %add3A_75 {strides = array<i32>} : memref<512x128xf32, #tpu.memory_space<vmem>>, vector<512x128xf32>,
    return
  }
  func.func @transform_0(%arg0: i32) -> (i32, i32) {
    %add3A = arith.constant 0 : i32
    %add3A_0 = arith.addi %arg0, %add3A : i32
    %c0_i32 = arith.constant 0 : i32
    %c0_i32_1 = arith.constant 0 : i32
    return %add3A_0, %c0_i32 : i32, i32
  }
  func.func @transform_1(%arg0: i32) -> (i32, i32) {
    %add3A = arith.constant 20 : i32
    %add3A_0 = arith.addi %arg0, %add3A : i32
    %c0_i32 = arith.constant 0 : i32
    %c0_i32_1 = arith.constant 0 : i32
    return %add3A_0, %c0_i32 : i32, i32
  }
  func.func @transform_2(%arg0: i32) -> (i32, i32) {
    %c0_i32 = arith.constant 0 : i32
    %c0_i32_0 = arith.constant 0 : i32
    %c0_i32_1 = arith.constant 0 : i32
    return %c0_i32, %c0_i32_0 : i32, i32
  }
  func.func @transform_3(%arg0: i32) -> (i32, i32) {
    %c0_i32 = arith.constant 0 : i32
    %c0_i32_0 = arith.constant 0 : i32
    %c0_i32_1 = arith.constant 0 : i32
    return %c0_i32, %c0_i32_0 : i32, i32
  }
  func.func @transform_4(%arg0: i32) -> (i32, i32) {
    %c0_i32 = arith.constant 0 : i32
    %c0_i32_0 = arith.constant 0 : i32
    %c0_i32_1 = arith.constant 0 : i32
    return %c0_i32, %c0_i32_0 : i32, i32
  }
  func.func @transform_5(%arg0: i32) -> (i32, i32) {
    %c0_i32 = arith.constant 0 : i32
    %c0_i32_0 = arith.constant 0 : i32
    %c0_i32_1 = arith.constant 0 : i32
    return %c0_i32, %c0_i32_0 : i32, i32
  }
  func.func @transform_6(%arg0: i32) -> (i32, i32) {
    %c0_i32 = arith.constant 0 : i32
    %c0_i32_0 = arith.constant 0 : i32
    %c0_i32_1 = arith.constant 0 : i32
    return %c0_i32, %c0_i32_0 : i32, i32
  }
  func.func @transform_7(%arg0: i32) -> (i32, i32) {
    %c0_i32 = arith.constant 0 : i32
    %c0_i32_0 = arith.constant 0 : i32
    %c0_i32_1 = arith.constant 0 : i32
    return %c0_i32, %c0_i32_0 : i32, i32
  }
  func.func @transform_8(%arg0: i32) -> (i32, i32) {
    %c0_i32 = arith.constant 0 : i32
    %c0_i32_0 = arith.constant 0 : i32
    %c0_i32_1 = arith.constant 0 : i32
    return %c0_i32, %c0_i32_0 : i32, i32
  }
  func.func @transform_9(%arg0: i32) -> (i32, i32) {
    %c0_i32 = arith.constant 0 : i32
    %c0_i32_0 = arith.constant 0 : i32
    %c0_i32_1 = arith.constant 0 : i32
    return %c0_i32, %c0_i32_0 : i32, i32
  }
  func.func @transform_10(%arg0: i32) -> (i32, i32) {
    %c0_i32 = arith.constant 0 : i32
    %c0_i32_0 = arith.constant 0 : i32
    %c0_i32_1 = arith.constant 0 : i32
    return %c0_i32, %c0_i32_0 : i32, i32
  }
  func.func @transform_11(%arg0: i32) -> (i32, i32) {
    %c0_i32 = arith.constant 0 : i32
    %c0_i32_0 = arith.constant 0 : i32
    %c0_i32_1 = arith.constant 0 : i32
    return %c0_i32, %c0_i32_0 : i32, i32
  }
  func.func @transform_12(%arg0: i32) -> (i32, i32) {
    %c0_i32 = arith.constant 0 : i32
    %c0_i32_0 = arith.constant 0 : i32
    return %arg0, %c0_i32 : i32, i32
  }
}

</mosaic_0001>

<sc_bundles>
// kernel: kernel.11.cloned.1.call-start
scs
__scs_entry_jumppad:
0x0: {  	(pc) =	sbr.rel $0x88, $3  }
0x1: {  	(tag) =	ssettag $0x0;
	lr =	simm.s32 $0x1  }
0x2: {  	[smem:$0x3F8D] =	sst lr;
	_ =	strace $0xD0000000  }
0x3: {  	_ = 	snop  }
0x4: {  	_ = 	snop  }
0x5: {  	_ = 	snop  }
0x6: {  	_ = 	snop  }
0x7: {  	_ = 	snop  }
__scs_overlays_trampoline_lowered:
0x8: {  	[smem:$0x3F9C] =	sst s0  }
0x9: {  	[smem:$0x3F9D] =	sst s1  }
0xa: {  	[smem:$0x3F9E] =	sst s2  }
0xb: {  	[smem:$0x3F9F] =	sst s3  }
0xc: {  	[smem:$0x3FA0] =	sst s4  }
0xd: {  	[smem:$0x3FA1] =	sst s5  }
0xe: {  	[smem:$0x3FA2] =	sst s6  }
0xf: {  	[smem:$0x3FA3] =	sst s7  }
0x10: {  	[smem:$0x3FA4] =	sst s8  }
0x11: {  	[smem:$0x3FA5] =	sst s9;
	s0 =	simm.s32 @!p0 $0x0  }
0x12: {  	s1 =	sld [smem:$0x3F8B];
	s0 =	simm.s32 @p0 $0x1  }
0x13: {  	[smem:$0x3FA6] =	sst s0;
	s0 =	simm.s32 @!p1 $0x0  }
0x14: {  	s2 =	sld [smem:$0x3F8A];
	s0 =	simm.s32 @p1 $0x1  }
0x15: {  	[smem:$0x3FA7] =	sst s0;
	s0 =	simm.s32 @!p2 $0x0  }
0x16: {  	s3 =	sld [smem:$0x3FDB];
	s0 =	simm.s32 @p2 $0x1  }
0x17: {  	s4 =	simm.s32 $0x1BF5;
	[smem:$0x3FA9] =	sst s0  }
0x18: {  	s0 =	sld [smem:$0x3F8C];
	_ =	swait.ge [sflag:s4], $0x0  }
0x19: {  	s7 =	sld [smem:$0x3F8D]  }
0x1a: {  	s8 =	sadd.s32 $0xFFFFE003, lr  }
0x1b: {  	s9 =	sadd.s32 $0xFFFFFEF7, lr;
	s5 =	simm.s32 $0xFFFFFFFF;
	p2 =	slt.u32 s8, $0xFFFFF086  }
0x1c: {  	p1 =	slt.u32 s9, $0xF7A;
	s5 =	simm.s32 @!p2 $0x0  }
0x1d: {  	s5 =	simm.s32 @p1 $0x1;
	p0 =	seq.s32 s7, s2  }
0x1e: {  	s7 =	smul.u32 @!p0 $0xF7A, s2;
	p2 =	seq.s32 @!p0 s5, $0x0  }
0x1f: {  	s9 =	smul.u32 $0xF7A, s1;
	s8 =	simm.s32 @!p0 $0x1BF5;
	p2 =	por !p2, p0  }
0x20: {  	[sflag:s8] =	ssyncset.s32 @!p0 $0xFFFFF086;
	s6 =	sadd.s32 @!p0 s3, s7;
	s7 =	simm.s32 @!p0 $0x108  }
0x21: {  	s3 =	sadd.s32 s3, s9;
	s6 =	sadd.s32 @!p0 $0x88, s6;
	s7 =	simm.s32 @p2 $0x1082  }
0x22: {  	[simem:s7], [sflag:s8] =	dma.local @!p0 [hbm:s6], $0xF7A  }
0x23: {  	s9 =	sor.u32 $0xD0000000, s2;
	s6 =	simm.s32 $0x108;
	_ =	swait.ge @!p0 [sflag:s8], $0x0  }
0x24: {  	s3 =	sadd.s32 $0x88, s3;
	s6 =	simm.s32 @!p1 $0x1082;
	[sflag:s4] =	ssyncset.s32 $0xFFFFF086  }
0x25: {  	[simem:s6], [sflag:s4] =	dma.local [hbm:s3], $0xF7A  }
0x26: {  	[smem:$0x3F8D] =	sst s1;
	(tag) =	ssettag s2;
	_ =	strace s9  }
0x27: {  	s1 =	sld [smem:$0x3F9D]  }
0x28: {  	s2 =	sld [smem:$0x3F9E]  }
0x29: {  	s4 =	sld [smem:$0x3FA0]  }
0x2a: {  	p0 =	seq.s32 s5, $0x0;
	s5 =	sld [smem:$0x3FA1]  }
0x2b: {  	s6 =	sld [smem:$0x3FA2]  }
0x2c: {  	s7 =	sld [smem:$0x3FA3]  }
0x2d: {  	s3 =	simm.s32 $0x108;
	s8 =	sld [smem:$0x3FA4]  }
0x2e: {  	s3 =	simm.s32 @!p0 $0x1082;
	s9 =	sld [smem:$0x3FA5]  }
0x2f: {  	lr =	sadd.s32 s0, s3;
	s0 =	sld [smem:$0x3F9C]  }
0x30: {  	s3 =	sld [smem:$0x3F9F]  }
0x31: {  	[smem:$0x3FA8] =	sst s10  }
0x32: {  	s10 =	sld [smem:$0x3FA6];
	_ =	sdelay $0x3  }
0x33: {  	p0 =	seq.s32 s10, $0x1;
	s10 =	sld [smem:$0x3FA8];
	_ =	sdelay $0x3  }
0x34: {  	[smem:$0x3FA8] =	sst s10  }
0x35: {  	s10 =	sld [smem:$0x3FA7];
	_ =	sdelay $0x3  }
0x36: {  	p1 =	seq.s32 s10, $0x1;
	s10 =	sld [smem:$0x3FA8];
	_ =	sdelay $0x3  }
0x37: {  	[smem:$0x3FA8] =	sst s10  }
0x38: {  	s10 =	sld [smem:$0x3FA9]  }
0x39: {  	_ = 	snop;
	(pc) =	sbr.ind lr, $3  }
0x3a: {  	_ = 	snop  }
0x3b: {  	_ = 	snop  }
0x3c: {  	p2 =	seq.s32 s10, $0x1;
	s10 =	sld [smem:$0x3FA8]  }
0x3d: {  	_ =	shalt  }
0x3e: {  	_ =	shalt  }
0x3f: {  	_ =	shalt  }
0x40: {  	_ =	shalt  }
0x41: {  	_ =	shalt  }
0x42: {  	_ =	shalt  }
0x43: {  	_ =	shalt  }
0x44: {  	_ =	shalt  }
0x45: {  	_ =	shalt  }
0x46: {  	_ =	shalt  }
0x47: {  	_ =	shalt  }
0x48: {  	_ =	shalt  }
0x49: {  	_ =	shalt  }
0x4a: {  	_ =	shalt  }
0x4b: {  	_ =	shalt  }
0x4c: {  	_ =	shalt  }
0x4d: {  	_ =	shalt  }
0x4e: {  	_ =	shalt  }
0x4f: {  	_ =	shalt  }
0x50: {  	_ =	shalt  }
0x51: {  	_ =	shalt  }
0x52: {  	_ =	shalt  }
0x53: {  	_ =	shalt  }
0x54: {  	_ =	shalt  }
0x55: {  	_ =	shalt  }
0x56: {  	_ =	shalt  }
0x57: {  	_ =	shalt  }
0x58: {  	_ =	shalt  }
0x59: {  	_ =	shalt  }
0x5a: {  	_ =	shalt  }
0x5b: {  	_ =	shalt  }
0x5c: {  	_ =	shalt  }
0x5d: {  	_ =	shalt  }
0x5e: {  	_ =	shalt  }
0x5f: {  	_ =	shalt  }
0x60: {  	_ =	shalt  }
0x61: {  	_ =	shalt  }
0x62: {  	_ =	shalt  }
0x63: {  	_ =	shalt  }
0x64: {  	_ =	shalt  }
0x65: {  	_ =	shalt  }
0x66: {  	_ =	shalt  }
0x67: {  	_ =	shalt  }
0x68: {  	_ =	shalt  }
0x69: {  	_ =	shalt  }
0x6a: {  	_ =	shalt  }
0x6b: {  	_ =	shalt  }
0x6c: {  	_ =	shalt  }
0x6d: {  	_ =	shalt  }
0x6e: {  	_ =	shalt  }
0x6f: {  	_ =	shalt  }
0x70: {  	_ =	shalt  }
0x71: {  	_ =	shalt  }
0x72: {  	_ =	shalt  }
0x73: {  	_ =	shalt  }
0x74: {  	_ =	shalt  }
0x75: {  	_ =	shalt  }
0x76: {  	_ =	shalt  }
0x77: {  	_ =	shalt  }
0x78: {  	_ =	shalt  }
0x79: {  	_ =	shalt  }
0x7a: {  	_ =	shalt  }
0x7b: {  	_ =	shalt  }
0x7c: {  	_ =	shalt  }
0x7d: {  	_ =	shalt  }
0x7e: {  	_ =	shalt  }
0x7f: {  	_ =	shalt  }
0x80: {  	_ =	shalt  }
0x81: {  	_ =	shalt  }
0x82: {  	_ =	shalt  }
0x83: {  	_ =	shalt  }
0x84: {  	_ =	shalt  }
0x85: {  	_ =	shalt  }
0x86: {  	_ =	shalt  }
0x87: {  	_ =	shalt  }
.Lfunc_end0:
.L_simem_size_0:
called_computation.1_lowered:
.L_overlay_start_0:
0x88: {  	s2 =	sld [smem:$0x3FD9]  }
0x89: {  	s3 =	sld [smem:$0x3FFE];
	_ =	sdelay $0x1  }
0x8a: {  	s1 =	srdreg.scid  }
0x8b: {  	s0 =	sand.u32 $0x1, s1  }
0x8c: {  	s16 =	sshll.u32 s0, $0xA;
	s2 =	sadd.s32 s3, s2  }
0x8d: {  	s2 =	sadd.s32 s2, s16  }
0x8e: {  	[smem:$0x3FB4] =	sst s2  }
0x8f: {  	_ = 	snop  }
0x90: {  	(tm) =	ssettm $0x1  }
0x91: {  	s17 =	sld [smem:$0x3FFB];
	_ =	sdelay $0x3  }
0x92: {  	_ =	strace s17  }
0x93: {  	s2 =	sld [smem:$0x3FFC];
	_ =	sdelay $0x3  }
0x94: {  	_ =	strace s2  }
0x95: {  	s2 =	sld [smem:$0x3FFD];
	_ =	sdelay $0x3  }
0x96: {  	_ =	strace s2  }
0x97: {  	_ =	strace $0x8FFFFFFF  }
0x98: {  	s18 =	sld [smem:$0x3FDB];
	_ =	sdelay $0x1  }
0x99: {  	s19 =	simm.s32 $_scs_section_size  }
0x9a: {  	s4 =	simm.s32 $_size__tile_overlayer_lowered;
	s5 =	simm.s32 $_tile_overlayer_lowered  }
0x9b: {  	s22 =	simm.s32 $0x1BFF;
	s21 =	sshll.u32 s5, $0x1;
	s2 =	sadd.s32 s19, s18  }
0x9c: {  	s6 =	simm.s32 $0x0;
	s20 =	sshll.u32 s4, $0x1;
	s4 =	sadd.s32 s21, s2  }
0x9d: {  	[timem:s6], [sflag:s22] =	dma.local [hbm:s4], s20  }
0x9e: {  	_ =	swait.ge [sflag:s22], s20  }
0x9f: {  	s3 =	ssub.s32 $0x0, s20;
	[sflag:s22] =	ssyncset.done $0x0  }
0xa0: {  	[sflag:s22] =	ssyncadd.s32 s3;
	_ =	sdelay $0x1  }
0xa1: {  	s23 =	simm.s32 $0x1B8B  }
0xa2: {  	_ =	swait.ge [sflag:s23], $0x1  }
0xa3: {  	[sflag:s23] =	ssyncset.done $0x0  }
0xa4: {  	s25 =	simm.s32 $0x1B8E;
	s24 =	sld [smem:$0x3FFE];
	[sflag:s23] =	ssyncadd.s32 $0xFFFFFFFF  }
0xa5: {  	s26 =	simm.s32 $execute0_lowered;
	[smem:$0x3FD2] =	sst s25  }
0xa6: {  	s4 =	sshll.u32 s26, $0x1;
	_ =	strace $0x80000049;
	[dreg:$0x1] =	wrdreg $0xFFFFFFFF  }
0xa7: {  	s28 =	simm.s32 $_size_execute0_lowered;
	s2 =	sadd.s32 s2, s4;
	[dreg:$0x0] =	wrdreg $0x0  }
0xa8: {  	s4 =	sshll.u32 s28, $0x1;
	[dreg:$0x2] =	wrdreg s2  }
0xa9: {  	[dreg:$0x3] =	wrdreg s4  }
0xaa: {  	[dreg:$0x4] =	wrdreg $0xC0  }
0xab: {  	_ =	task [dreg:s6], $0x5FFFF  }
0xac: {  	[dreg:$0x1] =	wrdreg $0xFFFFFFFF  }
0xad: {  	[dreg:$0x0] =	wrdreg $0x60  }
0xae: {  	[dreg:$0x2] =	wrdreg s24  }
0xaf: {  	[dreg:$0x3] =	wrdreg $0x82000  }
0xb0: {  	[dreg:$0x4] =	wrdreg $0x9  }
0xb1: {  	_ =	task.clear_ibuf [dreg:s6], $0x5FFFF;
	_ =	strace $0x90000049  }
0xb2: {  	s29 =	simm.s32 $0x9;
	_ =	strace $0x8000004B  }
0xb3: {  	_ =	swait.ge [sflag:s29], $0x1  }
0xb4: {  	[sflag:s29] =	ssyncadd.s32 $0xFFFFFFFF  }
0xb5: {  	_ =	strace $0x9000004B  }
0xb6: {  	_ =	sfence  }
0xb7: {  	s30 =	sld [smem:$0x0];
	_ =	sdelay $0x2  }
0xb8: {  	s31 =	sshll.u32 s1, $0xD;
	s1 =	sshrl.u32 s1, $0x2  }
0xb9: {  	s3 =	sand.u32 $0x4000, s31;
	s1 =	sadd.s32 s1, s30  }
0xba: {  	s0 =	sor.u32 s3, s0;
	s1 =	sshll.u32 s1, $0x11  }
0xbb: {  	s0 =	sor.u32 s1, s0  }
0xbc: {  	s0 =	sadd.s32 $0x8F2B, s0  }
0xbd: {  	[sflag:s0] =	ssyncadd.remote.s32 $0x1  }
0xbe: {  	_ =	sfence.sel $0xFFFF  }
0xbf: {  	[dreg:$0x0] =	wrdreg $0xFFFFFFFF;
	(pc) =	sbr.abs _section_cstart, $3  }
0xc0: {  	[dreg:$0x1] =	wrdreg $0xFFFFFFFF  }
0xc1: {  	_ =	task.clear_ibuf [dreg:s6], $0x2FFFF;
	_ =	strace $0x9FFFFFFF  }
0xc2: {  	(tm) =	ssettm $0x7FFFFFFF  }
0xc3: {  	_ =	shalt  }
tec
execute0_lowered:
.L_overlay_start_1:
0x0: {  	(tag) =	ssettag $0x1  }
0x1: {  	s0 =	rddreg [dreg:$0x0]  }
0x2: {  	s1 =	rddreg [dreg:$0x1]  }
0x3: {  	s2 =	srdreg.scid;
	s3 =	simm.s32 $0x0;
	s26 =	stileid.u32  }
0x4: {  	s18 =	simm.s32 $0x6;
	s19 =	simm.s32 $0x100;
	s20 =	simm.s32 $0x3  }
0x5: {  	s21 =	simm.s32 $0x80;
	s22 =	simm.s32 $0x200;
	s23 =	simm.s32 $0x180  }
0x6: {  	s24 =	simm.s32 $0x4200;
	s25 =	simm.s32 $0x1;
	s29 =	simm.s32 $0x4  }
0x7: {  	s30 =	simm.s32 $0x0;
	s6 =	sand.u32 $0x1, s2;
	s7 =	smul.u32 $0x280, s26  }
0x8: {  	[smem:$0x7FF] =	sst s3;
	s4 =	sadd.s32 $0xCC00, s0;
	s9 =	smul.u32 $0x50000, s26  }
0x9: {  	s5 =	sadd.s32 $0x7C00, s0;
	s28 =	smul.u32 $0x2800, s6;
	s31 =	ssub.s32 $0x2, s6  }
0xa: {  	_ =	strace $0x8000004A;
	s6 =	sadd.s32 $0x2C00, s0;
	s10 =	sshrl.u32 s31, $0x1  }
0xb: {  	s9 =	sshrl.u32 s9, $0x2;
	s7 =	sadd.s32 s7, s28;
	s16 =	ssub.s32 s31, s10  }
0xc: {  	s17 =	sadd.s32 s9, s1;
	s9 =	sshll.u32 s26, $0x6;
	v0 =	vmov s28;
	s28 =	simm.s32 $0x5  }
0xd: {  	s8 =	sshll.u32 s7, $0x4;
	s7 =	smul.u32 $0x500, s26;
	s10 =	sor.u32 $0x1C03, s9  }
0xe: {  	s16 =	smax.u32 s16, $0x1;
	s0 =	sadd.s32 s8, s0;
	s8 =	sadd.s32 s4, s8  }
0xf: {  	s17 =	sshrl.u32 s17, $0x3;
	s26 =	simm.s32 $0x2;
	[dreg:$0x3] =	wrdreg s8  }
0x10: {  	s11 =	sadd.s32 s5, s7;
	s14 =	sor.u32 $0x10, s7;
	s12 =	sadd.s32 s6, s7  }
0x11: {  	s15 =	sadd.s32 $0x5CC00, s0;
	s13 =	sadd.s32 s5, s14;
	s14 =	sadd.s32 s6, s14  }
.LBB2_1:
0x12: {  	s0 =	rddreg [dreg:$0x3]  }
0x13: {  	[spmem:s17], [sflag:s10] =	dma.local [hbm:s0], $0x2800  }
0x14: {  	[tilespmem:s3], [sflag:$0x6] =	stream.linear.gather [hbm4b:s11+s3], $0x80, $0x38;
	[tilespmem:$0x1C200] =	vst v63  }
0x15: {  	_ =	swait.ge [sflag:s18], $0x80  }
0x16: {  	[sflag:s18] =	ssyncset.done $0x0  }
0x17: {  	[sflag:s18] =	ssyncadd.s32 $0xFFFFFF80  }
0x18: {  	[tilespmem:s19], [sflag:$0x6] =	stream.linear.gather [hbm4b:s12+s3], $0x80, $0x38;
	[tilespmem:$0x1C200] =	vst v63  }
0x19: {  	_ =	swait.ge [sflag:s18], $0x80  }
0x1a: {  	[sflag:s18] =	ssyncset.done $0x0  }
0x1b: {  	[sflag:s18] =	ssyncadd.s32 $0xFFFFFF80  }
0x1c: {  	v1 =	vld [tilespmem:$0x0]  }
0x1d: {  	v2 =	vld [tilespmem:$0x10]  }
0x1e: {  	v3 =	vld [tilespmem:$0x20]  }
0x1f: {  	v4 =	vld [tilespmem:$0x30]  }
0x20: {  	v5 =	vld [tilespmem:$0x40]  }
0x21: {  	v6 =	vld [tilespmem:$0x50];
	v1 =	vadd.s32 v0, v1  }
0x22: {  	[tilespmem:$0x0] =	vst v1;
	v1 =	vadd.s32 v0, v2;
	v2 =	vld [tilespmem:$0x60]  }
0x23: {  	[tilespmem:$0x10] =	vst v1;
	v1 =	vadd.s32 v0, v3;
	v3 =	vld [tilespmem:$0x70]  }
0x24: {  	[tilespmem:$0x20] =	vst v1;
	v1 =	vadd.s32 v0, v4  }
0x25: {  	[tilespmem:$0x30] =	vst v1;
	v1 =	vadd.s32 v0, v5  }
0x26: {  	[tilespmem:$0x40] =	vst v1;
	v1 =	vadd.s32 v0, v6  }
0x27: {  	[tilespmem:$0x50] =	vst v1;
	v1 =	vadd.s32 v0, v2  }
0x28: {  	[tilespmem:$0x60] =	vst v1;
	v1 =	vadd.s32 v0, v3  }
0x29: {  	[tilespmem:$0x70] =	vst v1  }
0x2a: {  	_ =	swait.ge [sflag:s20], $0x2800  }
0x2b: {  	[sflag:s20] =	ssyncset.done $0x0  }
0x2c: {  	[sflag:s20] =	ssyncadd.s32 $0xFFFFD800  }
0x2d: {  	[bflag:$0x0] =	sbarrier.arrive $0xFFFF  }
0x2e: {  	[tilespmem:s22], [sflag:$0x1] =	stream.indirect.gather [hbm4b:s4+s21], $0x80, s3, s21, $0xb8;
	[tilespmem:$0x1C200] =	vst v63  }
0x2f: {  	_ = 	snop  }
0x30: {  	[tilespmem:s21], [sflag:$0x3] =	stream.linear.gather [hbm4b:s13+s3], $0x80, $0x38;
	[tilespmem:$0x1C200] =	vst v63  }
0x31: {  	_ = 	snop  }
0x32: {  	[tilespmem:s23], [sflag:$0x5] =	stream.linear.gather [hbm4b:s14+s3], $0x80, $0x38;
	[tilespmem:$0x1C200] =	vst v63  }
0x33: {  	_ =	swait.ge [sflag:s20], $0x80  }
0x34: {  	[sflag:s20] =	ssyncset.done $0x0  }
0x35: {  	[sflag:s20] =	ssyncadd.s32 $0xFFFFFF80  }
0x36: {  	v1 =	vld [tilespmem:$0x80]  }
0x37: {  	v2 =	vld [tilespmem:$0x90]  }
0x38: {  	v3 =	vld [tilespmem:$0xA0]  }
0x39: {  	v4 =	vld [tilespmem:$0xB0]  }
0x3a: {  	v5 =	vld [tilespmem:$0xC0]  }
0x3b: {  	v62 =	vld [tilespmem:$0xD0];
	v1 =	vadd.s32 v0, v1  }
0x3c: {  	[tilespmem:$0x80] =	vst v1;
	v1 =	vadd.s32 v0, v2;
	v2 =	vld [tilespmem:$0xE0]  }
0x3d: {  	[tilespmem:$0x90] =	vst v1;
	v1 =	vadd.s32 v0, v3;
	v3 =	vld [tilespmem:$0xF0]  }
0x3e: {  	[tilespmem:$0xA0] =	vst v1;
	v1 =	vadd.s32 v0, v4  }
0x3f: {  	[tilespmem:$0xB0] =	vst v1;
	v1 =	vadd.s32 v0, v5  }
0x40: {  	[tilespmem:$0xC0] =	vst v1;
	v1 =	vadd.s32 v0, v62  }
0x41: {  	[tilespmem:$0xD0] =	vst v1;
	v1 =	vadd.s32 v0, v2  }
0x42: {  	[tilespmem:$0xE0] =	vst v1;
	v1 =	vadd.s32 v0, v3  }
0x43: {  	[tilespmem:$0xF0] =	vst v1  }
0x44: {  	[tilespmem:s24], [sflag:$0x1] =	stream.indirect.gather [hbm4b:s4+s21], $0x80, s21, s21, $0xb8;
	[tilespmem:$0x1C200] =	vst v63  }
0x45: {  	s8 =	simm.s32 $0x20;
	s31 =	sadd.s32 $0x20, s7;
	_ =	swait.ge [sflag:s25], $0x4000  }
0x46: {  	s31 =	sand.u32 $0xFF80, s31;
	s0 =	sand.u32 $0x60, s8;
	[sflag:s25] =	ssyncset.done $0x0  }
0x47: {  	s0 =	sor.u32 s0, s31;
	[sflag:s25] =	ssyncadd.s32 $0xFFFFC000  }
0x48: {  	[spmem:s1] =	stream.indirect.scatter.add.f32 [tilespmem:s22], [sflag:$0x2], $0x80, s19, s21, $0xb8;
	[tilespmem:$0x1C200] =	vst v63  }
0x49: {  	s31 =	sadd.s32 s5, s0  }
0x4a: {  	[tilespmem:s3], [sflag:$0x3] =	stream.linear.gather [hbm4b:s31+s3], $0x80, $0x38;
	[tilespmem:$0x1C200] =	vst v63  }
0x4b: {  	_ =	swait.ge [sflag:s26], $0x4000  }
0x4c: {  	[sflag:s26] =	ssyncset.done $0x0  }
0x4d: {  	s31 =	sadd.s32 s6, s0;
	[sflag:s26] =	ssyncadd.s32 $0xFFFFC000  }
0x4e: {  	[tilespmem:s19], [sflag:$0x4] =	stream.linear.gather [hbm4b:s31+s3], $0x80, $0x38;
	[tilespmem:$0x1C200] =	vst v63  }
0x4f: {  	_ =	swait.ge [sflag:s20], $0x80  }
0x50: {  	[sflag:s20] =	ssyncset.done $0x0  }
0x51: {  	[sflag:s20] =	ssyncadd.s32 $0xFFFFFF80  }
0x52: {  	v1 =	vld [tilespmem:$0x70]  }
0x53: {  	v2 =	vld [tilespmem:$0x50]  }
0x54: {  	v3 =	vld [tilespmem:$0x20]  }
0x55: {  	v4 =	vld [tilespmem:$0x30]  }
0x56: {  	v63 =	vld [tilespmem:$0x10]  }
0x57: {  	v5 =	vld [tilespmem:$0x60];
	v1 =	vadd.s32 v0, v1  }
0x58: {  	v7 =	vld [tilespmem:$0x40];
	v2 =	vadd.s32 v0, v2;
	[tilespmem:$0x70] =	vst v1  }
0x59: {  	v3 =	vadd.s32 v0, v3;
	v1 =	vld [tilespmem:$0x0];
	[tilespmem:$0x50] =	vst v2  }
0x5a: {  	[tilespmem:$0x20] =	vst v3;
	v2 =	vadd.s32 v0, v4  }
0x5b: {  	v3 =	vadd.s32 v0, v63;
	[tilespmem:$0x30] =	vst v2  }
0x5c: {  	v2 =	vadd.s32 v0, v5;
	[tilespmem:$0x10] =	vst v3  }
0x5d: {  	[tilespmem:$0x60] =	vst v2;
	v2 =	vadd.s32 v0, v7  }
0x5e: {  	[tilespmem:$0x40] =	vst v2;
	v1 =	vadd.s32 v0, v1  }
0x5f: {  	[tilespmem:$0x0] =	vst v1  }
0x60: {  	[tilespmem:s22], [sflag:$0x1] =	stream.indirect.gather [hbm4b:s4+s21], $0x80, s3, s21, $0xb8;
	[tilespmem:$0x1C200] =	vst v63  }
0x61: {  	_ =	swait.ge [sflag:s25], $0x4000  }
0x62: {  	[sflag:s25] =	ssyncset.done $0x0  }
0x63: {  	[sflag:s25] =	ssyncadd.s32 $0xFFFFC000  }
0x64: {  	_ =	swait.ge [sflag:s28], $0x80  }
0x65: {  	[sflag:s28] =	ssyncset.done $0x0  }
0x66: {  	s0 =	sor.u32 $0x10, s0;
	[sflag:s28] =	ssyncadd.s32 $0xFFFFFF80  }
0x67: {  	[spmem:s1] =	stream.indirect.scatter.add.f32 [tilespmem:s24], [sflag:$0x2], $0x80, s23, s21, $0xb8;
	[tilespmem:$0x1C200] =	vst v63  }
0x68: {  	s31 =	sadd.s32 s5, s0  }
0x69: {  	[tilespmem:s21], [sflag:$0x3] =	stream.linear.gather [hbm4b:s31+s3], $0x80, $0x38;
	[tilespmem:$0x1C200] =	vst v63  }
0x6a: {  	_ =	swait.ge [sflag:s26], $0x4000  }
0x6b: {  	[sflag:s26] =	ssyncset.done $0x0  }
0x6c: {  	s0 =	sadd.s32 s6, s0;
	[sflag:s26] =	ssyncadd.s32 $0xFFFFC000  }
0x6d: {  	[tilespmem:s23], [sflag:$0x5] =	stream.linear.gather [hbm4b:s0+s3], $0x80, $0x38;
	[tilespmem:$0x1C200] =	vst v63  }
0x6e: {  	_ =	swait.ge [sflag:s20], $0x80  }
0x6f: {  	[sflag:s20] =	ssyncset.done $0x0  }
0x70: {  	[sflag:s20] =	ssyncadd.s32 $0xFFFFFF80  }
0x71: {  	v3 =	vld [tilespmem:$0xD0]  }
0x72: {  	v2 =	vld [tilespmem:$0x90]  }
0x73: {  	s31 =	simm.s32 $0x40;
	v1 =	vld [tilespmem:$0x80]  }
.LBB2_2:
0x74: {  	p0 =	sne.s32 s31, $0x4E0;
	v4 =	vld [tilespmem:$0xB0];
	s0 =	smov.u32 s31;
	s31 =	sadd.s32 $0x20, s31  }
0x75: {  	v5 =	vld [tilespmem:$0xA0]  }
0x76: {  	v6 =	vld [tilespmem:$0xC0];
	v3 =	vadd.s32 v0, v3  }
0x77: {  	v2 =	vadd.s32 v0, v2;
	[tilespmem:$0xD0] =	vst v3;
	v3 =	vld [tilespmem:$0xE0]  }
0x78: {  	v1 =	vadd.s32 v0, v1;
	[tilespmem:$0x90] =	vst v2;
	v2 =	vld [tilespmem:$0xF0]  }
0x79: {  	v4 =	vadd.s32 v0, v4  }
0x7a: {  	v5 =	vadd.s32 v0, v5;
	[tilespmem:$0xB0] =	vst v4  }
0x7b: {  	[tilespmem:$0x80] =	vst v1;
	v1 =	vadd.s32 v0, v6  }
0x7c: {  	[tilespmem:$0xC0] =	vst v1;
	v1 =	vadd.s32 v0, v3  }
0x7d: {  	[tilespmem:$0xE0] =	vst v1;
	v1 =	vadd.s32 v0, v2  }
0x7e: {  	[tilespmem:$0xF0] =	vst v1  }
0x7f: {  	[tilespmem:$0xA0] =	vst v5  }
0x80: {  	[tilespmem:s24], [sflag:$0x1] =	stream.indirect.gather [hbm4b:s4+s21], $0x80, s21, s21, $0xb8;
	[tilespmem:$0x1C200] =	vst v63  }
0x81: {  	_ =	swait.ge [sflag:s25], $0x4000  }
0x82: {  	[sflag:s25] =	ssyncset.done $0x0  }
0x83: {  	[sflag:s25] =	ssyncadd.s32 $0xFFFFC000  }
0x84: {  	s2 =	sadd.s32 s0, s7;
	_ =	swait.ge [sflag:s29], $0x80  }
0x85: {  	s0 =	sand.u32 $0x60, s0;
	s2 =	sand.u32 $0xFF80, s2;
	[sflag:s29] =	ssyncset.done $0x0  }
0x86: {  	s2 =	sor.u32 s0, s2;
	[sflag:s29] =	ssyncadd.s32 $0xFFFFFF80  }
0x87: {  	[spmem:s1] =	stream.indirect.scatter.add.f32 [tilespmem:s22], [sflag:$0x2], $0x80, s19, s21, $0xb8;
	[tilespmem:$0x1C200] =	vst v63  }
0x88: {  	s8 =	sadd.s32 s5, s2;
	s0 =	sor.u32 $0x10, s2  }
0x89: {  	[tilespmem:s3], [sflag:$0x3] =	stream.linear.gather [hbm4b:s8+s3], $0x80, $0x38;
	[tilespmem:$0x1C200] =	vst v63  }
0x8a: {  	_ =	swait.ge [sflag:s26], $0x4000  }
0x8b: {  	[sflag:s26] =	ssyncset.done $0x0  }
0x8c: {  	s2 =	sadd.s32 s6, s2;
	[sflag:s26] =	ssyncadd.s32 $0xFFFFC000  }
0x8d: {  	[tilespmem:s19], [sflag:$0x4] =	stream.linear.gather [hbm4b:s2+s3], $0x80, $0x38;
	[tilespmem:$0x1C200] =	vst v63  }
0x8e: {  	_ =	swait.ge [sflag:s20], $0x80  }
0x8f: {  	[sflag:s20] =	ssyncset.done $0x0  }
0x90: {  	[sflag:s20] =	ssyncadd.s32 $0xFFFFFF80  }
0x91: {  	v1 =	vld [tilespmem:$0x50]  }
0x92: {  	v2 =	vld [tilespmem:$0x70]  }
0x93: {  	v3 =	vld [tilespmem:$0x30]  }
0x94: {  	v4 =	vld [tilespmem:$0x20]  }
0x95: {  	v5 =	vld [tilespmem:$0x40]  }
0x96: {  	v6 =	vld [tilespmem:$0x60]  }
0x97: {  	v7 =	vld [tilespmem:$0x10];
	v2 =	vadd.s32 v0, v2  }
0x98: {  	v1 =	vadd.s32 v0, v1;
	v8 =	vld [tilespmem:$0x0];
	[tilespmem:$0x70] =	vst v2  }
0x99: {  	v2 =	vadd.s32 v0, v4;
	[tilespmem:$0x50] =	vst v1  }
0x9a: {  	v1 =	vadd.s32 v0, v3;
	[tilespmem:$0x20] =	vst v2  }
0x9b: {  	[tilespmem:$0x30] =	vst v1;
	v1 =	vadd.s32 v0, v5;
	v2 =	vadd.s32 v0, v6  }
0x9c: {  	v3 =	vadd.s32 v0, v7;
	[tilespmem:$0x60] =	vst v2  }
0x9d: {  	v2 =	vadd.s32 v0, v8;
	[tilespmem:$0x10] =	vst v3  }
0x9e: {  	[tilespmem:$0x40] =	vst v1  }
0x9f: {  	[tilespmem:$0x0] =	vst v2  }
0xa0: {  	[tilespmem:s22], [sflag:$0x1] =	stream.indirect.gather [hbm4b:s4+s21], $0x80, s3, s21, $0xb8;
	[tilespmem:$0x1C200] =	vst v63  }
0xa1: {  	_ =	swait.ge [sflag:s25], $0x4000  }
0xa2: {  	[sflag:s25] =	ssyncset.done $0x0  }
0xa3: {  	[sflag:s25] =	ssyncadd.s32 $0xFFFFC000  }
0xa4: {  	_ =	swait.ge [sflag:s28], $0x80  }
0xa5: {  	[sflag:s28] =	ssyncset.done $0x0  }
0xa6: {  	[sflag:s28] =	ssyncadd.s32 $0xFFFFFF80  }
0xa7: {  	[spmem:s1] =	stream.indirect.scatter.add.f32 [tilespmem:s24], [sflag:$0x2], $0x80, s23, s21, $0xb8;
	[tilespmem:$0x1C200] =	vst v63  }
0xa8: {  	s2 =	sadd.s32 s5, s0  }
0xa9: {  	[tilespmem:s21], [sflag:$0x3] =	stream.linear.gather [hbm4b:s2+s3], $0x80, $0x38;
	[tilespmem:$0x1C200] =	vst v63  }
0xaa: {  	_ =	swait.ge [sflag:s26], $0x4000  }
0xab: {  	[sflag:s26] =	ssyncset.done $0x0  }
0xac: {  	s0 =	sadd.s32 s6, s0;
	[sflag:s26] =	ssyncadd.s32 $0xFFFFC000  }
0xad: {  	[tilespmem:s23], [sflag:$0x5] =	stream.linear.gather [hbm4b:s0+s3], $0x80, $0x38;
	[tilespmem:$0x1C200] =	vst v63  }
0xae: {  	_ =	swait.ge [sflag:s20], $0x80  }
.Ltmp0:
0xaf: {  	[sflag:s20] =	ssyncset.done $0x0;
	(pc) =	sbr.rel @p0 .LBB2_2-.Ltmp0, $4  }
0xb0: {  	[sflag:s20] =	ssyncadd.s32 $0xFFFFFF80  }
0xb1: {  	v3 =	vld [tilespmem:$0xD0]  }
0xb2: {  	v2 =	vld [tilespmem:$0x90]  }
0xb3: {  	v1 =	vld [tilespmem:$0x80]  }
0xb4: {  	v4 =	vld [tilespmem:$0xB0]  }
0xb5: {  	v5 =	vld [tilespmem:$0xC0]  }
0xb6: {  	v6 =	vld [tilespmem:$0xE0];
	v3 =	vadd.s32 v0, v3  }
0xb7: {  	v2 =	vadd.s32 v0, v2;
	[tilespmem:$0xD0] =	vst v3;
	v3 =	vld [tilespmem:$0xF0]  }
0xb8: {  	[tilespmem:$0x90] =	vst v2;
	v2 =	vld [tilespmem:$0xA0];
	v1 =	vadd.s32 v0, v1  }
0xb9: {  	v4 =	vadd.s32 v0, v4;
	[tilespmem:$0x80] =	vst v1  }
0xba: {  	v1 =	vadd.s32 v0, v5;
	[tilespmem:$0xB0] =	vst v4  }
0xbb: {  	[tilespmem:$0xC0] =	vst v1;
	v1 =	vadd.s32 v0, v6  }
0xbc: {  	[tilespmem:$0xE0] =	vst v1;
	v1 =	vadd.s32 v0, v3  }
0xbd: {  	v2 =	vadd.s32 v0, v2;
	[tilespmem:$0xF0] =	vst v1  }
0xbe: {  	[tilespmem:$0xA0] =	vst v2  }
0xbf: {  	[tilespmem:s24], [sflag:$0x1] =	stream.indirect.gather [hbm4b:s4+s21], $0x80, s21, s21, $0xb8;
	[tilespmem:$0x1C200] =	vst v63  }
0xc0: {  	_ =	swait.ge [sflag:s25], $0x4000  }
0xc1: {  	[sflag:s25] =	ssyncset.done $0x0  }
0xc2: {  	[sflag:s25] =	ssyncadd.s32 $0xFFFFC000  }
0xc3: {  	_ =	swait.ge [sflag:s29], $0x80  }
0xc4: {  	[sflag:s29] =	ssyncset.done $0x0  }
0xc5: {  	[sflag:s29] =	ssyncadd.s32 $0xFFFFFF80  }
0xc6: {  	[spmem:s1] =	stream.indirect.scatter.add.f32 [tilespmem:s22], [sflag:$0x2], $0x80, s19, s21, $0xb8;
	[tilespmem:$0x1C200] =	vst v63  }
0xc7: {  	_ =	swait.ge [sflag:s26], $0x4000  }
0xc8: {  	[sflag:s26] =	ssyncset.done $0x0  }
0xc9: {  	[sflag:s26] =	ssyncadd.s32 $0xFFFFC000  }
0xca: {  	_ =	swait.ge [sflag:s25], $0x4000  }
0xcb: {  	[sflag:s25] =	ssyncset.done $0x0  }
0xcc: {  	[sflag:s25] =	ssyncadd.s32 $0xFFFFC000  }
0xcd: {  	_ =	swait.ge [sflag:s28], $0x80  }
0xce: {  	[sflag:s28] =	ssyncset.done $0x0  }
0xcf: {  	[sflag:s28] =	ssyncadd.s32 $0xFFFFFF80  }
0xd0: {  	[spmem:s1] =	stream.indirect.scatter.add.f32 [tilespmem:s24], [sflag:$0x2], $0x80, s23, s21, $0xb8;
	[tilespmem:$0x1C200] =	vst v63  }
0xd1: {  	_ =	swait.ge [sflag:s26], $0x4000  }
0xd2: {  	s30 =	sadd.s32 $0x1, s30;
	[sflag:s26] =	ssyncset.done $0x0  }
0xd3: {  	p0 =	sne.s32 s30, s16;
	[sflag:s26] =	ssyncadd.s32 $0xFFFFC000  }
.Ltmp1:
0xd4: {  	s0 =	sor.u32 $0x1C06, s9;
	[bflag:$0x0] =	sbarrier.arrive $0xFFFF;
	(pc) =	sbr.rel @p0 .LBB2_1-.Ltmp1, $4  }
0xd5: {  	[hbm:s15], [sflag:s0] =	dma.local [spmem:s17], $0x2800  }
0xd6: {  	_ =	swait.ge [sflag:s18], $0x2800  }
0xd7: {  	[sflag:s18] =	ssyncset.done $0x0  }
0xd8: {  	[sflag:s18] =	ssyncadd.s32 $0xFFFFD800  }
0xd9: {  	_ =	sfence.sel $0x180000  }
0xda: {  	[bflag:$0x0] =	sbarrier.arrive $0xFFFF  }
0xdb: {  	_ =	strace $0x9000004A  }
0xdc: {  	s0 =	stileid.u32;
	[bflag:$0x2] =	sbarrier.arrive $0xFFFF  }
0xdd: {  	p0 =	sne.s32 s0, $0x0;
	s0 =	rddreg [dreg:$0x2]  }
0xde: {  	s0 =	sadd.s32 @!p0 $0x100000, s0  }
0xdf: {  	[sflag:s0] =	ssyncadd.tile.s32 @!p0 $0x1;
	_ =	shalt  }
.Lfunc_end2:
_tile_overlayer_lowered:
.L_overlay_start_2:
0xe0: {  	(tag) =	ssettag $0x2  }
0xe1: {  	s0 =	rddreg [dreg:$0x0];
	s2 =	stileid.u32  }
0xe2: {  	s1 =	rddreg [dreg:$0x1];
	p0 =	sne.s32 s2, $0x0  }
0xe3: {  	s3 =	rddreg [dreg:$0x2];
	[bflag:$0x3] =	sbarrier.arrive $0xFFFF;
	s2 =	simm.s32 @!p0 $0x1C06  }
0xe4: {  	[timem:s3], [sflag:s2] =	dma.local @!p0 [hbm:s0], s1  }
0xe5: {  	s0 =	simm.s32 @!p0 $0x6  }
0xe6: {  	_ =	swait.ge @!p0 [sflag:s0], s1  }
0xe7: {  	s1 =	ssub.s32 @!p0 $0x0, s1;
	[sflag:s0] =	ssyncset.done @!p0 $0x0  }
0xe8: {  	[sflag:s0] =	ssyncadd.s32 @!p0 s1  }
0xe9: {  	[bflag:$0x3] =	sbarrier.arrive $0xFFFF  }
0xea: {  	_ =	shalt  }

// kernel: kernel.14.cloned.1.call-start
scs
__scs_entry_jumppad:
0x0: {  	(pc) =	sbr.rel $0x88, $3  }
0x1: {  	(tag) =	ssettag $0x0;
	lr =	simm.s32 $0x1  }
0x2: {  	[smem:$0x3F8D] =	sst lr;
	_ =	strace $0xD0000000  }
0x3: {  	_ = 	snop  }
0x4: {  	_ = 	snop  }
0x5: {  	_ = 	snop  }
0x6: {  	_ = 	snop  }
0x7: {  	_ = 	snop  }
__scs_overlays_trampoline_lowered:
0x8: {  	[smem:$0x3F9C] =	sst s0  }
0x9: {  	[smem:$0x3F9D] =	sst s1  }
0xa: {  	[smem:$0x3F9E] =	sst s2  }
0xb: {  	[smem:$0x3F9F] =	sst s3  }
0xc: {  	[smem:$0x3FA0] =	sst s4  }
0xd: {  	[smem:$0x3FA1] =	sst s5  }
0xe: {  	[smem:$0x3FA2] =	sst s6  }
0xf: {  	[smem:$0x3FA3] =	sst s7  }
0x10: {  	[smem:$0x3FA4] =	sst s8  }
0x11: {  	[smem:$0x3FA5] =	sst s9;
	s0 =	simm.s32 @!p0 $0x0  }
0x12: {  	s1 =	sld [smem:$0x3F8B];
	s0 =	simm.s32 @p0 $0x1  }
0x13: {  	[smem:$0x3FA6] =	sst s0;
	s0 =	simm.s32 @!p1 $0x0  }
0x14: {  	s2 =	sld [smem:$0x3F8A];
	s0 =	simm.s32 @p1 $0x1  }
0x15: {  	[smem:$0x3FA7] =	sst s0;
	s0 =	simm.s32 @!p2 $0x0  }
0x16: {  	s3 =	sld [smem:$0x3FDB];
	s0 =	simm.s32 @p2 $0x1  }
0x17: {  	s4 =	simm.s32 $0x1BF5;
	[smem:$0x3FA9] =	sst s0  }
0x18: {  	s0 =	sld [smem:$0x3F8C];
	_ =	swait.ge [sflag:s4], $0x0  }
0x19: {  	s7 =	sld [smem:$0x3F8D]  }
0x1a: {  	s8 =	sadd.s32 $0xFFFFE003, lr  }
0x1b: {  	s9 =	sadd.s32 $0xFFFFFEF7, lr;
	s5 =	simm.s32 $0xFFFFFFFF;
	p2 =	slt.u32 s8, $0xFFFFF086  }
0x1c: {  	p1 =	slt.u32 s9, $0xF7A;
	s5 =	simm.s32 @!p2 $0x0  }
0x1d: {  	s5 =	simm.s32 @p1 $0x1;
	p0 =	seq.s32 s7, s2  }
0x1e: {  	s7 =	smul.u32 @!p0 $0xF7A, s2;
	p2 =	seq.s32 @!p0 s5, $0x0  }
0x1f: {  	s9 =	smul.u32 $0xF7A, s1;
	s8 =	simm.s32 @!p0 $0x1BF5;
	p2 =	por !p2, p0  }
0x20: {  	[sflag:s8] =	ssyncset.s32 @!p0 $0xFFFFF086;
	s6 =	sadd.s32 @!p0 s3, s7;
	s7 =	simm.s32 @!p0 $0x108  }
0x21: {  	s3 =	sadd.s32 s3, s9;
	s6 =	sadd.s32 @!p0 $0x88, s6;
	s7 =	simm.s32 @p2 $0x1082  }
0x22: {  	[simem:s7], [sflag:s8] =	dma.local @!p0 [hbm:s6], $0xF7A  }
0x23: {  	s9 =	sor.u32 $0xD0000000, s2;
	s6 =	simm.s32 $0x108;
	_ =	swait.ge @!p0 [sflag:s8], $0x0  }
0x24: {  	s3 =	sadd.s32 $0x88, s3;
	s6 =	simm.s32 @!p1 $0x1082;
	[sflag:s4] =	ssyncset.s32 $0xFFFFF086  }
0x25: {  	[simem:s6], [sflag:s4] =	dma.local [hbm:s3], $0xF7A  }
0x26: {  	[smem:$0x3F8D] =	sst s1;
	(tag) =	ssettag s2;
	_ =	strace s9  }
0x27: {  	s1 =	sld [smem:$0x3F9D]  }
0x28: {  	s2 =	sld [smem:$0x3F9E]  }
0x29: {  	s4 =	sld [smem:$0x3FA0]  }
0x2a: {  	p0 =	seq.s32 s5, $0x0;
	s5 =	sld [smem:$0x3FA1]  }
0x2b: {  	s6 =	sld [smem:$0x3FA2]  }
0x2c: {  	s7 =	sld [smem:$0x3FA3]  }
0x2d: {  	s3 =	simm.s32 $0x108;
	s8 =	sld [smem:$0x3FA4]  }
0x2e: {  	s3 =	simm.s32 @!p0 $0x1082;
	s9 =	sld [smem:$0x3FA5]  }
0x2f: {  	lr =	sadd.s32 s0, s3;
	s0 =	sld [smem:$0x3F9C]  }
0x30: {  	s3 =	sld [smem:$0x3F9F]  }
0x31: {  	[smem:$0x3FA8] =	sst s10  }
0x32: {  	s10 =	sld [smem:$0x3FA6];
	_ =	sdelay $0x3  }
0x33: {  	p0 =	seq.s32 s10, $0x1;
	s10 =	sld [smem:$0x3FA8];
	_ =	sdelay $0x3  }
0x34: {  	[smem:$0x3FA8] =	sst s10  }
0x35: {  	s10 =	sld [smem:$0x3FA7];
	_ =	sdelay $0x3  }
0x36: {  	p1 =	seq.s32 s10, $0x1;
	s10 =	sld [smem:$0x3FA8];
	_ =	sdelay $0x3  }
0x37: {  	[smem:$0x3FA8] =	sst s10  }
0x38: {  	s10 =	sld [smem:$0x3FA9]  }
0x39: {  	_ = 	snop;
	(pc) =	sbr.ind lr, $3  }
0x3a: {  	_ = 	snop  }
0x3b: {  	_ = 	snop  }
0x3c: {  	p2 =	seq.s32 s10, $0x1;
	s10 =	sld [smem:$0x3FA8]  }
0x3d: {  	_ =	shalt  }
0x3e: {  	_ =	shalt  }
0x3f: {  	_ =	shalt  }
0x40: {  	_ =	shalt  }
0x41: {  	_ =	shalt  }
0x42: {  	_ =	shalt  }
0x43: {  	_ =	shalt  }
0x44: {  	_ =	shalt  }
0x45: {  	_ =	shalt  }
0x46: {  	_ =	shalt  }
0x47: {  	_ =	shalt  }
0x48: {  	_ =	shalt  }
0x49: {  	_ =	shalt  }
0x4a: {  	_ =	shalt  }
0x4b: {  	_ =	shalt  }
0x4c: {  	_ =	shalt  }
0x4d: {  	_ =	shalt  }
0x4e: {  	_ =	shalt  }
0x4f: {  	_ =	shalt  }
0x50: {  	_ =	shalt  }
0x51: {  	_ =	shalt  }
0x52: {  	_ =	shalt  }
0x53: {  	_ =	shalt  }
0x54: {  	_ =	shalt  }
0x55: {  	_ =	shalt  }
0x56: {  	_ =	shalt  }
0x57: {  	_ =	shalt  }
0x58: {  	_ =	shalt  }
0x59: {  	_ =	shalt  }
0x5a: {  	_ =	shalt  }
0x5b: {  	_ =	shalt  }
0x5c: {  	_ =	shalt  }
0x5d: {  	_ =	shalt  }
0x5e: {  	_ =	shalt  }
0x5f: {  	_ =	shalt  }
0x60: {  	_ =	shalt  }
0x61: {  	_ =	shalt  }
0x62: {  	_ =	shalt  }
0x63: {  	_ =	shalt  }
0x64: {  	_ =	shalt  }
0x65: {  	_ =	shalt  }
0x66: {  	_ =	shalt  }
0x67: {  	_ =	shalt  }
0x68: {  	_ =	shalt  }
0x69: {  	_ =	shalt  }
0x6a: {  	_ =	shalt  }
0x6b: {  	_ =	shalt  }
0x6c: {  	_ =	shalt  }
0x6d: {  	_ =	shalt  }
0x6e: {  	_ =	shalt  }
0x6f: {  	_ =	shalt  }
0x70: {  	_ =	shalt  }
0x71: {  	_ =	shalt  }
0x72: {  	_ =	shalt  }
0x73: {  	_ =	shalt  }
0x74: {  	_ =	shalt  }
0x75: {  	_ =	shalt  }
0x76: {  	_ =	shalt  }
0x77: {  	_ =	shalt  }
0x78: {  	_ =	shalt  }
0x79: {  	_ =	shalt  }
0x7a: {  	_ =	shalt  }
0x7b: {  	_ =	shalt  }
0x7c: {  	_ =	shalt  }
0x7d: {  	_ =	shalt  }
0x7e: {  	_ =	shalt  }
0x7f: {  	_ =	shalt  }
0x80: {  	_ =	shalt  }
0x81: {  	_ =	shalt  }
0x82: {  	_ =	shalt  }
0x83: {  	_ =	shalt  }
0x84: {  	_ =	shalt  }
0x85: {  	_ =	shalt  }
0x86: {  	_ =	shalt  }
0x87: {  	_ =	shalt  }
.Lfunc_end0:
.L_simem_size_0:
called_computation.2_lowered:
.L_overlay_start_0:
0x88: {  	s2 =	sld [smem:$0x3FD9]  }
0x89: {  	s3 =	sld [smem:$0x3FFE];
	_ =	sdelay $0x1  }
0x8a: {  	s1 =	srdreg.scid  }
0x8b: {  	s0 =	sand.u32 $0x1, s1  }
0x8c: {  	s16 =	sshll.u32 s0, $0xA;
	s2 =	sadd.s32 s3, s2  }
0x8d: {  	s2 =	sadd.s32 s2, s16  }
0x8e: {  	[smem:$0x3FB4] =	sst s2  }
0x8f: {  	_ = 	snop  }
0x90: {  	(tm) =	ssettm $0x1  }
0x91: {  	s17 =	sld [smem:$0x3FFB];
	_ =	sdelay $0x3  }
0x92: {  	_ =	strace s17  }
0x93: {  	s2 =	sld [smem:$0x3FFC];
	_ =	sdelay $0x3  }
0x94: {  	_ =	strace s2  }
0x95: {  	s2 =	sld [smem:$0x3FFD];
	_ =	sdelay $0x3  }
0x96: {  	_ =	strace s2  }
0x97: {  	_ =	strace $0x8FFFFFFF  }
0x98: {  	s18 =	sld [smem:$0x3FDB];
	_ =	sdelay $0x1  }
0x99: {  	s19 =	simm.s32 $_scs_section_size  }
0x9a: {  	s4 =	simm.s32 $_size__tile_overlayer_lowered;
	s5 =	simm.s32 $_tile_overlayer_lowered  }
0x9b: {  	s22 =	simm.s32 $0x1BFF;
	s21 =	sshll.u32 s5, $0x1;
	s2 =	sadd.s32 s19, s18  }
0x9c: {  	s6 =	simm.s32 $0x0;
	s20 =	sshll.u32 s4, $0x1;
	s4 =	sadd.s32 s21, s2  }
0x9d: {  	[timem:s6], [sflag:s22] =	dma.local [hbm:s4], s20  }
0x9e: {  	_ =	swait.ge [sflag:s22], s20  }
0x9f: {  	s3 =	ssub.s32 $0x0, s20;
	[sflag:s22] =	ssyncset.done $0x0  }
0xa0: {  	[sflag:s22] =	ssyncadd.s32 s3;
	_ =	sdelay $0x1  }
0xa1: {  	s23 =	simm.s32 $0x1B8B  }
0xa2: {  	_ =	swait.ge [sflag:s23], $0x1  }
0xa3: {  	[sflag:s23] =	ssyncset.done $0x0  }
0xa4: {  	s25 =	simm.s32 $0x1B8E;
	s24 =	sld [smem:$0x3FFE];
	[sflag:s23] =	ssyncadd.s32 $0xFFFFFFFF  }
0xa5: {  	s26 =	simm.s32 $execute0_lowered;
	[smem:$0x3FD2] =	sst s25  }
0xa6: {  	s4 =	sshll.u32 s26, $0x1;
	_ =	strace $0x8000004C;
	[dreg:$0x1] =	wrdreg $0xFFFFFFFF  }
0xa7: {  	s28 =	simm.s32 $_size_execute0_lowered;
	s2 =	sadd.s32 s2, s4;
	[dreg:$0x0] =	wrdreg $0x0  }
0xa8: {  	s4 =	sshll.u32 s28, $0x1;
	[dreg:$0x2] =	wrdreg s2  }
0xa9: {  	[dreg:$0x3] =	wrdreg s4  }
0xaa: {  	[dreg:$0x4] =	wrdreg $0xC0  }
0xab: {  	_ =	task [dreg:s6], $0x5FFFF  }
0xac: {  	[dreg:$0x1] =	wrdreg $0xFFFFFFFF  }
0xad: {  	[dreg:$0x0] =	wrdreg $0x60  }
0xae: {  	[dreg:$0x2] =	wrdreg s24  }
0xaf: {  	[dreg:$0x3] =	wrdreg $0x82000  }
0xb0: {  	[dreg:$0x4] =	wrdreg $0x9  }
0xb1: {  	_ =	task.clear_ibuf [dreg:s6], $0x5FFFF;
	_ =	strace $0x9000004C  }
0xb2: {  	s29 =	simm.s32 $0x9;
	_ =	strace $0x8000004E  }
0xb3: {  	_ =	swait.ge [sflag:s29], $0x1  }
0xb4: {  	[sflag:s29] =	ssyncadd.s32 $0xFFFFFFFF  }
0xb5: {  	_ =	strace $0x9000004E  }
0xb6: {  	_ =	sfence  }
0xb7: {  	s30 =	sld [smem:$0x0];
	_ =	sdelay $0x2  }
0xb8: {  	s31 =	sshll.u32 s1, $0xD;
	s1 =	sshrl.u32 s1, $0x2  }
0xb9: {  	s3 =	sand.u32 $0x4000, s31;
	s1 =	sadd.s32 s1, s30  }
0xba: {  	s0 =	sor.u32 s3, s0;
	s1 =	sshll.u32 s1, $0x11  }
0xbb: {  	s0 =	sor.u32 s1, s0  }
0xbc: {  	s0 =	sadd.s32 $0x8F2B, s0  }
0xbd: {  	[sflag:s0] =	ssyncadd.remote.s32 $0x1  }
0xbe: {  	_ =	sfence.sel $0xFFFF  }
0xbf: {  	[dreg:$0x0] =	wrdreg $0xFFFFFFFF;
	(pc) =	sbr.abs _section_cstart, $3  }
0xc0: {  	[dreg:$0x1] =	wrdreg $0xFFFFFFFF  }
0xc1: {  	_ =	task.clear_ibuf [dreg:s6], $0x2FFFF;
	_ =	strace $0x9FFFFFFF  }
0xc2: {  	(tm) =	ssettm $0x7FFFFFFF  }
0xc3: {  	_ =	shalt  }
tec
execute0_lowered:
.L_overlay_start_1:
0x0: {  	(tag) =	ssettag $0x1  }
0x1: {  	s0 =	rddreg [dreg:$0x0]  }
0x2: {  	s1 =	rddreg [dreg:$0x1]  }
0x3: {  	s2 =	srdreg.scid;
	s3 =	simm.s32 $0x0;
	s26 =	stileid.u32  }
0x4: {  	s18 =	simm.s32 $0x6;
	s19 =	simm.s32 $0x100;
	s20 =	simm.s32 $0x3  }
0x5: {  	s21 =	simm.s32 $0x80;
	s22 =	simm.s32 $0x200;
	s23 =	simm.s32 $0x180  }
0x6: {  	s24 =	simm.s32 $0x4200;
	s25 =	simm.s32 $0x1;
	s29 =	simm.s32 $0x4  }
0x7: {  	s30 =	simm.s32 $0x0;
	s6 =	sand.u32 $0x1, s2;
	s7 =	smul.u32 $0x280, s26  }
0x8: {  	[smem:$0x7FF] =	sst s3;
	s4 =	sadd.s32 $0xCC00, s0;
	s9 =	smul.u32 $0x50000, s26  }
0x9: {  	s5 =	sadd.s32 $0x7C00, s0;
	s28 =	smul.u32 $0x2800, s6;
	s31 =	ssub.s32 $0x2, s6  }
0xa: {  	_ =	strace $0x8000004D;
	s6 =	sadd.s32 $0x2C00, s0;
	s10 =	sshrl.u32 s31, $0x1  }
0xb: {  	s9 =	sshrl.u32 s9, $0x2;
	s7 =	sadd.s32 s7, s28;
	s16 =	ssub.s32 s31, s10  }
0xc: {  	s17 =	sadd.s32 s9, s1;
	s9 =	sshll.u32 s26, $0x6;
	v0 =	vmov s28;
	s28 =	simm.s32 $0x5  }
0xd: {  	s8 =	sshll.u32 s7, $0x4;
	s7 =	smul.u32 $0x500, s26;
	s10 =	sor.u32 $0x1C03, s9  }
0xe: {  	s16 =	smax.u32 s16, $0x1;
	s0 =	sadd.s32 s8, s0;
	s8 =	sadd.s32 s4, s8  }
0xf: {  	s17 =	sshrl.u32 s17, $0x3;
	s26 =	simm.s32 $0x2;
	[dreg:$0x3] =	wrdreg s8  }
0x10: {  	s11 =	sadd.s32 s5, s7;
	s14 =	sor.u32 $0x10, s7;
	s12 =	sadd.s32 s6, s7  }
0x11: {  	s15 =	sadd.s32 $0x5CC00, s0;
	s13 =	sadd.s32 s5, s14;
	s14 =	sadd.s32 s6, s14  }
.LBB2_1:
0x12: {  	s0 =	rddreg [dreg:$0x3]  }
0x13: {  	[spmem:s17], [sflag:s10] =	dma.local [hbm:s0], $0x2800  }
0x14: {  	[tilespmem:s3], [sflag:$0x6] =	stream.linear.gather [hbm4b:s11+s3], $0x80, $0x38;
	[tilespmem:$0x1C200] =	vst v63  }
0x15: {  	_ =	swait.ge [sflag:s18], $0x80  }
0x16: {  	[sflag:s18] =	ssyncset.done $0x0  }
0x17: {  	[sflag:s18] =	ssyncadd.s32 $0xFFFFFF80  }
0x18: {  	[tilespmem:s19], [sflag:$0x6] =	stream.linear.gather [hbm4b:s12+s3], $0x80, $0x38;
	[tilespmem:$0x1C200] =	vst v63  }
0x19: {  	_ =	swait.ge [sflag:s18], $0x80  }
0x1a: {  	[sflag:s18] =	ssyncset.done $0x0  }
0x1b: {  	[sflag:s18] =	ssyncadd.s32 $0xFFFFFF80  }
0x1c: {  	v1 =	vld [tilespmem:$0x0]  }
0x1d: {  	v2 =	vld [tilespmem:$0x10]  }
0x1e: {  	v3 =	vld [tilespmem:$0x20]  }
0x1f: {  	v4 =	vld [tilespmem:$0x30]  }
0x20: {  	v5 =	vld [tilespmem:$0x40]  }
0x21: {  	v6 =	vld [tilespmem:$0x50];
	v1 =	vadd.s32 v0, v1  }
0x22: {  	[tilespmem:$0x0] =	vst v1;
	v1 =	vadd.s32 v0, v2;
	v2 =	vld [tilespmem:$0x60]  }
0x23: {  	[tilespmem:$0x10] =	vst v1;
	v1 =	vadd.s32 v0, v3;
	v3 =	vld [tilespmem:$0x70]  }
0x24: {  	[tilespmem:$0x20] =	vst v1;
	v1 =	vadd.s32 v0, v4  }
0x25: {  	[tilespmem:$0x30] =	vst v1;
	v1 =	vadd.s32 v0, v5  }
0x26: {  	[tilespmem:$0x40] =	vst v1;
	v1 =	vadd.s32 v0, v6  }
0x27: {  	[tilespmem:$0x50] =	vst v1;
	v1 =	vadd.s32 v0, v2  }
0x28: {  	[tilespmem:$0x60] =	vst v1;
	v1 =	vadd.s32 v0, v3  }
0x29: {  	[tilespmem:$0x70] =	vst v1  }
0x2a: {  	_ =	swait.ge [sflag:s20], $0x2800  }
0x2b: {  	[sflag:s20] =	ssyncset.done $0x0  }
0x2c: {  	[sflag:s20] =	ssyncadd.s32 $0xFFFFD800  }
0x2d: {  	[bflag:$0x0] =	sbarrier.arrive $0xFFFF  }
0x2e: {  	[tilespmem:s22], [sflag:$0x1] =	stream.indirect.gather [hbm4b:s4+s21], $0x80, s3, s21, $0xb8;
	[tilespmem:$0x1C200] =	vst v63  }
0x2f: {  	_ = 	snop  }
0x30: {  	[tilespmem:s21], [sflag:$0x3] =	stream.linear.gather [hbm4b:s13+s3], $0x80, $0x38;
	[tilespmem:$0x1C200] =	vst v63  }
0x31: {  	_ = 	snop  }
0x32: {  	[tilespmem:s23], [sflag:$0x5] =	stream.linear.gather [hbm4b:s14+s3], $0x80, $0x38;
	[tilespmem:$0x1C200] =	vst v63  }
0x33: {  	_ =	swait.ge [sflag:s20], $0x80  }
0x34: {  	[sflag:s20] =	ssyncset.done $0x0  }
0x35: {  	[sflag:s20] =	ssyncadd.s32 $0xFFFFFF80  }
0x36: {  	v1 =	vld [tilespmem:$0x80]  }
0x37: {  	v2 =	vld [tilespmem:$0x90]  }
0x38: {  	v3 =	vld [tilespmem:$0xA0]  }
0x39: {  	v4 =	vld [tilespmem:$0xB0]  }
0x3a: {  	v5 =	vld [tilespmem:$0xC0]  }
0x3b: {  	v62 =	vld [tilespmem:$0xD0];
	v1 =	vadd.s32 v0, v1  }
0x3c: {  	[tilespmem:$0x80] =	vst v1;
	v1 =	vadd.s32 v0, v2;
	v2 =	vld [tilespmem:$0xE0]  }
0x3d: {  	[tilespmem:$0x90] =	vst v1;
	v1 =	vadd.s32 v0, v3;
	v3 =	vld [tilespmem:$0xF0]  }
0x3e: {  	[tilespmem:$0xA0] =	vst v1;
	v1 =	vadd.s32 v0, v4  }
0x3f: {  	[tilespmem:$0xB0] =	vst v1;
	v1 =	vadd.s32 v0, v5  }
0x40: {  	[tilespmem:$0xC0] =	vst v1;
	v1 =	vadd.s32 v0, v62  }
0x41: {  	[tilespmem:$0xD0] =	vst v1;
	v1 =	vadd.s32 v0, v2  }
0x42: {  	[tilespmem:$0xE0] =	vst v1;
	v1 =	vadd.s32 v0, v3  }
0x43: {  	[tilespmem:$0xF0] =	vst v1  }
0x44: {  	[tilespmem:s24], [sflag:$0x1] =	stream.indirect.gather [hbm4b:s4+s21], $0x80, s21, s21, $0xb8;
	[tilespmem:$0x1C200] =	vst v63  }
0x45: {  	s8 =	simm.s32 $0x20;
	s31 =	sadd.s32 $0x20, s7;
	_ =	swait.ge [sflag:s25], $0x4000  }
0x46: {  	s31 =	sand.u32 $0xFF80, s31;
	s0 =	sand.u32 $0x60, s8;
	[sflag:s25] =	ssyncset.done $0x0  }
0x47: {  	s0 =	sor.u32 s0, s31;
	[sflag:s25] =	ssyncadd.s32 $0xFFFFC000  }
0x48: {  	[spmem:s1] =	stream.indirect.scatter.add.f32 [tilespmem:s22], [sflag:$0x2], $0x80, s19, s21, $0xb8;
	[tilespmem:$0x1C200] =	vst v63  }
0x49: {  	s31 =	sadd.s32 s5, s0  }
0x4a: {  	[tilespmem:s3], [sflag:$0x3] =	stream.linear.gather [hbm4b:s31+s3], $0x80, $0x38;
	[tilespmem:$0x1C200] =	vst v63  }
0x4b: {  	_ =	swait.ge [sflag:s26], $0x4000  }
0x4c: {  	[sflag:s26] =	ssyncset.done $0x0  }
0x4d: {  	s31 =	sadd.s32 s6, s0;
	[sflag:s26] =	ssyncadd.s32 $0xFFFFC000  }
0x4e: {  	[tilespmem:s19], [sflag:$0x4] =	stream.linear.gather [hbm4b:s31+s3], $0x80, $0x38;
	[tilespmem:$0x1C200] =	vst v63  }
0x4f: {  	_ =	swait.ge [sflag:s20], $0x80  }
0x50: {  	[sflag:s20] =	ssyncset.done $0x0  }
0x51: {  	[sflag:s20] =	ssyncadd.s32 $0xFFFFFF80  }
0x52: {  	v1 =	vld [tilespmem:$0x70]  }
0x53: {  	v2 =	vld [tilespmem:$0x50]  }
0x54: {  	v3 =	vld [tilespmem:$0x20]  }
0x55: {  	v4 =	vld [tilespmem:$0x30]  }
0x56: {  	v63 =	vld [tilespmem:$0x10]  }
0x57: {  	v5 =	vld [tilespmem:$0x60];
	v1 =	vadd.s32 v0, v1  }
0x58: {  	v7 =	vld [tilespmem:$0x40];
	v2 =	vadd.s32 v0, v2;
	[tilespmem:$0x70] =	vst v1  }
0x59: {  	v3 =	vadd.s32 v0, v3;
	v1 =	vld [tilespmem:$0x0];
	[tilespmem:$0x50] =	vst v2  }
0x5a: {  	[tilespmem:$0x20] =	vst v3;
	v2 =	vadd.s32 v0, v4  }
0x5b: {  	v3 =	vadd.s32 v0, v63;
	[tilespmem:$0x30] =	vst v2  }
0x5c: {  	v2 =	vadd.s32 v0, v5;
	[tilespmem:$0x10] =	vst v3  }
0x5d: {  	[tilespmem:$0x60] =	vst v2;
	v2 =	vadd.s32 v0, v7  }
0x5e: {  	[tilespmem:$0x40] =	vst v2;
	v1 =	vadd.s32 v0, v1  }
0x5f: {  	[tilespmem:$0x0] =	vst v1  }
0x60: {  	[tilespmem:s22], [sflag:$0x1] =	stream.indirect.gather [hbm4b:s4+s21], $0x80, s3, s21, $0xb8;
	[tilespmem:$0x1C200] =	vst v63  }
0x61: {  	_ =	swait.ge [sflag:s25], $0x4000  }
0x62: {  	[sflag:s25] =	ssyncset.done $0x0  }
0x63: {  	[sflag:s25] =	ssyncadd.s32 $0xFFFFC000  }
0x64: {  	_ =	swait.ge [sflag:s28], $0x80  }
0x65: {  	[sflag:s28] =	ssyncset.done $0x0  }
0x66: {  	s0 =	sor.u32 $0x10, s0;
	[sflag:s28] =	ssyncadd.s32 $0xFFFFFF80  }
0x67: {  	[spmem:s1] =	stream.indirect.scatter.add.f32 [tilespmem:s24], [sflag:$0x2], $0x80, s23, s21, $0xb8;
	[tilespmem:$0x1C200] =	vst v63  }
0x68: {  	s31 =	sadd.s32 s5, s0  }
0x69: {  	[tilespmem:s21], [sflag:$0x3] =	stream.linear.gather [hbm4b:s31+s3], $0x80, $0x38;
	[tilespmem:$0x1C200] =	vst v63  }
0x6a: {  	_ =	swait.ge [sflag:s26], $0x4000  }
0x6b: {  	[sflag:s26] =	ssyncset.done $0x0  }
0x6c: {  	s0 =	sadd.s32 s6, s0;
	[sflag:s26] =	ssyncadd.s32 $0xFFFFC000  }
0x6d: {  	[tilespmem:s23], [sflag:$0x5] =	stream.linear.gather [hbm4b:s0+s3], $0x80, $0x38;
	[tilespmem:$0x1C200] =	vst v63  }
0x6e: {  	_ =	swait.ge [sflag:s20], $0x80  }
0x6f: {  	[sflag:s20] =	ssyncset.done $0x0  }
0x70: {  	[sflag:s20] =	ssyncadd.s32 $0xFFFFFF80  }
0x71: {  	v3 =	vld [tilespmem:$0xD0]  }
0x72: {  	v2 =	vld [tilespmem:$0x90]  }
0x73: {  	s31 =	simm.s32 $0x40;
	v1 =	vld [tilespmem:$0x80]  }
.LBB2_2:
0x74: {  	p0 =	sne.s32 s31, $0x4E0;
	v4 =	vld [tilespmem:$0xB0];
	s0 =	smov.u32 s31;
	s31 =	sadd.s32 $0x20, s31  }
0x75: {  	v5 =	vld [tilespmem:$0xA0]  }
0x76: {  	v6 =	vld [tilespmem:$0xC0];
	v3 =	vadd.s32 v0, v3  }
0x77: {  	v2 =	vadd.s32 v0, v2;
	[tilespmem:$0xD0] =	vst v3;
	v3 =	vld [tilespmem:$0xE0]  }
0x78: {  	v1 =	vadd.s32 v0, v1;
	[tilespmem:$0x90] =	vst v2;
	v2 =	vld [tilespmem:$0xF0]  }
0x79: {  	v4 =	vadd.s32 v0, v4  }
0x7a: {  	v5 =	vadd.s32 v0, v5;
	[tilespmem:$0xB0] =	vst v4  }
0x7b: {  	[tilespmem:$0x80] =	vst v1;
	v1 =	vadd.s32 v0, v6  }
0x7c: {  	[tilespmem:$0xC0] =	vst v1;
	v1 =	vadd.s32 v0, v3  }
0x7d: {  	[tilespmem:$0xE0] =	vst v1;
	v1 =	vadd.s32 v0, v2  }
0x7e: {  	[tilespmem:$0xF0] =	vst v1  }
0x7f: {  	[tilespmem:$0xA0] =	vst v5  }
0x80: {  	[tilespmem:s24], [sflag:$0x1] =	stream.indirect.gather [hbm4b:s4+s21], $0x80, s21, s21, $0xb8;
	[tilespmem:$0x1C200] =	vst v63  }
0x81: {  	_ =	swait.ge [sflag:s25], $0x4000  }
0x82: {  	[sflag:s25] =	ssyncset.done $0x0  }
0x83: {  	[sflag:s25] =	ssyncadd.s32 $0xFFFFC000  }
0x84: {  	s2 =	sadd.s32 s0, s7;
	_ =	swait.ge [sflag:s29], $0x80  }
0x85: {  	s0 =	sand.u32 $0x60, s0;
	s2 =	sand.u32 $0xFF80, s2;
	[sflag:s29] =	ssyncset.done $0x0  }
0x86: {  	s2 =	sor.u32 s0, s2;
	[sflag:s29] =	ssyncadd.s32 $0xFFFFFF80  }
0x87: {  	[spmem:s1] =	stream.indirect.scatter.add.f32 [tilespmem:s22], [sflag:$0x2], $0x80, s19, s21, $0xb8;
	[tilespmem:$0x1C200] =	vst v63  }
0x88: {  	s8 =	sadd.s32 s5, s2;
	s0 =	sor.u32 $0x10, s2  }
0x89: {  	[tilespmem:s3], [sflag:$0x3] =	stream.linear.gather [hbm4b:s8+s3], $0x80, $0x38;
	[tilespmem:$0x1C200] =	vst v63  }
0x8a: {  	_ =	swait.ge [sflag:s26], $0x4000  }
0x8b: {  	[sflag:s26] =	ssyncset.done $0x0  }
0x8c: {  	s2 =	sadd.s32 s6, s2;
	[sflag:s26] =	ssyncadd.s32 $0xFFFFC000  }
0x8d: {  	[tilespmem:s19], [sflag:$0x4] =	stream.linear.gather [hbm4b:s2+s3], $0x80, $0x38;
	[tilespmem:$0x1C200] =	vst v63  }
0x8e: {  	_ =	swait.ge [sflag:s20], $0x80  }
0x8f: {  	[sflag:s20] =	ssyncset.done $0x0  }
0x90: {  	[sflag:s20] =	ssyncadd.s32 $0xFFFFFF80  }
0x91: {  	v1 =	vld [tilespmem:$0x50]  }
0x92: {  	v2 =	vld [tilespmem:$0x70]  }
0x93: {  	v3 =	vld [tilespmem:$0x30]  }
0x94: {  	v4 =	vld [tilespmem:$0x20]  }
0x95: {  	v5 =	vld [tilespmem:$0x40]  }
0x96: {  	v6 =	vld [tilespmem:$0x60]  }
0x97: {  	v7 =	vld [tilespmem:$0x10];
	v2 =	vadd.s32 v0, v2  }
0x98: {  	v1 =	vadd.s32 v0, v1;
	v8 =	vld [tilespmem:$0x0];
	[tilespmem:$0x70] =	vst v2  }
0x99: {  	v2 =	vadd.s32 v0, v4;
	[tilespmem:$0x50] =	vst v1  }
0x9a: {  	v1 =	vadd.s32 v0, v3;
	[tilespmem:$0x20] =	vst v2  }
0x9b: {  	[tilespmem:$0x30] =	vst v1;
	v1 =	vadd.s32 v0, v5;
	v2 =	vadd.s32 v0, v6  }
0x9c: {  	v3 =	vadd.s32 v0, v7;
	[tilespmem:$0x60] =	vst v2  }
0x9d: {  	v2 =	vadd.s32 v0, v8;
	[tilespmem:$0x10] =	vst v3  }
0x9e: {  	[tilespmem:$0x40] =	vst v1  }
0x9f: {  	[tilespmem:$0x0] =	vst v2  }
0xa0: {  	[tilespmem:s22], [sflag:$0x1] =	stream.indirect.gather [hbm4b:s4+s21], $0x80, s3, s21, $0xb8;
	[tilespmem:$0x1C200] =	vst v63  }
0xa1: {  	_ =	swait.ge [sflag:s25], $0x4000  }
0xa2: {  	[sflag:s25] =	ssyncset.done $0x0  }
0xa3: {  	[sflag:s25] =	ssyncadd.s32 $0xFFFFC000  }
0xa4: {  	_ =	swait.ge [sflag:s28], $0x80  }
0xa5: {  	[sflag:s28] =	ssyncset.done $0x0  }
0xa6: {  	[sflag:s28] =	ssyncadd.s32 $0xFFFFFF80  }
0xa7: {  	[spmem:s1] =	stream.indirect.scatter.add.f32 [tilespmem:s24], [sflag:$0x2], $0x80, s23, s21, $0xb8;
	[tilespmem:$0x1C200] =	vst v63  }
0xa8: {  	s2 =	sadd.s32 s5, s0  }
0xa9: {  	[tilespmem:s21], [sflag:$0x3] =	stream.linear.gather [hbm4b:s2+s3], $0x80, $0x38;
	[tilespmem:$0x1C200] =	vst v63  }
0xaa: {  	_ =	swait.ge [sflag:s26], $0x4000  }
0xab: {  	[sflag:s26] =	ssyncset.done $0x0  }
0xac: {  	s0 =	sadd.s32 s6, s0;
	[sflag:s26] =	ssyncadd.s32 $0xFFFFC000  }
0xad: {  	[tilespmem:s23], [sflag:$0x5] =	stream.linear.gather [hbm4b:s0+s3], $0x80, $0x38;
	[tilespmem:$0x1C200] =	vst v63  }
0xae: {  	_ =	swait.ge [sflag:s20], $0x80  }
.Ltmp0:
0xaf: {  	[sflag:s20] =	ssyncset.done $0x0;
	(pc) =	sbr.rel @p0 .LBB2_2-.Ltmp0, $4  }
0xb0: {  	[sflag:s20] =	ssyncadd.s32 $0xFFFFFF80  }
0xb1: {  	v3 =	vld [tilespmem:$0xD0]  }
0xb2: {  	v2 =	vld [tilespmem:$0x90]  }
0xb3: {  	v1 =	vld [tilespmem:$0x80]  }
0xb4: {  	v4 =	vld [tilespmem:$0xB0]  }
0xb5: {  	v5 =	vld [tilespmem:$0xC0]  }
0xb6: {  	v6 =	vld [tilespmem:$0xE0];
	v3 =	vadd.s32 v0, v3  }
0xb7: {  	v2 =	vadd.s32 v0, v2;
	[tilespmem:$0xD0] =	vst v3;
	v3 =	vld [tilespmem:$0xF0]  }
0xb8: {  	[tilespmem:$0x90] =	vst v2;
	v2 =	vld [tilespmem:$0xA0];
	v1 =	vadd.s32 v0, v1  }
0xb9: {  	v4 =	vadd.s32 v0, v4;
	[tilespmem:$0x80] =	vst v1  }
0xba: {  	v1 =	vadd.s32 v0, v5;
	[tilespmem:$0xB0] =	vst v4  }
0xbb: {  	[tilespmem:$0xC0] =	vst v1;
	v1 =	vadd.s32 v0, v6  }
0xbc: {  	[tilespmem:$0xE0] =	vst v1;
	v1 =	vadd.s32 v0, v3  }
0xbd: {  	v2 =	vadd.s32 v0, v2;
	[tilespmem:$0xF0] =	vst v1  }
0xbe: {  	[tilespmem:$0xA0] =	vst v2  }
0xbf: {  	[tilespmem:s24], [sflag:$0x1] =	stream.indirect.gather [hbm4b:s4+s21], $0x80, s21, s21, $0xb8;
	[tilespmem:$0x1C200] =	vst v63  }
0xc0: {  	_ =	swait.ge [sflag:s25], $0x4000  }
0xc1: {  	[sflag:s25] =	ssyncset.done $0x0  }
0xc2: {  	[sflag:s25] =	ssyncadd.s32 $0xFFFFC000  }
0xc3: {  	_ =	swait.ge [sflag:s29], $0x80  }
0xc4: {  	[sflag:s29] =	ssyncset.done $0x0  }
0xc5: {  	[sflag:s29] =	ssyncadd.s32 $0xFFFFFF80  }
0xc6: {  	[spmem:s1] =	stream.indirect.scatter.add.f32 [tilespmem:s22], [sflag:$0x2], $0x80, s19, s21, $0xb8;
	[tilespmem:$0x1C200] =	vst v63  }
0xc7: {  	_ =	swait.ge [sflag:s26], $0x4000  }
0xc8: {  	[sflag:s26] =	ssyncset.done $0x0  }
0xc9: {  	[sflag:s26] =	ssyncadd.s32 $0xFFFFC000  }
0xca: {  	_ =	swait.ge [sflag:s25], $0x4000  }
0xcb: {  	[sflag:s25] =	ssyncset.done $0x0  }
0xcc: {  	[sflag:s25] =	ssyncadd.s32 $0xFFFFC000  }
0xcd: {  	_ =	swait.ge [sflag:s28], $0x80  }
0xce: {  	[sflag:s28] =	ssyncset.done $0x0  }
0xcf: {  	[sflag:s28] =	ssyncadd.s32 $0xFFFFFF80  }
0xd0: {  	[spmem:s1] =	stream.indirect.scatter.add.f32 [tilespmem:s24], [sflag:$0x2], $0x80, s23, s21, $0xb8;
	[tilespmem:$0x1C200] =	vst v63  }
0xd1: {  	_ =	swait.ge [sflag:s26], $0x4000  }
0xd2: {  	s30 =	sadd.s32 $0x1, s30;
	[sflag:s26] =	ssyncset.done $0x0  }
0xd3: {  	p0 =	sne.s32 s30, s16;
	[sflag:s26] =	ssyncadd.s32 $0xFFFFC000  }
.Ltmp1:
0xd4: {  	s0 =	sor.u32 $0x1C06, s9;
	[bflag:$0x0] =	sbarrier.arrive $0xFFFF;
	(pc) =	sbr.rel @p0 .LBB2_1-.Ltmp1, $4  }
0xd5: {  	[hbm:s15], [sflag:s0] =	dma.local [spmem:s17], $0x2800  }
0xd6: {  	_ =	swait.ge [sflag:s18], $0x2800  }
0xd7: {  	[sflag:s18] =	ssyncset.done $0x0  }
0xd8: {  	[sflag:s18] =	ssyncadd.s32 $0xFFFFD800  }
0xd9: {  	_ =	sfence.sel $0x180000  }
0xda: {  	[bflag:$0x0] =	sbarrier.arrive $0xFFFF  }
0xdb: {  	_ =	strace $0x9000004D  }
0xdc: {  	s0 =	stileid.u32;
	[bflag:$0x2] =	sbarrier.arrive $0xFFFF  }
0xdd: {  	p0 =	sne.s32 s0, $0x0;
	s0 =	rddreg [dreg:$0x2]  }
0xde: {  	s0 =	sadd.s32 @!p0 $0x100000, s0  }
0xdf: {  	[sflag:s0] =	ssyncadd.tile.s32 @!p0 $0x1;
	_ =	shalt  }
.Lfunc_end2:
_tile_overlayer_lowered:
.L_overlay_start_2:
0xe0: {  	(tag) =	ssettag $0x2  }
0xe1: {  	s0 =	rddreg [dreg:$0x0];
	s2 =	stileid.u32  }
0xe2: {  	s1 =	rddreg [dreg:$0x1];
	p0 =	sne.s32 s2, $0x0  }
0xe3: {  	s3 =	rddreg [dreg:$0x2];
	[bflag:$0x3] =	sbarrier.arrive $0xFFFF;
	s2 =	simm.s32 @!p0 $0x1C06  }
0xe4: {  	[timem:s3], [sflag:s2] =	dma.local @!p0 [hbm:s0], s1  }
0xe5: {  	s0 =	simm.s32 @!p0 $0x6  }
0xe6: {  	_ =	swait.ge @!p0 [sflag:s0], s1  }
0xe7: {  	s1 =	ssub.s32 @!p0 $0x0, s1;
	[sflag:s0] =	ssyncset.done @!p0 $0x0  }
0xe8: {  	[sflag:s0] =	ssyncadd.s32 @!p0 s1  }
0xe9: {  	[bflag:$0x3] =	sbarrier.arrive $0xFFFF  }
0xea: {  	_ =	shalt  }

// kernel: kernel.8.cloned.1.call-start
scs
__scs_entry_jumppad:
0x0: {  	(pc) =	sbr.rel $0x88, $3  }
0x1: {  	(tag) =	ssettag $0x0;
	lr =	simm.s32 $0x1  }
0x2: {  	[smem:$0x3F8D] =	sst lr;
	_ =	strace $0xD0000000  }
0x3: {  	_ = 	snop  }
0x4: {  	_ = 	snop  }
0x5: {  	_ = 	snop  }
0x6: {  	_ = 	snop  }
0x7: {  	_ = 	snop  }
__scs_overlays_trampoline_lowered:
0x8: {  	[smem:$0x3F9C] =	sst s0  }
0x9: {  	[smem:$0x3F9D] =	sst s1  }
0xa: {  	[smem:$0x3F9E] =	sst s2  }
0xb: {  	[smem:$0x3F9F] =	sst s3  }
0xc: {  	[smem:$0x3FA0] =	sst s4  }
0xd: {  	[smem:$0x3FA1] =	sst s5  }
0xe: {  	[smem:$0x3FA2] =	sst s6  }
0xf: {  	[smem:$0x3FA3] =	sst s7  }
0x10: {  	[smem:$0x3FA4] =	sst s8  }
0x11: {  	[smem:$0x3FA5] =	sst s9;
	s0 =	simm.s32 @!p0 $0x0  }
0x12: {  	s1 =	sld [smem:$0x3F8B];
	s0 =	simm.s32 @p0 $0x1  }
0x13: {  	[smem:$0x3FA6] =	sst s0;
	s0 =	simm.s32 @!p1 $0x0  }
0x14: {  	s2 =	sld [smem:$0x3F8A];
	s0 =	simm.s32 @p1 $0x1  }
0x15: {  	[smem:$0x3FA7] =	sst s0;
	s0 =	simm.s32 @!p2 $0x0  }
0x16: {  	s3 =	sld [smem:$0x3FDB];
	s0 =	simm.s32 @p2 $0x1  }
0x17: {  	s4 =	simm.s32 $0x1BF5;
	[smem:$0x3FA9] =	sst s0  }
0x18: {  	s0 =	sld [smem:$0x3F8C];
	_ =	swait.ge [sflag:s4], $0x0  }
0x19: {  	s7 =	sld [smem:$0x3F8D]  }
0x1a: {  	s8 =	sadd.s32 $0xFFFFE003, lr  }
0x1b: {  	s9 =	sadd.s32 $0xFFFFFEF7, lr;
	s5 =	simm.s32 $0xFFFFFFFF;
	p2 =	slt.u32 s8, $0xFFFFF086  }
0x1c: {  	p1 =	slt.u32 s9, $0xF7A;
	s5 =	simm.s32 @!p2 $0x0  }
0x1d: {  	s5 =	simm.s32 @p1 $0x1;
	p0 =	seq.s32 s7, s2  }
0x1e: {  	s7 =	smul.u32 @!p0 $0xF7A, s2;
	p2 =	seq.s32 @!p0 s5, $0x0  }
0x1f: {  	s9 =	smul.u32 $0xF7A, s1;
	s8 =	simm.s32 @!p0 $0x1BF5;
	p2 =	por !p2, p0  }
0x20: {  	[sflag:s8] =	ssyncset.s32 @!p0 $0xFFFFF086;
	s6 =	sadd.s32 @!p0 s3, s7;
	s7 =	simm.s32 @!p0 $0x108  }
0x21: {  	s3 =	sadd.s32 s3, s9;
	s6 =	sadd.s32 @!p0 $0x88, s6;
	s7 =	simm.s32 @p2 $0x1082  }
0x22: {  	[simem:s7], [sflag:s8] =	dma.local @!p0 [hbm:s6], $0xF7A  }
0x23: {  	s9 =	sor.u32 $0xD0000000, s2;
	s6 =	simm.s32 $0x108;
	_ =	swait.ge @!p0 [sflag:s8], $0x0  }
0x24: {  	s3 =	sadd.s32 $0x88, s3;
	s6 =	simm.s32 @!p1 $0x1082;
	[sflag:s4] =	ssyncset.s32 $0xFFFFF086  }
0x25: {  	[simem:s6], [sflag:s4] =	dma.local [hbm:s3], $0xF7A  }
0x26: {  	[smem:$0x3F8D] =	sst s1;
	(tag) =	ssettag s2;
	_ =	strace s9  }
0x27: {  	s1 =	sld [smem:$0x3F9D]  }
0x28: {  	s2 =	sld [smem:$0x3F9E]  }
0x29: {  	s4 =	sld [smem:$0x3FA0]  }
0x2a: {  	p0 =	seq.s32 s5, $0x0;
	s5 =	sld [smem:$0x3FA1]  }
0x2b: {  	s6 =	sld [smem:$0x3FA2]  }
0x2c: {  	s7 =	sld [smem:$0x3FA3]  }
0x2d: {  	s3 =	simm.s32 $0x108;
	s8 =	sld [smem:$0x3FA4]  }
0x2e: {  	s3 =	simm.s32 @!p0 $0x1082;
	s9 =	sld [smem:$0x3FA5]  }
0x2f: {  	lr =	sadd.s32 s0, s3;
	s0 =	sld [smem:$0x3F9C]  }
0x30: {  	s3 =	sld [smem:$0x3F9F]  }
0x31: {  	[smem:$0x3FA8] =	sst s10  }
0x32: {  	s10 =	sld [smem:$0x3FA6];
	_ =	sdelay $0x3  }
0x33: {  	p0 =	seq.s32 s10, $0x1;
	s10 =	sld [smem:$0x3FA8];
	_ =	sdelay $0x3  }
0x34: {  	[smem:$0x3FA8] =	sst s10  }
0x35: {  	s10 =	sld [smem:$0x3FA7];
	_ =	sdelay $0x3  }
0x36: {  	p1 =	seq.s32 s10, $0x1;
	s10 =	sld [smem:$0x3FA8];
	_ =	sdelay $0x3  }
0x37: {  	[smem:$0x3FA8] =	sst s10  }
0x38: {  	s10 =	sld [smem:$0x3FA9]  }
0x39: {  	_ = 	snop;
	(pc) =	sbr.ind lr, $3  }
0x3a: {  	_ = 	snop  }
0x3b: {  	_ = 	snop  }
0x3c: {  	p2 =	seq.s32 s10, $0x1;
	s10 =	sld [smem:$0x3FA8]  }
0x3d: {  	_ =	shalt  }
0x3e: {  	_ =	shalt  }
0x3f: {  	_ =	shalt  }
0x40: {  	_ =	shalt  }
0x41: {  	_ =	shalt  }
0x42: {  	_ =	shalt  }
0x43: {  	_ =	shalt  }
0x44: {  	_ =	shalt  }
0x45: {  	_ =	shalt  }
0x46: {  	_ =	shalt  }
0x47: {  	_ =	shalt  }
0x48: {  	_ =	shalt  }
0x49: {  	_ =	shalt  }
0x4a: {  	_ =	shalt  }
0x4b: {  	_ =	shalt  }
0x4c: {  	_ =	shalt  }
0x4d: {  	_ =	shalt  }
0x4e: {  	_ =	shalt  }
0x4f: {  	_ =	shalt  }
0x50: {  	_ =	shalt  }
0x51: {  	_ =	shalt  }
0x52: {  	_ =	shalt  }
0x53: {  	_ =	shalt  }
0x54: {  	_ =	shalt  }
0x55: {  	_ =	shalt  }
0x56: {  	_ =	shalt  }
0x57: {  	_ =	shalt  }
0x58: {  	_ =	shalt  }
0x59: {  	_ =	shalt  }
0x5a: {  	_ =	shalt  }
0x5b: {  	_ =	shalt  }
0x5c: {  	_ =	shalt  }
0x5d: {  	_ =	shalt  }
0x5e: {  	_ =	shalt  }
0x5f: {  	_ =	shalt  }
0x60: {  	_ =	shalt  }
0x61: {  	_ =	shalt  }
0x62: {  	_ =	shalt  }
0x63: {  	_ =	shalt  }
0x64: {  	_ =	shalt  }
0x65: {  	_ =	shalt  }
0x66: {  	_ =	shalt  }
0x67: {  	_ =	shalt  }
0x68: {  	_ =	shalt  }
0x69: {  	_ =	shalt  }
0x6a: {  	_ =	shalt  }
0x6b: {  	_ =	shalt  }
0x6c: {  	_ =	shalt  }
0x6d: {  	_ =	shalt  }
0x6e: {  	_ =	shalt  }
0x6f: {  	_ =	shalt  }
0x70: {  	_ =	shalt  }
0x71: {  	_ =	shalt  }
0x72: {  	_ =	shalt  }
0x73: {  	_ =	shalt  }
0x74: {  	_ =	shalt  }
0x75: {  	_ =	shalt  }
0x76: {  	_ =	shalt  }
0x77: {  	_ =	shalt  }
0x78: {  	_ =	shalt  }
0x79: {  	_ =	shalt  }
0x7a: {  	_ =	shalt  }
0x7b: {  	_ =	shalt  }
0x7c: {  	_ =	shalt  }
0x7d: {  	_ =	shalt  }
0x7e: {  	_ =	shalt  }
0x7f: {  	_ =	shalt  }
0x80: {  	_ =	shalt  }
0x81: {  	_ =	shalt  }
0x82: {  	_ =	shalt  }
0x83: {  	_ =	shalt  }
0x84: {  	_ =	shalt  }
0x85: {  	_ =	shalt  }
0x86: {  	_ =	shalt  }
0x87: {  	_ =	shalt  }
.Lfunc_end0:
.L_simem_size_0:
called_computation_lowered:
.L_overlay_start_0:
0x88: {  	s2 =	sld [smem:$0x3FD9]  }
0x89: {  	s3 =	sld [smem:$0x3FFE];
	_ =	sdelay $0x1  }
0x8a: {  	s1 =	srdreg.scid  }
0x8b: {  	s0 =	sand.u32 $0x1, s1  }
0x8c: {  	s16 =	sshll.u32 s0, $0xA;
	s2 =	sadd.s32 s3, s2  }
0x8d: {  	s2 =	sadd.s32 s2, s16  }
0x8e: {  	[smem:$0x3FB4] =	sst s2  }
0x8f: {  	_ = 	snop  }
0x90: {  	(tm) =	ssettm $0x1  }
0x91: {  	s17 =	sld [smem:$0x3FFB];
	_ =	sdelay $0x3  }
0x92: {  	_ =	strace s17  }
0x93: {  	s2 =	sld [smem:$0x3FFC];
	_ =	sdelay $0x3  }
0x94: {  	_ =	strace s2  }
0x95: {  	s2 =	sld [smem:$0x3FFD];
	_ =	sdelay $0x3  }
0x96: {  	_ =	strace s2  }
0x97: {  	_ =	strace $0x8FFFFFFF  }
0x98: {  	s18 =	sld [smem:$0x3FDB];
	_ =	sdelay $0x1  }
0x99: {  	s19 =	simm.s32 $_scs_section_size  }
0x9a: {  	s4 =	simm.s32 $_size__tile_overlayer_lowered;
	s5 =	simm.s32 $_tile_overlayer_lowered  }
0x9b: {  	s22 =	simm.s32 $0x1BFF;
	s21 =	sshll.u32 s5, $0x1;
	s2 =	sadd.s32 s19, s18  }
0x9c: {  	s6 =	simm.s32 $0x0;
	s20 =	sshll.u32 s4, $0x1;
	s4 =	sadd.s32 s21, s2  }
0x9d: {  	[timem:s6], [sflag:s22] =	dma.local [hbm:s4], s20  }
0x9e: {  	_ =	swait.ge [sflag:s22], s20  }
0x9f: {  	s3 =	ssub.s32 $0x0, s20;
	[sflag:s22] =	ssyncset.done $0x0  }
0xa0: {  	[sflag:s22] =	ssyncadd.s32 s3;
	_ =	sdelay $0x1  }
0xa1: {  	s23 =	simm.s32 $0x1B8B  }
0xa2: {  	_ =	swait.ge [sflag:s23], $0x1  }
0xa3: {  	[sflag:s23] =	ssyncset.done $0x0  }
0xa4: {  	s25 =	simm.s32 $0x1B8E;
	s24 =	sld [smem:$0x3FFE];
	[sflag:s23] =	ssyncadd.s32 $0xFFFFFFFF  }
0xa5: {  	s26 =	simm.s32 $execute0_lowered;
	[smem:$0x3FD2] =	sst s25  }
0xa6: {  	s4 =	sshll.u32 s26, $0x1;
	_ =	strace $0x80000046;
	[dreg:$0x1] =	wrdreg $0xFFFFFFFF  }
0xa7: {  	s28 =	simm.s32 $_size_execute0_lowered;
	s2 =	sadd.s32 s2, s4;
	[dreg:$0x0] =	wrdreg $0x0  }
0xa8: {  	s4 =	sshll.u32 s28, $0x1;
	[dreg:$0x2] =	wrdreg s2  }
0xa9: {  	[dreg:$0x3] =	wrdreg s4  }
0xaa: {  	[dreg:$0x4] =	wrdreg $0xC0  }
0xab: {  	_ =	task [dreg:s6], $0x5FFFF  }
0xac: {  	[dreg:$0x1] =	wrdreg $0xFFFFFFFF  }
0xad: {  	[dreg:$0x0] =	wrdreg $0x60  }
0xae: {  	[dreg:$0x2] =	wrdreg s24  }
0xaf: {  	[dreg:$0x3] =	wrdreg $0x82000  }
0xb0: {  	[dreg:$0x4] =	wrdreg $0x9  }
0xb1: {  	_ =	task.clear_ibuf [dreg:s6], $0x5FFFF;
	_ =	strace $0x90000046  }
0xb2: {  	s29 =	simm.s32 $0x9;
	_ =	strace $0x80000048  }
0xb3: {  	_ =	swait.ge [sflag:s29], $0x1  }
0xb4: {  	[sflag:s29] =	ssyncadd.s32 $0xFFFFFFFF  }
0xb5: {  	_ =	strace $0x90000048  }
0xb6: {  	_ =	sfence  }
0xb7: {  	s30 =	sld [smem:$0x0];
	_ =	sdelay $0x2  }
0xb8: {  	s31 =	sshll.u32 s1, $0xD;
	s1 =	sshrl.u32 s1, $0x2  }
0xb9: {  	s3 =	sand.u32 $0x4000, s31;
	s1 =	sadd.s32 s1, s30  }
0xba: {  	s0 =	sor.u32 s3, s0;
	s1 =	sshll.u32 s1, $0x11  }
0xbb: {  	s0 =	sor.u32 s1, s0  }
0xbc: {  	s0 =	sadd.s32 $0x8F2B, s0  }
0xbd: {  	[sflag:s0] =	ssyncadd.remote.s32 $0x1  }
0xbe: {  	_ =	sfence.sel $0xFFFF  }
0xbf: {  	[dreg:$0x0] =	wrdreg $0xFFFFFFFF;
	(pc) =	sbr.abs _section_cstart, $3  }
0xc0: {  	[dreg:$0x1] =	wrdreg $0xFFFFFFFF  }
0xc1: {  	_ =	task.clear_ibuf [dreg:s6], $0x2FFFF;
	_ =	strace $0x9FFFFFFF  }
0xc2: {  	(tm) =	ssettm $0x7FFFFFFF  }
0xc3: {  	_ =	shalt  }
tec
execute0_lowered:
.L_overlay_start_1:
0x0: {  	(tag) =	ssettag $0x1  }
0x1: {  	s0 =	rddreg [dreg:$0x0];
	s1 =	srdreg.scid  }
0x2: {  	s2 =	rddreg [dreg:$0x1];
	s12 =	stileid.u32;
	s3 =	simm.s32 $0x0  }
0x3: {  	s18 =	simm.s32 $0x6;
	s19 =	simm.s32 $0x100;
	s20 =	simm.s32 $0x3  }
0x4: {  	s21 =	simm.s32 $0x80;
	s22 =	simm.s32 $0x200;
	s23 =	simm.s32 $0x180  }
0x5: {  	s24 =	simm.s32 $0x4200;
	s28 =	simm.s32 $0x5;
	s29 =	simm.s32 $0x4  }
0x6: {  	s30 =	simm.s32 $0x0;
	s1 =	sand.u32 $0x1, s1;
	s6 =	smul.u32 $0x280, s12  }
0x7: {  	[smem:$0x7FF] =	sst s3;
	s4 =	sadd.s32 $0xCC00, s0;
	s10 =	smul.u32 $0x50000, s12  }
0x8: {  	s7 =	sadd.s32 $0x2C00, s0;
	s5 =	smul.u32 $0x2800, s1;
	s9 =	ssub.s32 $0x2, s1  }
0x9: {  	_ =	strace $0x80000047;
	s1 =	sshll.u32 s1, $0x4;
	s11 =	sshrl.u32 s9, $0x1  }
0xa: {  	s1 =	sor.u32 s12, s1;
	s25 =	sshrl.u32 s10, $0x2;
	s5 =	sadd.s32 s6, s5  }
0xb: {  	s6 =	sadd.s32 $0x7C00, s0;
	s16 =	ssub.s32 s9, s11;
	s1 =	smul.u32 $0x280, s1  }
0xc: {  	s17 =	sadd.s32 s25, s2;
	s9 =	sshll.u32 s12, $0x6;
	s25 =	simm.s32 $0x1  }
0xd: {  	s8 =	sshll.u32 s5, $0x4;
	s26 =	sor.u32 $0x1C03, s9;
	s16 =	smax.u32 s16, $0x1  }
0xe: {  	s17 =	sshrl.u32 s17, $0x3;
	s0 =	sadd.s32 s8, s0;
	s8 =	sadd.s32 s4, s8  }
0xf: {  	[dreg:$0x4] =	wrdreg s26;
	s11 =	sadd.s32 s6, s1;
	s31 =	sor.u32 $0x10, s1  }
0x10: {  	s12 =	sadd.s32 s7, s1;
	s26 =	simm.s32 $0x2;
	[dreg:$0x3] =	wrdreg s8  }
0x11: {  	s13 =	sadd.s32 s6, s31;
	s14 =	sadd.s32 s7, s31;
	s15 =	sadd.s32 $0x5CC00, s0  }
.LBB2_1:
0x12: {  	s0 =	rddreg [dreg:$0x3]  }
0x13: {  	s1 =	rddreg [dreg:$0x4]  }
0x14: {  	[spmem:s17], [sflag:s1] =	dma.local [hbm:s0], $0x2800  }
0x15: {  	[tilespmem:s3], [sflag:$0x6] =	stream.linear.gather [hbm4b:s11+s3], $0x80, $0x38;
	[tilespmem:$0x1C200] =	vst v63  }
0x16: {  	_ =	swait.ge [sflag:s18], $0x80  }
0x17: {  	[sflag:s18] =	ssyncset.done $0x0  }
0x18: {  	[sflag:s18] =	ssyncadd.s32 $0xFFFFFF80  }
0x19: {  	[tilespmem:s19], [sflag:$0x6] =	stream.linear.gather [hbm4b:s12+s3], $0x80, $0x38;
	[tilespmem:$0x1C200] =	vst v63  }
0x1a: {  	_ =	swait.ge [sflag:s18], $0x80  }
0x1b: {  	[sflag:s18] =	ssyncset.done $0x0  }
0x1c: {  	[sflag:s18] =	ssyncadd.s32 $0xFFFFFF80  }
0x1d: {  	_ =	swait.ge [sflag:s20], $0x2800  }
0x1e: {  	[sflag:s20] =	ssyncset.done $0x0  }
0x1f: {  	[sflag:s20] =	ssyncadd.s32 $0xFFFFD800  }
0x20: {  	[bflag:$0x0] =	sbarrier.arrive $0xFFFF  }
0x21: {  	[tilespmem:s22], [sflag:$0x1] =	stream.indirect.gather [hbm4b:s4+s21], $0x80, s3, s21, $0xb8;
	[tilespmem:$0x1C200] =	vst v63  }
0x22: {  	_ = 	snop  }
0x23: {  	[tilespmem:s21], [sflag:$0x3] =	stream.linear.gather [hbm4b:s13+s3], $0x80, $0x38;
	[tilespmem:$0x1C200] =	vst v63  }
0x24: {  	_ = 	snop  }
0x25: {  	[tilespmem:s23], [sflag:$0x5] =	stream.linear.gather [hbm4b:s14+s3], $0x80, $0x38;
	[tilespmem:$0x1C200] =	vst v63  }
0x26: {  	_ =	swait.ge [sflag:s20], $0x80  }
0x27: {  	[sflag:s20] =	ssyncset.done $0x0  }
0x28: {  	[sflag:s20] =	ssyncadd.s32 $0xFFFFFF80  }
0x29: {  	[tilespmem:s24], [sflag:$0x1] =	stream.indirect.gather [hbm4b:s4+s21], $0x80, s21, s21, $0xb8;
	[tilespmem:$0x1C200] =	vst v63  }
0x2a: {  	s10 =	simm.s32 $0x20;
	s8 =	sadd.s32 $0x20, s5;
	_ =	swait.ge [sflag:s25], $0x4000  }
0x2b: {  	s1 =	sand.u32 $0xFF80, s8;
	s0 =	sand.u32 $0x60, s10;
	[sflag:s25] =	ssyncset.done $0x0  }
0x2c: {  	s0 =	sor.u32 s0, s1;
	[sflag:s25] =	ssyncadd.s32 $0xFFFFC000  }
0x2d: {  	[spmem:s2] =	stream.indirect.scatter.add.f32 [tilespmem:s22], [sflag:$0x2], $0x80, s19, s21, $0xb8;
	[tilespmem:$0x1C200] =	vst v63  }
0x2e: {  	s1 =	sadd.s32 s6, s0  }
0x2f: {  	[tilespmem:s3], [sflag:$0x3] =	stream.linear.gather [hbm4b:s1+s3], $0x80, $0x38;
	[tilespmem:$0x1C200] =	vst v63  }
0x30: {  	_ =	swait.ge [sflag:s26], $0x4000  }
0x31: {  	[sflag:s26] =	ssyncset.done $0x0  }
0x32: {  	s10 =	sadd.s32 s7, s0;
	[sflag:s26] =	ssyncadd.s32 $0xFFFFC000  }
0x33: {  	[tilespmem:s19], [sflag:$0x4] =	stream.linear.gather [hbm4b:s10+s3], $0x80, $0x38;
	[tilespmem:$0x1C200] =	vst v63  }
0x34: {  	_ =	swait.ge [sflag:s20], $0x80  }
0x35: {  	[sflag:s20] =	ssyncset.done $0x0  }
0x36: {  	[sflag:s20] =	ssyncadd.s32 $0xFFFFFF80  }
0x37: {  	[tilespmem:s22], [sflag:$0x1] =	stream.indirect.gather [hbm4b:s4+s21], $0x80, s3, s21, $0xb8;
	[tilespmem:$0x1C200] =	vst v63  }
0x38: {  	_ =	swait.ge [sflag:s25], $0x4000  }
0x39: {  	[sflag:s25] =	ssyncset.done $0x0  }
0x3a: {  	[sflag:s25] =	ssyncadd.s32 $0xFFFFC000  }
0x3b: {  	_ =	swait.ge [sflag:s28], $0x80  }
0x3c: {  	[sflag:s28] =	ssyncset.done $0x0  }
0x3d: {  	s0 =	sor.u32 $0x10, s0;
	[sflag:s28] =	ssyncadd.s32 $0xFFFFFF80  }
0x3e: {  	[spmem:s2] =	stream.indirect.scatter.add.f32 [tilespmem:s24], [sflag:$0x2], $0x80, s23, s21, $0xb8;
	[tilespmem:$0x1C200] =	vst v63  }
0x3f: {  	s8 =	sadd.s32 s6, s0  }
0x40: {  	[tilespmem:s21], [sflag:$0x3] =	stream.linear.gather [hbm4b:s8+s3], $0x80, $0x38;
	[tilespmem:$0x1C200] =	vst v63  }
0x41: {  	_ =	swait.ge [sflag:s26], $0x4000  }
0x42: {  	[sflag:s26] =	ssyncset.done $0x0  }
0x43: {  	s0 =	sadd.s32 s7, s0;
	[sflag:s26] =	ssyncadd.s32 $0xFFFFC000  }
0x44: {  	[tilespmem:s23], [sflag:$0x5] =	stream.linear.gather [hbm4b:s0+s3], $0x80, $0x38;
	[tilespmem:$0x1C200] =	vst v63  }
0x45: {  	_ =	swait.ge [sflag:s20], $0x80  }
0x46: {  	[sflag:s20] =	ssyncset.done $0x0  }
0x47: {  	[sflag:s20] =	ssyncadd.s32 $0xFFFFFF80  }
0x48: {  	[tilespmem:s24], [sflag:$0x1] =	stream.indirect.gather [hbm4b:s4+s21], $0x80, s21, s21, $0xb8;
	[tilespmem:$0x1C200] =	vst v63  }
0x49: {  	_ =	swait.ge [sflag:s25], $0x4000  }
0x4a: {  	[sflag:s25] =	ssyncset.done $0x0  }
0x4b: {  	s31 =	simm.s32 $0x60;
	[sflag:s25] =	ssyncadd.s32 $0xFFFFC000  }
0x4c: {  	s10 =	sadd.s32 $0x40, s5;
	s0 =	simm.s32 $0x40;
	_ =	swait.ge [sflag:s29], $0x80  }
0x4d: {  	s8 =	sand.u32 $0xFF80, s10;
	s0 =	sand.u32 $0x60, s0;
	[sflag:s29] =	ssyncset.done $0x0  }
.LBB2_2:
0x4e: {  	s8 =	sor.u32 s0, s8  }
0x4f: {  	[sflag:s29] =	ssyncadd.s32 $0xFFFFFF80;
	s0 =	smov.u32 s31;
	s1 =	sadd.s32 $0x20, s31  }
0x50: {  	[spmem:s2] =	stream.indirect.scatter.add.f32 [tilespmem:s22], [sflag:$0x2], $0x80, s19, s21, $0xb8;
	[tilespmem:$0x1C200] =	vst v63  }
0x51: {  	p0 =	sne.s32 s31, $0x260;
	s31 =	sadd.s32 s6, s8;
	s10 =	sor.u32 $0x10, s8  }
0x52: {  	[tilespmem:s3], [sflag:$0x3] =	stream.linear.gather [hbm4b:s31+s3], $0x80, $0x38;
	[tilespmem:$0x1C200] =	vst v63  }
0x53: {  	_ =	swait.ge [sflag:s26], $0x4000  }
0x54: {  	[sflag:s26] =	ssyncset.done $0x0  }
0x55: {  	s8 =	sadd.s32 s7, s8;
	[sflag:s26] =	ssyncadd.s32 $0xFFFFC000  }
0x56: {  	[tilespmem:s19], [sflag:$0x4] =	stream.linear.gather [hbm4b:s8+s3], $0x80, $0x38;
	[tilespmem:$0x1C200] =	vst v63  }
0x57: {  	_ =	swait.ge [sflag:s20], $0x80  }
0x58: {  	[sflag:s20] =	ssyncset.done $0x0  }
0x59: {  	[sflag:s20] =	ssyncadd.s32 $0xFFFFFF80  }
0x5a: {  	[tilespmem:s22], [sflag:$0x1] =	stream.indirect.gather [hbm4b:s4+s21], $0x80, s3, s21, $0xb8;
	[tilespmem:$0x1C200] =	vst v63  }
0x5b: {  	_ =	swait.ge [sflag:s25], $0x4000  }
0x5c: {  	[sflag:s25] =	ssyncset.done $0x0  }
0x5d: {  	[sflag:s25] =	ssyncadd.s32 $0xFFFFC000  }
0x5e: {  	_ =	swait.ge [sflag:s28], $0x80  }
0x5f: {  	[sflag:s28] =	ssyncset.done $0x0  }
0x60: {  	[sflag:s28] =	ssyncadd.s32 $0xFFFFFF80  }
0x61: {  	[spmem:s2] =	stream.indirect.scatter.add.f32 [tilespmem:s24], [sflag:$0x2], $0x80, s23, s21, $0xb8;
	[tilespmem:$0x1C200] =	vst v63  }
0x62: {  	s8 =	sadd.s32 s6, s10  }
0x63: {  	[tilespmem:s21], [sflag:$0x3] =	stream.linear.gather [hbm4b:s8+s3], $0x80, $0x38;
	[tilespmem:$0x1C200] =	vst v63  }
0x64: {  	_ =	swait.ge [sflag:s26], $0x4000  }
0x65: {  	[sflag:s26] =	ssyncset.done $0x0  }
0x66: {  	s8 =	sadd.s32 s7, s10;
	[sflag:s26] =	ssyncadd.s32 $0xFFFFC000  }
0x67: {  	[tilespmem:s23], [sflag:$0x5] =	stream.linear.gather [hbm4b:s8+s3], $0x80, $0x38;
	[tilespmem:$0x1C200] =	vst v63  }
0x68: {  	_ =	swait.ge [sflag:s20], $0x80  }
0x69: {  	[sflag:s20] =	ssyncset.done $0x0  }
0x6a: {  	[sflag:s20] =	ssyncadd.s32 $0xFFFFFF80  }
0x6b: {  	[tilespmem:s24], [sflag:$0x1] =	stream.indirect.gather [hbm4b:s4+s21], $0x80, s21, s21, $0xb8;
	[tilespmem:$0x1C200] =	vst v63  }
.Ltmp0:
0x6c: {  	_ =	swait.ge [sflag:s25], $0x4000;
	(pc) =	sbr.rel @p0 .LBB2_2-.Ltmp0, $4  }
0x6d: {  	[sflag:s25] =	ssyncset.done $0x0  }
0x6e: {  	[sflag:s25] =	ssyncadd.s32 $0xFFFFC000  }
0x6f: {  	s31 =	smov.u32 s1;
	s8 =	sadd.s32 s0, s5;
	_ =	swait.ge [sflag:s29], $0x80  }
0x70: {  	s0 =	sand.u32 $0x60, s0;
	s8 =	sand.u32 $0xFF80, s8;
	[sflag:s29] =	ssyncset.done $0x0  }
0x71: {  	s0 =	sor.u32 s0, s8;
	[sflag:s29] =	ssyncadd.s32 $0xFFFFFF80  }
0x72: {  	[spmem:s2] =	stream.indirect.scatter.add.f32 [tilespmem:s22], [sflag:$0x2], $0x80, s19, s21, $0xb8;
	[tilespmem:$0x1C200] =	vst v63  }
0x73: {  	s1 =	sadd.s32 s6, s0  }
0x74: {  	[tilespmem:s3], [sflag:$0x3] =	stream.linear.gather [hbm4b:s1+s3], $0x80, $0x38;
	[tilespmem:$0x1C200] =	vst v63  }
0x75: {  	_ =	swait.ge [sflag:s26], $0x4000  }
0x76: {  	[sflag:s26] =	ssyncset.done $0x0  }
0x77: {  	s8 =	sadd.s32 s7, s0;
	[sflag:s26] =	ssyncadd.s32 $0xFFFFC000  }
0x78: {  	[tilespmem:s19], [sflag:$0x4] =	stream.linear.gather [hbm4b:s8+s3], $0x80, $0x38;
	[tilespmem:$0x1C200] =	vst v63  }
0x79: {  	_ =	swait.ge [sflag:s20], $0x80  }
0x7a: {  	[sflag:s20] =	ssyncset.done $0x0  }
0x7b: {  	[sflag:s20] =	ssyncadd.s32 $0xFFFFFF80  }
0x7c: {  	[tilespmem:s22], [sflag:$0x1] =	stream.indirect.gather [hbm4b:s4+s21], $0x80, s3, s21, $0xb8;
	[tilespmem:$0x1C200] =	vst v63  }
0x7d: {  	_ =	swait.ge [sflag:s25], $0x4000  }
0x7e: {  	[sflag:s25] =	ssyncset.done $0x0  }
0x7f: {  	[sflag:s25] =	ssyncadd.s32 $0xFFFFC000  }
0x80: {  	_ =	swait.ge [sflag:s28], $0x80  }
0x81: {  	[sflag:s28] =	ssyncset.done $0x0  }
0x82: {  	s0 =	sor.u32 $0x10, s0;
	[sflag:s28] =	ssyncadd.s32 $0xFFFFFF80  }
0x83: {  	[spmem:s2] =	stream.indirect.scatter.add.f32 [tilespmem:s24], [sflag:$0x2], $0x80, s23, s21, $0xb8;
	[tilespmem:$0x1C200] =	vst v63  }
0x84: {  	s10 =	sadd.s32 s6, s0  }
0x85: {  	[tilespmem:s21], [sflag:$0x3] =	stream.linear.gather [hbm4b:s10+s3], $0x80, $0x38;
	[tilespmem:$0x1C200] =	vst v63  }
0x86: {  	_ =	swait.ge [sflag:s26], $0x4000  }
0x87: {  	[sflag:s26] =	ssyncset.done $0x0  }
0x88: {  	s0 =	sadd.s32 s7, s0;
	[sflag:s26] =	ssyncadd.s32 $0xFFFFC000  }
0x89: {  	[tilespmem:s23], [sflag:$0x5] =	stream.linear.gather [hbm4b:s0+s3], $0x80, $0x38;
	[tilespmem:$0x1C200] =	vst v63  }
0x8a: {  	_ =	swait.ge [sflag:s20], $0x80  }
0x8b: {  	[sflag:s20] =	ssyncset.done $0x0  }
0x8c: {  	[sflag:s20] =	ssyncadd.s32 $0xFFFFFF80  }
0x8d: {  	[tilespmem:s24], [sflag:$0x1] =	stream.indirect.gather [hbm4b:s4+s21], $0x80, s21, s21, $0xb8;
	[tilespmem:$0x1C200] =	vst v63  }
0x8e: {  	_ =	swait.ge [sflag:s25], $0x4000  }
0x8f: {  	[sflag:s25] =	ssyncset.done $0x0  }
0x90: {  	[sflag:s25] =	ssyncadd.s32 $0xFFFFC000  }
0x91: {  	_ =	swait.ge [sflag:s29], $0x80  }
0x92: {  	[sflag:s29] =	ssyncset.done $0x0  }
0x93: {  	[sflag:s29] =	ssyncadd.s32 $0xFFFFFF80  }
0x94: {  	[spmem:s2] =	stream.indirect.scatter.add.f32 [tilespmem:s22], [sflag:$0x2], $0x80, s19, s21, $0xb8;
	[tilespmem:$0x1C200] =	vst v63  }
0x95: {  	_ =	swait.ge [sflag:s26], $0x4000  }
0x96: {  	[sflag:s26] =	ssyncset.done $0x0  }
0x97: {  	[sflag:s26] =	ssyncadd.s32 $0xFFFFC000  }
0x98: {  	_ =	swait.ge [sflag:s25], $0x4000  }
0x99: {  	[sflag:s25] =	ssyncset.done $0x0  }
0x9a: {  	[sflag:s25] =	ssyncadd.s32 $0xFFFFC000  }
0x9b: {  	_ =	swait.ge [sflag:s28], $0x80  }
0x9c: {  	[sflag:s28] =	ssyncset.done $0x0  }
0x9d: {  	[sflag:s28] =	ssyncadd.s32 $0xFFFFFF80  }
0x9e: {  	[spmem:s2] =	stream.indirect.scatter.add.f32 [tilespmem:s24], [sflag:$0x2], $0x80, s23, s21, $0xb8;
	[tilespmem:$0x1C200] =	vst v63  }
0x9f: {  	_ =	swait.ge [sflag:s26], $0x4000  }
0xa0: {  	s30 =	sadd.s32 $0x1, s30;
	[sflag:s26] =	ssyncset.done $0x0  }
0xa1: {  	p0 =	sne.s32 s30, s16;
	[sflag:s26] =	ssyncadd.s32 $0xFFFFC000  }
.Ltmp1:
0xa2: {  	s31 =	sor.u32 $0x1C06, s9;
	[bflag:$0x0] =	sbarrier.arrive $0xFFFF;
	(pc) =	sbr.rel @p0 .LBB2_1-.Ltmp1, $4  }
0xa3: {  	[hbm:s15], [sflag:s31] =	dma.local [spmem:s17], $0x2800  }
0xa4: {  	_ =	swait.ge [sflag:s18], $0x2800  }
0xa5: {  	[sflag:s18] =	ssyncset.done $0x0  }
0xa6: {  	[sflag:s18] =	ssyncadd.s32 $0xFFFFD800  }
0xa7: {  	_ =	sfence.sel $0x180000  }
0xa8: {  	[bflag:$0x0] =	sbarrier.arrive $0xFFFF  }
0xa9: {  	_ =	strace $0x90000047  }
0xaa: {  	s0 =	stileid.u32;
	[bflag:$0x2] =	sbarrier.arrive $0xFFFF  }
0xab: {  	p0 =	sne.s32 s0, $0x0;
	s0 =	rddreg [dreg:$0x2]  }
0xac: {  	s0 =	sadd.s32 @!p0 $0x100000, s0  }
0xad: {  	[sflag:s0] =	ssyncadd.tile.s32 @!p0 $0x1;
	_ =	shalt  }
.Lfunc_end2:
_tile_overlayer_lowered:
.L_overlay_start_2:
0xae: {  	(tag) =	ssettag $0x2  }
0xaf: {  	s0 =	rddreg [dreg:$0x0];
	s2 =	stileid.u32  }
0xb0: {  	s1 =	rddreg [dreg:$0x1];
	p0 =	sne.s32 s2, $0x0  }
0xb1: {  	s3 =	rddreg [dreg:$0x2];
	[bflag:$0x3] =	sbarrier.arrive $0xFFFF;
	s2 =	simm.s32 @!p0 $0x1C06  }
0xb2: {  	[timem:s3], [sflag:s2] =	dma.local @!p0 [hbm:s0], s1  }
0xb3: {  	s0 =	simm.s32 @!p0 $0x6  }
0xb4: {  	_ =	swait.ge @!p0 [sflag:s0], s1  }
0xb5: {  	s1 =	ssub.s32 @!p0 $0x0, s1;
	[sflag:s0] =	ssyncset.done @!p0 $0x0  }
0xb6: {  	[sflag:s0] =	ssyncadd.s32 @!p0 s1  }
0xb7: {  	[bflag:$0x3] =	sbarrier.arrive $0xFFFF  }
0xb8: {  	_ =	shalt  }

</sc_bundles>
